<compile_context>
chip_gen: v7x
topology: tpu7x:2x2x1
jax: 0.10.2.dev20260603
libtpu: 0.0.44.dev20260713+nightly
codegen_flags: <defaults>
</compile_context>

<pallas_src>
import functools

import jax
import jax.numpy as jnp
from jax import lax
from jax.experimental import pallas as pl
from jax.experimental.pallas import tpu as pltpu
from jax.experimental.pallas import tpu_sc as plsc

_N = 10000
_DIM = 128
_E = 320000
_EU = 160000
_NLAYERS = 3
_NC, _NS, _NW = 2, 16, 32
_CH = 128
_KCH = 80
_EPAD = _NW * _KCH * _CH
_KCH_E = 40
_EUPAD = _NW * _KCH_E * _CH
_ACC = 10112
_STRIPE = _ACC // _NS

@functools.lru_cache(maxsize=None)
def _mesh():
    return plsc.VectorSubcoreMesh(core_axis_name="c", subcore_axis_name="s")



def _deg_body(dst_i, ones_h, zeros_h, out, acc, ones_v, didx, ss0, ss1):
    c = lax.axis_index("c")
    s = lax.axis_index("s")
    wid = c * _NS + s
    row0 = s * _STRIPE
    pltpu.sync_copy(zeros_h.at[pl.ds(row0, _STRIPE)], acc.at[pl.ds(row0, _STRIPE)])
    pltpu.sync_copy(ones_h, ones_v)
    pltpu.sync_copy(dst_i.at[pl.ds(wid * _KCH, _KCH)], didx)
    plsc.subcore_barrier()

    def scatter(k, sem):
        return pltpu.async_copy(ones_v, acc.at[didx.at[k]], sem, add=True)

    def wait_s(k, sem):
        pltpu.make_async_copy(ones_v, acc.at[didx.at[k]], sem).wait()

    scatter(0, ss0)
    scatter(1, ss1)

    def step(kk, carry):
        k0 = 2 * kk
        wait_s(k0 - 2, ss0)
        scatter(k0, ss0)
        wait_s(k0 - 1, ss1)
        scatter(k0 + 1, ss1)
        return carry

    lax.fori_loop(1, _KCH // 2, step, 0)
    wait_s(_KCH - 2, ss0)
    wait_s(_KCH - 1, ss1)
    plsc.subcore_barrier()
    pltpu.sync_copy(acc.at[pl.ds(row0, _STRIPE)], out.at[c, pl.ds(row0, _STRIPE)])


@functools.lru_cache(maxsize=None)
def _deg_kernel():
    return pl.kernel(
        _deg_body,
        out_type=jax.ShapeDtypeStruct((_NC, _ACC, _DIM), jnp.float32),
        mesh=_mesh(),
        scratch_types=[
            pltpu.VMEM_SHARED((_ACC, _DIM), jnp.float32),
            pltpu.VMEM((_CH, _DIM), jnp.float32),
            pltpu.VMEM((_KCH, _CH), jnp.int32),
            pltpu.SemaphoreType.DMA,
            pltpu.SemaphoreType.DMA,
        ],
    )


def _agg_body(table, src_i, dst_i, zeros_h, out, acc, sidx, didx,
              rows0, rows1, gs0, gs1, ss0, ss1):
    c = lax.axis_index("c")
    s = lax.axis_index("s")
    wid = c * _NS + s
    row0 = s * _STRIPE
    pltpu.sync_copy(zeros_h.at[pl.ds(row0, _STRIPE)], acc.at[pl.ds(row0, _STRIPE)])
    plsc.subcore_barrier()

    def gather(k, buf, sem):
        return pltpu.async_copy(table.at[sidx.at[k]], buf, sem)

    def scatter(k, buf, sem):
        return pltpu.async_copy(buf, acc.at[didx.at[k]], sem, add=True)

    kh = _KCH // 2
    for half in range(2):
        hb = wid * _KCH + half * kh
        pltpu.sync_copy(src_i.at[pl.ds(hb, kh)], sidx)
        pltpu.sync_copy(dst_i.at[pl.ds(hb, kh)], didx)
        gather(0, rows0, gs0).wait()
        gather(1, rows1, gs1)
        scatter(0, rows0, ss0)

        def step(kk, carry):
            k0 = 2 * kk
            pltpu.make_async_copy(table.at[sidx.at[k0 - 1]], rows1, gs1).wait()
            pltpu.make_async_copy(rows0, acc.at[didx.at[k0 - 2]], ss0).wait()
            gather(k0, rows0, gs0)
            scatter(k0 - 1, rows1, ss1)
            pltpu.make_async_copy(table.at[sidx.at[k0]], rows0, gs0).wait()
            pltpu.make_async_copy(rows1, acc.at[didx.at[k0 - 1]], ss1).wait()
            gather(k0 + 1, rows1, gs1)
            scatter(k0, rows0, ss0)
            return carry

        lax.fori_loop(1, kh // 2, step, 0)
        pltpu.make_async_copy(table.at[sidx.at[kh - 1]], rows1, gs1).wait()
        pltpu.make_async_copy(rows0, acc.at[didx.at[kh - 2]], ss0).wait()
        scatter(kh - 1, rows1, ss1).wait()
    plsc.subcore_barrier()
    pltpu.sync_copy(acc.at[pl.ds(row0, _STRIPE)], out.at[c, pl.ds(row0, _STRIPE)])


@functools.lru_cache(maxsize=None)
def _agg_kernel():
    return pl.kernel(
        _agg_body,
        out_type=jax.ShapeDtypeStruct((_NC, _ACC, _DIM), jnp.float32),
        mesh=_mesh(),
        scratch_types=[
            pltpu.VMEM_SHARED((_ACC, _DIM), jnp.float32),
            pltpu.VMEM((_KCH // 2, _CH), jnp.int32),
            pltpu.VMEM((_KCH // 2, _CH), jnp.int32),
            pltpu.VMEM((_CH, _DIM), jnp.float32),
            pltpu.VMEM((_CH, _DIM), jnp.float32),
            pltpu.SemaphoreType.DMA,
            pltpu.SemaphoreType.DMA,
            pltpu.SemaphoreType.DMA,
            pltpu.SemaphoreType.DMA,
        ],
    )


def _egather_body(ta, tb, src_i, dst_i, out, sidx, didx, b0, b1,
                  gsa0, gsb0, ws0, gsa1, gsb1, ws1):
    c = lax.axis_index("c")
    s = lax.axis_index("s")
    wid = c * _NS + s
    base = wid * _KCH_E * _CH
    pltpu.sync_copy(src_i.at[pl.ds(wid * _KCH_E, _KCH_E)], sidx)
    pltpu.sync_copy(dst_i.at[pl.ds(wid * _KCH_E, _KCH_E)], didx)

    def ga(k, buf, sem):
        return pltpu.async_copy(ta.at[sidx.at[k]], buf, sem)

    def gb(k, buf, sem):
        return pltpu.async_copy(tb.at[didx.at[k]], buf, sem, add=True)

    def wrt(k, buf, sem):
        return pltpu.async_copy(buf, out.at[pl.ds(base + k * _CH, _CH)], sem)

    def wait_ga(k, buf, sem):
        pltpu.make_async_copy(ta.at[sidx.at[k]], buf, sem).wait()

    def wait_gb(k, buf, sem):
        pltpu.make_async_copy(tb.at[didx.at[k]], buf, sem).wait()

    def wait_w(k, buf, sem):
        pltpu.make_async_copy(buf, out.at[pl.ds(base + k * _CH, _CH)], sem).wait()

    ga(0, b0, gsa0)
    wait_ga(0, b0, gsa0)
    gb(0, b0, gsb0)
    ga(1, b1, gsa1)

    def step(kk, carry):
        k0 = 2 * kk
        wait_gb(k0 - 2, b0, gsb0)
        wrt(k0 - 2, b0, ws0)
        wait_ga(k0 - 1, b1, gsa1)
        gb(k0 - 1, b1, gsb1)
        wait_w(k0 - 2, b0, ws0)
        ga(k0, b0, gsa0)
        wait_gb(k0 - 1, b1, gsb1)
        wrt(k0 - 1, b1, ws1)
        wait_ga(k0, b0, gsa0)
        gb(k0, b0, gsb0)
        wait_w(k0 - 1, b1, ws1)
        ga(k0 + 1, b1, gsa1)
        return carry

    lax.fori_loop(1, _KCH_E // 2, step, 0)
    wait_gb(_KCH_E - 2, b0, gsb0)
    wrt(_KCH_E - 2, b0, ws0)
    wait_ga(_KCH_E - 1, b1, gsa1)
    gb(_KCH_E - 1, b1, gsb1)
    wait_gb(_KCH_E - 1, b1, gsb1)
    wrt(_KCH_E - 1, b1, ws1)
    wait_w(_KCH_E - 2, b0, ws0)
    wait_w(_KCH_E - 1, b1, ws1)


@functools.lru_cache(maxsize=None)
def _egather_kernel():
    return pl.kernel(
        _egather_body,
        out_type=jax.ShapeDtypeStruct((_EUPAD, _DIM), jnp.float32),
        mesh=_mesh(),
        scratch_types=[
            pltpu.VMEM((_KCH_E, _CH), jnp.int32),
            pltpu.VMEM((_KCH_E, _CH), jnp.int32),
            pltpu.VMEM((_CH, _DIM), jnp.float32),
            pltpu.VMEM((_CH, _DIM), jnp.float32),
        ] + [pltpu.SemaphoreType.DMA] * 6,
    )



_BR = 2000


def _mm_body(h_ref, w_ref, out_ref):
    out_ref[...] = lax.dot_general(h_ref[...], w_ref[...],
                                   (((1,), (1,)), ((), ())),
                                   preferred_element_type=jnp.float32)


def _mm_plain(h, w):
    return pl.pallas_call(
        _mm_body,
        grid=(_N // _BR,),
        in_specs=[
            pl.BlockSpec((_BR, _DIM), lambda i: (i, 0)),
            pl.BlockSpec((_DIM, _DIM), lambda i: (0, 0)),
        ],
        out_specs=pl.BlockSpec((_BR, _DIM), lambda i: (i, 0)),
        out_shape=jax.ShapeDtypeStruct((_N, _DIM), jnp.float32),
    )(h, w)


def _scale_body(hw_ref, degp_ref, out_ref):
    dinv = lax.rsqrt(degp_ref[0, :, 0:1] + degp_ref[1, :, 0:1] + 1.0)
    out_ref[...] = hw_ref[...] * dinv


def _scale(hw, degp):
    return pl.pallas_call(
        _scale_body,
        grid=(_N // _BR,),
        in_specs=[
            pl.BlockSpec((_BR, _DIM), lambda i: (i, 0)),
            pl.BlockSpec((_NC, _BR, _DIM), lambda i: (0, i, 0)),
        ],
        out_specs=pl.BlockSpec((_BR, _DIM), lambda i: (i, 0)),
        out_shape=jax.ShapeDtypeStruct((_N, _DIM), jnp.float32),
    )(hw, degp)


def _mm_scale_body(h_ref, w_ref, degp_ref, out_ref):
    dinv = lax.rsqrt(degp_ref[0, :, 0:1] + degp_ref[1, :, 0:1] + 1.0)
    hw = lax.dot_general(h_ref[...], w_ref[...], (((1,), (1,)), ((), ())),
                         preferred_element_type=jnp.float32)
    out_ref[...] = hw * dinv


def _mm_scale(h, w, degp):
    return pl.pallas_call(
        _mm_scale_body,
        grid=(_N // _BR,),
        in_specs=[
            pl.BlockSpec((_BR, _DIM), lambda i: (i, 0)),
            pl.BlockSpec((_DIM, _DIM), lambda i: (0, 0)),
            pl.BlockSpec((_NC, _BR, _DIM), lambda i: (0, i, 0)),
        ],
        out_specs=pl.BlockSpec((_BR, _DIM), lambda i: (i, 0)),
        out_shape=jax.ShapeDtypeStruct((_N, _DIM), jnp.float32),
    )(h, w, degp)


def _ln_res_body(h_ref, hwp_ref, sp_ref, degp_ref, cb_ref, lw_ref, lb_ref,
                 out_ref):
    dinv = lax.rsqrt(degp_ref[0, :, 0:1] + degp_ref[1, :, 0:1] + 1.0)
    seg = sp_ref[0] + sp_ref[1] + hwp_ref[...]
    u = h_ref[...] + dinv * seg + cb_ref[...]
    mu = jnp.mean(u, axis=-1, keepdims=True)
    d = u - mu
    var = jnp.mean(d * d, axis=-1, keepdims=True)
    out_ref[...] = d * lax.rsqrt(var + 1e-5) * lw_ref[...] + lb_ref[...]


def _ln_res(h, hwp, sp, degp, cb, lw, lb):
    return pl.pallas_call(
        _ln_res_body,
        grid=(_N // _BR,),
        in_specs=[
            pl.BlockSpec((_BR, _DIM), lambda i: (i, 0)),
            pl.BlockSpec((_BR, _DIM), lambda i: (i, 0)),
            pl.BlockSpec((_NC, _BR, _DIM), lambda i: (0, i, 0)),
            pl.BlockSpec((_NC, _BR, _DIM), lambda i: (0, i, 0)),
            pl.BlockSpec((1, _DIM), lambda i: (0, 0)),
            pl.BlockSpec((1, _DIM), lambda i: (0, 0)),
            pl.BlockSpec((1, _DIM), lambda i: (0, 0)),
        ],
        out_specs=pl.BlockSpec((_BR, _DIM), lambda i: (i, 0)),
        out_shape=jax.ShapeDtypeStruct((_N, _DIM), jnp.float32),
    )(h, hwp, sp, degp, cb, lw, lb)


def _ab_body(h_ref, wa_ref, wb_ref, outa_ref, outb_ref):
    h = h_ref[...]
    outa_ref[...] = jnp.dot(h, wa_ref[...], preferred_element_type=jnp.float32)
    outb_ref[...] = jnp.dot(h, wb_ref[...], preferred_element_type=jnp.float32)


def _ab_proj(h, wa, wb):
    return pl.pallas_call(
        _ab_body,
        grid=(_N // _BR,),
        in_specs=[
            pl.BlockSpec((_BR, _DIM), lambda i: (i, 0)),
            pl.BlockSpec((_DIM, _DIM), lambda i: (0, 0)),
            pl.BlockSpec((_DIM, _DIM), lambda i: (0, 0)),
        ],
        out_specs=(
            pl.BlockSpec((_BR, _DIM), lambda i: (i, 0)),
            pl.BlockSpec((_BR, _DIM), lambda i: (i, 0)),
        ),
        out_shape=(
            jax.ShapeDtypeStruct((_N, _DIM), jnp.float32),
            jax.ShapeDtypeStruct((_N, _DIM), jnp.float32),
        ),
    )(h, wa, wb)


def _deint_body(s_ref, d_ref, p_ref, so_ref, do_ref):
    p = p_ref[...]
    sf = s_ref[...].astype(jnp.float32)
    df = d_ref[...].astype(jnp.float32)
    hi = lax.Precision.HIGHEST
    so_ref[...] = jnp.dot(sf, p, precision=hi,
                          preferred_element_type=jnp.float32).astype(jnp.int32)
    do_ref[...] = jnp.dot(df, p, precision=hi,
                          preferred_element_type=jnp.float32).astype(jnp.int32)


_DROWS = _NW * _KCH_E
_BD = 256


def _deint(src2, dst2, p):
    return pl.pallas_call(
        _deint_body,
        grid=(_DROWS // _BD,),
        in_specs=[
            pl.BlockSpec((_BD, 2 * _CH), lambda i: (i, 0)),
            pl.BlockSpec((_BD, 2 * _CH), lambda i: (i, 0)),
            pl.BlockSpec((2 * _CH, _CH), lambda i: (0, 0)),
        ],
        out_specs=(
            pl.BlockSpec((_BD, _CH), lambda i: (i, 0)),
            pl.BlockSpec((_BD, _CH), lambda i: (i, 0)),
        ),
        out_shape=(
            jax.ShapeDtypeStruct((_DROWS, _CH), jnp.int32),
            jax.ShapeDtypeStruct((_DROWS, _CH), jnp.int32),
        ),
    )(src2, dst2, p)


_BE = 2000


def _emlp_body(g_ref, ef_ref, wc_ref, w2_ref, b1_ref, b2_ref, out_ref):
    t = (g_ref[...]
         + jnp.dot(ef_ref[...], wc_ref[...], preferred_element_type=jnp.float32)
         + b1_ref[...])
    hid = jnp.maximum(t, 0.0)
    out_ref[...] = (jnp.dot(hid, w2_ref[...], preferred_element_type=jnp.float32)
                    + b2_ref[...])


def _emlp(g, ef, wc, w2, b1, b2):
    return pl.pallas_call(
        _emlp_body,
        grid=(_EU // _BE,),
        in_specs=[
            pl.BlockSpec((_BE, _DIM), lambda i: (i, 0)),
            pl.BlockSpec((_BE, 16), lambda i: (i, 0)),
            pl.BlockSpec((16, _DIM), lambda i: (0, 0)),
            pl.BlockSpec((_DIM, _DIM), lambda i: (0, 0)),
            pl.BlockSpec((1, _DIM), lambda i: (0, 0)),
            pl.BlockSpec((1, _DIM), lambda i: (0, 0)),
        ],
        out_specs=pl.BlockSpec((_BE, _DIM), lambda i: (i, 0)),
        out_shape=jax.ShapeDtypeStruct((_EU, _DIM), jnp.float32),
    )(g, ef, wc, w2, b1, b2)



def kernel(x, edge_index, edge_features, convW, convB, lnW, lnB, eW1, eB1,
           eW2, eB2):
    src_all = edge_index[0]
    dst_all = edge_index[1]
    pad_e = _EPAD - _E
    pad_ar = jnp.arange(pad_e, dtype=jnp.int32)
    src_pad = jnp.concatenate([src_all, pad_ar % _N])
    src_pad = src_pad.reshape(_NW * _KCH, _CH)
    dst_pad = jnp.concatenate([dst_all, _N + pad_ar % (_ACC - _N)])
    dst_pad = dst_pad.reshape(_NW * _KCH, _CH)

    zeros128 = jnp.zeros((_ACC, _DIM), jnp.float32)
    ones128 = jnp.ones((_CH, _DIM), jnp.float32)

    degp = _deg_kernel()(dst_pad, ones128, zeros128)

    h = x
    for l in range(_NLAYERS):
        if l == 0:
            hwp = _scale(_mm_plain(h, convW[l]), degp)
        else:
            hwp = _mm_scale(h, convW[l], degp)
        sp = _agg_kernel()(hwp, src_pad, dst_pad, zeros128)
        h = _ln_res(h, hwp, sp, degp, convB[l].reshape(1, _DIM),
                    lnW[l].reshape(1, _DIM), lnB[l].reshape(1, _DIM))

    deint_p = (jnp.arange(2 * _CH)[:, None] == 2 * jnp.arange(_CH)[None, :]
               ).astype(jnp.float32)
    dstu_full = jnp.concatenate([dst_all, pad_ar % _N])
    srcu_pad, dstu_pad = _deint(src_pad.reshape(_NW * _KCH_E, 2 * _CH),
                                dstu_full.reshape(_NW * _KCH_E, 2 * _CH),
                                deint_p)

    e_w1t = eW1.T
    wa = e_w1t[:_DIM]
    wb = e_w1t[_DIM:2 * _DIM]
    wc = e_w1t[2 * _DIM:]
    a, b = _ab_proj(h, wa, wb)
    g = _egather_kernel()(a, b, srcu_pad, dstu_pad)
    edge_emb = _emlp(g, edge_features, wc, eW2.T,
                     eB1.reshape(1, _DIM), eB2.reshape(1, _DIM))
    return (h, edge_emb)

# --- scband reference (transcript-rebuilt; emitter-appended) ---
"""Pipeline reference for scband-species-tree-gnn-28355374088807 (READ-ONLY COPY).

The authoritative reference and input builder live on the scoring server;
editing this copy changes nothing except your own understanding.
"""

import jax, jax.numpy as jnp
import numpy as np

N = 10000
E_UND = 160000
DIM = 128
EDGE_FEAT = 16
LAYERS = 3


def setup_inputs(seed: int = 0) -> dict:
    key = jax.random.key(seed)
    ks = jax.random.split(key, 12)
    x = jax.random.normal(ks[0], (N, DIM), dtype=jnp.float32)
    edge_index = jax.random.randint(ks[1], (2, 2 * E_UND), 0, N, dtype=jnp.int32)
    edge_features = jax.random.normal(ks[2], (E_UND, EDGE_FEAT), dtype=jnp.float32)
    # GCNConv layer params (lin weight [out,in] torch-style, bias [out])
    convW = jax.random.normal(ks[3], (LAYERS, DIM, DIM), dtype=jnp.float32) * 0.05
    convB = jnp.zeros((LAYERS, DIM), dtype=jnp.float32)
    # LayerNorm params
    lnW = jnp.ones((LAYERS, DIM), dtype=jnp.float32)
    lnB = jnp.zeros((LAYERS, DIM), dtype=jnp.float32)
    # edge MLP: Linear(2*DIM+EDGE_FEAT -> DIM), ReLU, Linear(DIM -> DIM)
    eW1 = jax.random.normal(ks[4], (DIM, 2 * DIM + EDGE_FEAT), dtype=jnp.float32) * 0.05
    eB1 = jnp.zeros((DIM,), dtype=jnp.float32)
    eW2 = jax.random.normal(ks[5], (DIM, DIM), dtype=jnp.float32) * 0.05
    eB2 = jnp.zeros((DIM,), dtype=jnp.float32)
    return {"x": x, "edge_index": edge_index, "edge_features": edge_features,
            "convW": convW, "convB": convB, "lnW": lnW, "lnB": lnB,
            "eW1": eW1, "eB1": eB1, "eW2": eW2, "eB2": eB2}


def _layer_norm(h, w, b, eps=1e-5):
    mu = jnp.mean(h, axis=-1, keepdims=True)
    var = jnp.mean((h - mu) ** 2, axis=-1, keepdims=True)
    return (h - mu) / jnp.sqrt(var + eps) * w + b


def _gcn_conv(h, src, dst, W, b):
    # Faithful GCNConv: add self-loops, symmetric normalization, linear, scatter-add, bias
    n = h.shape[0]
    loop = jnp.arange(n, dtype=src.dtype)
    s2 = jnp.concatenate([src, loop])
    d2 = jnp.concatenate([dst, loop])
    deg = jnp.zeros((n,), h.dtype).at[d2].add(1.0)
    dinv = jnp.where(deg > 0, jax.lax.rsqrt(deg), 0.0)
    norm = dinv[s2] * dinv[d2]
    hw = h @ W.T
    out = jnp.zeros_like(hw).at[d2].add(hw[s2] * norm[:, None])
    return out + b


def reference(x, edge_index, edge_features, convW, convB, lnW, lnB, eW1, eB1, eW2, eB2):
    # input_proj is Identity since input_dim == hidden_dim
    src_all = edge_index[0]
    dst_all = edge_index[1]
    h = x
    for l in range(LAYERS):
        h = h + _gcn_conv(h, src_all, dst_all, convW[l], convB[l])
        h = _layer_norm(h, lnW[l], lnB[l])
        # dropout is identity in eval mode
    src = edge_index[0, 0::2]
    dst = edge_index[1, 0::2]
    edge_input = jnp.concatenate([h[src], h[dst], edge_features], axis=-1)
    hid = jax.nn.relu(edge_input @ eW1.T + eB1)
    edge_emb = hid @ eW2.T + eB2
    return (h, edge_emb)

if __name__ == "__main__":
    import jax
    _d = setup_inputs()
    print(jax.jit(kernel)(*tuple(_d.values())))

</pallas_src>

<mosaic_0001>
#map = affine_map<(d0, d1) -> (0, 0)>
#map1 = affine_map<(d0, d1) -> (0, 0, 0)>
module attributes {stable_mosaic.version = 14 : i64} {
  func.func @_agg_body(%arg0: i32, %arg1: i32, %arg2: memref<10000x128xf32, #tpu.memory_space<hbm>>, %arg3: memref<2560x128xi32, #tpu.memory_space<hbm>>, %arg4: memref<2560x128xi32, #tpu.memory_space<hbm>>, %arg5: memref<10112x128xf32, #tpu.memory_space<hbm>>, %arg6: memref<2x10112x128xf32, #tpu.memory_space<hbm>>, %arg7: memref<10112x128xf32, #tpu.memory_space<vmem_shared>>, %arg8: memref<40x128xi32, #tpu.memory_space<vmem>>, %arg9: memref<40x128xi32, #tpu.memory_space<vmem>>, %arg10: memref<128x128xf32, #tpu.memory_space<vmem>>, %arg11: memref<128x128xf32, #tpu.memory_space<vmem>>, %arg12: memref<!tpu.dma_semaphore, #tpu.memory_space<semaphore_mem>>, %arg13: memref<!tpu.dma_semaphore, #tpu.memory_space<semaphore_mem>>, %arg14: memref<!tpu.dma_semaphore, #tpu.memory_space<semaphore_mem>>, %arg15: memref<!tpu.dma_semaphore, #tpu.memory_space<semaphore_mem>>) attributes {dimension_semantics = [#tpu.dimension_semantics<core_parallel>, #tpu.dimension_semantics<subcore_parallel>], iteration_bounds = array<i64: 2, 16>, scalar_prefetch = 0 : i64, scratch_operands = 9 : i64, tpu.core_type = #tpu.core_type<sc_vector_subcore>, window_params = [{transform_indices = #map}, {transform_indices = #map}, {transform_indices = #map}, {transform_indices = #map}, {transform_indices = #map1}]} {
    %mul3A = arith.constant 16 : i32
    %mul3A_0 = arith.muli %arg0, %mul3A : i32
    %add3A = arith.addi %mul3A_0, %arg1 : i32
    %mul3A_1 = arith.constant 632 : i32
    %mul3A_2 = arith.muli %arg1, %mul3A_1 : i32
    "tpu.region"() ({
      %run_scoped3A = tpu.sem_alloc : memref<!tpu.dma_semaphore, #tpu.memory_space<semaphore_mem>>
      %dma_start3A_133 = arith.constant 0 : i32
      %dma_start3A_134 = tpu.memref_slice %arg7[%mul3A_2, %dma_start3A_133] : memref<10112x128xf32, #tpu.memory_space<vmem_shared>> -> memref<632x128xf32, #tpu.memory_space<vmem_shared>>
      %dma_start3A_135 = arith.constant 0 : i32
      %dma_start3A_136 = tpu.memref_slice %arg5[%mul3A_2, %dma_start3A_135] : memref<10112x128xf32, #tpu.memory_space<hbm>> -> memref<632x128xf32, #tpu.memory_space<hbm>>
      tpu.enqueue_dma source(%dma_start3A_136 : memref<632x128xf32, #tpu.memory_space<hbm>>) target(%dma_start3A_134 : memref<632x128xf32, #tpu.memory_space<vmem_shared>>) target_semaphore(%run_scoped3A : memref<!tpu.dma_semaphore, #tpu.memory_space<semaphore_mem>>)
      %dma_wait3A_137 = arith.constant 0 : i32
      %dma_wait3A_138 = tpu.memref_slice %arg7[%mul3A_2, %dma_wait3A_137] : memref<10112x128xf32, #tpu.memory_space<vmem_shared>> -> memref<632x128xf32, #tpu.memory_space<vmem_shared>>
      %dma_wait3A_139 = arith.constant 0 : i32
      %dma_wait3A_140 = tpu.memref_slice %arg5[%mul3A_2, %dma_wait3A_139] : memref<10112x128xf32, #tpu.memory_space<hbm>> -> memref<632x128xf32, #tpu.memory_space<hbm>>
      tpu.wait_dma2 semaphore(%run_scoped3A : memref<!tpu.dma_semaphore, #tpu.memory_space<semaphore_mem>>) src(%dma_wait3A_140 : memref<632x128xf32, #tpu.memory_space<hbm>>) dst(%dma_wait3A_138 : memref<632x128xf32, #tpu.memory_space<vmem_shared>>)
      tpu.yield
    }) : () -> ()
    %barrier3A = arith.constant 0 : index
    tpu.barrier barrier_id(%barrier3A)
    %mul3A_3 = arith.constant 80 : i32
    %mul3A_4 = arith.muli %add3A, %mul3A_3 : i32
    %add3A_5 = arith.constant 0 : i32
    %add3A_6 = arith.addi %mul3A_4, %add3A_5 : i32
    "tpu.region"() ({
      %run_scoped3A = tpu.sem_alloc : memref<!tpu.dma_semaphore, #tpu.memory_space<semaphore_mem>>
      %dma_start3A_133 = arith.constant 0 : i32
      %dma_start3A_134 = tpu.memref_slice %arg3[%add3A_6, %dma_start3A_133] : memref<2560x128xi32, #tpu.memory_space<hbm>> -> memref<40x128xi32, #tpu.memory_space<hbm>>
      %dma_start3A_135 = arith.constant 0 : i32
      %dma_start3A_136 = tpu.memref_slice %arg3[%add3A_6, %dma_start3A_135] : memref<2560x128xi32, #tpu.memory_space<hbm>> -> memref<40x128xi32, #tpu.memory_space<hbm>>
      tpu.enqueue_dma source(%dma_start3A_136 : memref<40x128xi32, #tpu.memory_space<hbm>>) target(%arg8 : memref<40x128xi32, #tpu.memory_space<vmem>>) target_semaphore(%run_scoped3A : memref<!tpu.dma_semaphore, #tpu.memory_space<semaphore_mem>>)
      %dma_wait3A_137 = arith.constant 0 : i32
      %dma_wait3A_138 = tpu.memref_slice %arg3[%add3A_6, %dma_wait3A_137] : memref<2560x128xi32, #tpu.memory_space<hbm>> -> memref<40x128xi32, #tpu.memory_space<hbm>>
      %dma_wait3A_139 = arith.constant 0 : i32
      %dma_wait3A_140 = tpu.memref_slice %arg3[%add3A_6, %dma_wait3A_139] : memref<2560x128xi32, #tpu.memory_space<hbm>> -> memref<40x128xi32, #tpu.memory_space<hbm>>
      tpu.wait_dma2 semaphore(%run_scoped3A : memref<!tpu.dma_semaphore, #tpu.memory_space<semaphore_mem>>) src(%dma_wait3A_140 : memref<40x128xi32, #tpu.memory_space<hbm>>) dst(%arg8 : memref<40x128xi32, #tpu.memory_space<vmem>>)
      tpu.yield
    }) : () -> ()
    "tpu.region"() ({
      %run_scoped3A = tpu.sem_alloc : memref<!tpu.dma_semaphore, #tpu.memory_space<semaphore_mem>>
      %dma_start3A_133 = arith.constant 0 : i32
      %dma_start3A_134 = tpu.memref_slice %arg4[%add3A_6, %dma_start3A_133] : memref<2560x128xi32, #tpu.memory_space<hbm>> -> memref<40x128xi32, #tpu.memory_space<hbm>>
      %dma_start3A_135 = arith.constant 0 : i32
      %dma_start3A_136 = tpu.memref_slice %arg4[%add3A_6, %dma_start3A_135] : memref<2560x128xi32, #tpu.memory_space<hbm>> -> memref<40x128xi32, #tpu.memory_space<hbm>>
      tpu.enqueue_dma source(%dma_start3A_136 : memref<40x128xi32, #tpu.memory_space<hbm>>) target(%arg9 : memref<40x128xi32, #tpu.memory_space<vmem>>) target_semaphore(%run_scoped3A : memref<!tpu.dma_semaphore, #tpu.memory_space<semaphore_mem>>)
      %dma_wait3A_137 = arith.constant 0 : i32
      %dma_wait3A_138 = tpu.memref_slice %arg4[%add3A_6, %dma_wait3A_137] : memref<2560x128xi32, #tpu.memory_space<hbm>> -> memref<40x128xi32, #tpu.memory_space<hbm>>
      %dma_wait3A_139 = arith.constant 0 : i32
      %dma_wait3A_140 = tpu.memref_slice %arg4[%add3A_6, %dma_wait3A_139] : memref<2560x128xi32, #tpu.memory_space<hbm>> -> memref<40x128xi32, #tpu.memory_space<hbm>>
      tpu.wait_dma2 semaphore(%run_scoped3A : memref<!tpu.dma_semaphore, #tpu.memory_space<semaphore_mem>>) src(%dma_wait3A_140 : memref<40x128xi32, #tpu.memory_space<hbm>>) dst(%arg9 : memref<40x128xi32, #tpu.memory_space<vmem>>)
      tpu.yield
    }) : () -> ()
    %dma_start3A = arith.constant 0 : i32
    %dma_start3A_7 = arith.constant 0 : i32
    %dma_start3A_8 = tpu.memref_slice %arg8[%dma_start3A, %dma_start3A_7] : memref<40x128xi32, #tpu.memory_space<vmem>> -> memref<1x128xi32, #tpu.memory_space<vmem>>
    %dma_start3A_9 = tpu.memref_squeeze %dma_start3A_8 : memref<1x128xi32, #tpu.memory_space<vmem>> -> memref<128xi32, #tpu.memory_space<vmem>>
    %dma_start3A_10 = arith.constant 0 : i32
    %dma_start3A_11 = arith.constant 0 : i32
    %dma_start3A_12 = tpu.memref_slice %arg2[%dma_start3A_10, %dma_start3A_11] : memref<10000x128xf32, #tpu.memory_space<hbm>> -> memref<10000x128xf32, #tpu.memory_space<hbm>>
    tpu.enqueue_indirect_dma source(%dma_start3A_12 : memref<10000x128xf32, #tpu.memory_space<hbm>>) target(%arg10 : memref<128x128xf32, #tpu.memory_space<vmem>>) offsets(%dma_start3A_9 : memref<128xi32, #tpu.memory_space<vmem>>) semaphore(%arg12 : memref<!tpu.dma_semaphore, #tpu.memory_space<semaphore_mem>>)
    %dma_wait3A = arith.constant 0 : i32
    %dma_wait3A_13 = arith.constant 0 : i32
    %dma_wait3A_14 = tpu.memref_slice %arg8[%dma_wait3A, %dma_wait3A_13] : memref<40x128xi32, #tpu.memory_space<vmem>> -> memref<1x128xi32, #tpu.memory_space<vmem>>
    %dma_wait3A_15 = tpu.memref_squeeze %dma_wait3A_14 : memref<1x128xi32, #tpu.memory_space<vmem>> -> memref<128xi32, #tpu.memory_space<vmem>>
    %dma_wait3A_16 = arith.constant 0 : i32
    %dma_wait3A_17 = arith.constant 0 : i32
    %dma_wait3A_18 = tpu.memref_slice %arg2[%dma_wait3A_16, %dma_wait3A_17] : memref<10000x128xf32, #tpu.memory_space<hbm>> -> memref<10000x128xf32, #tpu.memory_space<hbm>>
    tpu.wait_indirect_dma semaphore(%arg12 : memref<!tpu.dma_semaphore, #tpu.memory_space<semaphore_mem>>) src(%dma_wait3A_18 : memref<10000x128xf32, #tpu.memory_space<hbm>>) dst(%arg10 : memref<128x128xf32, #tpu.memory_space<vmem>>)
    %dma_start3A_19 = arith.constant 1 : i32
    %dma_start3A_20 = arith.constant 0 : i32
    %dma_start3A_21 = tpu.memref_slice %arg8[%dma_start3A_19, %dma_start3A_20] : memref<40x128xi32, #tpu.memory_space<vmem>> -> memref<1x128xi32, #tpu.memory_space<vmem>>
    %dma_start3A_22 = tpu.memref_squeeze %dma_start3A_21 : memref<1x128xi32, #tpu.memory_space<vmem>> -> memref<128xi32, #tpu.memory_space<vmem>>
    %dma_start3A_23 = arith.constant 0 : i32
    %dma_start3A_24 = arith.constant 0 : i32
    %dma_start3A_25 = tpu.memref_slice %arg2[%dma_start3A_23, %dma_start3A_24] : memref<10000x128xf32, #tpu.memory_space<hbm>> -> memref<10000x128xf32, #tpu.memory_space<hbm>>
    tpu.enqueue_indirect_dma source(%dma_start3A_25 : memref<10000x128xf32, #tpu.memory_space<hbm>>) target(%arg11 : memref<128x128xf32, #tpu.memory_space<vmem>>) offsets(%dma_start3A_22 : memref<128xi32, #tpu.memory_space<vmem>>) semaphore(%arg13 : memref<!tpu.dma_semaphore, #tpu.memory_space<semaphore_mem>>)
    %dma_start3A_26 = arith.constant 0 : i32
    %dma_start3A_27 = arith.constant 0 : i32
    %dma_start3A_28 = tpu.memref_slice %arg9[%dma_start3A_26, %dma_start3A_27] : memref<40x128xi32, #tpu.memory_space<vmem>> -> memref<1x128xi32, #tpu.memory_space<vmem>>
    %dma_start3A_29 = tpu.memref_squeeze %dma_start3A_28 : memref<1x128xi32, #tpu.memory_space<vmem>> -> memref<128xi32, #tpu.memory_space<vmem>>
    %dma_start3A_30 = arith.constant 0 : i32
    %dma_start3A_31 = arith.constant 0 : i32
    %dma_start3A_32 = tpu.memref_slice %arg7[%dma_start3A_30, %dma_start3A_31] : memref<10112x128xf32, #tpu.memory_space<vmem_shared>> -> memref<10112x128xf32, #tpu.memory_space<vmem_shared>>
    tpu.enqueue_indirect_dma source(%arg10 : memref<128x128xf32, #tpu.memory_space<vmem>>) target(%dma_start3A_32 : memref<10112x128xf32, #tpu.memory_space<vmem_shared>>) offsets(%dma_start3A_29 : memref<128xi32, #tpu.memory_space<vmem>>) semaphore(%arg14 : memref<!tpu.dma_semaphore, #tpu.memory_space<semaphore_mem>>) {add = true}
    %scan3A = arith.constant 0 : i32
    %scan3A_33 = arith.constant 1 : i32
    %scan3A_34 = arith.constant 19 : i32
    %scan3A_35 = arith.addi %scan3A_33, %scan3A_34 : i32
    %scan3A_36 = arith.constant 1 : i32
    scf.for %scan3A_133 = %scan3A_33 to %scan3A_35 step %scan3A_36  : i32 {
      %mul3A_134 = arith.constant 2 : i32
      %mul3A_135 = arith.muli %mul3A_134, %scan3A_133 : i32
      %sub3A = arith.constant 1 : i32
      %sub3A_136 = arith.subi %mul3A_135, %sub3A : i32
      %dma_wait3A_137 = arith.constant 0 : i32
      %dma_wait3A_138 = tpu.memref_slice %arg8[%sub3A_136, %dma_wait3A_137] : memref<40x128xi32, #tpu.memory_space<vmem>> -> memref<1x128xi32, #tpu.memory_space<vmem>>
      %dma_wait3A_139 = tpu.memref_squeeze %dma_wait3A_138 : memref<1x128xi32, #tpu.memory_space<vmem>> -> memref<128xi32, #tpu.memory_space<vmem>>
      %dma_wait3A_140 = arith.constant 0 : i32
      %dma_wait3A_141 = arith.constant 0 : i32
      %dma_wait3A_142 = tpu.memref_slice %arg2[%dma_wait3A_140, %dma_wait3A_141] : memref<10000x128xf32, #tpu.memory_space<hbm>> -> memref<10000x128xf32, #tpu.memory_space<hbm>>
      tpu.wait_indirect_dma semaphore(%arg13 : memref<!tpu.dma_semaphore, #tpu.memory_space<semaphore_mem>>) src(%dma_wait3A_142 : memref<10000x128xf32, #tpu.memory_space<hbm>>) dst(%arg11 : memref<128x128xf32, #tpu.memory_space<vmem>>)
      %sub3A_143 = arith.constant 2 : i32
      %sub3A_144 = arith.subi %mul3A_135, %sub3A_143 : i32
      %dma_wait3A_145 = arith.constant 0 : i32
      %dma_wait3A_146 = tpu.memref_slice %arg9[%sub3A_144, %dma_wait3A_145] : memref<40x128xi32, #tpu.memory_space<vmem>> -> memref<1x128xi32, #tpu.memory_space<vmem>>
      %dma_wait3A_147 = tpu.memref_squeeze %dma_wait3A_146 : memref<1x128xi32, #tpu.memory_space<vmem>> -> memref<128xi32, #tpu.memory_space<vmem>>
      %dma_wait3A_148 = arith.constant 0 : i32
      %dma_wait3A_149 = arith.constant 0 : i32
      %dma_wait3A_150 = tpu.memref_slice %arg7[%dma_wait3A_148, %dma_wait3A_149] : memref<10112x128xf32, #tpu.memory_space<vmem_shared>> -> memref<10112x128xf32, #tpu.memory_space<vmem_shared>>
      tpu.wait_indirect_dma semaphore(%arg14 : memref<!tpu.dma_semaphore, #tpu.memory_space<semaphore_mem>>) src(%arg10 : memref<128x128xf32, #tpu.memory_space<vmem>>) dst(%dma_wait3A_150 : memref<10112x128xf32, #tpu.memory_space<vmem_shared>>)
      %dma_start3A_151 = arith.constant 0 : i32
      %dma_start3A_152 = tpu.memref_slice %arg8[%mul3A_135, %dma_start3A_151] : memref<40x128xi32, #tpu.memory_space<vmem>> -> memref<1x128xi32, #tpu.memory_space<vmem>>
      %dma_start3A_153 = tpu.memref_squeeze %dma_start3A_152 : memref<1x128xi32, #tpu.memory_space<vmem>> -> memref<128xi32, #tpu.memory_space<vmem>>
      %dma_start3A_154 = arith.constant 0 : i32
      %dma_start3A_155 = arith.constant 0 : i32
      %dma_start3A_156 = tpu.memref_slice %arg2[%dma_start3A_154, %dma_start3A_155] : memref<10000x128xf32, #tpu.memory_space<hbm>> -> memref<10000x128xf32, #tpu.memory_space<hbm>>
      tpu.enqueue_indirect_dma source(%dma_start3A_156 : memref<10000x128xf32, #tpu.memory_space<hbm>>) target(%arg10 : memref<128x128xf32, #tpu.memory_space<vmem>>) offsets(%dma_start3A_153 : memref<128xi32, #tpu.memory_space<vmem>>) semaphore(%arg12 : memref<!tpu.dma_semaphore, #tpu.memory_space<semaphore_mem>>)
      %sub3A_157 = arith.constant 1 : i32
      %sub3A_158 = arith.subi %mul3A_135, %sub3A_157 : i32
      %dma_start3A_159 = arith.constant 0 : i32
      %dma_start3A_160 = tpu.memref_slice %arg9[%sub3A_158, %dma_start3A_159] : memref<40x128xi32, #tpu.memory_space<vmem>> -> memref<1x128xi32, #tpu.memory_space<vmem>>
      %dma_start3A_161 = tpu.memref_squeeze %dma_start3A_160 : memref<1x128xi32, #tpu.memory_space<vmem>> -> memref<128xi32, #tpu.memory_space<vmem>>
      %dma_start3A_162 = arith.constant 0 : i32
      %dma_start3A_163 = arith.constant 0 : i32
      %dma_start3A_164 = tpu.memref_slice %arg7[%dma_start3A_162, %dma_start3A_163] : memref<10112x128xf32, #tpu.memory_space<vmem_shared>> -> memref<10112x128xf32, #tpu.memory_space<vmem_shared>>
      tpu.enqueue_indirect_dma source(%arg11 : memref<128x128xf32, #tpu.memory_space<vmem>>) target(%dma_start3A_164 : memref<10112x128xf32, #tpu.memory_space<vmem_shared>>) offsets(%dma_start3A_161 : memref<128xi32, #tpu.memory_space<vmem>>) semaphore(%arg15 : memref<!tpu.dma_semaphore, #tpu.memory_space<semaphore_mem>>) {add = true}
      %dma_wait3A_165 = arith.constant 0 : i32
      %dma_wait3A_166 = tpu.memref_slice %arg8[%mul3A_135, %dma_wait3A_165] : memref<40x128xi32, #tpu.memory_space<vmem>> -> memref<1x128xi32, #tpu.memory_space<vmem>>
      %dma_wait3A_167 = tpu.memref_squeeze %dma_wait3A_166 : memref<1x128xi32, #tpu.memory_space<vmem>> -> memref<128xi32, #tpu.memory_space<vmem>>
      %dma_wait3A_168 = arith.constant 0 : i32
      %dma_wait3A_169 = arith.constant 0 : i32
      %dma_wait3A_170 = tpu.memref_slice %arg2[%dma_wait3A_168, %dma_wait3A_169] : memref<10000x128xf32, #tpu.memory_space<hbm>> -> memref<10000x128xf32, #tpu.memory_space<hbm>>
      tpu.wait_indirect_dma semaphore(%arg12 : memref<!tpu.dma_semaphore, #tpu.memory_space<semaphore_mem>>) src(%dma_wait3A_170 : memref<10000x128xf32, #tpu.memory_space<hbm>>) dst(%arg10 : memref<128x128xf32, #tpu.memory_space<vmem>>)
      %sub3A_171 = arith.constant 1 : i32
      %sub3A_172 = arith.subi %mul3A_135, %sub3A_171 : i32
      %dma_wait3A_173 = arith.constant 0 : i32
      %dma_wait3A_174 = tpu.memref_slice %arg9[%sub3A_172, %dma_wait3A_173] : memref<40x128xi32, #tpu.memory_space<vmem>> -> memref<1x128xi32, #tpu.memory_space<vmem>>
      %dma_wait3A_175 = tpu.memref_squeeze %dma_wait3A_174 : memref<1x128xi32, #tpu.memory_space<vmem>> -> memref<128xi32, #tpu.memory_space<vmem>>
      %dma_wait3A_176 = arith.constant 0 : i32
      %dma_wait3A_177 = arith.constant 0 : i32
      %dma_wait3A_178 = tpu.memref_slice %arg7[%dma_wait3A_176, %dma_wait3A_177] : memref<10112x128xf32, #tpu.memory_space<vmem_shared>> -> memref<10112x128xf32, #tpu.memory_space<vmem_shared>>
      tpu.wait_indirect_dma semaphore(%arg15 : memref<!tpu.dma_semaphore, #tpu.memory_space<semaphore_mem>>) src(%arg11 : memref<128x128xf32, #tpu.memory_space<vmem>>) dst(%dma_wait3A_178 : memref<10112x128xf32, #tpu.memory_space<vmem_shared>>)
      %add3A_179 = arith.constant 1 : i32
      %add3A_180 = arith.addi %mul3A_135, %add3A_179 : i32
      %dma_start3A_181 = arith.constant 0 : i32
      %dma_start3A_182 = tpu.memref_slice %arg8[%add3A_180, %dma_start3A_181] : memref<40x128xi32, #tpu.memory_space<vmem>> -> memref<1x128xi32, #tpu.memory_space<vmem>>
      %dma_start3A_183 = tpu.memref_squeeze %dma_start3A_182 : memref<1x128xi32, #tpu.memory_space<vmem>> -> memref<128xi32, #tpu.memory_space<vmem>>
      %dma_start3A_184 = arith.constant 0 : i32
      %dma_start3A_185 = arith.constant 0 : i32
      %dma_start3A_186 = tpu.memref_slice %arg2[%dma_start3A_184, %dma_start3A_185] : memref<10000x128xf32, #tpu.memory_space<hbm>> -> memref<10000x128xf32, #tpu.memory_space<hbm>>
      tpu.enqueue_indirect_dma source(%dma_start3A_186 : memref<10000x128xf32, #tpu.memory_space<hbm>>) target(%arg11 : memref<128x128xf32, #tpu.memory_space<vmem>>) offsets(%dma_start3A_183 : memref<128xi32, #tpu.memory_space<vmem>>) semaphore(%arg13 : memref<!tpu.dma_semaphore, #tpu.memory_space<semaphore_mem>>)
      %dma_start3A_187 = arith.constant 0 : i32
      %dma_start3A_188 = tpu.memref_slice %arg9[%mul3A_135, %dma_start3A_187] : memref<40x128xi32, #tpu.memory_space<vmem>> -> memref<1x128xi32, #tpu.memory_space<vmem>>
      %dma_start3A_189 = tpu.memref_squeeze %dma_start3A_188 : memref<1x128xi32, #tpu.memory_space<vmem>> -> memref<128xi32, #tpu.memory_space<vmem>>
      %dma_start3A_190 = arith.constant 0 : i32
      %dma_start3A_191 = arith.constant 0 : i32
      %dma_start3A_192 = tpu.memref_slice %arg7[%dma_start3A_190, %dma_start3A_191] : memref<10112x128xf32, #tpu.memory_space<vmem_shared>> -> memref<10112x128xf32, #tpu.memory_space<vmem_shared>>
      tpu.enqueue_indirect_dma source(%arg10 : memref<128x128xf32, #tpu.memory_space<vmem>>) target(%dma_start3A_192 : memref<10112x128xf32, #tpu.memory_space<vmem_shared>>) offsets(%dma_start3A_189 : memref<128xi32, #tpu.memory_space<vmem>>) semaphore(%arg14 : memref<!tpu.dma_semaphore, #tpu.memory_space<semaphore_mem>>) {add = true}
    }
    %scan3A_37 = arith.constant 19 : i32
    %dma_wait3A_38 = arith.constant 39 : i32
    %dma_wait3A_39 = arith.constant 0 : i32
    %dma_wait3A_40 = tpu.memref_slice %arg8[%dma_wait3A_38, %dma_wait3A_39] : memref<40x128xi32, #tpu.memory_space<vmem>> -> memref<1x128xi32, #tpu.memory_space<vmem>>
    %dma_wait3A_41 = tpu.memref_squeeze %dma_wait3A_40 : memref<1x128xi32, #tpu.memory_space<vmem>> -> memref<128xi32, #tpu.memory_space<vmem>>
    %dma_wait3A_42 = arith.constant 0 : i32
    %dma_wait3A_43 = arith.constant 0 : i32
    %dma_wait3A_44 = tpu.memref_slice %arg2[%dma_wait3A_42, %dma_wait3A_43] : memref<10000x128xf32, #tpu.memory_space<hbm>> -> memref<10000x128xf32, #tpu.memory_space<hbm>>
    tpu.wait_indirect_dma semaphore(%arg13 : memref<!tpu.dma_semaphore, #tpu.memory_space<semaphore_mem>>) src(%dma_wait3A_44 : memref<10000x128xf32, #tpu.memory_space<hbm>>) dst(%arg11 : memref<128x128xf32, #tpu.memory_space<vmem>>)
    %dma_wait3A_45 = arith.constant 38 : i32
    %dma_wait3A_46 = arith.constant 0 : i32
    %dma_wait3A_47 = tpu.memref_slice %arg9[%dma_wait3A_45, %dma_wait3A_46] : memref<40x128xi32, #tpu.memory_space<vmem>> -> memref<1x128xi32, #tpu.memory_space<vmem>>
    %dma_wait3A_48 = tpu.memref_squeeze %dma_wait3A_47 : memref<1x128xi32, #tpu.memory_space<vmem>> -> memref<128xi32, #tpu.memory_space<vmem>>
    %dma_wait3A_49 = arith.constant 0 : i32
    %dma_wait3A_50 = arith.constant 0 : i32
    %dma_wait3A_51 = tpu.memref_slice %arg7[%dma_wait3A_49, %dma_wait3A_50] : memref<10112x128xf32, #tpu.memory_space<vmem_shared>> -> memref<10112x128xf32, #tpu.memory_space<vmem_shared>>
    tpu.wait_indirect_dma semaphore(%arg14 : memref<!tpu.dma_semaphore, #tpu.memory_space<semaphore_mem>>) src(%arg10 : memref<128x128xf32, #tpu.memory_space<vmem>>) dst(%dma_wait3A_51 : memref<10112x128xf32, #tpu.memory_space<vmem_shared>>)
    %dma_start3A_52 = arith.constant 39 : i32
    %dma_start3A_53 = arith.constant 0 : i32
    %dma_start3A_54 = tpu.memref_slice %arg9[%dma_start3A_52, %dma_start3A_53] : memref<40x128xi32, #tpu.memory_space<vmem>> -> memref<1x128xi32, #tpu.memory_space<vmem>>
    %dma_start3A_55 = tpu.memref_squeeze %dma_start3A_54 : memref<1x128xi32, #tpu.memory_space<vmem>> -> memref<128xi32, #tpu.memory_space<vmem>>
    %dma_start3A_56 = arith.constant 0 : i32
    %dma_start3A_57 = arith.constant 0 : i32
    %dma_start3A_58 = tpu.memref_slice %arg7[%dma_start3A_56, %dma_start3A_57] : memref<10112x128xf32, #tpu.memory_space<vmem_shared>> -> memref<10112x128xf32, #tpu.memory_space<vmem_shared>>
    tpu.enqueue_indirect_dma source(%arg11 : memref<128x128xf32, #tpu.memory_space<vmem>>) target(%dma_start3A_58 : memref<10112x128xf32, #tpu.memory_space<vmem_shared>>) offsets(%dma_start3A_55 : memref<128xi32, #tpu.memory_space<vmem>>) semaphore(%arg15 : memref<!tpu.dma_semaphore, #tpu.memory_space<semaphore_mem>>) {add = true}
    %dma_wait3A_59 = arith.constant 39 : i32
    %dma_wait3A_60 = arith.constant 0 : i32
    %dma_wait3A_61 = tpu.memref_slice %arg9[%dma_wait3A_59, %dma_wait3A_60] : memref<40x128xi32, #tpu.memory_space<vmem>> -> memref<1x128xi32, #tpu.memory_space<vmem>>
    %dma_wait3A_62 = tpu.memref_squeeze %dma_wait3A_61 : memref<1x128xi32, #tpu.memory_space<vmem>> -> memref<128xi32, #tpu.memory_space<vmem>>
    %dma_wait3A_63 = arith.constant 0 : i32
    %dma_wait3A_64 = arith.constant 0 : i32
    %dma_wait3A_65 = tpu.memref_slice %arg7[%dma_wait3A_63, %dma_wait3A_64] : memref<10112x128xf32, #tpu.memory_space<vmem_shared>> -> memref<10112x128xf32, #tpu.memory_space<vmem_shared>>
    tpu.wait_indirect_dma semaphore(%arg15 : memref<!tpu.dma_semaphore, #tpu.memory_space<semaphore_mem>>) src(%arg11 : memref<128x128xf32, #tpu.memory_space<vmem>>) dst(%dma_wait3A_65 : memref<10112x128xf32, #tpu.memory_space<vmem_shared>>)
    %mul3A_66 = arith.constant 80 : i32
    %mul3A_67 = arith.muli %add3A, %mul3A_66 : i32
    %add3A_68 = arith.constant 40 : i32
    %add3A_69 = arith.addi %mul3A_67, %add3A_68 : i32
    "tpu.region"() ({
      %run_scoped3A = tpu.sem_alloc : memref<!tpu.dma_semaphore, #tpu.memory_space<semaphore_mem>>
      %dma_start3A_133 = arith.constant 0 : i32
      %dma_start3A_134 = tpu.memref_slice %arg3[%add3A_69, %dma_start3A_133] : memref<2560x128xi32, #tpu.memory_space<hbm>> -> memref<40x128xi32, #tpu.memory_space<hbm>>
      %dma_start3A_135 = arith.constant 0 : i32
      %dma_start3A_136 = tpu.memref_slice %arg3[%add3A_69, %dma_start3A_135] : memref<2560x128xi32, #tpu.memory_space<hbm>> -> memref<40x128xi32, #tpu.memory_space<hbm>>
      tpu.enqueue_dma source(%dma_start3A_136 : memref<40x128xi32, #tpu.memory_space<hbm>>) target(%arg8 : memref<40x128xi32, #tpu.memory_space<vmem>>) target_semaphore(%run_scoped3A : memref<!tpu.dma_semaphore, #tpu.memory_space<semaphore_mem>>)
      %dma_wait3A_137 = arith.constant 0 : i32
      %dma_wait3A_138 = tpu.memref_slice %arg3[%add3A_69, %dma_wait3A_137] : memref<2560x128xi32, #tpu.memory_space<hbm>> -> memref<40x128xi32, #tpu.memory_space<hbm>>
      %dma_wait3A_139 = arith.constant 0 : i32
      %dma_wait3A_140 = tpu.memref_slice %arg3[%add3A_69, %dma_wait3A_139] : memref<2560x128xi32, #tpu.memory_space<hbm>> -> memref<40x128xi32, #tpu.memory_space<hbm>>
      tpu.wait_dma2 semaphore(%run_scoped3A : memref<!tpu.dma_semaphore, #tpu.memory_space<semaphore_mem>>) src(%dma_wait3A_140 : memref<40x128xi32, #tpu.memory_space<hbm>>) dst(%arg8 : memref<40x128xi32, #tpu.memory_space<vmem>>)
      tpu.yield
    }) : () -> ()
    "tpu.region"() ({
      %run_scoped3A = tpu.sem_alloc : memref<!tpu.dma_semaphore, #tpu.memory_space<semaphore_mem>>
      %dma_start3A_133 = arith.constant 0 : i32
      %dma_start3A_134 = tpu.memref_slice %arg4[%add3A_69, %dma_start3A_133] : memref<2560x128xi32, #tpu.memory_space<hbm>> -> memref<40x128xi32, #tpu.memory_space<hbm>>
      %dma_start3A_135 = arith.constant 0 : i32
      %dma_start3A_136 = tpu.memref_slice %arg4[%add3A_69, %dma_start3A_135] : memref<2560x128xi32, #tpu.memory_space<hbm>> -> memref<40x128xi32, #tpu.memory_space<hbm>>
      tpu.enqueue_dma source(%dma_start3A_136 : memref<40x128xi32, #tpu.memory_space<hbm>>) target(%arg9 : memref<40x128xi32, #tpu.memory_space<vmem>>) target_semaphore(%run_scoped3A : memref<!tpu.dma_semaphore, #tpu.memory_space<semaphore_mem>>)
      %dma_wait3A_137 = arith.constant 0 : i32
      %dma_wait3A_138 = tpu.memref_slice %arg4[%add3A_69, %dma_wait3A_137] : memref<2560x128xi32, #tpu.memory_space<hbm>> -> memref<40x128xi32, #tpu.memory_space<hbm>>
      %dma_wait3A_139 = arith.constant 0 : i32
      %dma_wait3A_140 = tpu.memref_slice %arg4[%add3A_69, %dma_wait3A_139] : memref<2560x128xi32, #tpu.memory_space<hbm>> -> memref<40x128xi32, #tpu.memory_space<hbm>>
      tpu.wait_dma2 semaphore(%run_scoped3A : memref<!tpu.dma_semaphore, #tpu.memory_space<semaphore_mem>>) src(%dma_wait3A_140 : memref<40x128xi32, #tpu.memory_space<hbm>>) dst(%arg9 : memref<40x128xi32, #tpu.memory_space<vmem>>)
      tpu.yield
    }) : () -> ()
    %dma_start3A_70 = arith.constant 0 : i32
    %dma_start3A_71 = arith.constant 0 : i32
    %dma_start3A_72 = tpu.memref_slice %arg8[%dma_start3A_70, %dma_start3A_71] : memref<40x128xi32, #tpu.memory_space<vmem>> -> memref<1x128xi32, #tpu.memory_space<vmem>>
    %dma_start3A_73 = tpu.memref_squeeze %dma_start3A_72 : memref<1x128xi32, #tpu.memory_space<vmem>> -> memref<128xi32, #tpu.memory_space<vmem>>
    %dma_start3A_74 = arith.constant 0 : i32
    %dma_start3A_75 = arith.constant 0 : i32
    %dma_start3A_76 = tpu.memref_slice %arg2[%dma_start3A_74, %dma_start3A_75] : memref<10000x128xf32, #tpu.memory_space<hbm>> -> memref<10000x128xf32, #tpu.memory_space<hbm>>
    tpu.enqueue_indirect_dma source(%dma_start3A_76 : memref<10000x128xf32, #tpu.memory_space<hbm>>) target(%arg10 : memref<128x128xf32, #tpu.memory_space<vmem>>) offsets(%dma_start3A_73 : memref<128xi32, #tpu.memory_space<vmem>>) semaphore(%arg12 : memref<!tpu.dma_semaphore, #tpu.memory_space<semaphore_mem>>)
    %dma_wait3A_77 = arith.constant 0 : i32
    %dma_wait3A_78 = arith.constant 0 : i32
    %dma_wait3A_79 = tpu.memref_slice %arg8[%dma_wait3A_77, %dma_wait3A_78] : memref<40x128xi32, #tpu.memory_space<vmem>> -> memref<1x128xi32, #tpu.memory_space<vmem>>
    %dma_wait3A_80 = tpu.memref_squeeze %dma_wait3A_79 : memref<1x128xi32, #tpu.memory_space<vmem>> -> memref<128xi32, #tpu.memory_space<vmem>>
    %dma_wait3A_81 = arith.constant 0 : i32
    %dma_wait3A_82 = arith.constant 0 : i32
    %dma_wait3A_83 = tpu.memref_slice %arg2[%dma_wait3A_81, %dma_wait3A_82] : memref<10000x128xf32, #tpu.memory_space<hbm>> -> memref<10000x128xf32, #tpu.memory_space<hbm>>
    tpu.wait_indirect_dma semaphore(%arg12 : memref<!tpu.dma_semaphore, #tpu.memory_space<semaphore_mem>>) src(%dma_wait3A_83 : memref<10000x128xf32, #tpu.memory_space<hbm>>) dst(%arg10 : memref<128x128xf32, #tpu.memory_space<vmem>>)
    %dma_start3A_84 = arith.constant 1 : i32
    %dma_start3A_85 = arith.constant 0 : i32
    %dma_start3A_86 = tpu.memref_slice %arg8[%dma_start3A_84, %dma_start3A_85] : memref<40x128xi32, #tpu.memory_space<vmem>> -> memref<1x128xi32, #tpu.memory_space<vmem>>
    %dma_start3A_87 = tpu.memref_squeeze %dma_start3A_86 : memref<1x128xi32, #tpu.memory_space<vmem>> -> memref<128xi32, #tpu.memory_space<vmem>>
    %dma_start3A_88 = arith.constant 0 : i32
    %dma_start3A_89 = arith.constant 0 : i32
    %dma_start3A_90 = tpu.memref_slice %arg2[%dma_start3A_88, %dma_start3A_89] : memref<10000x128xf32, #tpu.memory_space<hbm>> -> memref<10000x128xf32, #tpu.memory_space<hbm>>
    tpu.enqueue_indirect_dma source(%dma_start3A_90 : memref<10000x128xf32, #tpu.memory_space<hbm>>) target(%arg11 : memref<128x128xf32, #tpu.memory_space<vmem>>) offsets(%dma_start3A_87 : memref<128xi32, #tpu.memory_space<vmem>>) semaphore(%arg13 : memref<!tpu.dma_semaphore, #tpu.memory_space<semaphore_mem>>)
    %dma_start3A_91 = arith.constant 0 : i32
    %dma_start3A_92 = arith.constant 0 : i32
    %dma_start3A_93 = tpu.memref_slice %arg9[%dma_start3A_91, %dma_start3A_92] : memref<40x128xi32, #tpu.memory_space<vmem>> -> memref<1x128xi32, #tpu.memory_space<vmem>>
    %dma_start3A_94 = tpu.memref_squeeze %dma_start3A_93 : memref<1x128xi32, #tpu.memory_space<vmem>> -> memref<128xi32, #tpu.memory_space<vmem>>
    %dma_start3A_95 = arith.constant 0 : i32
    %dma_start3A_96 = arith.constant 0 : i32
    %dma_start3A_97 = tpu.memref_slice %arg7[%dma_start3A_95, %dma_start3A_96] : memref<10112x128xf32, #tpu.memory_space<vmem_shared>> -> memref<10112x128xf32, #tpu.memory_space<vmem_shared>>
    tpu.enqueue_indirect_dma source(%arg10 : memref<128x128xf32, #tpu.memory_space<vmem>>) target(%dma_start3A_97 : memref<10112x128xf32, #tpu.memory_space<vmem_shared>>) offsets(%dma_start3A_94 : memref<128xi32, #tpu.memory_space<vmem>>) semaphore(%arg14 : memref<!tpu.dma_semaphore, #tpu.memory_space<semaphore_mem>>) {add = true}
    %scan3A_98 = arith.constant 0 : i32
    %scan3A_99 = arith.constant 1 : i32
    %scan3A_100 = arith.constant 19 : i32
    %scan3A_101 = arith.addi %scan3A_99, %scan3A_100 : i32
    %scan3A_102 = arith.constant 1 : i32
    scf.for %scan3A_133 = %scan3A_99 to %scan3A_101 step %scan3A_102  : i32 {
      %mul3A_134 = arith.constant 2 : i32
      %mul3A_135 = arith.muli %mul3A_134, %scan3A_133 : i32
      %sub3A = arith.constant 1 : i32
      %sub3A_136 = arith.subi %mul3A_135, %sub3A : i32
      %dma_wait3A_137 = arith.constant 0 : i32
      %dma_wait3A_138 = tpu.memref_slice %arg8[%sub3A_136, %dma_wait3A_137] : memref<40x128xi32, #tpu.memory_space<vmem>> -> memref<1x128xi32, #tpu.memory_space<vmem>>
      %dma_wait3A_139 = tpu.memref_squeeze %dma_wait3A_138 : memref<1x128xi32, #tpu.memory_space<vmem>> -> memref<128xi32, #tpu.memory_space<vmem>>
      %dma_wait3A_140 = arith.constant 0 : i32
      %dma_wait3A_141 = arith.constant 0 : i32
      %dma_wait3A_142 = tpu.memref_slice %arg2[%dma_wait3A_140, %dma_wait3A_141] : memref<10000x128xf32, #tpu.memory_space<hbm>> -> memref<10000x128xf32, #tpu.memory_space<hbm>>
      tpu.wait_indirect_dma semaphore(%arg13 : memref<!tpu.dma_semaphore, #tpu.memory_space<semaphore_mem>>) src(%dma_wait3A_142 : memref<10000x128xf32, #tpu.memory_space<hbm>>) dst(%arg11 : memref<128x128xf32, #tpu.memory_space<vmem>>)
      %sub3A_143 = arith.constant 2 : i32
      %sub3A_144 = arith.subi %mul3A_135, %sub3A_143 : i32
      %dma_wait3A_145 = arith.constant 0 : i32
      %dma_wait3A_146 = tpu.memref_slice %arg9[%sub3A_144, %dma_wait3A_145] : memref<40x128xi32, #tpu.memory_space<vmem>> -> memref<1x128xi32, #tpu.memory_space<vmem>>
      %dma_wait3A_147 = tpu.memref_squeeze %dma_wait3A_146 : memref<1x128xi32, #tpu.memory_space<vmem>> -> memref<128xi32, #tpu.memory_space<vmem>>
      %dma_wait3A_148 = arith.constant 0 : i32
      %dma_wait3A_149 = arith.constant 0 : i32
      %dma_wait3A_150 = tpu.memref_slice %arg7[%dma_wait3A_148, %dma_wait3A_149] : memref<10112x128xf32, #tpu.memory_space<vmem_shared>> -> memref<10112x128xf32, #tpu.memory_space<vmem_shared>>
      tpu.wait_indirect_dma semaphore(%arg14 : memref<!tpu.dma_semaphore, #tpu.memory_space<semaphore_mem>>) src(%arg10 : memref<128x128xf32, #tpu.memory_space<vmem>>) dst(%dma_wait3A_150 : memref<10112x128xf32, #tpu.memory_space<vmem_shared>>)
      %dma_start3A_151 = arith.constant 0 : i32
      %dma_start3A_152 = tpu.memref_slice %arg8[%mul3A_135, %dma_start3A_151] : memref<40x128xi32, #tpu.memory_space<vmem>> -> memref<1x128xi32, #tpu.memory_space<vmem>>
      %dma_start3A_153 = tpu.memref_squeeze %dma_start3A_152 : memref<1x128xi32, #tpu.memory_space<vmem>> -> memref<128xi32, #tpu.memory_space<vmem>>
      %dma_start3A_154 = arith.constant 0 : i32
      %dma_start3A_155 = arith.constant 0 : i32
      %dma_start3A_156 = tpu.memref_slice %arg2[%dma_start3A_154, %dma_start3A_155] : memref<10000x128xf32, #tpu.memory_space<hbm>> -> memref<10000x128xf32, #tpu.memory_space<hbm>>
      tpu.enqueue_indirect_dma source(%dma_start3A_156 : memref<10000x128xf32, #tpu.memory_space<hbm>>) target(%arg10 : memref<128x128xf32, #tpu.memory_space<vmem>>) offsets(%dma_start3A_153 : memref<128xi32, #tpu.memory_space<vmem>>) semaphore(%arg12 : memref<!tpu.dma_semaphore, #tpu.memory_space<semaphore_mem>>)
      %sub3A_157 = arith.constant 1 : i32
      %sub3A_158 = arith.subi %mul3A_135, %sub3A_157 : i32
      %dma_start3A_159 = arith.constant 0 : i32
      %dma_start3A_160 = tpu.memref_slice %arg9[%sub3A_158, %dma_start3A_159] : memref<40x128xi32, #tpu.memory_space<vmem>> -> memref<1x128xi32, #tpu.memory_space<vmem>>
      %dma_start3A_161 = tpu.memref_squeeze %dma_start3A_160 : memref<1x128xi32, #tpu.memory_space<vmem>> -> memref<128xi32, #tpu.memory_space<vmem>>
      %dma_start3A_162 = arith.constant 0 : i32
      %dma_start3A_163 = arith.constant 0 : i32
      %dma_start3A_164 = tpu.memref_slice %arg7[%dma_start3A_162, %dma_start3A_163] : memref<10112x128xf32, #tpu.memory_space<vmem_shared>> -> memref<10112x128xf32, #tpu.memory_space<vmem_shared>>
      tpu.enqueue_indirect_dma source(%arg11 : memref<128x128xf32, #tpu.memory_space<vmem>>) target(%dma_start3A_164 : memref<10112x128xf32, #tpu.memory_space<vmem_shared>>) offsets(%dma_start3A_161 : memref<128xi32, #tpu.memory_space<vmem>>) semaphore(%arg15 : memref<!tpu.dma_semaphore, #tpu.memory_space<semaphore_mem>>) {add = true}
      %dma_wait3A_165 = arith.constant 0 : i32
      %dma_wait3A_166 = tpu.memref_slice %arg8[%mul3A_135, %dma_wait3A_165] : memref<40x128xi32, #tpu.memory_space<vmem>> -> memref<1x128xi32, #tpu.memory_space<vmem>>
      %dma_wait3A_167 = tpu.memref_squeeze %dma_wait3A_166 : memref<1x128xi32, #tpu.memory_space<vmem>> -> memref<128xi32, #tpu.memory_space<vmem>>
      %dma_wait3A_168 = arith.constant 0 : i32
      %dma_wait3A_169 = arith.constant 0 : i32
      %dma_wait3A_170 = tpu.memref_slice %arg2[%dma_wait3A_168, %dma_wait3A_169] : memref<10000x128xf32, #tpu.memory_space<hbm>> -> memref<10000x128xf32, #tpu.memory_space<hbm>>
      tpu.wait_indirect_dma semaphore(%arg12 : memref<!tpu.dma_semaphore, #tpu.memory_space<semaphore_mem>>) src(%dma_wait3A_170 : memref<10000x128xf32, #tpu.memory_space<hbm>>) dst(%arg10 : memref<128x128xf32, #tpu.memory_space<vmem>>)
      %sub3A_171 = arith.constant 1 : i32
      %sub3A_172 = arith.subi %mul3A_135, %sub3A_171 : i32
      %dma_wait3A_173 = arith.constant 0 : i32
      %dma_wait3A_174 = tpu.memref_slice %arg9[%sub3A_172, %dma_wait3A_173] : memref<40x128xi32, #tpu.memory_space<vmem>> -> memref<1x128xi32, #tpu.memory_space<vmem>>
      %dma_wait3A_175 = tpu.memref_squeeze %dma_wait3A_174 : memref<1x128xi32, #tpu.memory_space<vmem>> -> memref<128xi32, #tpu.memory_space<vmem>>
      %dma_wait3A_176 = arith.constant 0 : i32
      %dma_wait3A_177 = arith.constant 0 : i32
      %dma_wait3A_178 = tpu.memref_slice %arg7[%dma_wait3A_176, %dma_wait3A_177] : memref<10112x128xf32, #tpu.memory_space<vmem_shared>> -> memref<10112x128xf32, #tpu.memory_space<vmem_shared>>
      tpu.wait_indirect_dma semaphore(%arg15 : memref<!tpu.dma_semaphore, #tpu.memory_space<semaphore_mem>>) src(%arg11 : memref<128x128xf32, #tpu.memory_space<vmem>>) dst(%dma_wait3A_178 : memref<10112x128xf32, #tpu.memory_space<vmem_shared>>)
      %add3A_179 = arith.constant 1 : i32
      %add3A_180 = arith.addi %mul3A_135, %add3A_179 : i32
      %dma_start3A_181 = arith.constant 0 : i32
      %dma_start3A_182 = tpu.memref_slice %arg8[%add3A_180, %dma_start3A_181] : memref<40x128xi32, #tpu.memory_space<vmem>> -> memref<1x128xi32, #tpu.memory_space<vmem>>
      %dma_start3A_183 = tpu.memref_squeeze %dma_start3A_182 : memref<1x128xi32, #tpu.memory_space<vmem>> -> memref<128xi32, #tpu.memory_space<vmem>>
      %dma_start3A_184 = arith.constant 0 : i32
      %dma_start3A_185 = arith.constant 0 : i32
      %dma_start3A_186 = tpu.memref_slice %arg2[%dma_start3A_184, %dma_start3A_185] : memref<10000x128xf32, #tpu.memory_space<hbm>> -> memref<10000x128xf32, #tpu.memory_space<hbm>>
      tpu.enqueue_indirect_dma source(%dma_start3A_186 : memref<10000x128xf32, #tpu.memory_space<hbm>>) target(%arg11 : memref<128x128xf32, #tpu.memory_space<vmem>>) offsets(%dma_start3A_183 : memref<128xi32, #tpu.memory_space<vmem>>) semaphore(%arg13 : memref<!tpu.dma_semaphore, #tpu.memory_space<semaphore_mem>>)
      %dma_start3A_187 = arith.constant 0 : i32
      %dma_start3A_188 = tpu.memref_slice %arg9[%mul3A_135, %dma_start3A_187] : memref<40x128xi32, #tpu.memory_space<vmem>> -> memref<1x128xi32, #tpu.memory_space<vmem>>
      %dma_start3A_189 = tpu.memref_squeeze %dma_start3A_188 : memref<1x128xi32, #tpu.memory_space<vmem>> -> memref<128xi32, #tpu.memory_space<vmem>>
      %dma_start3A_190 = arith.constant 0 : i32
      %dma_start3A_191 = arith.constant 0 : i32
      %dma_start3A_192 = tpu.memref_slice %arg7[%dma_start3A_190, %dma_start3A_191] : memref<10112x128xf32, #tpu.memory_space<vmem_shared>> -> memref<10112x128xf32, #tpu.memory_space<vmem_shared>>
      tpu.enqueue_indirect_dma source(%arg10 : memref<128x128xf32, #tpu.memory_space<vmem>>) target(%dma_start3A_192 : memref<10112x128xf32, #tpu.memory_space<vmem_shared>>) offsets(%dma_start3A_189 : memref<128xi32, #tpu.memory_space<vmem>>) semaphore(%arg14 : memref<!tpu.dma_semaphore, #tpu.memory_space<semaphore_mem>>) {add = true}
    }
    %scan3A_103 = arith.constant 19 : i32
    %dma_wait3A_104 = arith.constant 39 : i32
    %dma_wait3A_105 = arith.constant 0 : i32
    %dma_wait3A_106 = tpu.memref_slice %arg8[%dma_wait3A_104, %dma_wait3A_105] : memref<40x128xi32, #tpu.memory_space<vmem>> -> memref<1x128xi32, #tpu.memory_space<vmem>>
    %dma_wait3A_107 = tpu.memref_squeeze %dma_wait3A_106 : memref<1x128xi32, #tpu.memory_space<vmem>> -> memref<128xi32, #tpu.memory_space<vmem>>
    %dma_wait3A_108 = arith.constant 0 : i32
    %dma_wait3A_109 = arith.constant 0 : i32
    %dma_wait3A_110 = tpu.memref_slice %arg2[%dma_wait3A_108, %dma_wait3A_109] : memref<10000x128xf32, #tpu.memory_space<hbm>> -> memref<10000x128xf32, #tpu.memory_space<hbm>>
    tpu.wait_indirect_dma semaphore(%arg13 : memref<!tpu.dma_semaphore, #tpu.memory_space<semaphore_mem>>) src(%dma_wait3A_110 : memref<10000x128xf32, #tpu.memory_space<hbm>>) dst(%arg11 : memref<128x128xf32, #tpu.memory_space<vmem>>)
    %dma_wait3A_111 = arith.constant 38 : i32
    %dma_wait3A_112 = arith.constant 0 : i32
    %dma_wait3A_113 = tpu.memref_slice %arg9[%dma_wait3A_111, %dma_wait3A_112] : memref<40x128xi32, #tpu.memory_space<vmem>> -> memref<1x128xi32, #tpu.memory_space<vmem>>
    %dma_wait3A_114 = tpu.memref_squeeze %dma_wait3A_113 : memref<1x128xi32, #tpu.memory_space<vmem>> -> memref<128xi32, #tpu.memory_space<vmem>>
    %dma_wait3A_115 = arith.constant 0 : i32
    %dma_wait3A_116 = arith.constant 0 : i32
    %dma_wait3A_117 = tpu.memref_slice %arg7[%dma_wait3A_115, %dma_wait3A_116] : memref<10112x128xf32, #tpu.memory_space<vmem_shared>> -> memref<10112x128xf32, #tpu.memory_space<vmem_shared>>
    tpu.wait_indirect_dma semaphore(%arg14 : memref<!tpu.dma_semaphore, #tpu.memory_space<semaphore_mem>>) src(%arg10 : memref<128x128xf32, #tpu.memory_space<vmem>>) dst(%dma_wait3A_117 : memref<10112x128xf32, #tpu.memory_space<vmem_shared>>)
    %dma_start3A_118 = arith.constant 39 : i32
    %dma_start3A_119 = arith.constant 0 : i32
    %dma_start3A_120 = tpu.memref_slice %arg9[%dma_start3A_118, %dma_start3A_119] : memref<40x128xi32, #tpu.memory_space<vmem>> -> memref<1x128xi32, #tpu.memory_space<vmem>>
    %dma_start3A_121 = tpu.memref_squeeze %dma_start3A_120 : memref<1x128xi32, #tpu.memory_space<vmem>> -> memref<128xi32, #tpu.memory_space<vmem>>
    %dma_start3A_122 = arith.constant 0 : i32
    %dma_start3A_123 = arith.constant 0 : i32
    %dma_start3A_124 = tpu.memref_slice %arg7[%dma_start3A_122, %dma_start3A_123] : memref<10112x128xf32, #tpu.memory_space<vmem_shared>> -> memref<10112x128xf32, #tpu.memory_space<vmem_shared>>
    tpu.enqueue_indirect_dma source(%arg11 : memref<128x128xf32, #tpu.memory_space<vmem>>) target(%dma_start3A_124 : memref<10112x128xf32, #tpu.memory_space<vmem_shared>>) offsets(%dma_start3A_121 : memref<128xi32, #tpu.memory_space<vmem>>) semaphore(%arg15 : memref<!tpu.dma_semaphore, #tpu.memory_space<semaphore_mem>>) {add = true}
    %dma_wait3A_125 = arith.constant 39 : i32
    %dma_wait3A_126 = arith.constant 0 : i32
    %dma_wait3A_127 = tpu.memref_slice %arg9[%dma_wait3A_125, %dma_wait3A_126] : memref<40x128xi32, #tpu.memory_space<vmem>> -> memref<1x128xi32, #tpu.memory_space<vmem>>
    %dma_wait3A_128 = tpu.memref_squeeze %dma_wait3A_127 : memref<1x128xi32, #tpu.memory_space<vmem>> -> memref<128xi32, #tpu.memory_space<vmem>>
    %dma_wait3A_129 = arith.constant 0 : i32
    %dma_wait3A_130 = arith.constant 0 : i32
    %dma_wait3A_131 = tpu.memref_slice %arg7[%dma_wait3A_129, %dma_wait3A_130] : memref<10112x128xf32, #tpu.memory_space<vmem_shared>> -> memref<10112x128xf32, #tpu.memory_space<vmem_shared>>
    tpu.wait_indirect_dma semaphore(%arg15 : memref<!tpu.dma_semaphore, #tpu.memory_space<semaphore_mem>>) src(%arg11 : memref<128x128xf32, #tpu.memory_space<vmem>>) dst(%dma_wait3A_131 : memref<10112x128xf32, #tpu.memory_space<vmem_shared>>)
    %barrier3A_132 = arith.constant 0 : index
    tpu.barrier barrier_id(%barrier3A_132)
    "tpu.region"() ({
      %run_scoped3A = tpu.sem_alloc : memref<!tpu.dma_semaphore, #tpu.memory_space<semaphore_mem>>
      %dma_start3A_133 = arith.constant 0 : i32
      %dma_start3A_134 = tpu.memref_slice %arg6[%arg0, %mul3A_2, %dma_start3A_133] : memref<2x10112x128xf32, #tpu.memory_space<hbm>> -> memref<1x632x128xf32, #tpu.memory_space<hbm>>
      %dma_start3A_135 = tpu.memref_squeeze %dma_start3A_134 : memref<1x632x128xf32, #tpu.memory_space<hbm>> -> memref<632x128xf32, #tpu.memory_space<hbm>>
      %dma_start3A_136 = arith.constant 0 : i32
      %dma_start3A_137 = tpu.memref_slice %arg7[%mul3A_2, %dma_start3A_136] : memref<10112x128xf32, #tpu.memory_space<vmem_shared>> -> memref<632x128xf32, #tpu.memory_space<vmem_shared>>
      tpu.enqueue_dma source(%dma_start3A_137 : memref<632x128xf32, #tpu.memory_space<vmem_shared>>) target(%dma_start3A_135 : memref<632x128xf32, #tpu.memory_space<hbm>>) target_semaphore(%run_scoped3A : memref<!tpu.dma_semaphore, #tpu.memory_space<semaphore_mem>>)
      %dma_wait3A_138 = arith.constant 0 : i32
      %dma_wait3A_139 = tpu.memref_slice %arg6[%arg0, %mul3A_2, %dma_wait3A_138] : memref<2x10112x128xf32, #tpu.memory_space<hbm>> -> memref<1x632x128xf32, #tpu.memory_space<hbm>>
      %dma_wait3A_140 = tpu.memref_squeeze %dma_wait3A_139 : memref<1x632x128xf32, #tpu.memory_space<hbm>> -> memref<632x128xf32, #tpu.memory_space<hbm>>
      %dma_wait3A_141 = arith.constant 0 : i32
      %dma_wait3A_142 = tpu.memref_slice %arg7[%mul3A_2, %dma_wait3A_141] : memref<10112x128xf32, #tpu.memory_space<vmem_shared>> -> memref<632x128xf32, #tpu.memory_space<vmem_shared>>
      tpu.wait_dma2 semaphore(%run_scoped3A : memref<!tpu.dma_semaphore, #tpu.memory_space<semaphore_mem>>) src(%dma_wait3A_142 : memref<632x128xf32, #tpu.memory_space<vmem_shared>>) dst(%dma_wait3A_140 : memref<632x128xf32, #tpu.memory_space<hbm>>)
      tpu.yield
    }) : () -> ()
    return
  }
}

#map = affine_map<(d0, d1) -> (0, 0)>
#map1 = affine_map<(d0, d1) -> (0, 0, 0)>
module attributes {stable_mosaic.version = 14 : i64} {
  func.func @_deg_body(%arg0: i32, %arg1: i32, %arg2: memref<2560x128xi32, #tpu.memory_space<hbm>>, %arg3: memref<128x128xf32, #tpu.memory_space<hbm>>, %arg4: memref<10112x128xf32, #tpu.memory_space<hbm>>, %arg5: memref<2x10112x128xf32, #tpu.memory_space<hbm>>, %arg6: memref<10112x128xf32, #tpu.memory_space<vmem_shared>>, %arg7: memref<128x128xf32, #tpu.memory_space<vmem>>, %arg8: memref<80x128xi32, #tpu.memory_space<vmem>>, %arg9: memref<!tpu.dma_semaphore, #tpu.memory_space<semaphore_mem>>, %arg10: memref<!tpu.dma_semaphore, #tpu.memory_space<semaphore_mem>>) attributes {dimension_semantics = [#tpu.dimension_semantics<core_parallel>, #tpu.dimension_semantics<subcore_parallel>], iteration_bounds = array<i64: 2, 16>, scalar_prefetch = 0 : i64, scratch_operands = 5 : i64, tpu.core_type = #tpu.core_type<sc_vector_subcore>, window_params = [{transform_indices = #map}, {transform_indices = #map}, {transform_indices = #map}, {transform_indices = #map1}]} {
    %mul3A = arith.constant 16 : i32
    %mul3A_0 = arith.muli %arg0, %mul3A : i32
    %add3A = arith.addi %mul3A_0, %arg1 : i32
    %mul3A_1 = arith.constant 632 : i32
    %mul3A_2 = arith.muli %arg1, %mul3A_1 : i32
    "tpu.region"() ({
      %run_scoped3A = tpu.sem_alloc : memref<!tpu.dma_semaphore, #tpu.memory_space<semaphore_mem>>
      %dma_start3A_37 = arith.constant 0 : i32
      %dma_start3A_38 = tpu.memref_slice %arg6[%mul3A_2, %dma_start3A_37] : memref<10112x128xf32, #tpu.memory_space<vmem_shared>> -> memref<632x128xf32, #tpu.memory_space<vmem_shared>>
      %dma_start3A_39 = arith.constant 0 : i32
      %dma_start3A_40 = tpu.memref_slice %arg4[%mul3A_2, %dma_start3A_39] : memref<10112x128xf32, #tpu.memory_space<hbm>> -> memref<632x128xf32, #tpu.memory_space<hbm>>
      tpu.enqueue_dma source(%dma_start3A_40 : memref<632x128xf32, #tpu.memory_space<hbm>>) target(%dma_start3A_38 : memref<632x128xf32, #tpu.memory_space<vmem_shared>>) target_semaphore(%run_scoped3A : memref<!tpu.dma_semaphore, #tpu.memory_space<semaphore_mem>>)
      %dma_wait3A_41 = arith.constant 0 : i32
      %dma_wait3A_42 = tpu.memref_slice %arg6[%mul3A_2, %dma_wait3A_41] : memref<10112x128xf32, #tpu.memory_space<vmem_shared>> -> memref<632x128xf32, #tpu.memory_space<vmem_shared>>
      %dma_wait3A_43 = arith.constant 0 : i32
      %dma_wait3A_44 = tpu.memref_slice %arg4[%mul3A_2, %dma_wait3A_43] : memref<10112x128xf32, #tpu.memory_space<hbm>> -> memref<632x128xf32, #tpu.memory_space<hbm>>
      tpu.wait_dma2 semaphore(%run_scoped3A : memref<!tpu.dma_semaphore, #tpu.memory_space<semaphore_mem>>) src(%dma_wait3A_44 : memref<632x128xf32, #tpu.memory_space<hbm>>) dst(%dma_wait3A_42 : memref<632x128xf32, #tpu.memory_space<vmem_shared>>)
      tpu.yield
    }) : () -> ()
    "tpu.region"() ({
      %run_scoped3A = tpu.sem_alloc : memref<!tpu.dma_semaphore, #tpu.memory_space<semaphore_mem>>
      tpu.enqueue_dma source(%arg3 : memref<128x128xf32, #tpu.memory_space<hbm>>) target(%arg7 : memref<128x128xf32, #tpu.memory_space<vmem>>) target_semaphore(%run_scoped3A : memref<!tpu.dma_semaphore, #tpu.memory_space<semaphore_mem>>)
      tpu.wait_dma2 semaphore(%run_scoped3A : memref<!tpu.dma_semaphore, #tpu.memory_space<semaphore_mem>>) src(%arg3 : memref<128x128xf32, #tpu.memory_space<hbm>>) dst(%arg7 : memref<128x128xf32, #tpu.memory_space<vmem>>)
      tpu.yield
    }) : () -> ()
    %mul3A_3 = arith.constant 80 : i32
    %mul3A_4 = arith.muli %add3A, %mul3A_3 : i32
    "tpu.region"() ({
      %run_scoped3A = tpu.sem_alloc : memref<!tpu.dma_semaphore, #tpu.memory_space<semaphore_mem>>
      %dma_start3A_37 = arith.constant 0 : i32
      %dma_start3A_38 = tpu.memref_slice %arg2[%mul3A_4, %dma_start3A_37] : memref<2560x128xi32, #tpu.memory_space<hbm>> -> memref<80x128xi32, #tpu.memory_space<hbm>>
      %dma_start3A_39 = arith.constant 0 : i32
      %dma_start3A_40 = tpu.memref_slice %arg2[%mul3A_4, %dma_start3A_39] : memref<2560x128xi32, #tpu.memory_space<hbm>> -> memref<80x128xi32, #tpu.memory_space<hbm>>
      tpu.enqueue_dma source(%dma_start3A_40 : memref<80x128xi32, #tpu.memory_space<hbm>>) target(%arg8 : memref<80x128xi32, #tpu.memory_space<vmem>>) target_semaphore(%run_scoped3A : memref<!tpu.dma_semaphore, #tpu.memory_space<semaphore_mem>>)
      %dma_wait3A_41 = arith.constant 0 : i32
      %dma_wait3A_42 = tpu.memref_slice %arg2[%mul3A_4, %dma_wait3A_41] : memref<2560x128xi32, #tpu.memory_space<hbm>> -> memref<80x128xi32, #tpu.memory_space<hbm>>
      %dma_wait3A_43 = arith.constant 0 : i32
      %dma_wait3A_44 = tpu.memref_slice %arg2[%mul3A_4, %dma_wait3A_43] : memref<2560x128xi32, #tpu.memory_space<hbm>> -> memref<80x128xi32, #tpu.memory_space<hbm>>
      tpu.wait_dma2 semaphore(%run_scoped3A : memref<!tpu.dma_semaphore, #tpu.memory_space<semaphore_mem>>) src(%dma_wait3A_44 : memref<80x128xi32, #tpu.memory_space<hbm>>) dst(%arg8 : memref<80x128xi32, #tpu.memory_space<vmem>>)
      tpu.yield
    }) : () -> ()
    %barrier3A = arith.constant 0 : index
    tpu.barrier barrier_id(%barrier3A)
    %dma_start3A = arith.constant 0 : i32
    %dma_start3A_5 = arith.constant 0 : i32
    %dma_start3A_6 = tpu.memref_slice %arg8[%dma_start3A, %dma_start3A_5] : memref<80x128xi32, #tpu.memory_space<vmem>> -> memref<1x128xi32, #tpu.memory_space<vmem>>
    %dma_start3A_7 = tpu.memref_squeeze %dma_start3A_6 : memref<1x128xi32, #tpu.memory_space<vmem>> -> memref<128xi32, #tpu.memory_space<vmem>>
    %dma_start3A_8 = arith.constant 0 : i32
    %dma_start3A_9 = arith.constant 0 : i32
    %dma_start3A_10 = tpu.memref_slice %arg6[%dma_start3A_8, %dma_start3A_9] : memref<10112x128xf32, #tpu.memory_space<vmem_shared>> -> memref<10112x128xf32, #tpu.memory_space<vmem_shared>>
    tpu.enqueue_indirect_dma source(%arg7 : memref<128x128xf32, #tpu.memory_space<vmem>>) target(%dma_start3A_10 : memref<10112x128xf32, #tpu.memory_space<vmem_shared>>) offsets(%dma_start3A_7 : memref<128xi32, #tpu.memory_space<vmem>>) semaphore(%arg9 : memref<!tpu.dma_semaphore, #tpu.memory_space<semaphore_mem>>) {add = true}
    %dma_start3A_11 = arith.constant 1 : i32
    %dma_start3A_12 = arith.constant 0 : i32
    %dma_start3A_13 = tpu.memref_slice %arg8[%dma_start3A_11, %dma_start3A_12] : memref<80x128xi32, #tpu.memory_space<vmem>> -> memref<1x128xi32, #tpu.memory_space<vmem>>
    %dma_start3A_14 = tpu.memref_squeeze %dma_start3A_13 : memref<1x128xi32, #tpu.memory_space<vmem>> -> memref<128xi32, #tpu.memory_space<vmem>>
    %dma_start3A_15 = arith.constant 0 : i32
    %dma_start3A_16 = arith.constant 0 : i32
    %dma_start3A_17 = tpu.memref_slice %arg6[%dma_start3A_15, %dma_start3A_16] : memref<10112x128xf32, #tpu.memory_space<vmem_shared>> -> memref<10112x128xf32, #tpu.memory_space<vmem_shared>>
    tpu.enqueue_indirect_dma source(%arg7 : memref<128x128xf32, #tpu.memory_space<vmem>>) target(%dma_start3A_17 : memref<10112x128xf32, #tpu.memory_space<vmem_shared>>) offsets(%dma_start3A_14 : memref<128xi32, #tpu.memory_space<vmem>>) semaphore(%arg10 : memref<!tpu.dma_semaphore, #tpu.memory_space<semaphore_mem>>) {add = true}
    %scan3A = arith.constant 0 : i32
    %scan3A_18 = arith.constant 1 : i32
    %scan3A_19 = arith.constant 39 : i32
    %scan3A_20 = arith.addi %scan3A_18, %scan3A_19 : i32
    %scan3A_21 = arith.constant 1 : i32
    scf.for %scan3A_37 = %scan3A_18 to %scan3A_20 step %scan3A_21  : i32 {
      %mul3A_38 = arith.constant 2 : i32
      %mul3A_39 = arith.muli %mul3A_38, %scan3A_37 : i32
      %sub3A = arith.constant 2 : i32
      %sub3A_40 = arith.subi %mul3A_39, %sub3A : i32
      %dma_wait3A_41 = arith.constant 0 : i32
      %dma_wait3A_42 = tpu.memref_slice %arg8[%sub3A_40, %dma_wait3A_41] : memref<80x128xi32, #tpu.memory_space<vmem>> -> memref<1x128xi32, #tpu.memory_space<vmem>>
      %dma_wait3A_43 = tpu.memref_squeeze %dma_wait3A_42 : memref<1x128xi32, #tpu.memory_space<vmem>> -> memref<128xi32, #tpu.memory_space<vmem>>
      %dma_wait3A_44 = arith.constant 0 : i32
      %dma_wait3A_45 = arith.constant 0 : i32
      %dma_wait3A_46 = tpu.memref_slice %arg6[%dma_wait3A_44, %dma_wait3A_45] : memref<10112x128xf32, #tpu.memory_space<vmem_shared>> -> memref<10112x128xf32, #tpu.memory_space<vmem_shared>>
      tpu.wait_indirect_dma semaphore(%arg9 : memref<!tpu.dma_semaphore, #tpu.memory_space<semaphore_mem>>) src(%arg7 : memref<128x128xf32, #tpu.memory_space<vmem>>) dst(%dma_wait3A_46 : memref<10112x128xf32, #tpu.memory_space<vmem_shared>>)
      %dma_start3A_47 = arith.constant 0 : i32
      %dma_start3A_48 = tpu.memref_slice %arg8[%mul3A_39, %dma_start3A_47] : memref<80x128xi32, #tpu.memory_space<vmem>> -> memref<1x128xi32, #tpu.memory_space<vmem>>
      %dma_start3A_49 = tpu.memref_squeeze %dma_start3A_48 : memref<1x128xi32, #tpu.memory_space<vmem>> -> memref<128xi32, #tpu.memory_space<vmem>>
      %dma_start3A_50 = arith.constant 0 : i32
      %dma_start3A_51 = arith.constant 0 : i32
      %dma_start3A_52 = tpu.memref_slice %arg6[%dma_start3A_50, %dma_start3A_51] : memref<10112x128xf32, #tpu.memory_space<vmem_shared>> -> memref<10112x128xf32, #tpu.memory_space<vmem_shared>>
      tpu.enqueue_indirect_dma source(%arg7 : memref<128x128xf32, #tpu.memory_space<vmem>>) target(%dma_start3A_52 : memref<10112x128xf32, #tpu.memory_space<vmem_shared>>) offsets(%dma_start3A_49 : memref<128xi32, #tpu.memory_space<vmem>>) semaphore(%arg9 : memref<!tpu.dma_semaphore, #tpu.memory_space<semaphore_mem>>) {add = true}
      %sub3A_53 = arith.constant 1 : i32
      %sub3A_54 = arith.subi %mul3A_39, %sub3A_53 : i32
      %dma_wait3A_55 = arith.constant 0 : i32
      %dma_wait3A_56 = tpu.memref_slice %arg8[%sub3A_54, %dma_wait3A_55] : memref<80x128xi32, #tpu.memory_space<vmem>> -> memref<1x128xi32, #tpu.memory_space<vmem>>
      %dma_wait3A_57 = tpu.memref_squeeze %dma_wait3A_56 : memref<1x128xi32, #tpu.memory_space<vmem>> -> memref<128xi32, #tpu.memory_space<vmem>>
      %dma_wait3A_58 = arith.constant 0 : i32
      %dma_wait3A_59 = arith.constant 0 : i32
      %dma_wait3A_60 = tpu.memref_slice %arg6[%dma_wait3A_58, %dma_wait3A_59] : memref<10112x128xf32, #tpu.memory_space<vmem_shared>> -> memref<10112x128xf32, #tpu.memory_space<vmem_shared>>
      tpu.wait_indirect_dma semaphore(%arg10 : memref<!tpu.dma_semaphore, #tpu.memory_space<semaphore_mem>>) src(%arg7 : memref<128x128xf32, #tpu.memory_space<vmem>>) dst(%dma_wait3A_60 : memref<10112x128xf32, #tpu.memory_space<vmem_shared>>)
      %add3A_61 = arith.constant 1 : i32
      %add3A_62 = arith.addi %mul3A_39, %add3A_61 : i32
      %dma_start3A_63 = arith.constant 0 : i32
      %dma_start3A_64 = tpu.memref_slice %arg8[%add3A_62, %dma_start3A_63] : memref<80x128xi32, #tpu.memory_space<vmem>> -> memref<1x128xi32, #tpu.memory_space<vmem>>
      %dma_start3A_65 = tpu.memref_squeeze %dma_start3A_64 : memref<1x128xi32, #tpu.memory_space<vmem>> -> memref<128xi32, #tpu.memory_space<vmem>>
      %dma_start3A_66 = arith.constant 0 : i32
      %dma_start3A_67 = arith.constant 0 : i32
      %dma_start3A_68 = tpu.memref_slice %arg6[%dma_start3A_66, %dma_start3A_67] : memref<10112x128xf32, #tpu.memory_space<vmem_shared>> -> memref<10112x128xf32, #tpu.memory_space<vmem_shared>>
      tpu.enqueue_indirect_dma source(%arg7 : memref<128x128xf32, #tpu.memory_space<vmem>>) target(%dma_start3A_68 : memref<10112x128xf32, #tpu.memory_space<vmem_shared>>) offsets(%dma_start3A_65 : memref<128xi32, #tpu.memory_space<vmem>>) semaphore(%arg10 : memref<!tpu.dma_semaphore, #tpu.memory_space<semaphore_mem>>) {add = true}
    }
    %scan3A_22 = arith.constant 39 : i32
    %dma_wait3A = arith.constant 78 : i32
    %dma_wait3A_23 = arith.constant 0 : i32
    %dma_wait3A_24 = tpu.memref_slice %arg8[%dma_wait3A, %dma_wait3A_23] : memref<80x128xi32, #tpu.memory_space<vmem>> -> memref<1x128xi32, #tpu.memory_space<vmem>>
    %dma_wait3A_25 = tpu.memref_squeeze %dma_wait3A_24 : memref<1x128xi32, #tpu.memory_space<vmem>> -> memref<128xi32, #tpu.memory_space<vmem>>
    %dma_wait3A_26 = arith.constant 0 : i32
    %dma_wait3A_27 = arith.constant 0 : i32
    %dma_wait3A_28 = tpu.memref_slice %arg6[%dma_wait3A_26, %dma_wait3A_27] : memref<10112x128xf32, #tpu.memory_space<vmem_shared>> -> memref<10112x128xf32, #tpu.memory_space<vmem_shared>>
    tpu.wait_indirect_dma semaphore(%arg9 : memref<!tpu.dma_semaphore, #tpu.memory_space<semaphore_mem>>) src(%arg7 : memref<128x128xf32, #tpu.memory_space<vmem>>) dst(%dma_wait3A_28 : memref<10112x128xf32, #tpu.memory_space<vmem_shared>>)
    %dma_wait3A_29 = arith.constant 79 : i32
    %dma_wait3A_30 = arith.constant 0 : i32
    %dma_wait3A_31 = tpu.memref_slice %arg8[%dma_wait3A_29, %dma_wait3A_30] : memref<80x128xi32, #tpu.memory_space<vmem>> -> memref<1x128xi32, #tpu.memory_space<vmem>>
    %dma_wait3A_32 = tpu.memref_squeeze %dma_wait3A_31 : memref<1x128xi32, #tpu.memory_space<vmem>> -> memref<128xi32, #tpu.memory_space<vmem>>
    %dma_wait3A_33 = arith.constant 0 : i32
    %dma_wait3A_34 = arith.constant 0 : i32
    %dma_wait3A_35 = tpu.memref_slice %arg6[%dma_wait3A_33, %dma_wait3A_34] : memref<10112x128xf32, #tpu.memory_space<vmem_shared>> -> memref<10112x128xf32, #tpu.memory_space<vmem_shared>>
    tpu.wait_indirect_dma semaphore(%arg10 : memref<!tpu.dma_semaphore, #tpu.memory_space<semaphore_mem>>) src(%arg7 : memref<128x128xf32, #tpu.memory_space<vmem>>) dst(%dma_wait3A_35 : memref<10112x128xf32, #tpu.memory_space<vmem_shared>>)
    %barrier3A_36 = arith.constant 0 : index
    tpu.barrier barrier_id(%barrier3A_36)
    "tpu.region"() ({
      %run_scoped3A = tpu.sem_alloc : memref<!tpu.dma_semaphore, #tpu.memory_space<semaphore_mem>>
      %dma_start3A_37 = arith.constant 0 : i32
      %dma_start3A_38 = tpu.memref_slice %arg5[%arg0, %mul3A_2, %dma_start3A_37] : memref<2x10112x128xf32, #tpu.memory_space<hbm>> -> memref<1x632x128xf32, #tpu.memory_space<hbm>>
      %dma_start3A_39 = tpu.memref_squeeze %dma_start3A_38 : memref<1x632x128xf32, #tpu.memory_space<hbm>> -> memref<632x128xf32, #tpu.memory_space<hbm>>
      %dma_start3A_40 = arith.constant 0 : i32
      %dma_start3A_41 = tpu.memref_slice %arg6[%mul3A_2, %dma_start3A_40] : memref<10112x128xf32, #tpu.memory_space<vmem_shared>> -> memref<632x128xf32, #tpu.memory_space<vmem_shared>>
      tpu.enqueue_dma source(%dma_start3A_41 : memref<632x128xf32, #tpu.memory_space<vmem_shared>>) target(%dma_start3A_39 : memref<632x128xf32, #tpu.memory_space<hbm>>) target_semaphore(%run_scoped3A : memref<!tpu.dma_semaphore, #tpu.memory_space<semaphore_mem>>)
      %dma_wait3A_42 = arith.constant 0 : i32
      %dma_wait3A_43 = tpu.memref_slice %arg5[%arg0, %mul3A_2, %dma_wait3A_42] : memref<2x10112x128xf32, #tpu.memory_space<hbm>> -> memref<1x632x128xf32, #tpu.memory_space<hbm>>
      %dma_wait3A_44 = tpu.memref_squeeze %dma_wait3A_43 : memref<1x632x128xf32, #tpu.memory_space<hbm>> -> memref<632x128xf32, #tpu.memory_space<hbm>>
      %dma_wait3A_45 = arith.constant 0 : i32
      %dma_wait3A_46 = tpu.memref_slice %arg6[%mul3A_2, %dma_wait3A_45] : memref<10112x128xf32, #tpu.memory_space<vmem_shared>> -> memref<632x128xf32, #tpu.memory_space<vmem_shared>>
      tpu.wait_dma2 semaphore(%run_scoped3A : memref<!tpu.dma_semaphore, #tpu.memory_space<semaphore_mem>>) src(%dma_wait3A_46 : memref<632x128xf32, #tpu.memory_space<vmem_shared>>) dst(%dma_wait3A_44 : memref<632x128xf32, #tpu.memory_space<hbm>>)
      tpu.yield
    }) : () -> ()
    return
  }
}

#map = affine_map<(d0, d1) -> (0, 0)>
#map1 = affine_map<(d0, d1) -> (0, 0, 0)>
module attributes {stable_mosaic.version = 14 : i64} {
  func.func @_agg_body(%arg0: i32, %arg1: i32, %arg2: memref<10000x128xf32, #tpu.memory_space<hbm>>, %arg3: memref<2560x128xi32, #tpu.memory_space<hbm>>, %arg4: memref<2560x128xi32, #tpu.memory_space<hbm>>, %arg5: memref<10112x128xf32, #tpu.memory_space<hbm>>, %arg6: memref<2x10112x128xf32, #tpu.memory_space<hbm>>, %arg7: memref<10112x128xf32, #tpu.memory_space<vmem_shared>>, %arg8: memref<40x128xi32, #tpu.memory_space<vmem>>, %arg9: memref<40x128xi32, #tpu.memory_space<vmem>>, %arg10: memref<128x128xf32, #tpu.memory_space<vmem>>, %arg11: memref<128x128xf32, #tpu.memory_space<vmem>>, %arg12: memref<!tpu.dma_semaphore, #tpu.memory_space<semaphore_mem>>, %arg13: memref<!tpu.dma_semaphore, #tpu.memory_space<semaphore_mem>>, %arg14: memref<!tpu.dma_semaphore, #tpu.memory_space<semaphore_mem>>, %arg15: memref<!tpu.dma_semaphore, #tpu.memory_space<semaphore_mem>>) attributes {dimension_semantics = [#tpu.dimension_semantics<core_parallel>, #tpu.dimension_semantics<subcore_parallel>], iteration_bounds = array<i64: 2, 16>, scalar_prefetch = 0 : i64, scratch_operands = 9 : i64, tpu.core_type = #tpu.core_type<sc_vector_subcore>, window_params = [{transform_indices = #map}, {transform_indices = #map}, {transform_indices = #map}, {transform_indices = #map}, {transform_indices = #map1}]} {
    %mul3A = arith.constant 16 : i32
    %mul3A_0 = arith.muli %arg0, %mul3A : i32
    %add3A = arith.addi %mul3A_0, %arg1 : i32
    %mul3A_1 = arith.constant 632 : i32
    %mul3A_2 = arith.muli %arg1, %mul3A_1 : i32
    "tpu.region"() ({
      %run_scoped3A = tpu.sem_alloc : memref<!tpu.dma_semaphore, #tpu.memory_space<semaphore_mem>>
      %dma_start3A_133 = arith.constant 0 : i32
      %dma_start3A_134 = tpu.memref_slice %arg7[%mul3A_2, %dma_start3A_133] : memref<10112x128xf32, #tpu.memory_space<vmem_shared>> -> memref<632x128xf32, #tpu.memory_space<vmem_shared>>
      %dma_start3A_135 = arith.constant 0 : i32
      %dma_start3A_136 = tpu.memref_slice %arg5[%mul3A_2, %dma_start3A_135] : memref<10112x128xf32, #tpu.memory_space<hbm>> -> memref<632x128xf32, #tpu.memory_space<hbm>>
      tpu.enqueue_dma source(%dma_start3A_136 : memref<632x128xf32, #tpu.memory_space<hbm>>) target(%dma_start3A_134 : memref<632x128xf32, #tpu.memory_space<vmem_shared>>) target_semaphore(%run_scoped3A : memref<!tpu.dma_semaphore, #tpu.memory_space<semaphore_mem>>)
      %dma_wait3A_137 = arith.constant 0 : i32
      %dma_wait3A_138 = tpu.memref_slice %arg7[%mul3A_2, %dma_wait3A_137] : memref<10112x128xf32, #tpu.memory_space<vmem_shared>> -> memref<632x128xf32, #tpu.memory_space<vmem_shared>>
      %dma_wait3A_139 = arith.constant 0 : i32
      %dma_wait3A_140 = tpu.memref_slice %arg5[%mul3A_2, %dma_wait3A_139] : memref<10112x128xf32, #tpu.memory_space<hbm>> -> memref<632x128xf32, #tpu.memory_space<hbm>>
      tpu.wait_dma2 semaphore(%run_scoped3A : memref<!tpu.dma_semaphore, #tpu.memory_space<semaphore_mem>>) src(%dma_wait3A_140 : memref<632x128xf32, #tpu.memory_space<hbm>>) dst(%dma_wait3A_138 : memref<632x128xf32, #tpu.memory_space<vmem_shared>>)
      tpu.yield
    }) : () -> ()
    %barrier3A = arith.constant 0 : index
    tpu.barrier barrier_id(%barrier3A)
    %mul3A_3 = arith.constant 80 : i32
    %mul3A_4 = arith.muli %add3A, %mul3A_3 : i32
    %add3A_5 = arith.constant 0 : i32
    %add3A_6 = arith.addi %mul3A_4, %add3A_5 : i32
    "tpu.region"() ({
      %run_scoped3A = tpu.sem_alloc : memref<!tpu.dma_semaphore, #tpu.memory_space<semaphore_mem>>
      %dma_start3A_133 = arith.constant 0 : i32
      %dma_start3A_134 = tpu.memref_slice %arg3[%add3A_6, %dma_start3A_133] : memref<2560x128xi32, #tpu.memory_space<hbm>> -> memref<40x128xi32, #tpu.memory_space<hbm>>
      %dma_start3A_135 = arith.constant 0 : i32
      %dma_start3A_136 = tpu.memref_slice %arg3[%add3A_6, %dma_start3A_135] : memref<2560x128xi32, #tpu.memory_space<hbm>> -> memref<40x128xi32, #tpu.memory_space<hbm>>
      tpu.enqueue_dma source(%dma_start3A_136 : memref<40x128xi32, #tpu.memory_space<hbm>>) target(%arg8 : memref<40x128xi32, #tpu.memory_space<vmem>>) target_semaphore(%run_scoped3A : memref<!tpu.dma_semaphore, #tpu.memory_space<semaphore_mem>>)
      %dma_wait3A_137 = arith.constant 0 : i32
      %dma_wait3A_138 = tpu.memref_slice %arg3[%add3A_6, %dma_wait3A_137] : memref<2560x128xi32, #tpu.memory_space<hbm>> -> memref<40x128xi32, #tpu.memory_space<hbm>>
      %dma_wait3A_139 = arith.constant 0 : i32
      %dma_wait3A_140 = tpu.memref_slice %arg3[%add3A_6, %dma_wait3A_139] : memref<2560x128xi32, #tpu.memory_space<hbm>> -> memref<40x128xi32, #tpu.memory_space<hbm>>
      tpu.wait_dma2 semaphore(%run_scoped3A : memref<!tpu.dma_semaphore, #tpu.memory_space<semaphore_mem>>) src(%dma_wait3A_140 : memref<40x128xi32, #tpu.memory_space<hbm>>) dst(%arg8 : memref<40x128xi32, #tpu.memory_space<vmem>>)
      tpu.yield
    }) : () -> ()
    "tpu.region"() ({
      %run_scoped3A = tpu.sem_alloc : memref<!tpu.dma_semaphore, #tpu.memory_space<semaphore_mem>>
      %dma_start3A_133 = arith.constant 0 : i32
      %dma_start3A_134 = tpu.memref_slice %arg4[%add3A_6, %dma_start3A_133] : memref<2560x128xi32, #tpu.memory_space<hbm>> -> memref<40x128xi32, #tpu.memory_space<hbm>>
      %dma_start3A_135 = arith.constant 0 : i32
      %dma_start3A_136 = tpu.memref_slice %arg4[%add3A_6, %dma_start3A_135] : memref<2560x128xi32, #tpu.memory_space<hbm>> -> memref<40x128xi32, #tpu.memory_space<hbm>>
      tpu.enqueue_dma source(%dma_start3A_136 : memref<40x128xi32, #tpu.memory_space<hbm>>) target(%arg9 : memref<40x128xi32, #tpu.memory_space<vmem>>) target_semaphore(%run_scoped3A : memref<!tpu.dma_semaphore, #tpu.memory_space<semaphore_mem>>)
      %dma_wait3A_137 = arith.constant 0 : i32
      %dma_wait3A_138 = tpu.memref_slice %arg4[%add3A_6, %dma_wait3A_137] : memref<2560x128xi32, #tpu.memory_space<hbm>> -> memref<40x128xi32, #tpu.memory_space<hbm>>
      %dma_wait3A_139 = arith.constant 0 : i32
      %dma_wait3A_140 = tpu.memref_slice %arg4[%add3A_6, %dma_wait3A_139] : memref<2560x128xi32, #tpu.memory_space<hbm>> -> memref<40x128xi32, #tpu.memory_space<hbm>>
      tpu.wait_dma2 semaphore(%run_scoped3A : memref<!tpu.dma_semaphore, #tpu.memory_space<semaphore_mem>>) src(%dma_wait3A_140 : memref<40x128xi32, #tpu.memory_space<hbm>>) dst(%arg9 : memref<40x128xi32, #tpu.memory_space<vmem>>)
      tpu.yield
    }) : () -> ()
    %dma_start3A = arith.constant 0 : i32
    %dma_start3A_7 = arith.constant 0 : i32
    %dma_start3A_8 = tpu.memref_slice %arg8[%dma_start3A, %dma_start3A_7] : memref<40x128xi32, #tpu.memory_space<vmem>> -> memref<1x128xi32, #tpu.memory_space<vmem>>
    %dma_start3A_9 = tpu.memref_squeeze %dma_start3A_8 : memref<1x128xi32, #tpu.memory_space<vmem>> -> memref<128xi32, #tpu.memory_space<vmem>>
    %dma_start3A_10 = arith.constant 0 : i32
    %dma_start3A_11 = arith.constant 0 : i32
    %dma_start3A_12 = tpu.memref_slice %arg2[%dma_start3A_10, %dma_start3A_11] : memref<10000x128xf32, #tpu.memory_space<hbm>> -> memref<10000x128xf32, #tpu.memory_space<hbm>>
    tpu.enqueue_indirect_dma source(%dma_start3A_12 : memref<10000x128xf32, #tpu.memory_space<hbm>>) target(%arg10 : memref<128x128xf32, #tpu.memory_space<vmem>>) offsets(%dma_start3A_9 : memref<128xi32, #tpu.memory_space<vmem>>) semaphore(%arg12 : memref<!tpu.dma_semaphore, #tpu.memory_space<semaphore_mem>>)
    %dma_wait3A = arith.constant 0 : i32
    %dma_wait3A_13 = arith.constant 0 : i32
    %dma_wait3A_14 = tpu.memref_slice %arg8[%dma_wait3A, %dma_wait3A_13] : memref<40x128xi32, #tpu.memory_space<vmem>> -> memref<1x128xi32, #tpu.memory_space<vmem>>
    %dma_wait3A_15 = tpu.memref_squeeze %dma_wait3A_14 : memref<1x128xi32, #tpu.memory_space<vmem>> -> memref<128xi32, #tpu.memory_space<vmem>>
    %dma_wait3A_16 = arith.constant 0 : i32
    %dma_wait3A_17 = arith.constant 0 : i32
    %dma_wait3A_18 = tpu.memref_slice %arg2[%dma_wait3A_16, %dma_wait3A_17] : memref<10000x128xf32, #tpu.memory_space<hbm>> -> memref<10000x128xf32, #tpu.memory_space<hbm>>
    tpu.wait_indirect_dma semaphore(%arg12 : memref<!tpu.dma_semaphore, #tpu.memory_space<semaphore_mem>>) src(%dma_wait3A_18 : memref<10000x128xf32, #tpu.memory_space<hbm>>) dst(%arg10 : memref<128x128xf32, #tpu.memory_space<vmem>>)
    %dma_start3A_19 = arith.constant 1 : i32
    %dma_start3A_20 = arith.constant 0 : i32
    %dma_start3A_21 = tpu.memref_slice %arg8[%dma_start3A_19, %dma_start3A_20] : memref<40x128xi32, #tpu.memory_space<vmem>> -> memref<1x128xi32, #tpu.memory_space<vmem>>
    %dma_start3A_22 = tpu.memref_squeeze %dma_start3A_21 : memref<1x128xi32, #tpu.memory_space<vmem>> -> memref<128xi32, #tpu.memory_space<vmem>>
    %dma_start3A_23 = arith.constant 0 : i32
    %dma_start3A_24 = arith.constant 0 : i32
    %dma_start3A_25 = tpu.memref_slice %arg2[%dma_start3A_23, %dma_start3A_24] : memref<10000x128xf32, #tpu.memory_space<hbm>> -> memref<10000x128xf32, #tpu.memory_space<hbm>>
    tpu.enqueue_indirect_dma source(%dma_start3A_25 : memref<10000x128xf32, #tpu.memory_space<hbm>>) target(%arg11 : memref<128x128xf32, #tpu.memory_space<vmem>>) offsets(%dma_start3A_22 : memref<128xi32, #tpu.memory_space<vmem>>) semaphore(%arg13 : memref<!tpu.dma_semaphore, #tpu.memory_space<semaphore_mem>>)
    %dma_start3A_26 = arith.constant 0 : i32
    %dma_start3A_27 = arith.constant 0 : i32
    %dma_start3A_28 = tpu.memref_slice %arg9[%dma_start3A_26, %dma_start3A_27] : memref<40x128xi32, #tpu.memory_space<vmem>> -> memref<1x128xi32, #tpu.memory_space<vmem>>
    %dma_start3A_29 = tpu.memref_squeeze %dma_start3A_28 : memref<1x128xi32, #tpu.memory_space<vmem>> -> memref<128xi32, #tpu.memory_space<vmem>>
    %dma_start3A_30 = arith.constant 0 : i32
    %dma_start3A_31 = arith.constant 0 : i32
    %dma_start3A_32 = tpu.memref_slice %arg7[%dma_start3A_30, %dma_start3A_31] : memref<10112x128xf32, #tpu.memory_space<vmem_shared>> -> memref<10112x128xf32, #tpu.memory_space<vmem_shared>>
    tpu.enqueue_indirect_dma source(%arg10 : memref<128x128xf32, #tpu.memory_space<vmem>>) target(%dma_start3A_32 : memref<10112x128xf32, #tpu.memory_space<vmem_shared>>) offsets(%dma_start3A_29 : memref<128xi32, #tpu.memory_space<vmem>>) semaphore(%arg14 : memref<!tpu.dma_semaphore, #tpu.memory_space<semaphore_mem>>) {add = true}
    %scan3A = arith.constant 0 : i32
    %scan3A_33 = arith.constant 1 : i32
    %scan3A_34 = arith.constant 19 : i32
    %scan3A_35 = arith.addi %scan3A_33, %scan3A_34 : i32
    %scan3A_36 = arith.constant 1 : i32
    scf.for %scan3A_133 = %scan3A_33 to %scan3A_35 step %scan3A_36  : i32 {
      %mul3A_134 = arith.constant 2 : i32
      %mul3A_135 = arith.muli %mul3A_134, %scan3A_133 : i32
      %sub3A = arith.constant 1 : i32
      %sub3A_136 = arith.subi %mul3A_135, %sub3A : i32
      %dma_wait3A_137 = arith.constant 0 : i32
      %dma_wait3A_138 = tpu.memref_slice %arg8[%sub3A_136, %dma_wait3A_137] : memref<40x128xi32, #tpu.memory_space<vmem>> -> memref<1x128xi32, #tpu.memory_space<vmem>>
      %dma_wait3A_139 = tpu.memref_squeeze %dma_wait3A_138 : memref<1x128xi32, #tpu.memory_space<vmem>> -> memref<128xi32, #tpu.memory_space<vmem>>
      %dma_wait3A_140 = arith.constant 0 : i32
      %dma_wait3A_141 = arith.constant 0 : i32
      %dma_wait3A_142 = tpu.memref_slice %arg2[%dma_wait3A_140, %dma_wait3A_141] : memref<10000x128xf32, #tpu.memory_space<hbm>> -> memref<10000x128xf32, #tpu.memory_space<hbm>>
      tpu.wait_indirect_dma semaphore(%arg13 : memref<!tpu.dma_semaphore, #tpu.memory_space<semaphore_mem>>) src(%dma_wait3A_142 : memref<10000x128xf32, #tpu.memory_space<hbm>>) dst(%arg11 : memref<128x128xf32, #tpu.memory_space<vmem>>)
      %sub3A_143 = arith.constant 2 : i32
      %sub3A_144 = arith.subi %mul3A_135, %sub3A_143 : i32
      %dma_wait3A_145 = arith.constant 0 : i32
      %dma_wait3A_146 = tpu.memref_slice %arg9[%sub3A_144, %dma_wait3A_145] : memref<40x128xi32, #tpu.memory_space<vmem>> -> memref<1x128xi32, #tpu.memory_space<vmem>>
      %dma_wait3A_147 = tpu.memref_squeeze %dma_wait3A_146 : memref<1x128xi32, #tpu.memory_space<vmem>> -> memref<128xi32, #tpu.memory_space<vmem>>
      %dma_wait3A_148 = arith.constant 0 : i32
      %dma_wait3A_149 = arith.constant 0 : i32
      %dma_wait3A_150 = tpu.memref_slice %arg7[%dma_wait3A_148, %dma_wait3A_149] : memref<10112x128xf32, #tpu.memory_space<vmem_shared>> -> memref<10112x128xf32, #tpu.memory_space<vmem_shared>>
      tpu.wait_indirect_dma semaphore(%arg14 : memref<!tpu.dma_semaphore, #tpu.memory_space<semaphore_mem>>) src(%arg10 : memref<128x128xf32, #tpu.memory_space<vmem>>) dst(%dma_wait3A_150 : memref<10112x128xf32, #tpu.memory_space<vmem_shared>>)
      %dma_start3A_151 = arith.constant 0 : i32
      %dma_start3A_152 = tpu.memref_slice %arg8[%mul3A_135, %dma_start3A_151] : memref<40x128xi32, #tpu.memory_space<vmem>> -> memref<1x128xi32, #tpu.memory_space<vmem>>
      %dma_start3A_153 = tpu.memref_squeeze %dma_start3A_152 : memref<1x128xi32, #tpu.memory_space<vmem>> -> memref<128xi32, #tpu.memory_space<vmem>>
      %dma_start3A_154 = arith.constant 0 : i32
      %dma_start3A_155 = arith.constant 0 : i32
      %dma_start3A_156 = tpu.memref_slice %arg2[%dma_start3A_154, %dma_start3A_155] : memref<10000x128xf32, #tpu.memory_space<hbm>> -> memref<10000x128xf32, #tpu.memory_space<hbm>>
      tpu.enqueue_indirect_dma source(%dma_start3A_156 : memref<10000x128xf32, #tpu.memory_space<hbm>>) target(%arg10 : memref<128x128xf32, #tpu.memory_space<vmem>>) offsets(%dma_start3A_153 : memref<128xi32, #tpu.memory_space<vmem>>) semaphore(%arg12 : memref<!tpu.dma_semaphore, #tpu.memory_space<semaphore_mem>>)
      %sub3A_157 = arith.constant 1 : i32
      %sub3A_158 = arith.subi %mul3A_135, %sub3A_157 : i32
      %dma_start3A_159 = arith.constant 0 : i32
      %dma_start3A_160 = tpu.memref_slice %arg9[%sub3A_158, %dma_start3A_159] : memref<40x128xi32, #tpu.memory_space<vmem>> -> memref<1x128xi32, #tpu.memory_space<vmem>>
      %dma_start3A_161 = tpu.memref_squeeze %dma_start3A_160 : memref<1x128xi32, #tpu.memory_space<vmem>> -> memref<128xi32, #tpu.memory_space<vmem>>
      %dma_start3A_162 = arith.constant 0 : i32
      %dma_start3A_163 = arith.constant 0 : i32
      %dma_start3A_164 = tpu.memref_slice %arg7[%dma_start3A_162, %dma_start3A_163] : memref<10112x128xf32, #tpu.memory_space<vmem_shared>> -> memref<10112x128xf32, #tpu.memory_space<vmem_shared>>
      tpu.enqueue_indirect_dma source(%arg11 : memref<128x128xf32, #tpu.memory_space<vmem>>) target(%dma_start3A_164 : memref<10112x128xf32, #tpu.memory_space<vmem_shared>>) offsets(%dma_start3A_161 : memref<128xi32, #tpu.memory_space<vmem>>) semaphore(%arg15 : memref<!tpu.dma_semaphore, #tpu.memory_space<semaphore_mem>>) {add = true}
      %dma_wait3A_165 = arith.constant 0 : i32
      %dma_wait3A_166 = tpu.memref_slice %arg8[%mul3A_135, %dma_wait3A_165] : memref<40x128xi32, #tpu.memory_space<vmem>> -> memref<1x128xi32, #tpu.memory_space<vmem>>
      %dma_wait3A_167 = tpu.memref_squeeze %dma_wait3A_166 : memref<1x128xi32, #tpu.memory_space<vmem>> -> memref<128xi32, #tpu.memory_space<vmem>>
      %dma_wait3A_168 = arith.constant 0 : i32
      %dma_wait3A_169 = arith.constant 0 : i32
      %dma_wait3A_170 = tpu.memref_slice %arg2[%dma_wait3A_168, %dma_wait3A_169] : memref<10000x128xf32, #tpu.memory_space<hbm>> -> memref<10000x128xf32, #tpu.memory_space<hbm>>
      tpu.wait_indirect_dma semaphore(%arg12 : memref<!tpu.dma_semaphore, #tpu.memory_space<semaphore_mem>>) src(%dma_wait3A_170 : memref<10000x128xf32, #tpu.memory_space<hbm>>) dst(%arg10 : memref<128x128xf32, #tpu.memory_space<vmem>>)
      %sub3A_171 = arith.constant 1 : i32
      %sub3A_172 = arith.subi %mul3A_135, %sub3A_171 : i32
      %dma_wait3A_173 = arith.constant 0 : i32
      %dma_wait3A_174 = tpu.memref_slice %arg9[%sub3A_172, %dma_wait3A_173] : memref<40x128xi32, #tpu.memory_space<vmem>> -> memref<1x128xi32, #tpu.memory_space<vmem>>
      %dma_wait3A_175 = tpu.memref_squeeze %dma_wait3A_174 : memref<1x128xi32, #tpu.memory_space<vmem>> -> memref<128xi32, #tpu.memory_space<vmem>>
      %dma_wait3A_176 = arith.constant 0 : i32
      %dma_wait3A_177 = arith.constant 0 : i32
      %dma_wait3A_178 = tpu.memref_slice %arg7[%dma_wait3A_176, %dma_wait3A_177] : memref<10112x128xf32, #tpu.memory_space<vmem_shared>> -> memref<10112x128xf32, #tpu.memory_space<vmem_shared>>
      tpu.wait_indirect_dma semaphore(%arg15 : memref<!tpu.dma_semaphore, #tpu.memory_space<semaphore_mem>>) src(%arg11 : memref<128x128xf32, #tpu.memory_space<vmem>>) dst(%dma_wait3A_178 : memref<10112x128xf32, #tpu.memory_space<vmem_shared>>)
      %add3A_179 = arith.constant 1 : i32
      %add3A_180 = arith.addi %mul3A_135, %add3A_179 : i32
      %dma_start3A_181 = arith.constant 0 : i32
      %dma_start3A_182 = tpu.memref_slice %arg8[%add3A_180, %dma_start3A_181] : memref<40x128xi32, #tpu.memory_space<vmem>> -> memref<1x128xi32, #tpu.memory_space<vmem>>
      %dma_start3A_183 = tpu.memref_squeeze %dma_start3A_182 : memref<1x128xi32, #tpu.memory_space<vmem>> -> memref<128xi32, #tpu.memory_space<vmem>>
      %dma_start3A_184 = arith.constant 0 : i32
      %dma_start3A_185 = arith.constant 0 : i32
      %dma_start3A_186 = tpu.memref_slice %arg2[%dma_start3A_184, %dma_start3A_185] : memref<10000x128xf32, #tpu.memory_space<hbm>> -> memref<10000x128xf32, #tpu.memory_space<hbm>>
      tpu.enqueue_indirect_dma source(%dma_start3A_186 : memref<10000x128xf32, #tpu.memory_space<hbm>>) target(%arg11 : memref<128x128xf32, #tpu.memory_space<vmem>>) offsets(%dma_start3A_183 : memref<128xi32, #tpu.memory_space<vmem>>) semaphore(%arg13 : memref<!tpu.dma_semaphore, #tpu.memory_space<semaphore_mem>>)
      %dma_start3A_187 = arith.constant 0 : i32
      %dma_start3A_188 = tpu.memref_slice %arg9[%mul3A_135, %dma_start3A_187] : memref<40x128xi32, #tpu.memory_space<vmem>> -> memref<1x128xi32, #tpu.memory_space<vmem>>
      %dma_start3A_189 = tpu.memref_squeeze %dma_start3A_188 : memref<1x128xi32, #tpu.memory_space<vmem>> -> memref<128xi32, #tpu.memory_space<vmem>>
      %dma_start3A_190 = arith.constant 0 : i32
      %dma_start3A_191 = arith.constant 0 : i32
      %dma_start3A_192 = tpu.memref_slice %arg7[%dma_start3A_190, %dma_start3A_191] : memref<10112x128xf32, #tpu.memory_space<vmem_shared>> -> memref<10112x128xf32, #tpu.memory_space<vmem_shared>>
      tpu.enqueue_indirect_dma source(%arg10 : memref<128x128xf32, #tpu.memory_space<vmem>>) target(%dma_start3A_192 : memref<10112x128xf32, #tpu.memory_space<vmem_shared>>) offsets(%dma_start3A_189 : memref<128xi32, #tpu.memory_space<vmem>>) semaphore(%arg14 : memref<!tpu.dma_semaphore, #tpu.memory_space<semaphore_mem>>) {add = true}
    }
    %scan3A_37 = arith.constant 19 : i32
    %dma_wait3A_38 = arith.constant 39 : i32
    %dma_wait3A_39 = arith.constant 0 : i32
    %dma_wait3A_40 = tpu.memref_slice %arg8[%dma_wait3A_38, %dma_wait3A_39] : memref<40x128xi32, #tpu.memory_space<vmem>> -> memref<1x128xi32, #tpu.memory_space<vmem>>
    %dma_wait3A_41 = tpu.memref_squeeze %dma_wait3A_40 : memref<1x128xi32, #tpu.memory_space<vmem>> -> memref<128xi32, #tpu.memory_space<vmem>>
    %dma_wait3A_42 = arith.constant 0 : i32
    %dma_wait3A_43 = arith.constant 0 : i32
    %dma_wait3A_44 = tpu.memref_slice %arg2[%dma_wait3A_42, %dma_wait3A_43] : memref<10000x128xf32, #tpu.memory_space<hbm>> -> memref<10000x128xf32, #tpu.memory_space<hbm>>
    tpu.wait_indirect_dma semaphore(%arg13 : memref<!tpu.dma_semaphore, #tpu.memory_space<semaphore_mem>>) src(%dma_wait3A_44 : memref<10000x128xf32, #tpu.memory_space<hbm>>) dst(%arg11 : memref<128x128xf32, #tpu.memory_space<vmem>>)
    %dma_wait3A_45 = arith.constant 38 : i32
    %dma_wait3A_46 = arith.constant 0 : i32
    %dma_wait3A_47 = tpu.memref_slice %arg9[%dma_wait3A_45, %dma_wait3A_46] : memref<40x128xi32, #tpu.memory_space<vmem>> -> memref<1x128xi32, #tpu.memory_space<vmem>>
    %dma_wait3A_48 = tpu.memref_squeeze %dma_wait3A_47 : memref<1x128xi32, #tpu.memory_space<vmem>> -> memref<128xi32, #tpu.memory_space<vmem>>
    %dma_wait3A_49 = arith.constant 0 : i32
    %dma_wait3A_50 = arith.constant 0 : i32
    %dma_wait3A_51 = tpu.memref_slice %arg7[%dma_wait3A_49, %dma_wait3A_50] : memref<10112x128xf32, #tpu.memory_space<vmem_shared>> -> memref<10112x128xf32, #tpu.memory_space<vmem_shared>>
    tpu.wait_indirect_dma semaphore(%arg14 : memref<!tpu.dma_semaphore, #tpu.memory_space<semaphore_mem>>) src(%arg10 : memref<128x128xf32, #tpu.memory_space<vmem>>) dst(%dma_wait3A_51 : memref<10112x128xf32, #tpu.memory_space<vmem_shared>>)
    %dma_start3A_52 = arith.constant 39 : i32
    %dma_start3A_53 = arith.constant 0 : i32
    %dma_start3A_54 = tpu.memref_slice %arg9[%dma_start3A_52, %dma_start3A_53] : memref<40x128xi32, #tpu.memory_space<vmem>> -> memref<1x128xi32, #tpu.memory_space<vmem>>
    %dma_start3A_55 = tpu.memref_squeeze %dma_start3A_54 : memref<1x128xi32, #tpu.memory_space<vmem>> -> memref<128xi32, #tpu.memory_space<vmem>>
    %dma_start3A_56 = arith.constant 0 : i32
    %dma_start3A_57 = arith.constant 0 : i32
    %dma_start3A_58 = tpu.memref_slice %arg7[%dma_start3A_56, %dma_start3A_57] : memref<10112x128xf32, #tpu.memory_space<vmem_shared>> -> memref<10112x128xf32, #tpu.memory_space<vmem_shared>>
    tpu.enqueue_indirect_dma source(%arg11 : memref<128x128xf32, #tpu.memory_space<vmem>>) target(%dma_start3A_58 : memref<10112x128xf32, #tpu.memory_space<vmem_shared>>) offsets(%dma_start3A_55 : memref<128xi32, #tpu.memory_space<vmem>>) semaphore(%arg15 : memref<!tpu.dma_semaphore, #tpu.memory_space<semaphore_mem>>) {add = true}
    %dma_wait3A_59 = arith.constant 39 : i32
    %dma_wait3A_60 = arith.constant 0 : i32
    %dma_wait3A_61 = tpu.memref_slice %arg9[%dma_wait3A_59, %dma_wait3A_60] : memref<40x128xi32, #tpu.memory_space<vmem>> -> memref<1x128xi32, #tpu.memory_space<vmem>>
    %dma_wait3A_62 = tpu.memref_squeeze %dma_wait3A_61 : memref<1x128xi32, #tpu.memory_space<vmem>> -> memref<128xi32, #tpu.memory_space<vmem>>
    %dma_wait3A_63 = arith.constant 0 : i32
    %dma_wait3A_64 = arith.constant 0 : i32
    %dma_wait3A_65 = tpu.memref_slice %arg7[%dma_wait3A_63, %dma_wait3A_64] : memref<10112x128xf32, #tpu.memory_space<vmem_shared>> -> memref<10112x128xf32, #tpu.memory_space<vmem_shared>>
    tpu.wait_indirect_dma semaphore(%arg15 : memref<!tpu.dma_semaphore, #tpu.memory_space<semaphore_mem>>) src(%arg11 : memref<128x128xf32, #tpu.memory_space<vmem>>) dst(%dma_wait3A_65 : memref<10112x128xf32, #tpu.memory_space<vmem_shared>>)
    %mul3A_66 = arith.constant 80 : i32
    %mul3A_67 = arith.muli %add3A, %mul3A_66 : i32
    %add3A_68 = arith.constant 40 : i32
    %add3A_69 = arith.addi %mul3A_67, %add3A_68 : i32
    "tpu.region"() ({
      %run_scoped3A = tpu.sem_alloc : memref<!tpu.dma_semaphore, #tpu.memory_space<semaphore_mem>>
      %dma_start3A_133 = arith.constant 0 : i32
      %dma_start3A_134 = tpu.memref_slice %arg3[%add3A_69, %dma_start3A_133] : memref<2560x128xi32, #tpu.memory_space<hbm>> -> memref<40x128xi32, #tpu.memory_space<hbm>>
      %dma_start3A_135 = arith.constant 0 : i32
      %dma_start3A_136 = tpu.memref_slice %arg3[%add3A_69, %dma_start3A_135] : memref<2560x128xi32, #tpu.memory_space<hbm>> -> memref<40x128xi32, #tpu.memory_space<hbm>>
      tpu.enqueue_dma source(%dma_start3A_136 : memref<40x128xi32, #tpu.memory_space<hbm>>) target(%arg8 : memref<40x128xi32, #tpu.memory_space<vmem>>) target_semaphore(%run_scoped3A : memref<!tpu.dma_semaphore, #tpu.memory_space<semaphore_mem>>)
      %dma_wait3A_137 = arith.constant 0 : i32
      %dma_wait3A_138 = tpu.memref_slice %arg3[%add3A_69, %dma_wait3A_137] : memref<2560x128xi32, #tpu.memory_space<hbm>> -> memref<40x128xi32, #tpu.memory_space<hbm>>
      %dma_wait3A_139 = arith.constant 0 : i32
      %dma_wait3A_140 = tpu.memref_slice %arg3[%add3A_69, %dma_wait3A_139] : memref<2560x128xi32, #tpu.memory_space<hbm>> -> memref<40x128xi32, #tpu.memory_space<hbm>>
      tpu.wait_dma2 semaphore(%run_scoped3A : memref<!tpu.dma_semaphore, #tpu.memory_space<semaphore_mem>>) src(%dma_wait3A_140 : memref<40x128xi32, #tpu.memory_space<hbm>>) dst(%arg8 : memref<40x128xi32, #tpu.memory_space<vmem>>)
      tpu.yield
    }) : () -> ()
    "tpu.region"() ({
      %run_scoped3A = tpu.sem_alloc : memref<!tpu.dma_semaphore, #tpu.memory_space<semaphore_mem>>
      %dma_start3A_133 = arith.constant 0 : i32
      %dma_start3A_134 = tpu.memref_slice %arg4[%add3A_69, %dma_start3A_133] : memref<2560x128xi32, #tpu.memory_space<hbm>> -> memref<40x128xi32, #tpu.memory_space<hbm>>
      %dma_start3A_135 = arith.constant 0 : i32
      %dma_start3A_136 = tpu.memref_slice %arg4[%add3A_69, %dma_start3A_135] : memref<2560x128xi32, #tpu.memory_space<hbm>> -> memref<40x128xi32, #tpu.memory_space<hbm>>
      tpu.enqueue_dma source(%dma_start3A_136 : memref<40x128xi32, #tpu.memory_space<hbm>>) target(%arg9 : memref<40x128xi32, #tpu.memory_space<vmem>>) target_semaphore(%run_scoped3A : memref<!tpu.dma_semaphore, #tpu.memory_space<semaphore_mem>>)
      %dma_wait3A_137 = arith.constant 0 : i32
      %dma_wait3A_138 = tpu.memref_slice %arg4[%add3A_69, %dma_wait3A_137] : memref<2560x128xi32, #tpu.memory_space<hbm>> -> memref<40x128xi32, #tpu.memory_space<hbm>>
      %dma_wait3A_139 = arith.constant 0 : i32
      %dma_wait3A_140 = tpu.memref_slice %arg4[%add3A_69, %dma_wait3A_139] : memref<2560x128xi32, #tpu.memory_space<hbm>> -> memref<40x128xi32, #tpu.memory_space<hbm>>
      tpu.wait_dma2 semaphore(%run_scoped3A : memref<!tpu.dma_semaphore, #tpu.memory_space<semaphore_mem>>) src(%dma_wait3A_140 : memref<40x128xi32, #tpu.memory_space<hbm>>) dst(%arg9 : memref<40x128xi32, #tpu.memory_space<vmem>>)
      tpu.yield
    }) : () -> ()
    %dma_start3A_70 = arith.constant 0 : i32
    %dma_start3A_71 = arith.constant 0 : i32
    %dma_start3A_72 = tpu.memref_slice %arg8[%dma_start3A_70, %dma_start3A_71] : memref<40x128xi32, #tpu.memory_space<vmem>> -> memref<1x128xi32, #tpu.memory_space<vmem>>
    %dma_start3A_73 = tpu.memref_squeeze %dma_start3A_72 : memref<1x128xi32, #tpu.memory_space<vmem>> -> memref<128xi32, #tpu.memory_space<vmem>>
    %dma_start3A_74 = arith.constant 0 : i32
    %dma_start3A_75 = arith.constant 0 : i32
    %dma_start3A_76 = tpu.memref_slice %arg2[%dma_start3A_74, %dma_start3A_75] : memref<10000x128xf32, #tpu.memory_space<hbm>> -> memref<10000x128xf32, #tpu.memory_space<hbm>>
    tpu.enqueue_indirect_dma source(%dma_start3A_76 : memref<10000x128xf32, #tpu.memory_space<hbm>>) target(%arg10 : memref<128x128xf32, #tpu.memory_space<vmem>>) offsets(%dma_start3A_73 : memref<128xi32, #tpu.memory_space<vmem>>) semaphore(%arg12 : memref<!tpu.dma_semaphore, #tpu.memory_space<semaphore_mem>>)
    %dma_wait3A_77 = arith.constant 0 : i32
    %dma_wait3A_78 = arith.constant 0 : i32
    %dma_wait3A_79 = tpu.memref_slice %arg8[%dma_wait3A_77, %dma_wait3A_78] : memref<40x128xi32, #tpu.memory_space<vmem>> -> memref<1x128xi32, #tpu.memory_space<vmem>>
    %dma_wait3A_80 = tpu.memref_squeeze %dma_wait3A_79 : memref<1x128xi32, #tpu.memory_space<vmem>> -> memref<128xi32, #tpu.memory_space<vmem>>
    %dma_wait3A_81 = arith.constant 0 : i32
    %dma_wait3A_82 = arith.constant 0 : i32
    %dma_wait3A_83 = tpu.memref_slice %arg2[%dma_wait3A_81, %dma_wait3A_82] : memref<10000x128xf32, #tpu.memory_space<hbm>> -> memref<10000x128xf32, #tpu.memory_space<hbm>>
    tpu.wait_indirect_dma semaphore(%arg12 : memref<!tpu.dma_semaphore, #tpu.memory_space<semaphore_mem>>) src(%dma_wait3A_83 : memref<10000x128xf32, #tpu.memory_space<hbm>>) dst(%arg10 : memref<128x128xf32, #tpu.memory_space<vmem>>)
    %dma_start3A_84 = arith.constant 1 : i32
    %dma_start3A_85 = arith.constant 0 : i32
    %dma_start3A_86 = tpu.memref_slice %arg8[%dma_start3A_84, %dma_start3A_85] : memref<40x128xi32, #tpu.memory_space<vmem>> -> memref<1x128xi32, #tpu.memory_space<vmem>>
    %dma_start3A_87 = tpu.memref_squeeze %dma_start3A_86 : memref<1x128xi32, #tpu.memory_space<vmem>> -> memref<128xi32, #tpu.memory_space<vmem>>
    %dma_start3A_88 = arith.constant 0 : i32
    %dma_start3A_89 = arith.constant 0 : i32
    %dma_start3A_90 = tpu.memref_slice %arg2[%dma_start3A_88, %dma_start3A_89] : memref<10000x128xf32, #tpu.memory_space<hbm>> -> memref<10000x128xf32, #tpu.memory_space<hbm>>
    tpu.enqueue_indirect_dma source(%dma_start3A_90 : memref<10000x128xf32, #tpu.memory_space<hbm>>) target(%arg11 : memref<128x128xf32, #tpu.memory_space<vmem>>) offsets(%dma_start3A_87 : memref<128xi32, #tpu.memory_space<vmem>>) semaphore(%arg13 : memref<!tpu.dma_semaphore, #tpu.memory_space<semaphore_mem>>)
    %dma_start3A_91 = arith.constant 0 : i32
    %dma_start3A_92 = arith.constant 0 : i32
    %dma_start3A_93 = tpu.memref_slice %arg9[%dma_start3A_91, %dma_start3A_92] : memref<40x128xi32, #tpu.memory_space<vmem>> -> memref<1x128xi32, #tpu.memory_space<vmem>>
    %dma_start3A_94 = tpu.memref_squeeze %dma_start3A_93 : memref<1x128xi32, #tpu.memory_space<vmem>> -> memref<128xi32, #tpu.memory_space<vmem>>
    %dma_start3A_95 = arith.constant 0 : i32
    %dma_start3A_96 = arith.constant 0 : i32
    %dma_start3A_97 = tpu.memref_slice %arg7[%dma_start3A_95, %dma_start3A_96] : memref<10112x128xf32, #tpu.memory_space<vmem_shared>> -> memref<10112x128xf32, #tpu.memory_space<vmem_shared>>
    tpu.enqueue_indirect_dma source(%arg10 : memref<128x128xf32, #tpu.memory_space<vmem>>) target(%dma_start3A_97 : memref<10112x128xf32, #tpu.memory_space<vmem_shared>>) offsets(%dma_start3A_94 : memref<128xi32, #tpu.memory_space<vmem>>) semaphore(%arg14 : memref<!tpu.dma_semaphore, #tpu.memory_space<semaphore_mem>>) {add = true}
    %scan3A_98 = arith.constant 0 : i32
    %scan3A_99 = arith.constant 1 : i32
    %scan3A_100 = arith.constant 19 : i32
    %scan3A_101 = arith.addi %scan3A_99, %scan3A_100 : i32
    %scan3A_102 = arith.constant 1 : i32
    scf.for %scan3A_133 = %scan3A_99 to %scan3A_101 step %scan3A_102  : i32 {
      %mul3A_134 = arith.constant 2 : i32
      %mul3A_135 = arith.muli %mul3A_134, %scan3A_133 : i32
      %sub3A = arith.constant 1 : i32
      %sub3A_136 = arith.subi %mul3A_135, %sub3A : i32
      %dma_wait3A_137 = arith.constant 0 : i32
      %dma_wait3A_138 = tpu.memref_slice %arg8[%sub3A_136, %dma_wait3A_137] : memref<40x128xi32, #tpu.memory_space<vmem>> -> memref<1x128xi32, #tpu.memory_space<vmem>>
      %dma_wait3A_139 = tpu.memref_squeeze %dma_wait3A_138 : memref<1x128xi32, #tpu.memory_space<vmem>> -> memref<128xi32, #tpu.memory_space<vmem>>
      %dma_wait3A_140 = arith.constant 0 : i32
      %dma_wait3A_141 = arith.constant 0 : i32
      %dma_wait3A_142 = tpu.memref_slice %arg2[%dma_wait3A_140, %dma_wait3A_141] : memref<10000x128xf32, #tpu.memory_space<hbm>> -> memref<10000x128xf32, #tpu.memory_space<hbm>>
      tpu.wait_indirect_dma semaphore(%arg13 : memref<!tpu.dma_semaphore, #tpu.memory_space<semaphore_mem>>) src(%dma_wait3A_142 : memref<10000x128xf32, #tpu.memory_space<hbm>>) dst(%arg11 : memref<128x128xf32, #tpu.memory_space<vmem>>)
      %sub3A_143 = arith.constant 2 : i32
      %sub3A_144 = arith.subi %mul3A_135, %sub3A_143 : i32
      %dma_wait3A_145 = arith.constant 0 : i32
      %dma_wait3A_146 = tpu.memref_slice %arg9[%sub3A_144, %dma_wait3A_145] : memref<40x128xi32, #tpu.memory_space<vmem>> -> memref<1x128xi32, #tpu.memory_space<vmem>>
      %dma_wait3A_147 = tpu.memref_squeeze %dma_wait3A_146 : memref<1x128xi32, #tpu.memory_space<vmem>> -> memref<128xi32, #tpu.memory_space<vmem>>
      %dma_wait3A_148 = arith.constant 0 : i32
      %dma_wait3A_149 = arith.constant 0 : i32
      %dma_wait3A_150 = tpu.memref_slice %arg7[%dma_wait3A_148, %dma_wait3A_149] : memref<10112x128xf32, #tpu.memory_space<vmem_shared>> -> memref<10112x128xf32, #tpu.memory_space<vmem_shared>>
      tpu.wait_indirect_dma semaphore(%arg14 : memref<!tpu.dma_semaphore, #tpu.memory_space<semaphore_mem>>) src(%arg10 : memref<128x128xf32, #tpu.memory_space<vmem>>) dst(%dma_wait3A_150 : memref<10112x128xf32, #tpu.memory_space<vmem_shared>>)
      %dma_start3A_151 = arith.constant 0 : i32
      %dma_start3A_152 = tpu.memref_slice %arg8[%mul3A_135, %dma_start3A_151] : memref<40x128xi32, #tpu.memory_space<vmem>> -> memref<1x128xi32, #tpu.memory_space<vmem>>
      %dma_start3A_153 = tpu.memref_squeeze %dma_start3A_152 : memref<1x128xi32, #tpu.memory_space<vmem>> -> memref<128xi32, #tpu.memory_space<vmem>>
      %dma_start3A_154 = arith.constant 0 : i32
      %dma_start3A_155 = arith.constant 0 : i32
      %dma_start3A_156 = tpu.memref_slice %arg2[%dma_start3A_154, %dma_start3A_155] : memref<10000x128xf32, #tpu.memory_space<hbm>> -> memref<10000x128xf32, #tpu.memory_space<hbm>>
      tpu.enqueue_indirect_dma source(%dma_start3A_156 : memref<10000x128xf32, #tpu.memory_space<hbm>>) target(%arg10 : memref<128x128xf32, #tpu.memory_space<vmem>>) offsets(%dma_start3A_153 : memref<128xi32, #tpu.memory_space<vmem>>) semaphore(%arg12 : memref<!tpu.dma_semaphore, #tpu.memory_space<semaphore_mem>>)
      %sub3A_157 = arith.constant 1 : i32
      %sub3A_158 = arith.subi %mul3A_135, %sub3A_157 : i32
      %dma_start3A_159 = arith.constant 0 : i32
      %dma_start3A_160 = tpu.memref_slice %arg9[%sub3A_158, %dma_start3A_159] : memref<40x128xi32, #tpu.memory_space<vmem>> -> memref<1x128xi32, #tpu.memory_space<vmem>>
      %dma_start3A_161 = tpu.memref_squeeze %dma_start3A_160 : memref<1x128xi32, #tpu.memory_space<vmem>> -> memref<128xi32, #tpu.memory_space<vmem>>
      %dma_start3A_162 = arith.constant 0 : i32
      %dma_start3A_163 = arith.constant 0 : i32
      %dma_start3A_164 = tpu.memref_slice %arg7[%dma_start3A_162, %dma_start3A_163] : memref<10112x128xf32, #tpu.memory_space<vmem_shared>> -> memref<10112x128xf32, #tpu.memory_space<vmem_shared>>
      tpu.enqueue_indirect_dma source(%arg11 : memref<128x128xf32, #tpu.memory_space<vmem>>) target(%dma_start3A_164 : memref<10112x128xf32, #tpu.memory_space<vmem_shared>>) offsets(%dma_start3A_161 : memref<128xi32, #tpu.memory_space<vmem>>) semaphore(%arg15 : memref<!tpu.dma_semaphore, #tpu.memory_space<semaphore_mem>>) {add = true}
      %dma_wait3A_165 = arith.constant 0 : i32
      %dma_wait3A_166 = tpu.memref_slice %arg8[%mul3A_135, %dma_wait3A_165] : memref<40x128xi32, #tpu.memory_space<vmem>> -> memref<1x128xi32, #tpu.memory_space<vmem>>
      %dma_wait3A_167 = tpu.memref_squeeze %dma_wait3A_166 : memref<1x128xi32, #tpu.memory_space<vmem>> -> memref<128xi32, #tpu.memory_space<vmem>>
      %dma_wait3A_168 = arith.constant 0 : i32
      %dma_wait3A_169 = arith.constant 0 : i32
      %dma_wait3A_170 = tpu.memref_slice %arg2[%dma_wait3A_168, %dma_wait3A_169] : memref<10000x128xf32, #tpu.memory_space<hbm>> -> memref<10000x128xf32, #tpu.memory_space<hbm>>
      tpu.wait_indirect_dma semaphore(%arg12 : memref<!tpu.dma_semaphore, #tpu.memory_space<semaphore_mem>>) src(%dma_wait3A_170 : memref<10000x128xf32, #tpu.memory_space<hbm>>) dst(%arg10 : memref<128x128xf32, #tpu.memory_space<vmem>>)
      %sub3A_171 = arith.constant 1 : i32
      %sub3A_172 = arith.subi %mul3A_135, %sub3A_171 : i32
      %dma_wait3A_173 = arith.constant 0 : i32
      %dma_wait3A_174 = tpu.memref_slice %arg9[%sub3A_172, %dma_wait3A_173] : memref<40x128xi32, #tpu.memory_space<vmem>> -> memref<1x128xi32, #tpu.memory_space<vmem>>
      %dma_wait3A_175 = tpu.memref_squeeze %dma_wait3A_174 : memref<1x128xi32, #tpu.memory_space<vmem>> -> memref<128xi32, #tpu.memory_space<vmem>>
      %dma_wait3A_176 = arith.constant 0 : i32
      %dma_wait3A_177 = arith.constant 0 : i32
      %dma_wait3A_178 = tpu.memref_slice %arg7[%dma_wait3A_176, %dma_wait3A_177] : memref<10112x128xf32, #tpu.memory_space<vmem_shared>> -> memref<10112x128xf32, #tpu.memory_space<vmem_shared>>
      tpu.wait_indirect_dma semaphore(%arg15 : memref<!tpu.dma_semaphore, #tpu.memory_space<semaphore_mem>>) src(%arg11 : memref<128x128xf32, #tpu.memory_space<vmem>>) dst(%dma_wait3A_178 : memref<10112x128xf32, #tpu.memory_space<vmem_shared>>)
      %add3A_179 = arith.constant 1 : i32
      %add3A_180 = arith.addi %mul3A_135, %add3A_179 : i32
      %dma_start3A_181 = arith.constant 0 : i32
      %dma_start3A_182 = tpu.memref_slice %arg8[%add3A_180, %dma_start3A_181] : memref<40x128xi32, #tpu.memory_space<vmem>> -> memref<1x128xi32, #tpu.memory_space<vmem>>
      %dma_start3A_183 = tpu.memref_squeeze %dma_start3A_182 : memref<1x128xi32, #tpu.memory_space<vmem>> -> memref<128xi32, #tpu.memory_space<vmem>>
      %dma_start3A_184 = arith.constant 0 : i32
      %dma_start3A_185 = arith.constant 0 : i32
      %dma_start3A_186 = tpu.memref_slice %arg2[%dma_start3A_184, %dma_start3A_185] : memref<10000x128xf32, #tpu.memory_space<hbm>> -> memref<10000x128xf32, #tpu.memory_space<hbm>>
      tpu.enqueue_indirect_dma source(%dma_start3A_186 : memref<10000x128xf32, #tpu.memory_space<hbm>>) target(%arg11 : memref<128x128xf32, #tpu.memory_space<vmem>>) offsets(%dma_start3A_183 : memref<128xi32, #tpu.memory_space<vmem>>) semaphore(%arg13 : memref<!tpu.dma_semaphore, #tpu.memory_space<semaphore_mem>>)
      %dma_start3A_187 = arith.constant 0 : i32
      %dma_start3A_188 = tpu.memref_slice %arg9[%mul3A_135, %dma_start3A_187] : memref<40x128xi32, #tpu.memory_space<vmem>> -> memref<1x128xi32, #tpu.memory_space<vmem>>
      %dma_start3A_189 = tpu.memref_squeeze %dma_start3A_188 : memref<1x128xi32, #tpu.memory_space<vmem>> -> memref<128xi32, #tpu.memory_space<vmem>>
      %dma_start3A_190 = arith.constant 0 : i32
      %dma_start3A_191 = arith.constant 0 : i32
      %dma_start3A_192 = tpu.memref_slice %arg7[%dma_start3A_190, %dma_start3A_191] : memref<10112x128xf32, #tpu.memory_space<vmem_shared>> -> memref<10112x128xf32, #tpu.memory_space<vmem_shared>>
      tpu.enqueue_indirect_dma source(%arg10 : memref<128x128xf32, #tpu.memory_space<vmem>>) target(%dma_start3A_192 : memref<10112x128xf32, #tpu.memory_space<vmem_shared>>) offsets(%dma_start3A_189 : memref<128xi32, #tpu.memory_space<vmem>>) semaphore(%arg14 : memref<!tpu.dma_semaphore, #tpu.memory_space<semaphore_mem>>) {add = true}
    }
    %scan3A_103 = arith.constant 19 : i32
    %dma_wait3A_104 = arith.constant 39 : i32
    %dma_wait3A_105 = arith.constant 0 : i32
    %dma_wait3A_106 = tpu.memref_slice %arg8[%dma_wait3A_104, %dma_wait3A_105] : memref<40x128xi32, #tpu.memory_space<vmem>> -> memref<1x128xi32, #tpu.memory_space<vmem>>
    %dma_wait3A_107 = tpu.memref_squeeze %dma_wait3A_106 : memref<1x128xi32, #tpu.memory_space<vmem>> -> memref<128xi32, #tpu.memory_space<vmem>>
    %dma_wait3A_108 = arith.constant 0 : i32
    %dma_wait3A_109 = arith.constant 0 : i32
    %dma_wait3A_110 = tpu.memref_slice %arg2[%dma_wait3A_108, %dma_wait3A_109] : memref<10000x128xf32, #tpu.memory_space<hbm>> -> memref<10000x128xf32, #tpu.memory_space<hbm>>
    tpu.wait_indirect_dma semaphore(%arg13 : memref<!tpu.dma_semaphore, #tpu.memory_space<semaphore_mem>>) src(%dma_wait3A_110 : memref<10000x128xf32, #tpu.memory_space<hbm>>) dst(%arg11 : memref<128x128xf32, #tpu.memory_space<vmem>>)
    %dma_wait3A_111 = arith.constant 38 : i32
    %dma_wait3A_112 = arith.constant 0 : i32
    %dma_wait3A_113 = tpu.memref_slice %arg9[%dma_wait3A_111, %dma_wait3A_112] : memref<40x128xi32, #tpu.memory_space<vmem>> -> memref<1x128xi32, #tpu.memory_space<vmem>>
    %dma_wait3A_114 = tpu.memref_squeeze %dma_wait3A_113 : memref<1x128xi32, #tpu.memory_space<vmem>> -> memref<128xi32, #tpu.memory_space<vmem>>
    %dma_wait3A_115 = arith.constant 0 : i32
    %dma_wait3A_116 = arith.constant 0 : i32
    %dma_wait3A_117 = tpu.memref_slice %arg7[%dma_wait3A_115, %dma_wait3A_116] : memref<10112x128xf32, #tpu.memory_space<vmem_shared>> -> memref<10112x128xf32, #tpu.memory_space<vmem_shared>>
    tpu.wait_indirect_dma semaphore(%arg14 : memref<!tpu.dma_semaphore, #tpu.memory_space<semaphore_mem>>) src(%arg10 : memref<128x128xf32, #tpu.memory_space<vmem>>) dst(%dma_wait3A_117 : memref<10112x128xf32, #tpu.memory_space<vmem_shared>>)
    %dma_start3A_118 = arith.constant 39 : i32
    %dma_start3A_119 = arith.constant 0 : i32
    %dma_start3A_120 = tpu.memref_slice %arg9[%dma_start3A_118, %dma_start3A_119] : memref<40x128xi32, #tpu.memory_space<vmem>> -> memref<1x128xi32, #tpu.memory_space<vmem>>
    %dma_start3A_121 = tpu.memref_squeeze %dma_start3A_120 : memref<1x128xi32, #tpu.memory_space<vmem>> -> memref<128xi32, #tpu.memory_space<vmem>>
    %dma_start3A_122 = arith.constant 0 : i32
    %dma_start3A_123 = arith.constant 0 : i32
    %dma_start3A_124 = tpu.memref_slice %arg7[%dma_start3A_122, %dma_start3A_123] : memref<10112x128xf32, #tpu.memory_space<vmem_shared>> -> memref<10112x128xf32, #tpu.memory_space<vmem_shared>>
    tpu.enqueue_indirect_dma source(%arg11 : memref<128x128xf32, #tpu.memory_space<vmem>>) target(%dma_start3A_124 : memref<10112x128xf32, #tpu.memory_space<vmem_shared>>) offsets(%dma_start3A_121 : memref<128xi32, #tpu.memory_space<vmem>>) semaphore(%arg15 : memref<!tpu.dma_semaphore, #tpu.memory_space<semaphore_mem>>) {add = true}
    %dma_wait3A_125 = arith.constant 39 : i32
    %dma_wait3A_126 = arith.constant 0 : i32
    %dma_wait3A_127 = tpu.memref_slice %arg9[%dma_wait3A_125, %dma_wait3A_126] : memref<40x128xi32, #tpu.memory_space<vmem>> -> memref<1x128xi32, #tpu.memory_space<vmem>>
    %dma_wait3A_128 = tpu.memref_squeeze %dma_wait3A_127 : memref<1x128xi32, #tpu.memory_space<vmem>> -> memref<128xi32, #tpu.memory_space<vmem>>
    %dma_wait3A_129 = arith.constant 0 : i32
    %dma_wait3A_130 = arith.constant 0 : i32
    %dma_wait3A_131 = tpu.memref_slice %arg7[%dma_wait3A_129, %dma_wait3A_130] : memref<10112x128xf32, #tpu.memory_space<vmem_shared>> -> memref<10112x128xf32, #tpu.memory_space<vmem_shared>>
    tpu.wait_indirect_dma semaphore(%arg15 : memref<!tpu.dma_semaphore, #tpu.memory_space<semaphore_mem>>) src(%arg11 : memref<128x128xf32, #tpu.memory_space<vmem>>) dst(%dma_wait3A_131 : memref<10112x128xf32, #tpu.memory_space<vmem_shared>>)
    %barrier3A_132 = arith.constant 0 : index
    tpu.barrier barrier_id(%barrier3A_132)
    "tpu.region"() ({
      %run_scoped3A = tpu.sem_alloc : memref<!tpu.dma_semaphore, #tpu.memory_space<semaphore_mem>>
      %dma_start3A_133 = arith.constant 0 : i32
      %dma_start3A_134 = tpu.memref_slice %arg6[%arg0, %mul3A_2, %dma_start3A_133] : memref<2x10112x128xf32, #tpu.memory_space<hbm>> -> memref<1x632x128xf32, #tpu.memory_space<hbm>>
      %dma_start3A_135 = tpu.memref_squeeze %dma_start3A_134 : memref<1x632x128xf32, #tpu.memory_space<hbm>> -> memref<632x128xf32, #tpu.memory_space<hbm>>
      %dma_start3A_136 = arith.constant 0 : i32
      %dma_start3A_137 = tpu.memref_slice %arg7[%mul3A_2, %dma_start3A_136] : memref<10112x128xf32, #tpu.memory_space<vmem_shared>> -> memref<632x128xf32, #tpu.memory_space<vmem_shared>>
      tpu.enqueue_dma source(%dma_start3A_137 : memref<632x128xf32, #tpu.memory_space<vmem_shared>>) target(%dma_start3A_135 : memref<632x128xf32, #tpu.memory_space<hbm>>) target_semaphore(%run_scoped3A : memref<!tpu.dma_semaphore, #tpu.memory_space<semaphore_mem>>)
      %dma_wait3A_138 = arith.constant 0 : i32
      %dma_wait3A_139 = tpu.memref_slice %arg6[%arg0, %mul3A_2, %dma_wait3A_138] : memref<2x10112x128xf32, #tpu.memory_space<hbm>> -> memref<1x632x128xf32, #tpu.memory_space<hbm>>
      %dma_wait3A_140 = tpu.memref_squeeze %dma_wait3A_139 : memref<1x632x128xf32, #tpu.memory_space<hbm>> -> memref<632x128xf32, #tpu.memory_space<hbm>>
      %dma_wait3A_141 = arith.constant 0 : i32
      %dma_wait3A_142 = tpu.memref_slice %arg7[%mul3A_2, %dma_wait3A_141] : memref<10112x128xf32, #tpu.memory_space<vmem_shared>> -> memref<632x128xf32, #tpu.memory_space<vmem_shared>>
      tpu.wait_dma2 semaphore(%run_scoped3A : memref<!tpu.dma_semaphore, #tpu.memory_space<semaphore_mem>>) src(%dma_wait3A_142 : memref<632x128xf32, #tpu.memory_space<vmem_shared>>) dst(%dma_wait3A_140 : memref<632x128xf32, #tpu.memory_space<hbm>>)
      tpu.yield
    }) : () -> ()
    return
  }
}

#map = affine_map<(d0, d1) -> (0, 0)>
#map1 = affine_map<(d0, d1) -> (0, 0, 0)>
module attributes {stable_mosaic.version = 14 : i64} {
  func.func @_agg_body(%arg0: i32, %arg1: i32, %arg2: memref<10000x128xf32, #tpu.memory_space<hbm>>, %arg3: memref<2560x128xi32, #tpu.memory_space<hbm>>, %arg4: memref<2560x128xi32, #tpu.memory_space<hbm>>, %arg5: memref<10112x128xf32, #tpu.memory_space<hbm>>, %arg6: memref<2x10112x128xf32, #tpu.memory_space<hbm>>, %arg7: memref<10112x128xf32, #tpu.memory_space<vmem_shared>>, %arg8: memref<40x128xi32, #tpu.memory_space<vmem>>, %arg9: memref<40x128xi32, #tpu.memory_space<vmem>>, %arg10: memref<128x128xf32, #tpu.memory_space<vmem>>, %arg11: memref<128x128xf32, #tpu.memory_space<vmem>>, %arg12: memref<!tpu.dma_semaphore, #tpu.memory_space<semaphore_mem>>, %arg13: memref<!tpu.dma_semaphore, #tpu.memory_space<semaphore_mem>>, %arg14: memref<!tpu.dma_semaphore, #tpu.memory_space<semaphore_mem>>, %arg15: memref<!tpu.dma_semaphore, #tpu.memory_space<semaphore_mem>>) attributes {dimension_semantics = [#tpu.dimension_semantics<core_parallel>, #tpu.dimension_semantics<subcore_parallel>], iteration_bounds = array<i64: 2, 16>, scalar_prefetch = 0 : i64, scratch_operands = 9 : i64, tpu.core_type = #tpu.core_type<sc_vector_subcore>, window_params = [{transform_indices = #map}, {transform_indices = #map}, {transform_indices = #map}, {transform_indices = #map}, {transform_indices = #map1}]} {
    %mul3A = arith.constant 16 : i32
    %mul3A_0 = arith.muli %arg0, %mul3A : i32
    %add3A = arith.addi %mul3A_0, %arg1 : i32
    %mul3A_1 = arith.constant 632 : i32
    %mul3A_2 = arith.muli %arg1, %mul3A_1 : i32
    "tpu.region"() ({
      %run_scoped3A = tpu.sem_alloc : memref<!tpu.dma_semaphore, #tpu.memory_space<semaphore_mem>>
      %dma_start3A_133 = arith.constant 0 : i32
      %dma_start3A_134 = tpu.memref_slice %arg7[%mul3A_2, %dma_start3A_133] : memref<10112x128xf32, #tpu.memory_space<vmem_shared>> -> memref<632x128xf32, #tpu.memory_space<vmem_shared>>
      %dma_start3A_135 = arith.constant 0 : i32
      %dma_start3A_136 = tpu.memref_slice %arg5[%mul3A_2, %dma_start3A_135] : memref<10112x128xf32, #tpu.memory_space<hbm>> -> memref<632x128xf32, #tpu.memory_space<hbm>>
      tpu.enqueue_dma source(%dma_start3A_136 : memref<632x128xf32, #tpu.memory_space<hbm>>) target(%dma_start3A_134 : memref<632x128xf32, #tpu.memory_space<vmem_shared>>) target_semaphore(%run_scoped3A : memref<!tpu.dma_semaphore, #tpu.memory_space<semaphore_mem>>)
      %dma_wait3A_137 = arith.constant 0 : i32
      %dma_wait3A_138 = tpu.memref_slice %arg7[%mul3A_2, %dma_wait3A_137] : memref<10112x128xf32, #tpu.memory_space<vmem_shared>> -> memref<632x128xf32, #tpu.memory_space<vmem_shared>>
      %dma_wait3A_139 = arith.constant 0 : i32
      %dma_wait3A_140 = tpu.memref_slice %arg5[%mul3A_2, %dma_wait3A_139] : memref<10112x128xf32, #tpu.memory_space<hbm>> -> memref<632x128xf32, #tpu.memory_space<hbm>>
      tpu.wait_dma2 semaphore(%run_scoped3A : memref<!tpu.dma_semaphore, #tpu.memory_space<semaphore_mem>>) src(%dma_wait3A_140 : memref<632x128xf32, #tpu.memory_space<hbm>>) dst(%dma_wait3A_138 : memref<632x128xf32, #tpu.memory_space<vmem_shared>>)
      tpu.yield
    }) : () -> ()
    %barrier3A = arith.constant 0 : index
    tpu.barrier barrier_id(%barrier3A)
    %mul3A_3 = arith.constant 80 : i32
    %mul3A_4 = arith.muli %add3A, %mul3A_3 : i32
    %add3A_5 = arith.constant 0 : i32
    %add3A_6 = arith.addi %mul3A_4, %add3A_5 : i32
    "tpu.region"() ({
      %run_scoped3A = tpu.sem_alloc : memref<!tpu.dma_semaphore, #tpu.memory_space<semaphore_mem>>
      %dma_start3A_133 = arith.constant 0 : i32
      %dma_start3A_134 = tpu.memref_slice %arg3[%add3A_6, %dma_start3A_133] : memref<2560x128xi32, #tpu.memory_space<hbm>> -> memref<40x128xi32, #tpu.memory_space<hbm>>
      %dma_start3A_135 = arith.constant 0 : i32
      %dma_start3A_136 = tpu.memref_slice %arg3[%add3A_6, %dma_start3A_135] : memref<2560x128xi32, #tpu.memory_space<hbm>> -> memref<40x128xi32, #tpu.memory_space<hbm>>
      tpu.enqueue_dma source(%dma_start3A_136 : memref<40x128xi32, #tpu.memory_space<hbm>>) target(%arg8 : memref<40x128xi32, #tpu.memory_space<vmem>>) target_semaphore(%run_scoped3A : memref<!tpu.dma_semaphore, #tpu.memory_space<semaphore_mem>>)
      %dma_wait3A_137 = arith.constant 0 : i32
      %dma_wait3A_138 = tpu.memref_slice %arg3[%add3A_6, %dma_wait3A_137] : memref<2560x128xi32, #tpu.memory_space<hbm>> -> memref<40x128xi32, #tpu.memory_space<hbm>>
      %dma_wait3A_139 = arith.constant 0 : i32
      %dma_wait3A_140 = tpu.memref_slice %arg3[%add3A_6, %dma_wait3A_139] : memref<2560x128xi32, #tpu.memory_space<hbm>> -> memref<40x128xi32, #tpu.memory_space<hbm>>
      tpu.wait_dma2 semaphore(%run_scoped3A : memref<!tpu.dma_semaphore, #tpu.memory_space<semaphore_mem>>) src(%dma_wait3A_140 : memref<40x128xi32, #tpu.memory_space<hbm>>) dst(%arg8 : memref<40x128xi32, #tpu.memory_space<vmem>>)
      tpu.yield
    }) : () -> ()
    "tpu.region"() ({
      %run_scoped3A = tpu.sem_alloc : memref<!tpu.dma_semaphore, #tpu.memory_space<semaphore_mem>>
      %dma_start3A_133 = arith.constant 0 : i32
      %dma_start3A_134 = tpu.memref_slice %arg4[%add3A_6, %dma_start3A_133] : memref<2560x128xi32, #tpu.memory_space<hbm>> -> memref<40x128xi32, #tpu.memory_space<hbm>>
      %dma_start3A_135 = arith.constant 0 : i32
      %dma_start3A_136 = tpu.memref_slice %arg4[%add3A_6, %dma_start3A_135] : memref<2560x128xi32, #tpu.memory_space<hbm>> -> memref<40x128xi32, #tpu.memory_space<hbm>>
      tpu.enqueue_dma source(%dma_start3A_136 : memref<40x128xi32, #tpu.memory_space<hbm>>) target(%arg9 : memref<40x128xi32, #tpu.memory_space<vmem>>) target_semaphore(%run_scoped3A : memref<!tpu.dma_semaphore, #tpu.memory_space<semaphore_mem>>)
      %dma_wait3A_137 = arith.constant 0 : i32
      %dma_wait3A_138 = tpu.memref_slice %arg4[%add3A_6, %dma_wait3A_137] : memref<2560x128xi32, #tpu.memory_space<hbm>> -> memref<40x128xi32, #tpu.memory_space<hbm>>
      %dma_wait3A_139 = arith.constant 0 : i32
      %dma_wait3A_140 = tpu.memref_slice %arg4[%add3A_6, %dma_wait3A_139] : memref<2560x128xi32, #tpu.memory_space<hbm>> -> memref<40x128xi32, #tpu.memory_space<hbm>>
      tpu.wait_dma2 semaphore(%run_scoped3A : memref<!tpu.dma_semaphore, #tpu.memory_space<semaphore_mem>>) src(%dma_wait3A_140 : memref<40x128xi32, #tpu.memory_space<hbm>>) dst(%arg9 : memref<40x128xi32, #tpu.memory_space<vmem>>)
      tpu.yield
    }) : () -> ()
    %dma_start3A = arith.constant 0 : i32
    %dma_start3A_7 = arith.constant 0 : i32
    %dma_start3A_8 = tpu.memref_slice %arg8[%dma_start3A, %dma_start3A_7] : memref<40x128xi32, #tpu.memory_space<vmem>> -> memref<1x128xi32, #tpu.memory_space<vmem>>
    %dma_start3A_9 = tpu.memref_squeeze %dma_start3A_8 : memref<1x128xi32, #tpu.memory_space<vmem>> -> memref<128xi32, #tpu.memory_space<vmem>>
    %dma_start3A_10 = arith.constant 0 : i32
    %dma_start3A_11 = arith.constant 0 : i32
    %dma_start3A_12 = tpu.memref_slice %arg2[%dma_start3A_10, %dma_start3A_11] : memref<10000x128xf32, #tpu.memory_space<hbm>> -> memref<10000x128xf32, #tpu.memory_space<hbm>>
    tpu.enqueue_indirect_dma source(%dma_start3A_12 : memref<10000x128xf32, #tpu.memory_space<hbm>>) target(%arg10 : memref<128x128xf32, #tpu.memory_space<vmem>>) offsets(%dma_start3A_9 : memref<128xi32, #tpu.memory_space<vmem>>) semaphore(%arg12 : memref<!tpu.dma_semaphore, #tpu.memory_space<semaphore_mem>>)
    %dma_wait3A = arith.constant 0 : i32
    %dma_wait3A_13 = arith.constant 0 : i32
    %dma_wait3A_14 = tpu.memref_slice %arg8[%dma_wait3A, %dma_wait3A_13] : memref<40x128xi32, #tpu.memory_space<vmem>> -> memref<1x128xi32, #tpu.memory_space<vmem>>
    %dma_wait3A_15 = tpu.memref_squeeze %dma_wait3A_14 : memref<1x128xi32, #tpu.memory_space<vmem>> -> memref<128xi32, #tpu.memory_space<vmem>>
    %dma_wait3A_16 = arith.constant 0 : i32
    %dma_wait3A_17 = arith.constant 0 : i32
    %dma_wait3A_18 = tpu.memref_slice %arg2[%dma_wait3A_16, %dma_wait3A_17] : memref<10000x128xf32, #tpu.memory_space<hbm>> -> memref<10000x128xf32, #tpu.memory_space<hbm>>
    tpu.wait_indirect_dma semaphore(%arg12 : memref<!tpu.dma_semaphore, #tpu.memory_space<semaphore_mem>>) src(%dma_wait3A_18 : memref<10000x128xf32, #tpu.memory_space<hbm>>) dst(%arg10 : memref<128x128xf32, #tpu.memory_space<vmem>>)
    %dma_start3A_19 = arith.constant 1 : i32
    %dma_start3A_20 = arith.constant 0 : i32
    %dma_start3A_21 = tpu.memref_slice %arg8[%dma_start3A_19, %dma_start3A_20] : memref<40x128xi32, #tpu.memory_space<vmem>> -> memref<1x128xi32, #tpu.memory_space<vmem>>
    %dma_start3A_22 = tpu.memref_squeeze %dma_start3A_21 : memref<1x128xi32, #tpu.memory_space<vmem>> -> memref<128xi32, #tpu.memory_space<vmem>>
    %dma_start3A_23 = arith.constant 0 : i32
    %dma_start3A_24 = arith.constant 0 : i32
    %dma_start3A_25 = tpu.memref_slice %arg2[%dma_start3A_23, %dma_start3A_24] : memref<10000x128xf32, #tpu.memory_space<hbm>> -> memref<10000x128xf32, #tpu.memory_space<hbm>>
    tpu.enqueue_indirect_dma source(%dma_start3A_25 : memref<10000x128xf32, #tpu.memory_space<hbm>>) target(%arg11 : memref<128x128xf32, #tpu.memory_space<vmem>>) offsets(%dma_start3A_22 : memref<128xi32, #tpu.memory_space<vmem>>) semaphore(%arg13 : memref<!tpu.dma_semaphore, #tpu.memory_space<semaphore_mem>>)
    %dma_start3A_26 = arith.constant 0 : i32
    %dma_start3A_27 = arith.constant 0 : i32
    %dma_start3A_28 = tpu.memref_slice %arg9[%dma_start3A_26, %dma_start3A_27] : memref<40x128xi32, #tpu.memory_space<vmem>> -> memref<1x128xi32, #tpu.memory_space<vmem>>
    %dma_start3A_29 = tpu.memref_squeeze %dma_start3A_28 : memref<1x128xi32, #tpu.memory_space<vmem>> -> memref<128xi32, #tpu.memory_space<vmem>>
    %dma_start3A_30 = arith.constant 0 : i32
    %dma_start3A_31 = arith.constant 0 : i32
    %dma_start3A_32 = tpu.memref_slice %arg7[%dma_start3A_30, %dma_start3A_31] : memref<10112x128xf32, #tpu.memory_space<vmem_shared>> -> memref<10112x128xf32, #tpu.memory_space<vmem_shared>>
    tpu.enqueue_indirect_dma source(%arg10 : memref<128x128xf32, #tpu.memory_space<vmem>>) target(%dma_start3A_32 : memref<10112x128xf32, #tpu.memory_space<vmem_shared>>) offsets(%dma_start3A_29 : memref<128xi32, #tpu.memory_space<vmem>>) semaphore(%arg14 : memref<!tpu.dma_semaphore, #tpu.memory_space<semaphore_mem>>) {add = true}
    %scan3A = arith.constant 0 : i32
    %scan3A_33 = arith.constant 1 : i32
    %scan3A_34 = arith.constant 19 : i32
    %scan3A_35 = arith.addi %scan3A_33, %scan3A_34 : i32
    %scan3A_36 = arith.constant 1 : i32
    scf.for %scan3A_133 = %scan3A_33 to %scan3A_35 step %scan3A_36  : i32 {
      %mul3A_134 = arith.constant 2 : i32
      %mul3A_135 = arith.muli %mul3A_134, %scan3A_133 : i32
      %sub3A = arith.constant 1 : i32
      %sub3A_136 = arith.subi %mul3A_135, %sub3A : i32
      %dma_wait3A_137 = arith.constant 0 : i32
      %dma_wait3A_138 = tpu.memref_slice %arg8[%sub3A_136, %dma_wait3A_137] : memref<40x128xi32, #tpu.memory_space<vmem>> -> memref<1x128xi32, #tpu.memory_space<vmem>>
      %dma_wait3A_139 = tpu.memref_squeeze %dma_wait3A_138 : memref<1x128xi32, #tpu.memory_space<vmem>> -> memref<128xi32, #tpu.memory_space<vmem>>
      %dma_wait3A_140 = arith.constant 0 : i32
      %dma_wait3A_141 = arith.constant 0 : i32
      %dma_wait3A_142 = tpu.memref_slice %arg2[%dma_wait3A_140, %dma_wait3A_141] : memref<10000x128xf32, #tpu.memory_space<hbm>> -> memref<10000x128xf32, #tpu.memory_space<hbm>>
      tpu.wait_indirect_dma semaphore(%arg13 : memref<!tpu.dma_semaphore, #tpu.memory_space<semaphore_mem>>) src(%dma_wait3A_142 : memref<10000x128xf32, #tpu.memory_space<hbm>>) dst(%arg11 : memref<128x128xf32, #tpu.memory_space<vmem>>)
      %sub3A_143 = arith.constant 2 : i32
      %sub3A_144 = arith.subi %mul3A_135, %sub3A_143 : i32
      %dma_wait3A_145 = arith.constant 0 : i32
      %dma_wait3A_146 = tpu.memref_slice %arg9[%sub3A_144, %dma_wait3A_145] : memref<40x128xi32, #tpu.memory_space<vmem>> -> memref<1x128xi32, #tpu.memory_space<vmem>>
      %dma_wait3A_147 = tpu.memref_squeeze %dma_wait3A_146 : memref<1x128xi32, #tpu.memory_space<vmem>> -> memref<128xi32, #tpu.memory_space<vmem>>
      %dma_wait3A_148 = arith.constant 0 : i32
      %dma_wait3A_149 = arith.constant 0 : i32
      %dma_wait3A_150 = tpu.memref_slice %arg7[%dma_wait3A_148, %dma_wait3A_149] : memref<10112x128xf32, #tpu.memory_space<vmem_shared>> -> memref<10112x128xf32, #tpu.memory_space<vmem_shared>>
      tpu.wait_indirect_dma semaphore(%arg14 : memref<!tpu.dma_semaphore, #tpu.memory_space<semaphore_mem>>) src(%arg10 : memref<128x128xf32, #tpu.memory_space<vmem>>) dst(%dma_wait3A_150 : memref<10112x128xf32, #tpu.memory_space<vmem_shared>>)
      %dma_start3A_151 = arith.constant 0 : i32
      %dma_start3A_152 = tpu.memref_slice %arg8[%mul3A_135, %dma_start3A_151] : memref<40x128xi32, #tpu.memory_space<vmem>> -> memref<1x128xi32, #tpu.memory_space<vmem>>
      %dma_start3A_153 = tpu.memref_squeeze %dma_start3A_152 : memref<1x128xi32, #tpu.memory_space<vmem>> -> memref<128xi32, #tpu.memory_space<vmem>>
      %dma_start3A_154 = arith.constant 0 : i32
      %dma_start3A_155 = arith.constant 0 : i32
      %dma_start3A_156 = tpu.memref_slice %arg2[%dma_start3A_154, %dma_start3A_155] : memref<10000x128xf32, #tpu.memory_space<hbm>> -> memref<10000x128xf32, #tpu.memory_space<hbm>>
      tpu.enqueue_indirect_dma source(%dma_start3A_156 : memref<10000x128xf32, #tpu.memory_space<hbm>>) target(%arg10 : memref<128x128xf32, #tpu.memory_space<vmem>>) offsets(%dma_start3A_153 : memref<128xi32, #tpu.memory_space<vmem>>) semaphore(%arg12 : memref<!tpu.dma_semaphore, #tpu.memory_space<semaphore_mem>>)
      %sub3A_157 = arith.constant 1 : i32
      %sub3A_158 = arith.subi %mul3A_135, %sub3A_157 : i32
      %dma_start3A_159 = arith.constant 0 : i32
      %dma_start3A_160 = tpu.memref_slice %arg9[%sub3A_158, %dma_start3A_159] : memref<40x128xi32, #tpu.memory_space<vmem>> -> memref<1x128xi32, #tpu.memory_space<vmem>>
      %dma_start3A_161 = tpu.memref_squeeze %dma_start3A_160 : memref<1x128xi32, #tpu.memory_space<vmem>> -> memref<128xi32, #tpu.memory_space<vmem>>
      %dma_start3A_162 = arith.constant 0 : i32
      %dma_start3A_163 = arith.constant 0 : i32
      %dma_start3A_164 = tpu.memref_slice %arg7[%dma_start3A_162, %dma_start3A_163] : memref<10112x128xf32, #tpu.memory_space<vmem_shared>> -> memref<10112x128xf32, #tpu.memory_space<vmem_shared>>
      tpu.enqueue_indirect_dma source(%arg11 : memref<128x128xf32, #tpu.memory_space<vmem>>) target(%dma_start3A_164 : memref<10112x128xf32, #tpu.memory_space<vmem_shared>>) offsets(%dma_start3A_161 : memref<128xi32, #tpu.memory_space<vmem>>) semaphore(%arg15 : memref<!tpu.dma_semaphore, #tpu.memory_space<semaphore_mem>>) {add = true}
      %dma_wait3A_165 = arith.constant 0 : i32
      %dma_wait3A_166 = tpu.memref_slice %arg8[%mul3A_135, %dma_wait3A_165] : memref<40x128xi32, #tpu.memory_space<vmem>> -> memref<1x128xi32, #tpu.memory_space<vmem>>
      %dma_wait3A_167 = tpu.memref_squeeze %dma_wait3A_166 : memref<1x128xi32, #tpu.memory_space<vmem>> -> memref<128xi32, #tpu.memory_space<vmem>>
      %dma_wait3A_168 = arith.constant 0 : i32
      %dma_wait3A_169 = arith.constant 0 : i32
      %dma_wait3A_170 = tpu.memref_slice %arg2[%dma_wait3A_168, %dma_wait3A_169] : memref<10000x128xf32, #tpu.memory_space<hbm>> -> memref<10000x128xf32, #tpu.memory_space<hbm>>
      tpu.wait_indirect_dma semaphore(%arg12 : memref<!tpu.dma_semaphore, #tpu.memory_space<semaphore_mem>>) src(%dma_wait3A_170 : memref<10000x128xf32, #tpu.memory_space<hbm>>) dst(%arg10 : memref<128x128xf32, #tpu.memory_space<vmem>>)
      %sub3A_171 = arith.constant 1 : i32
      %sub3A_172 = arith.subi %mul3A_135, %sub3A_171 : i32
      %dma_wait3A_173 = arith.constant 0 : i32
      %dma_wait3A_174 = tpu.memref_slice %arg9[%sub3A_172, %dma_wait3A_173] : memref<40x128xi32, #tpu.memory_space<vmem>> -> memref<1x128xi32, #tpu.memory_space<vmem>>
      %dma_wait3A_175 = tpu.memref_squeeze %dma_wait3A_174 : memref<1x128xi32, #tpu.memory_space<vmem>> -> memref<128xi32, #tpu.memory_space<vmem>>
      %dma_wait3A_176 = arith.constant 0 : i32
      %dma_wait3A_177 = arith.constant 0 : i32
      %dma_wait3A_178 = tpu.memref_slice %arg7[%dma_wait3A_176, %dma_wait3A_177] : memref<10112x128xf32, #tpu.memory_space<vmem_shared>> -> memref<10112x128xf32, #tpu.memory_space<vmem_shared>>
      tpu.wait_indirect_dma semaphore(%arg15 : memref<!tpu.dma_semaphore, #tpu.memory_space<semaphore_mem>>) src(%arg11 : memref<128x128xf32, #tpu.memory_space<vmem>>) dst(%dma_wait3A_178 : memref<10112x128xf32, #tpu.memory_space<vmem_shared>>)
      %add3A_179 = arith.constant 1 : i32
      %add3A_180 = arith.addi %mul3A_135, %add3A_179 : i32
      %dma_start3A_181 = arith.constant 0 : i32
      %dma_start3A_182 = tpu.memref_slice %arg8[%add3A_180, %dma_start3A_181] : memref<40x128xi32, #tpu.memory_space<vmem>> -> memref<1x128xi32, #tpu.memory_space<vmem>>
      %dma_start3A_183 = tpu.memref_squeeze %dma_start3A_182 : memref<1x128xi32, #tpu.memory_space<vmem>> -> memref<128xi32, #tpu.memory_space<vmem>>
      %dma_start3A_184 = arith.constant 0 : i32
      %dma_start3A_185 = arith.constant 0 : i32
      %dma_start3A_186 = tpu.memref_slice %arg2[%dma_start3A_184, %dma_start3A_185] : memref<10000x128xf32, #tpu.memory_space<hbm>> -> memref<10000x128xf32, #tpu.memory_space<hbm>>
      tpu.enqueue_indirect_dma source(%dma_start3A_186 : memref<10000x128xf32, #tpu.memory_space<hbm>>) target(%arg11 : memref<128x128xf32, #tpu.memory_space<vmem>>) offsets(%dma_start3A_183 : memref<128xi32, #tpu.memory_space<vmem>>) semaphore(%arg13 : memref<!tpu.dma_semaphore, #tpu.memory_space<semaphore_mem>>)
      %dma_start3A_187 = arith.constant 0 : i32
      %dma_start3A_188 = tpu.memref_slice %arg9[%mul3A_135, %dma_start3A_187] : memref<40x128xi32, #tpu.memory_space<vmem>> -> memref<1x128xi32, #tpu.memory_space<vmem>>
      %dma_start3A_189 = tpu.memref_squeeze %dma_start3A_188 : memref<1x128xi32, #tpu.memory_space<vmem>> -> memref<128xi32, #tpu.memory_space<vmem>>
      %dma_start3A_190 = arith.constant 0 : i32
      %dma_start3A_191 = arith.constant 0 : i32
      %dma_start3A_192 = tpu.memref_slice %arg7[%dma_start3A_190, %dma_start3A_191] : memref<10112x128xf32, #tpu.memory_space<vmem_shared>> -> memref<10112x128xf32, #tpu.memory_space<vmem_shared>>
      tpu.enqueue_indirect_dma source(%arg10 : memref<128x128xf32, #tpu.memory_space<vmem>>) target(%dma_start3A_192 : memref<10112x128xf32, #tpu.memory_space<vmem_shared>>) offsets(%dma_start3A_189 : memref<128xi32, #tpu.memory_space<vmem>>) semaphore(%arg14 : memref<!tpu.dma_semaphore, #tpu.memory_space<semaphore_mem>>) {add = true}
    }
    %scan3A_37 = arith.constant 19 : i32
    %dma_wait3A_38 = arith.constant 39 : i32
    %dma_wait3A_39 = arith.constant 0 : i32
    %dma_wait3A_40 = tpu.memref_slice %arg8[%dma_wait3A_38, %dma_wait3A_39] : memref<40x128xi32, #tpu.memory_space<vmem>> -> memref<1x128xi32, #tpu.memory_space<vmem>>
    %dma_wait3A_41 = tpu.memref_squeeze %dma_wait3A_40 : memref<1x128xi32, #tpu.memory_space<vmem>> -> memref<128xi32, #tpu.memory_space<vmem>>
    %dma_wait3A_42 = arith.constant 0 : i32
    %dma_wait3A_43 = arith.constant 0 : i32
    %dma_wait3A_44 = tpu.memref_slice %arg2[%dma_wait3A_42, %dma_wait3A_43] : memref<10000x128xf32, #tpu.memory_space<hbm>> -> memref<10000x128xf32, #tpu.memory_space<hbm>>
    tpu.wait_indirect_dma semaphore(%arg13 : memref<!tpu.dma_semaphore, #tpu.memory_space<semaphore_mem>>) src(%dma_wait3A_44 : memref<10000x128xf32, #tpu.memory_space<hbm>>) dst(%arg11 : memref<128x128xf32, #tpu.memory_space<vmem>>)
    %dma_wait3A_45 = arith.constant 38 : i32
    %dma_wait3A_46 = arith.constant 0 : i32
    %dma_wait3A_47 = tpu.memref_slice %arg9[%dma_wait3A_45, %dma_wait3A_46] : memref<40x128xi32, #tpu.memory_space<vmem>> -> memref<1x128xi32, #tpu.memory_space<vmem>>
    %dma_wait3A_48 = tpu.memref_squeeze %dma_wait3A_47 : memref<1x128xi32, #tpu.memory_space<vmem>> -> memref<128xi32, #tpu.memory_space<vmem>>
    %dma_wait3A_49 = arith.constant 0 : i32
    %dma_wait3A_50 = arith.constant 0 : i32
    %dma_wait3A_51 = tpu.memref_slice %arg7[%dma_wait3A_49, %dma_wait3A_50] : memref<10112x128xf32, #tpu.memory_space<vmem_shared>> -> memref<10112x128xf32, #tpu.memory_space<vmem_shared>>
    tpu.wait_indirect_dma semaphore(%arg14 : memref<!tpu.dma_semaphore, #tpu.memory_space<semaphore_mem>>) src(%arg10 : memref<128x128xf32, #tpu.memory_space<vmem>>) dst(%dma_wait3A_51 : memref<10112x128xf32, #tpu.memory_space<vmem_shared>>)
    %dma_start3A_52 = arith.constant 39 : i32
    %dma_start3A_53 = arith.constant 0 : i32
    %dma_start3A_54 = tpu.memref_slice %arg9[%dma_start3A_52, %dma_start3A_53] : memref<40x128xi32, #tpu.memory_space<vmem>> -> memref<1x128xi32, #tpu.memory_space<vmem>>
    %dma_start3A_55 = tpu.memref_squeeze %dma_start3A_54 : memref<1x128xi32, #tpu.memory_space<vmem>> -> memref<128xi32, #tpu.memory_space<vmem>>
    %dma_start3A_56 = arith.constant 0 : i32
    %dma_start3A_57 = arith.constant 0 : i32
    %dma_start3A_58 = tpu.memref_slice %arg7[%dma_start3A_56, %dma_start3A_57] : memref<10112x128xf32, #tpu.memory_space<vmem_shared>> -> memref<10112x128xf32, #tpu.memory_space<vmem_shared>>
    tpu.enqueue_indirect_dma source(%arg11 : memref<128x128xf32, #tpu.memory_space<vmem>>) target(%dma_start3A_58 : memref<10112x128xf32, #tpu.memory_space<vmem_shared>>) offsets(%dma_start3A_55 : memref<128xi32, #tpu.memory_space<vmem>>) semaphore(%arg15 : memref<!tpu.dma_semaphore, #tpu.memory_space<semaphore_mem>>) {add = true}
    %dma_wait3A_59 = arith.constant 39 : i32
    %dma_wait3A_60 = arith.constant 0 : i32
    %dma_wait3A_61 = tpu.memref_slice %arg9[%dma_wait3A_59, %dma_wait3A_60] : memref<40x128xi32, #tpu.memory_space<vmem>> -> memref<1x128xi32, #tpu.memory_space<vmem>>
    %dma_wait3A_62 = tpu.memref_squeeze %dma_wait3A_61 : memref<1x128xi32, #tpu.memory_space<vmem>> -> memref<128xi32, #tpu.memory_space<vmem>>
    %dma_wait3A_63 = arith.constant 0 : i32
    %dma_wait3A_64 = arith.constant 0 : i32
    %dma_wait3A_65 = tpu.memref_slice %arg7[%dma_wait3A_63, %dma_wait3A_64] : memref<10112x128xf32, #tpu.memory_space<vmem_shared>> -> memref<10112x128xf32, #tpu.memory_space<vmem_shared>>
    tpu.wait_indirect_dma semaphore(%arg15 : memref<!tpu.dma_semaphore, #tpu.memory_space<semaphore_mem>>) src(%arg11 : memref<128x128xf32, #tpu.memory_space<vmem>>) dst(%dma_wait3A_65 : memref<10112x128xf32, #tpu.memory_space<vmem_shared>>)
    %mul3A_66 = arith.constant 80 : i32
    %mul3A_67 = arith.muli %add3A, %mul3A_66 : i32
    %add3A_68 = arith.constant 40 : i32
    %add3A_69 = arith.addi %mul3A_67, %add3A_68 : i32
    "tpu.region"() ({
      %run_scoped3A = tpu.sem_alloc : memref<!tpu.dma_semaphore, #tpu.memory_space<semaphore_mem>>
      %dma_start3A_133 = arith.constant 0 : i32
      %dma_start3A_134 = tpu.memref_slice %arg3[%add3A_69, %dma_start3A_133] : memref<2560x128xi32, #tpu.memory_space<hbm>> -> memref<40x128xi32, #tpu.memory_space<hbm>>
      %dma_start3A_135 = arith.constant 0 : i32
      %dma_start3A_136 = tpu.memref_slice %arg3[%add3A_69, %dma_start3A_135] : memref<2560x128xi32, #tpu.memory_space<hbm>> -> memref<40x128xi32, #tpu.memory_space<hbm>>
      tpu.enqueue_dma source(%dma_start3A_136 : memref<40x128xi32, #tpu.memory_space<hbm>>) target(%arg8 : memref<40x128xi32, #tpu.memory_space<vmem>>) target_semaphore(%run_scoped3A : memref<!tpu.dma_semaphore, #tpu.memory_space<semaphore_mem>>)
      %dma_wait3A_137 = arith.constant 0 : i32
      %dma_wait3A_138 = tpu.memref_slice %arg3[%add3A_69, %dma_wait3A_137] : memref<2560x128xi32, #tpu.memory_space<hbm>> -> memref<40x128xi32, #tpu.memory_space<hbm>>
      %dma_wait3A_139 = arith.constant 0 : i32
      %dma_wait3A_140 = tpu.memref_slice %arg3[%add3A_69, %dma_wait3A_139] : memref<2560x128xi32, #tpu.memory_space<hbm>> -> memref<40x128xi32, #tpu.memory_space<hbm>>
      tpu.wait_dma2 semaphore(%run_scoped3A : memref<!tpu.dma_semaphore, #tpu.memory_space<semaphore_mem>>) src(%dma_wait3A_140 : memref<40x128xi32, #tpu.memory_space<hbm>>) dst(%arg8 : memref<40x128xi32, #tpu.memory_space<vmem>>)
      tpu.yield
    }) : () -> ()
    "tpu.region"() ({
      %run_scoped3A = tpu.sem_alloc : memref<!tpu.dma_semaphore, #tpu.memory_space<semaphore_mem>>
      %dma_start3A_133 = arith.constant 0 : i32
      %dma_start3A_134 = tpu.memref_slice %arg4[%add3A_69, %dma_start3A_133] : memref<2560x128xi32, #tpu.memory_space<hbm>> -> memref<40x128xi32, #tpu.memory_space<hbm>>
      %dma_start3A_135 = arith.constant 0 : i32
      %dma_start3A_136 = tpu.memref_slice %arg4[%add3A_69, %dma_start3A_135] : memref<2560x128xi32, #tpu.memory_space<hbm>> -> memref<40x128xi32, #tpu.memory_space<hbm>>
      tpu.enqueue_dma source(%dma_start3A_136 : memref<40x128xi32, #tpu.memory_space<hbm>>) target(%arg9 : memref<40x128xi32, #tpu.memory_space<vmem>>) target_semaphore(%run_scoped3A : memref<!tpu.dma_semaphore, #tpu.memory_space<semaphore_mem>>)
      %dma_wait3A_137 = arith.constant 0 : i32
      %dma_wait3A_138 = tpu.memref_slice %arg4[%add3A_69, %dma_wait3A_137] : memref<2560x128xi32, #tpu.memory_space<hbm>> -> memref<40x128xi32, #tpu.memory_space<hbm>>
      %dma_wait3A_139 = arith.constant 0 : i32
      %dma_wait3A_140 = tpu.memref_slice %arg4[%add3A_69, %dma_wait3A_139] : memref<2560x128xi32, #tpu.memory_space<hbm>> -> memref<40x128xi32, #tpu.memory_space<hbm>>
      tpu.wait_dma2 semaphore(%run_scoped3A : memref<!tpu.dma_semaphore, #tpu.memory_space<semaphore_mem>>) src(%dma_wait3A_140 : memref<40x128xi32, #tpu.memory_space<hbm>>) dst(%arg9 : memref<40x128xi32, #tpu.memory_space<vmem>>)
      tpu.yield
    }) : () -> ()
    %dma_start3A_70 = arith.constant 0 : i32
    %dma_start3A_71 = arith.constant 0 : i32
    %dma_start3A_72 = tpu.memref_slice %arg8[%dma_start3A_70, %dma_start3A_71] : memref<40x128xi32, #tpu.memory_space<vmem>> -> memref<1x128xi32, #tpu.memory_space<vmem>>
    %dma_start3A_73 = tpu.memref_squeeze %dma_start3A_72 : memref<1x128xi32, #tpu.memory_space<vmem>> -> memref<128xi32, #tpu.memory_space<vmem>>
    %dma_start3A_74 = arith.constant 0 : i32
    %dma_start3A_75 = arith.constant 0 : i32
    %dma_start3A_76 = tpu.memref_slice %arg2[%dma_start3A_74, %dma_start3A_75] : memref<10000x128xf32, #tpu.memory_space<hbm>> -> memref<10000x128xf32, #tpu.memory_space<hbm>>
    tpu.enqueue_indirect_dma source(%dma_start3A_76 : memref<10000x128xf32, #tpu.memory_space<hbm>>) target(%arg10 : memref<128x128xf32, #tpu.memory_space<vmem>>) offsets(%dma_start3A_73 : memref<128xi32, #tpu.memory_space<vmem>>) semaphore(%arg12 : memref<!tpu.dma_semaphore, #tpu.memory_space<semaphore_mem>>)
    %dma_wait3A_77 = arith.constant 0 : i32
    %dma_wait3A_78 = arith.constant 0 : i32
    %dma_wait3A_79 = tpu.memref_slice %arg8[%dma_wait3A_77, %dma_wait3A_78] : memref<40x128xi32, #tpu.memory_space<vmem>> -> memref<1x128xi32, #tpu.memory_space<vmem>>
    %dma_wait3A_80 = tpu.memref_squeeze %dma_wait3A_79 : memref<1x128xi32, #tpu.memory_space<vmem>> -> memref<128xi32, #tpu.memory_space<vmem>>
    %dma_wait3A_81 = arith.constant 0 : i32
    %dma_wait3A_82 = arith.constant 0 : i32
    %dma_wait3A_83 = tpu.memref_slice %arg2[%dma_wait3A_81, %dma_wait3A_82] : memref<10000x128xf32, #tpu.memory_space<hbm>> -> memref<10000x128xf32, #tpu.memory_space<hbm>>
    tpu.wait_indirect_dma semaphore(%arg12 : memref<!tpu.dma_semaphore, #tpu.memory_space<semaphore_mem>>) src(%dma_wait3A_83 : memref<10000x128xf32, #tpu.memory_space<hbm>>) dst(%arg10 : memref<128x128xf32, #tpu.memory_space<vmem>>)
    %dma_start3A_84 = arith.constant 1 : i32
    %dma_start3A_85 = arith.constant 0 : i32
    %dma_start3A_86 = tpu.memref_slice %arg8[%dma_start3A_84, %dma_start3A_85] : memref<40x128xi32, #tpu.memory_space<vmem>> -> memref<1x128xi32, #tpu.memory_space<vmem>>
    %dma_start3A_87 = tpu.memref_squeeze %dma_start3A_86 : memref<1x128xi32, #tpu.memory_space<vmem>> -> memref<128xi32, #tpu.memory_space<vmem>>
    %dma_start3A_88 = arith.constant 0 : i32
    %dma_start3A_89 = arith.constant 0 : i32
    %dma_start3A_90 = tpu.memref_slice %arg2[%dma_start3A_88, %dma_start3A_89] : memref<10000x128xf32, #tpu.memory_space<hbm>> -> memref<10000x128xf32, #tpu.memory_space<hbm>>
    tpu.enqueue_indirect_dma source(%dma_start3A_90 : memref<10000x128xf32, #tpu.memory_space<hbm>>) target(%arg11 : memref<128x128xf32, #tpu.memory_space<vmem>>) offsets(%dma_start3A_87 : memref<128xi32, #tpu.memory_space<vmem>>) semaphore(%arg13 : memref<!tpu.dma_semaphore, #tpu.memory_space<semaphore_mem>>)
    %dma_start3A_91 = arith.constant 0 : i32
    %dma_start3A_92 = arith.constant 0 : i32
    %dma_start3A_93 = tpu.memref_slice %arg9[%dma_start3A_91, %dma_start3A_92] : memref<40x128xi32, #tpu.memory_space<vmem>> -> memref<1x128xi32, #tpu.memory_space<vmem>>
    %dma_start3A_94 = tpu.memref_squeeze %dma_start3A_93 : memref<1x128xi32, #tpu.memory_space<vmem>> -> memref<128xi32, #tpu.memory_space<vmem>>
    %dma_start3A_95 = arith.constant 0 : i32
    %dma_start3A_96 = arith.constant 0 : i32
    %dma_start3A_97 = tpu.memref_slice %arg7[%dma_start3A_95, %dma_start3A_96] : memref<10112x128xf32, #tpu.memory_space<vmem_shared>> -> memref<10112x128xf32, #tpu.memory_space<vmem_shared>>
    tpu.enqueue_indirect_dma source(%arg10 : memref<128x128xf32, #tpu.memory_space<vmem>>) target(%dma_start3A_97 : memref<10112x128xf32, #tpu.memory_space<vmem_shared>>) offsets(%dma_start3A_94 : memref<128xi32, #tpu.memory_space<vmem>>) semaphore(%arg14 : memref<!tpu.dma_semaphore, #tpu.memory_space<semaphore_mem>>) {add = true}
    %scan3A_98 = arith.constant 0 : i32
    %scan3A_99 = arith.constant 1 : i32
    %scan3A_100 = arith.constant 19 : i32
    %scan3A_101 = arith.addi %scan3A_99, %scan3A_100 : i32
    %scan3A_102 = arith.constant 1 : i32
    scf.for %scan3A_133 = %scan3A_99 to %scan3A_101 step %scan3A_102  : i32 {
      %mul3A_134 = arith.constant 2 : i32
      %mul3A_135 = arith.muli %mul3A_134, %scan3A_133 : i32
      %sub3A = arith.constant 1 : i32
      %sub3A_136 = arith.subi %mul3A_135, %sub3A : i32
      %dma_wait3A_137 = arith.constant 0 : i32
      %dma_wait3A_138 = tpu.memref_slice %arg8[%sub3A_136, %dma_wait3A_137] : memref<40x128xi32, #tpu.memory_space<vmem>> -> memref<1x128xi32, #tpu.memory_space<vmem>>
      %dma_wait3A_139 = tpu.memref_squeeze %dma_wait3A_138 : memref<1x128xi32, #tpu.memory_space<vmem>> -> memref<128xi32, #tpu.memory_space<vmem>>
      %dma_wait3A_140 = arith.constant 0 : i32
      %dma_wait3A_141 = arith.constant 0 : i32
      %dma_wait3A_142 = tpu.memref_slice %arg2[%dma_wait3A_140, %dma_wait3A_141] : memref<10000x128xf32, #tpu.memory_space<hbm>> -> memref<10000x128xf32, #tpu.memory_space<hbm>>
      tpu.wait_indirect_dma semaphore(%arg13 : memref<!tpu.dma_semaphore, #tpu.memory_space<semaphore_mem>>) src(%dma_wait3A_142 : memref<10000x128xf32, #tpu.memory_space<hbm>>) dst(%arg11 : memref<128x128xf32, #tpu.memory_space<vmem>>)
      %sub3A_143 = arith.constant 2 : i32
      %sub3A_144 = arith.subi %mul3A_135, %sub3A_143 : i32
      %dma_wait3A_145 = arith.constant 0 : i32
      %dma_wait3A_146 = tpu.memref_slice %arg9[%sub3A_144, %dma_wait3A_145] : memref<40x128xi32, #tpu.memory_space<vmem>> -> memref<1x128xi32, #tpu.memory_space<vmem>>
      %dma_wait3A_147 = tpu.memref_squeeze %dma_wait3A_146 : memref<1x128xi32, #tpu.memory_space<vmem>> -> memref<128xi32, #tpu.memory_space<vmem>>
      %dma_wait3A_148 = arith.constant 0 : i32
      %dma_wait3A_149 = arith.constant 0 : i32
      %dma_wait3A_150 = tpu.memref_slice %arg7[%dma_wait3A_148, %dma_wait3A_149] : memref<10112x128xf32, #tpu.memory_space<vmem_shared>> -> memref<10112x128xf32, #tpu.memory_space<vmem_shared>>
      tpu.wait_indirect_dma semaphore(%arg14 : memref<!tpu.dma_semaphore, #tpu.memory_space<semaphore_mem>>) src(%arg10 : memref<128x128xf32, #tpu.memory_space<vmem>>) dst(%dma_wait3A_150 : memref<10112x128xf32, #tpu.memory_space<vmem_shared>>)
      %dma_start3A_151 = arith.constant 0 : i32
      %dma_start3A_152 = tpu.memref_slice %arg8[%mul3A_135, %dma_start3A_151] : memref<40x128xi32, #tpu.memory_space<vmem>> -> memref<1x128xi32, #tpu.memory_space<vmem>>
      %dma_start3A_153 = tpu.memref_squeeze %dma_start3A_152 : memref<1x128xi32, #tpu.memory_space<vmem>> -> memref<128xi32, #tpu.memory_space<vmem>>
      %dma_start3A_154 = arith.constant 0 : i32
      %dma_start3A_155 = arith.constant 0 : i32
      %dma_start3A_156 = tpu.memref_slice %arg2[%dma_start3A_154, %dma_start3A_155] : memref<10000x128xf32, #tpu.memory_space<hbm>> -> memref<10000x128xf32, #tpu.memory_space<hbm>>
      tpu.enqueue_indirect_dma source(%dma_start3A_156 : memref<10000x128xf32, #tpu.memory_space<hbm>>) target(%arg10 : memref<128x128xf32, #tpu.memory_space<vmem>>) offsets(%dma_start3A_153 : memref<128xi32, #tpu.memory_space<vmem>>) semaphore(%arg12 : memref<!tpu.dma_semaphore, #tpu.memory_space<semaphore_mem>>)
      %sub3A_157 = arith.constant 1 : i32
      %sub3A_158 = arith.subi %mul3A_135, %sub3A_157 : i32
      %dma_start3A_159 = arith.constant 0 : i32
      %dma_start3A_160 = tpu.memref_slice %arg9[%sub3A_158, %dma_start3A_159] : memref<40x128xi32, #tpu.memory_space<vmem>> -> memref<1x128xi32, #tpu.memory_space<vmem>>
      %dma_start3A_161 = tpu.memref_squeeze %dma_start3A_160 : memref<1x128xi32, #tpu.memory_space<vmem>> -> memref<128xi32, #tpu.memory_space<vmem>>
      %dma_start3A_162 = arith.constant 0 : i32
      %dma_start3A_163 = arith.constant 0 : i32
      %dma_start3A_164 = tpu.memref_slice %arg7[%dma_start3A_162, %dma_start3A_163] : memref<10112x128xf32, #tpu.memory_space<vmem_shared>> -> memref<10112x128xf32, #tpu.memory_space<vmem_shared>>
      tpu.enqueue_indirect_dma source(%arg11 : memref<128x128xf32, #tpu.memory_space<vmem>>) target(%dma_start3A_164 : memref<10112x128xf32, #tpu.memory_space<vmem_shared>>) offsets(%dma_start3A_161 : memref<128xi32, #tpu.memory_space<vmem>>) semaphore(%arg15 : memref<!tpu.dma_semaphore, #tpu.memory_space<semaphore_mem>>) {add = true}
      %dma_wait3A_165 = arith.constant 0 : i32
      %dma_wait3A_166 = tpu.memref_slice %arg8[%mul3A_135, %dma_wait3A_165] : memref<40x128xi32, #tpu.memory_space<vmem>> -> memref<1x128xi32, #tpu.memory_space<vmem>>
      %dma_wait3A_167 = tpu.memref_squeeze %dma_wait3A_166 : memref<1x128xi32, #tpu.memory_space<vmem>> -> memref<128xi32, #tpu.memory_space<vmem>>
      %dma_wait3A_168 = arith.constant 0 : i32
      %dma_wait3A_169 = arith.constant 0 : i32
      %dma_wait3A_170 = tpu.memref_slice %arg2[%dma_wait3A_168, %dma_wait3A_169] : memref<10000x128xf32, #tpu.memory_space<hbm>> -> memref<10000x128xf32, #tpu.memory_space<hbm>>
      tpu.wait_indirect_dma semaphore(%arg12 : memref<!tpu.dma_semaphore, #tpu.memory_space<semaphore_mem>>) src(%dma_wait3A_170 : memref<10000x128xf32, #tpu.memory_space<hbm>>) dst(%arg10 : memref<128x128xf32, #tpu.memory_space<vmem>>)
      %sub3A_171 = arith.constant 1 : i32
      %sub3A_172 = arith.subi %mul3A_135, %sub3A_171 : i32
      %dma_wait3A_173 = arith.constant 0 : i32
      %dma_wait3A_174 = tpu.memref_slice %arg9[%sub3A_172, %dma_wait3A_173] : memref<40x128xi32, #tpu.memory_space<vmem>> -> memref<1x128xi32, #tpu.memory_space<vmem>>
      %dma_wait3A_175 = tpu.memref_squeeze %dma_wait3A_174 : memref<1x128xi32, #tpu.memory_space<vmem>> -> memref<128xi32, #tpu.memory_space<vmem>>
      %dma_wait3A_176 = arith.constant 0 : i32
      %dma_wait3A_177 = arith.constant 0 : i32
      %dma_wait3A_178 = tpu.memref_slice %arg7[%dma_wait3A_176, %dma_wait3A_177] : memref<10112x128xf32, #tpu.memory_space<vmem_shared>> -> memref<10112x128xf32, #tpu.memory_space<vmem_shared>>
      tpu.wait_indirect_dma semaphore(%arg15 : memref<!tpu.dma_semaphore, #tpu.memory_space<semaphore_mem>>) src(%arg11 : memref<128x128xf32, #tpu.memory_space<vmem>>) dst(%dma_wait3A_178 : memref<10112x128xf32, #tpu.memory_space<vmem_shared>>)
      %add3A_179 = arith.constant 1 : i32
      %add3A_180 = arith.addi %mul3A_135, %add3A_179 : i32
      %dma_start3A_181 = arith.constant 0 : i32
      %dma_start3A_182 = tpu.memref_slice %arg8[%add3A_180, %dma_start3A_181] : memref<40x128xi32, #tpu.memory_space<vmem>> -> memref<1x128xi32, #tpu.memory_space<vmem>>
      %dma_start3A_183 = tpu.memref_squeeze %dma_start3A_182 : memref<1x128xi32, #tpu.memory_space<vmem>> -> memref<128xi32, #tpu.memory_space<vmem>>
      %dma_start3A_184 = arith.constant 0 : i32
      %dma_start3A_185 = arith.constant 0 : i32
      %dma_start3A_186 = tpu.memref_slice %arg2[%dma_start3A_184, %dma_start3A_185] : memref<10000x128xf32, #tpu.memory_space<hbm>> -> memref<10000x128xf32, #tpu.memory_space<hbm>>
      tpu.enqueue_indirect_dma source(%dma_start3A_186 : memref<10000x128xf32, #tpu.memory_space<hbm>>) target(%arg11 : memref<128x128xf32, #tpu.memory_space<vmem>>) offsets(%dma_start3A_183 : memref<128xi32, #tpu.memory_space<vmem>>) semaphore(%arg13 : memref<!tpu.dma_semaphore, #tpu.memory_space<semaphore_mem>>)
      %dma_start3A_187 = arith.constant 0 : i32
      %dma_start3A_188 = tpu.memref_slice %arg9[%mul3A_135, %dma_start3A_187] : memref<40x128xi32, #tpu.memory_space<vmem>> -> memref<1x128xi32, #tpu.memory_space<vmem>>
      %dma_start3A_189 = tpu.memref_squeeze %dma_start3A_188 : memref<1x128xi32, #tpu.memory_space<vmem>> -> memref<128xi32, #tpu.memory_space<vmem>>
      %dma_start3A_190 = arith.constant 0 : i32
      %dma_start3A_191 = arith.constant 0 : i32
      %dma_start3A_192 = tpu.memref_slice %arg7[%dma_start3A_190, %dma_start3A_191] : memref<10112x128xf32, #tpu.memory_space<vmem_shared>> -> memref<10112x128xf32, #tpu.memory_space<vmem_shared>>
      tpu.enqueue_indirect_dma source(%arg10 : memref<128x128xf32, #tpu.memory_space<vmem>>) target(%dma_start3A_192 : memref<10112x128xf32, #tpu.memory_space<vmem_shared>>) offsets(%dma_start3A_189 : memref<128xi32, #tpu.memory_space<vmem>>) semaphore(%arg14 : memref<!tpu.dma_semaphore, #tpu.memory_space<semaphore_mem>>) {add = true}
    }
    %scan3A_103 = arith.constant 19 : i32
    %dma_wait3A_104 = arith.constant 39 : i32
    %dma_wait3A_105 = arith.constant 0 : i32
    %dma_wait3A_106 = tpu.memref_slice %arg8[%dma_wait3A_104, %dma_wait3A_105] : memref<40x128xi32, #tpu.memory_space<vmem>> -> memref<1x128xi32, #tpu.memory_space<vmem>>
    %dma_wait3A_107 = tpu.memref_squeeze %dma_wait3A_106 : memref<1x128xi32, #tpu.memory_space<vmem>> -> memref<128xi32, #tpu.memory_space<vmem>>
    %dma_wait3A_108 = arith.constant 0 : i32
    %dma_wait3A_109 = arith.constant 0 : i32
    %dma_wait3A_110 = tpu.memref_slice %arg2[%dma_wait3A_108, %dma_wait3A_109] : memref<10000x128xf32, #tpu.memory_space<hbm>> -> memref<10000x128xf32, #tpu.memory_space<hbm>>
    tpu.wait_indirect_dma semaphore(%arg13 : memref<!tpu.dma_semaphore, #tpu.memory_space<semaphore_mem>>) src(%dma_wait3A_110 : memref<10000x128xf32, #tpu.memory_space<hbm>>) dst(%arg11 : memref<128x128xf32, #tpu.memory_space<vmem>>)
    %dma_wait3A_111 = arith.constant 38 : i32
    %dma_wait3A_112 = arith.constant 0 : i32
    %dma_wait3A_113 = tpu.memref_slice %arg9[%dma_wait3A_111, %dma_wait3A_112] : memref<40x128xi32, #tpu.memory_space<vmem>> -> memref<1x128xi32, #tpu.memory_space<vmem>>
    %dma_wait3A_114 = tpu.memref_squeeze %dma_wait3A_113 : memref<1x128xi32, #tpu.memory_space<vmem>> -> memref<128xi32, #tpu.memory_space<vmem>>
    %dma_wait3A_115 = arith.constant 0 : i32
    %dma_wait3A_116 = arith.constant 0 : i32
    %dma_wait3A_117 = tpu.memref_slice %arg7[%dma_wait3A_115, %dma_wait3A_116] : memref<10112x128xf32, #tpu.memory_space<vmem_shared>> -> memref<10112x128xf32, #tpu.memory_space<vmem_shared>>
    tpu.wait_indirect_dma semaphore(%arg14 : memref<!tpu.dma_semaphore, #tpu.memory_space<semaphore_mem>>) src(%arg10 : memref<128x128xf32, #tpu.memory_space<vmem>>) dst(%dma_wait3A_117 : memref<10112x128xf32, #tpu.memory_space<vmem_shared>>)
    %dma_start3A_118 = arith.constant 39 : i32
    %dma_start3A_119 = arith.constant 0 : i32
    %dma_start3A_120 = tpu.memref_slice %arg9[%dma_start3A_118, %dma_start3A_119] : memref<40x128xi32, #tpu.memory_space<vmem>> -> memref<1x128xi32, #tpu.memory_space<vmem>>
    %dma_start3A_121 = tpu.memref_squeeze %dma_start3A_120 : memref<1x128xi32, #tpu.memory_space<vmem>> -> memref<128xi32, #tpu.memory_space<vmem>>
    %dma_start3A_122 = arith.constant 0 : i32
    %dma_start3A_123 = arith.constant 0 : i32
    %dma_start3A_124 = tpu.memref_slice %arg7[%dma_start3A_122, %dma_start3A_123] : memref<10112x128xf32, #tpu.memory_space<vmem_shared>> -> memref<10112x128xf32, #tpu.memory_space<vmem_shared>>
    tpu.enqueue_indirect_dma source(%arg11 : memref<128x128xf32, #tpu.memory_space<vmem>>) target(%dma_start3A_124 : memref<10112x128xf32, #tpu.memory_space<vmem_shared>>) offsets(%dma_start3A_121 : memref<128xi32, #tpu.memory_space<vmem>>) semaphore(%arg15 : memref<!tpu.dma_semaphore, #tpu.memory_space<semaphore_mem>>) {add = true}
    %dma_wait3A_125 = arith.constant 39 : i32
    %dma_wait3A_126 = arith.constant 0 : i32
    %dma_wait3A_127 = tpu.memref_slice %arg9[%dma_wait3A_125, %dma_wait3A_126] : memref<40x128xi32, #tpu.memory_space<vmem>> -> memref<1x128xi32, #tpu.memory_space<vmem>>
    %dma_wait3A_128 = tpu.memref_squeeze %dma_wait3A_127 : memref<1x128xi32, #tpu.memory_space<vmem>> -> memref<128xi32, #tpu.memory_space<vmem>>
    %dma_wait3A_129 = arith.constant 0 : i32
    %dma_wait3A_130 = arith.constant 0 : i32
    %dma_wait3A_131 = tpu.memref_slice %arg7[%dma_wait3A_129, %dma_wait3A_130] : memref<10112x128xf32, #tpu.memory_space<vmem_shared>> -> memref<10112x128xf32, #tpu.memory_space<vmem_shared>>
    tpu.wait_indirect_dma semaphore(%arg15 : memref<!tpu.dma_semaphore, #tpu.memory_space<semaphore_mem>>) src(%arg11 : memref<128x128xf32, #tpu.memory_space<vmem>>) dst(%dma_wait3A_131 : memref<10112x128xf32, #tpu.memory_space<vmem_shared>>)
    %barrier3A_132 = arith.constant 0 : index
    tpu.barrier barrier_id(%barrier3A_132)
    "tpu.region"() ({
      %run_scoped3A = tpu.sem_alloc : memref<!tpu.dma_semaphore, #tpu.memory_space<semaphore_mem>>
      %dma_start3A_133 = arith.constant 0 : i32
      %dma_start3A_134 = tpu.memref_slice %arg6[%arg0, %mul3A_2, %dma_start3A_133] : memref<2x10112x128xf32, #tpu.memory_space<hbm>> -> memref<1x632x128xf32, #tpu.memory_space<hbm>>
      %dma_start3A_135 = tpu.memref_squeeze %dma_start3A_134 : memref<1x632x128xf32, #tpu.memory_space<hbm>> -> memref<632x128xf32, #tpu.memory_space<hbm>>
      %dma_start3A_136 = arith.constant 0 : i32
      %dma_start3A_137 = tpu.memref_slice %arg7[%mul3A_2, %dma_start3A_136] : memref<10112x128xf32, #tpu.memory_space<vmem_shared>> -> memref<632x128xf32, #tpu.memory_space<vmem_shared>>
      tpu.enqueue_dma source(%dma_start3A_137 : memref<632x128xf32, #tpu.memory_space<vmem_shared>>) target(%dma_start3A_135 : memref<632x128xf32, #tpu.memory_space<hbm>>) target_semaphore(%run_scoped3A : memref<!tpu.dma_semaphore, #tpu.memory_space<semaphore_mem>>)
      %dma_wait3A_138 = arith.constant 0 : i32
      %dma_wait3A_139 = tpu.memref_slice %arg6[%arg0, %mul3A_2, %dma_wait3A_138] : memref<2x10112x128xf32, #tpu.memory_space<hbm>> -> memref<1x632x128xf32, #tpu.memory_space<hbm>>
      %dma_wait3A_140 = tpu.memref_squeeze %dma_wait3A_139 : memref<1x632x128xf32, #tpu.memory_space<hbm>> -> memref<632x128xf32, #tpu.memory_space<hbm>>
      %dma_wait3A_141 = arith.constant 0 : i32
      %dma_wait3A_142 = tpu.memref_slice %arg7[%mul3A_2, %dma_wait3A_141] : memref<10112x128xf32, #tpu.memory_space<vmem_shared>> -> memref<632x128xf32, #tpu.memory_space<vmem_shared>>
      tpu.wait_dma2 semaphore(%run_scoped3A : memref<!tpu.dma_semaphore, #tpu.memory_space<semaphore_mem>>) src(%dma_wait3A_142 : memref<632x128xf32, #tpu.memory_space<vmem_shared>>) dst(%dma_wait3A_140 : memref<632x128xf32, #tpu.memory_space<hbm>>)
      tpu.yield
    }) : () -> ()
    return
  }
}

#map = affine_map<(d0, d1) -> (0, 0)>
module attributes {stable_mosaic.version = 14 : i64} {
  func.func @_egather_body(%arg0: i32, %arg1: i32, %arg2: memref<10000x128xf32, #tpu.memory_space<hbm>>, %arg3: memref<10000x128xf32, #tpu.memory_space<hbm>>, %arg4: memref<1280x128xi32, #tpu.memory_space<hbm>>, %arg5: memref<1280x128xi32, #tpu.memory_space<hbm>>, %arg6: memref<163840x128xf32, #tpu.memory_space<hbm>>, %arg7: memref<40x128xi32, #tpu.memory_space<vmem>>, %arg8: memref<40x128xi32, #tpu.memory_space<vmem>>, %arg9: memref<128x128xf32, #tpu.memory_space<vmem>>, %arg10: memref<128x128xf32, #tpu.memory_space<vmem>>, %arg11: memref<!tpu.dma_semaphore, #tpu.memory_space<semaphore_mem>>, %arg12: memref<!tpu.dma_semaphore, #tpu.memory_space<semaphore_mem>>, %arg13: memref<!tpu.dma_semaphore, #tpu.memory_space<semaphore_mem>>, %arg14: memref<!tpu.dma_semaphore, #tpu.memory_space<semaphore_mem>>, %arg15: memref<!tpu.dma_semaphore, #tpu.memory_space<semaphore_mem>>, %arg16: memref<!tpu.dma_semaphore, #tpu.memory_space<semaphore_mem>>) attributes {dimension_semantics = [#tpu.dimension_semantics<core_parallel>, #tpu.dimension_semantics<subcore_parallel>], iteration_bounds = array<i64: 2, 16>, scalar_prefetch = 0 : i64, scratch_operands = 10 : i64, tpu.core_type = #tpu.core_type<sc_vector_subcore>, window_params = [{transform_indices = #map}, {transform_indices = #map}, {transform_indices = #map}, {transform_indices = #map}, {transform_indices = #map}]} {
    %mul3A = arith.constant 16 : i32
    %mul3A_0 = arith.muli %arg0, %mul3A : i32
    %add3A = arith.addi %mul3A_0, %arg1 : i32
    %mul3A_1 = arith.constant 40 : i32
    %mul3A_2 = arith.muli %add3A, %mul3A_1 : i32
    %mul3A_3 = arith.constant 128 : i32
    %mul3A_4 = arith.muli %mul3A_2, %mul3A_3 : i32
    %mul3A_5 = arith.constant 40 : i32
    %mul3A_6 = arith.muli %add3A, %mul3A_5 : i32
    "tpu.region"() ({
      %run_scoped3A = tpu.sem_alloc : memref<!tpu.dma_semaphore, #tpu.memory_space<semaphore_mem>>
      %dma_start3A_92 = arith.constant 0 : i32
      %dma_start3A_93 = tpu.memref_slice %arg4[%mul3A_6, %dma_start3A_92] : memref<1280x128xi32, #tpu.memory_space<hbm>> -> memref<40x128xi32, #tpu.memory_space<hbm>>
      %dma_start3A_94 = arith.constant 0 : i32
      %dma_start3A_95 = tpu.memref_slice %arg4[%mul3A_6, %dma_start3A_94] : memref<1280x128xi32, #tpu.memory_space<hbm>> -> memref<40x128xi32, #tpu.memory_space<hbm>>
      tpu.enqueue_dma source(%dma_start3A_95 : memref<40x128xi32, #tpu.memory_space<hbm>>) target(%arg7 : memref<40x128xi32, #tpu.memory_space<vmem>>) target_semaphore(%run_scoped3A : memref<!tpu.dma_semaphore, #tpu.memory_space<semaphore_mem>>)
      %dma_wait3A_96 = arith.constant 0 : i32
      %dma_wait3A_97 = tpu.memref_slice %arg4[%mul3A_6, %dma_wait3A_96] : memref<1280x128xi32, #tpu.memory_space<hbm>> -> memref<40x128xi32, #tpu.memory_space<hbm>>
      %dma_wait3A_98 = arith.constant 0 : i32
      %dma_wait3A_99 = tpu.memref_slice %arg4[%mul3A_6, %dma_wait3A_98] : memref<1280x128xi32, #tpu.memory_space<hbm>> -> memref<40x128xi32, #tpu.memory_space<hbm>>
      tpu.wait_dma2 semaphore(%run_scoped3A : memref<!tpu.dma_semaphore, #tpu.memory_space<semaphore_mem>>) src(%dma_wait3A_99 : memref<40x128xi32, #tpu.memory_space<hbm>>) dst(%arg7 : memref<40x128xi32, #tpu.memory_space<vmem>>)
      tpu.yield
    }) : () -> ()
    %mul3A_7 = arith.constant 40 : i32
    %mul3A_8 = arith.muli %add3A, %mul3A_7 : i32
    "tpu.region"() ({
      %run_scoped3A = tpu.sem_alloc : memref<!tpu.dma_semaphore, #tpu.memory_space<semaphore_mem>>
      %dma_start3A_92 = arith.constant 0 : i32
      %dma_start3A_93 = tpu.memref_slice %arg5[%mul3A_8, %dma_start3A_92] : memref<1280x128xi32, #tpu.memory_space<hbm>> -> memref<40x128xi32, #tpu.memory_space<hbm>>
      %dma_start3A_94 = arith.constant 0 : i32
      %dma_start3A_95 = tpu.memref_slice %arg5[%mul3A_8, %dma_start3A_94] : memref<1280x128xi32, #tpu.memory_space<hbm>> -> memref<40x128xi32, #tpu.memory_space<hbm>>
      tpu.enqueue_dma source(%dma_start3A_95 : memref<40x128xi32, #tpu.memory_space<hbm>>) target(%arg8 : memref<40x128xi32, #tpu.memory_space<vmem>>) target_semaphore(%run_scoped3A : memref<!tpu.dma_semaphore, #tpu.memory_space<semaphore_mem>>)
      %dma_wait3A_96 = arith.constant 0 : i32
      %dma_wait3A_97 = tpu.memref_slice %arg5[%mul3A_8, %dma_wait3A_96] : memref<1280x128xi32, #tpu.memory_space<hbm>> -> memref<40x128xi32, #tpu.memory_space<hbm>>
      %dma_wait3A_98 = arith.constant 0 : i32
      %dma_wait3A_99 = tpu.memref_slice %arg5[%mul3A_8, %dma_wait3A_98] : memref<1280x128xi32, #tpu.memory_space<hbm>> -> memref<40x128xi32, #tpu.memory_space<hbm>>
      tpu.wait_dma2 semaphore(%run_scoped3A : memref<!tpu.dma_semaphore, #tpu.memory_space<semaphore_mem>>) src(%dma_wait3A_99 : memref<40x128xi32, #tpu.memory_space<hbm>>) dst(%arg8 : memref<40x128xi32, #tpu.memory_space<vmem>>)
      tpu.yield
    }) : () -> ()
    %dma_start3A = arith.constant 0 : i32
    %dma_start3A_9 = arith.constant 0 : i32
    %dma_start3A_10 = tpu.memref_slice %arg7[%dma_start3A, %dma_start3A_9] : memref<40x128xi32, #tpu.memory_space<vmem>> -> memref<1x128xi32, #tpu.memory_space<vmem>>
    %dma_start3A_11 = tpu.memref_squeeze %dma_start3A_10 : memref<1x128xi32, #tpu.memory_space<vmem>> -> memref<128xi32, #tpu.memory_space<vmem>>
    %dma_start3A_12 = arith.constant 0 : i32
    %dma_start3A_13 = arith.constant 0 : i32
    %dma_start3A_14 = tpu.memref_slice %arg2[%dma_start3A_12, %dma_start3A_13] : memref<10000x128xf32, #tpu.memory_space<hbm>> -> memref<10000x128xf32, #tpu.memory_space<hbm>>
    tpu.enqueue_indirect_dma source(%dma_start3A_14 : memref<10000x128xf32, #tpu.memory_space<hbm>>) target(%arg9 : memref<128x128xf32, #tpu.memory_space<vmem>>) offsets(%dma_start3A_11 : memref<128xi32, #tpu.memory_space<vmem>>) semaphore(%arg11 : memref<!tpu.dma_semaphore, #tpu.memory_space<semaphore_mem>>)
    %dma_wait3A = arith.constant 0 : i32
    %dma_wait3A_15 = arith.constant 0 : i32
    %dma_wait3A_16 = tpu.memref_slice %arg7[%dma_wait3A, %dma_wait3A_15] : memref<40x128xi32, #tpu.memory_space<vmem>> -> memref<1x128xi32, #tpu.memory_space<vmem>>
    %dma_wait3A_17 = tpu.memref_squeeze %dma_wait3A_16 : memref<1x128xi32, #tpu.memory_space<vmem>> -> memref<128xi32, #tpu.memory_space<vmem>>
    %dma_wait3A_18 = arith.constant 0 : i32
    %dma_wait3A_19 = arith.constant 0 : i32
    %dma_wait3A_20 = tpu.memref_slice %arg2[%dma_wait3A_18, %dma_wait3A_19] : memref<10000x128xf32, #tpu.memory_space<hbm>> -> memref<10000x128xf32, #tpu.memory_space<hbm>>
    tpu.wait_indirect_dma semaphore(%arg11 : memref<!tpu.dma_semaphore, #tpu.memory_space<semaphore_mem>>) src(%dma_wait3A_20 : memref<10000x128xf32, #tpu.memory_space<hbm>>) dst(%arg9 : memref<128x128xf32, #tpu.memory_space<vmem>>)
    %dma_start3A_21 = arith.constant 0 : i32
    %dma_start3A_22 = arith.constant 0 : i32
    %dma_start3A_23 = tpu.memref_slice %arg8[%dma_start3A_21, %dma_start3A_22] : memref<40x128xi32, #tpu.memory_space<vmem>> -> memref<1x128xi32, #tpu.memory_space<vmem>>
    %dma_start3A_24 = tpu.memref_squeeze %dma_start3A_23 : memref<1x128xi32, #tpu.memory_space<vmem>> -> memref<128xi32, #tpu.memory_space<vmem>>
    %dma_start3A_25 = arith.constant 0 : i32
    %dma_start3A_26 = arith.constant 0 : i32
    %dma_start3A_27 = tpu.memref_slice %arg3[%dma_start3A_25, %dma_start3A_26] : memref<10000x128xf32, #tpu.memory_space<hbm>> -> memref<10000x128xf32, #tpu.memory_space<hbm>>
    tpu.enqueue_indirect_dma source(%dma_start3A_27 : memref<10000x128xf32, #tpu.memory_space<hbm>>) target(%arg9 : memref<128x128xf32, #tpu.memory_space<vmem>>) offsets(%dma_start3A_24 : memref<128xi32, #tpu.memory_space<vmem>>) semaphore(%arg12 : memref<!tpu.dma_semaphore, #tpu.memory_space<semaphore_mem>>) {add = true}
    %dma_start3A_28 = arith.constant 1 : i32
    %dma_start3A_29 = arith.constant 0 : i32
    %dma_start3A_30 = tpu.memref_slice %arg7[%dma_start3A_28, %dma_start3A_29] : memref<40x128xi32, #tpu.memory_space<vmem>> -> memref<1x128xi32, #tpu.memory_space<vmem>>
    %dma_start3A_31 = tpu.memref_squeeze %dma_start3A_30 : memref<1x128xi32, #tpu.memory_space<vmem>> -> memref<128xi32, #tpu.memory_space<vmem>>
    %dma_start3A_32 = arith.constant 0 : i32
    %dma_start3A_33 = arith.constant 0 : i32
    %dma_start3A_34 = tpu.memref_slice %arg2[%dma_start3A_32, %dma_start3A_33] : memref<10000x128xf32, #tpu.memory_space<hbm>> -> memref<10000x128xf32, #tpu.memory_space<hbm>>
    tpu.enqueue_indirect_dma source(%dma_start3A_34 : memref<10000x128xf32, #tpu.memory_space<hbm>>) target(%arg10 : memref<128x128xf32, #tpu.memory_space<vmem>>) offsets(%dma_start3A_31 : memref<128xi32, #tpu.memory_space<vmem>>) semaphore(%arg14 : memref<!tpu.dma_semaphore, #tpu.memory_space<semaphore_mem>>)
    %scan3A = arith.constant 0 : i32
    %scan3A_35 = arith.constant 1 : i32
    %scan3A_36 = arith.constant 19 : i32
    %scan3A_37 = arith.addi %scan3A_35, %scan3A_36 : i32
    %scan3A_38 = arith.constant 1 : i32
    scf.for %scan3A_92 = %scan3A_35 to %scan3A_37 step %scan3A_38  : i32 {
      %mul3A_93 = arith.constant 2 : i32
      %mul3A_94 = arith.muli %mul3A_93, %scan3A_92 : i32
      %sub3A = arith.constant 2 : i32
      %sub3A_95 = arith.subi %mul3A_94, %sub3A : i32
      %dma_wait3A_96 = arith.constant 0 : i32
      %dma_wait3A_97 = tpu.memref_slice %arg8[%sub3A_95, %dma_wait3A_96] : memref<40x128xi32, #tpu.memory_space<vmem>> -> memref<1x128xi32, #tpu.memory_space<vmem>>
      %dma_wait3A_98 = tpu.memref_squeeze %dma_wait3A_97 : memref<1x128xi32, #tpu.memory_space<vmem>> -> memref<128xi32, #tpu.memory_space<vmem>>
      %dma_wait3A_99 = arith.constant 0 : i32
      %dma_wait3A_100 = arith.constant 0 : i32
      %dma_wait3A_101 = tpu.memref_slice %arg3[%dma_wait3A_99, %dma_wait3A_100] : memref<10000x128xf32, #tpu.memory_space<hbm>> -> memref<10000x128xf32, #tpu.memory_space<hbm>>
      tpu.wait_indirect_dma semaphore(%arg12 : memref<!tpu.dma_semaphore, #tpu.memory_space<semaphore_mem>>) src(%dma_wait3A_101 : memref<10000x128xf32, #tpu.memory_space<hbm>>) dst(%arg9 : memref<128x128xf32, #tpu.memory_space<vmem>>)
      %sub3A_102 = arith.constant 2 : i32
      %sub3A_103 = arith.subi %mul3A_94, %sub3A_102 : i32
      %mul3A_104 = arith.constant 128 : i32
      %mul3A_105 = arith.muli %sub3A_103, %mul3A_104 : i32
      %add3A_106 = arith.addi %mul3A_4, %mul3A_105 : i32
      %dma_start3A_107 = arith.constant 0 : i32
      %dma_start3A_108 = tpu.memref_slice %arg6[%add3A_106, %dma_start3A_107] : memref<163840x128xf32, #tpu.memory_space<hbm>> -> memref<128x128xf32, #tpu.memory_space<hbm>>
      %dma_start3A_109 = arith.constant 0 : i32
      %dma_start3A_110 = tpu.memref_slice %arg6[%add3A_106, %dma_start3A_109] : memref<163840x128xf32, #tpu.memory_space<hbm>> -> memref<128x128xf32, #tpu.memory_space<hbm>>
      tpu.enqueue_dma source(%arg9 : memref<128x128xf32, #tpu.memory_space<vmem>>) target(%dma_start3A_110 : memref<128x128xf32, #tpu.memory_space<hbm>>) target_semaphore(%arg13 : memref<!tpu.dma_semaphore, #tpu.memory_space<semaphore_mem>>)
      %sub3A_111 = arith.constant 1 : i32
      %sub3A_112 = arith.subi %mul3A_94, %sub3A_111 : i32
      %dma_wait3A_113 = arith.constant 0 : i32
      %dma_wait3A_114 = tpu.memref_slice %arg7[%sub3A_112, %dma_wait3A_113] : memref<40x128xi32, #tpu.memory_space<vmem>> -> memref<1x128xi32, #tpu.memory_space<vmem>>
      %dma_wait3A_115 = tpu.memref_squeeze %dma_wait3A_114 : memref<1x128xi32, #tpu.memory_space<vmem>> -> memref<128xi32, #tpu.memory_space<vmem>>
      %dma_wait3A_116 = arith.constant 0 : i32
      %dma_wait3A_117 = arith.constant 0 : i32
      %dma_wait3A_118 = tpu.memref_slice %arg2[%dma_wait3A_116, %dma_wait3A_117] : memref<10000x128xf32, #tpu.memory_space<hbm>> -> memref<10000x128xf32, #tpu.memory_space<hbm>>
      tpu.wait_indirect_dma semaphore(%arg14 : memref<!tpu.dma_semaphore, #tpu.memory_space<semaphore_mem>>) src(%dma_wait3A_118 : memref<10000x128xf32, #tpu.memory_space<hbm>>) dst(%arg10 : memref<128x128xf32, #tpu.memory_space<vmem>>)
      %sub3A_119 = arith.constant 1 : i32
      %sub3A_120 = arith.subi %mul3A_94, %sub3A_119 : i32
      %dma_start3A_121 = arith.constant 0 : i32
      %dma_start3A_122 = tpu.memref_slice %arg8[%sub3A_120, %dma_start3A_121] : memref<40x128xi32, #tpu.memory_space<vmem>> -> memref<1x128xi32, #tpu.memory_space<vmem>>
      %dma_start3A_123 = tpu.memref_squeeze %dma_start3A_122 : memref<1x128xi32, #tpu.memory_space<vmem>> -> memref<128xi32, #tpu.memory_space<vmem>>
      %dma_start3A_124 = arith.constant 0 : i32
      %dma_start3A_125 = arith.constant 0 : i32
      %dma_start3A_126 = tpu.memref_slice %arg3[%dma_start3A_124, %dma_start3A_125] : memref<10000x128xf32, #tpu.memory_space<hbm>> -> memref<10000x128xf32, #tpu.memory_space<hbm>>
      tpu.enqueue_indirect_dma source(%dma_start3A_126 : memref<10000x128xf32, #tpu.memory_space<hbm>>) target(%arg10 : memref<128x128xf32, #tpu.memory_space<vmem>>) offsets(%dma_start3A_123 : memref<128xi32, #tpu.memory_space<vmem>>) semaphore(%arg15 : memref<!tpu.dma_semaphore, #tpu.memory_space<semaphore_mem>>) {add = true}
      %sub3A_127 = arith.constant 2 : i32
      %sub3A_128 = arith.subi %mul3A_94, %sub3A_127 : i32
      %mul3A_129 = arith.constant 128 : i32
      %mul3A_130 = arith.muli %sub3A_128, %mul3A_129 : i32
      %add3A_131 = arith.addi %mul3A_4, %mul3A_130 : i32
      %dma_wait3A_132 = arith.constant 0 : i32
      %dma_wait3A_133 = tpu.memref_slice %arg6[%add3A_131, %dma_wait3A_132] : memref<163840x128xf32, #tpu.memory_space<hbm>> -> memref<128x128xf32, #tpu.memory_space<hbm>>
      %dma_wait3A_134 = arith.constant 0 : i32
      %dma_wait3A_135 = tpu.memref_slice %arg6[%add3A_131, %dma_wait3A_134] : memref<163840x128xf32, #tpu.memory_space<hbm>> -> memref<128x128xf32, #tpu.memory_space<hbm>>
      tpu.wait_dma2 semaphore(%arg13 : memref<!tpu.dma_semaphore, #tpu.memory_space<semaphore_mem>>) src(%arg9 : memref<128x128xf32, #tpu.memory_space<vmem>>) dst(%dma_wait3A_135 : memref<128x128xf32, #tpu.memory_space<hbm>>)
      %dma_start3A_136 = arith.constant 0 : i32
      %dma_start3A_137 = tpu.memref_slice %arg7[%mul3A_94, %dma_start3A_136] : memref<40x128xi32, #tpu.memory_space<vmem>> -> memref<1x128xi32, #tpu.memory_space<vmem>>
      %dma_start3A_138 = tpu.memref_squeeze %dma_start3A_137 : memref<1x128xi32, #tpu.memory_space<vmem>> -> memref<128xi32, #tpu.memory_space<vmem>>
      %dma_start3A_139 = arith.constant 0 : i32
      %dma_start3A_140 = arith.constant 0 : i32
      %dma_start3A_141 = tpu.memref_slice %arg2[%dma_start3A_139, %dma_start3A_140] : memref<10000x128xf32, #tpu.memory_space<hbm>> -> memref<10000x128xf32, #tpu.memory_space<hbm>>
      tpu.enqueue_indirect_dma source(%dma_start3A_141 : memref<10000x128xf32, #tpu.memory_space<hbm>>) target(%arg9 : memref<128x128xf32, #tpu.memory_space<vmem>>) offsets(%dma_start3A_138 : memref<128xi32, #tpu.memory_space<vmem>>) semaphore(%arg11 : memref<!tpu.dma_semaphore, #tpu.memory_space<semaphore_mem>>)
      %sub3A_142 = arith.constant 1 : i32
      %sub3A_143 = arith.subi %mul3A_94, %sub3A_142 : i32
      %dma_wait3A_144 = arith.constant 0 : i32
      %dma_wait3A_145 = tpu.memref_slice %arg8[%sub3A_143, %dma_wait3A_144] : memref<40x128xi32, #tpu.memory_space<vmem>> -> memref<1x128xi32, #tpu.memory_space<vmem>>
      %dma_wait3A_146 = tpu.memref_squeeze %dma_wait3A_145 : memref<1x128xi32, #tpu.memory_space<vmem>> -> memref<128xi32, #tpu.memory_space<vmem>>
      %dma_wait3A_147 = arith.constant 0 : i32
      %dma_wait3A_148 = arith.constant 0 : i32
      %dma_wait3A_149 = tpu.memref_slice %arg3[%dma_wait3A_147, %dma_wait3A_148] : memref<10000x128xf32, #tpu.memory_space<hbm>> -> memref<10000x128xf32, #tpu.memory_space<hbm>>
      tpu.wait_indirect_dma semaphore(%arg15 : memref<!tpu.dma_semaphore, #tpu.memory_space<semaphore_mem>>) src(%dma_wait3A_149 : memref<10000x128xf32, #tpu.memory_space<hbm>>) dst(%arg10 : memref<128x128xf32, #tpu.memory_space<vmem>>)
      %sub3A_150 = arith.constant 1 : i32
      %sub3A_151 = arith.subi %mul3A_94, %sub3A_150 : i32
      %mul3A_152 = arith.constant 128 : i32
      %mul3A_153 = arith.muli %sub3A_151, %mul3A_152 : i32
      %add3A_154 = arith.addi %mul3A_4, %mul3A_153 : i32
      %dma_start3A_155 = arith.constant 0 : i32
      %dma_start3A_156 = tpu.memref_slice %arg6[%add3A_154, %dma_start3A_155] : memref<163840x128xf32, #tpu.memory_space<hbm>> -> memref<128x128xf32, #tpu.memory_space<hbm>>
      %dma_start3A_157 = arith.constant 0 : i32
      %dma_start3A_158 = tpu.memref_slice %arg6[%add3A_154, %dma_start3A_157] : memref<163840x128xf32, #tpu.memory_space<hbm>> -> memref<128x128xf32, #tpu.memory_space<hbm>>
      tpu.enqueue_dma source(%arg10 : memref<128x128xf32, #tpu.memory_space<vmem>>) target(%dma_start3A_158 : memref<128x128xf32, #tpu.memory_space<hbm>>) target_semaphore(%arg16 : memref<!tpu.dma_semaphore, #tpu.memory_space<semaphore_mem>>)
      %dma_wait3A_159 = arith.constant 0 : i32
      %dma_wait3A_160 = tpu.memref_slice %arg7[%mul3A_94, %dma_wait3A_159] : memref<40x128xi32, #tpu.memory_space<vmem>> -> memref<1x128xi32, #tpu.memory_space<vmem>>
      %dma_wait3A_161 = tpu.memref_squeeze %dma_wait3A_160 : memref<1x128xi32, #tpu.memory_space<vmem>> -> memref<128xi32, #tpu.memory_space<vmem>>
      %dma_wait3A_162 = arith.constant 0 : i32
      %dma_wait3A_163 = arith.constant 0 : i32
      %dma_wait3A_164 = tpu.memref_slice %arg2[%dma_wait3A_162, %dma_wait3A_163] : memref<10000x128xf32, #tpu.memory_space<hbm>> -> memref<10000x128xf32, #tpu.memory_space<hbm>>
      tpu.wait_indirect_dma semaphore(%arg11 : memref<!tpu.dma_semaphore, #tpu.memory_space<semaphore_mem>>) src(%dma_wait3A_164 : memref<10000x128xf32, #tpu.memory_space<hbm>>) dst(%arg9 : memref<128x128xf32, #tpu.memory_space<vmem>>)
      %dma_start3A_165 = arith.constant 0 : i32
      %dma_start3A_166 = tpu.memref_slice %arg8[%mul3A_94, %dma_start3A_165] : memref<40x128xi32, #tpu.memory_space<vmem>> -> memref<1x128xi32, #tpu.memory_space<vmem>>
      %dma_start3A_167 = tpu.memref_squeeze %dma_start3A_166 : memref<1x128xi32, #tpu.memory_space<vmem>> -> memref<128xi32, #tpu.memory_space<vmem>>
      %dma_start3A_168 = arith.constant 0 : i32
      %dma_start3A_169 = arith.constant 0 : i32
      %dma_start3A_170 = tpu.memref_slice %arg3[%dma_start3A_168, %dma_start3A_169] : memref<10000x128xf32, #tpu.memory_space<hbm>> -> memref<10000x128xf32, #tpu.memory_space<hbm>>
      tpu.enqueue_indirect_dma source(%dma_start3A_170 : memref<10000x128xf32, #tpu.memory_space<hbm>>) target(%arg9 : memref<128x128xf32, #tpu.memory_space<vmem>>) offsets(%dma_start3A_167 : memref<128xi32, #tpu.memory_space<vmem>>) semaphore(%arg12 : memref<!tpu.dma_semaphore, #tpu.memory_space<semaphore_mem>>) {add = true}
      %sub3A_171 = arith.constant 1 : i32
      %sub3A_172 = arith.subi %mul3A_94, %sub3A_171 : i32
      %mul3A_173 = arith.constant 128 : i32
      %mul3A_174 = arith.muli %sub3A_172, %mul3A_173 : i32
      %add3A_175 = arith.addi %mul3A_4, %mul3A_174 : i32
      %dma_wait3A_176 = arith.constant 0 : i32
      %dma_wait3A_177 = tpu.memref_slice %arg6[%add3A_175, %dma_wait3A_176] : memref<163840x128xf32, #tpu.memory_space<hbm>> -> memref<128x128xf32, #tpu.memory_space<hbm>>
      %dma_wait3A_178 = arith.constant 0 : i32
      %dma_wait3A_179 = tpu.memref_slice %arg6[%add3A_175, %dma_wait3A_178] : memref<163840x128xf32, #tpu.memory_space<hbm>> -> memref<128x128xf32, #tpu.memory_space<hbm>>
      tpu.wait_dma2 semaphore(%arg16 : memref<!tpu.dma_semaphore, #tpu.memory_space<semaphore_mem>>) src(%arg10 : memref<128x128xf32, #tpu.memory_space<vmem>>) dst(%dma_wait3A_179 : memref<128x128xf32, #tpu.memory_space<hbm>>)
      %add3A_180 = arith.constant 1 : i32
      %add3A_181 = arith.addi %mul3A_94, %add3A_180 : i32
      %dma_start3A_182 = arith.constant 0 : i32
      %dma_start3A_183 = tpu.memref_slice %arg7[%add3A_181, %dma_start3A_182] : memref<40x128xi32, #tpu.memory_space<vmem>> -> memref<1x128xi32, #tpu.memory_space<vmem>>
      %dma_start3A_184 = tpu.memref_squeeze %dma_start3A_183 : memref<1x128xi32, #tpu.memory_space<vmem>> -> memref<128xi32, #tpu.memory_space<vmem>>
      %dma_start3A_185 = arith.constant 0 : i32
      %dma_start3A_186 = arith.constant 0 : i32
      %dma_start3A_187 = tpu.memref_slice %arg2[%dma_start3A_185, %dma_start3A_186] : memref<10000x128xf32, #tpu.memory_space<hbm>> -> memref<10000x128xf32, #tpu.memory_space<hbm>>
      tpu.enqueue_indirect_dma source(%dma_start3A_187 : memref<10000x128xf32, #tpu.memory_space<hbm>>) target(%arg10 : memref<128x128xf32, #tpu.memory_space<vmem>>) offsets(%dma_start3A_184 : memref<128xi32, #tpu.memory_space<vmem>>) semaphore(%arg14 : memref<!tpu.dma_semaphore, #tpu.memory_space<semaphore_mem>>)
    }
    %scan3A_39 = arith.constant 19 : i32
    %dma_wait3A_40 = arith.constant 38 : i32
    %dma_wait3A_41 = arith.constant 0 : i32
    %dma_wait3A_42 = tpu.memref_slice %arg8[%dma_wait3A_40, %dma_wait3A_41] : memref<40x128xi32, #tpu.memory_space<vmem>> -> memref<1x128xi32, #tpu.memory_space<vmem>>
    %dma_wait3A_43 = tpu.memref_squeeze %dma_wait3A_42 : memref<1x128xi32, #tpu.memory_space<vmem>> -> memref<128xi32, #tpu.memory_space<vmem>>
    %dma_wait3A_44 = arith.constant 0 : i32
    %dma_wait3A_45 = arith.constant 0 : i32
    %dma_wait3A_46 = tpu.memref_slice %arg3[%dma_wait3A_44, %dma_wait3A_45] : memref<10000x128xf32, #tpu.memory_space<hbm>> -> memref<10000x128xf32, #tpu.memory_space<hbm>>
    tpu.wait_indirect_dma semaphore(%arg12 : memref<!tpu.dma_semaphore, #tpu.memory_space<semaphore_mem>>) src(%dma_wait3A_46 : memref<10000x128xf32, #tpu.memory_space<hbm>>) dst(%arg9 : memref<128x128xf32, #tpu.memory_space<vmem>>)
    %add3A_47 = arith.constant 4864 : i32
    %add3A_48 = arith.addi %mul3A_4, %add3A_47 : i32
    %dma_start3A_49 = arith.constant 0 : i32
    %dma_start3A_50 = tpu.memref_slice %arg6[%add3A_48, %dma_start3A_49] : memref<163840x128xf32, #tpu.memory_space<hbm>> -> memref<128x128xf32, #tpu.memory_space<hbm>>
    %dma_start3A_51 = arith.constant 0 : i32
    %dma_start3A_52 = tpu.memref_slice %arg6[%add3A_48, %dma_start3A_51] : memref<163840x128xf32, #tpu.memory_space<hbm>> -> memref<128x128xf32, #tpu.memory_space<hbm>>
    tpu.enqueue_dma source(%arg9 : memref<128x128xf32, #tpu.memory_space<vmem>>) target(%dma_start3A_52 : memref<128x128xf32, #tpu.memory_space<hbm>>) target_semaphore(%arg13 : memref<!tpu.dma_semaphore, #tpu.memory_space<semaphore_mem>>)
    %dma_wait3A_53 = arith.constant 39 : i32
    %dma_wait3A_54 = arith.constant 0 : i32
    %dma_wait3A_55 = tpu.memref_slice %arg7[%dma_wait3A_53, %dma_wait3A_54] : memref<40x128xi32, #tpu.memory_space<vmem>> -> memref<1x128xi32, #tpu.memory_space<vmem>>
    %dma_wait3A_56 = tpu.memref_squeeze %dma_wait3A_55 : memref<1x128xi32, #tpu.memory_space<vmem>> -> memref<128xi32, #tpu.memory_space<vmem>>
    %dma_wait3A_57 = arith.constant 0 : i32
    %dma_wait3A_58 = arith.constant 0 : i32
    %dma_wait3A_59 = tpu.memref_slice %arg2[%dma_wait3A_57, %dma_wait3A_58] : memref<10000x128xf32, #tpu.memory_space<hbm>> -> memref<10000x128xf32, #tpu.memory_space<hbm>>
    tpu.wait_indirect_dma semaphore(%arg14 : memref<!tpu.dma_semaphore, #tpu.memory_space<semaphore_mem>>) src(%dma_wait3A_59 : memref<10000x128xf32, #tpu.memory_space<hbm>>) dst(%arg10 : memref<128x128xf32, #tpu.memory_space<vmem>>)
    %dma_start3A_60 = arith.constant 39 : i32
    %dma_start3A_61 = arith.constant 0 : i32
    %dma_start3A_62 = tpu.memref_slice %arg8[%dma_start3A_60, %dma_start3A_61] : memref<40x128xi32, #tpu.memory_space<vmem>> -> memref<1x128xi32, #tpu.memory_space<vmem>>
    %dma_start3A_63 = tpu.memref_squeeze %dma_start3A_62 : memref<1x128xi32, #tpu.memory_space<vmem>> -> memref<128xi32, #tpu.memory_space<vmem>>
    %dma_start3A_64 = arith.constant 0 : i32
    %dma_start3A_65 = arith.constant 0 : i32
    %dma_start3A_66 = tpu.memref_slice %arg3[%dma_start3A_64, %dma_start3A_65] : memref<10000x128xf32, #tpu.memory_space<hbm>> -> memref<10000x128xf32, #tpu.memory_space<hbm>>
    tpu.enqueue_indirect_dma source(%dma_start3A_66 : memref<10000x128xf32, #tpu.memory_space<hbm>>) target(%arg10 : memref<128x128xf32, #tpu.memory_space<vmem>>) offsets(%dma_start3A_63 : memref<128xi32, #tpu.memory_space<vmem>>) semaphore(%arg15 : memref<!tpu.dma_semaphore, #tpu.memory_space<semaphore_mem>>) {add = true}
    %dma_wait3A_67 = arith.constant 39 : i32
    %dma_wait3A_68 = arith.constant 0 : i32
    %dma_wait3A_69 = tpu.memref_slice %arg8[%dma_wait3A_67, %dma_wait3A_68] : memref<40x128xi32, #tpu.memory_space<vmem>> -> memref<1x128xi32, #tpu.memory_space<vmem>>
    %dma_wait3A_70 = tpu.memref_squeeze %dma_wait3A_69 : memref<1x128xi32, #tpu.memory_space<vmem>> -> memref<128xi32, #tpu.memory_space<vmem>>
    %dma_wait3A_71 = arith.constant 0 : i32
    %dma_wait3A_72 = arith.constant 0 : i32
    %dma_wait3A_73 = tpu.memref_slice %arg3[%dma_wait3A_71, %dma_wait3A_72] : memref<10000x128xf32, #tpu.memory_space<hbm>> -> memref<10000x128xf32, #tpu.memory_space<hbm>>
    tpu.wait_indirect_dma semaphore(%arg15 : memref<!tpu.dma_semaphore, #tpu.memory_space<semaphore_mem>>) src(%dma_wait3A_73 : memref<10000x128xf32, #tpu.memory_space<hbm>>) dst(%arg10 : memref<128x128xf32, #tpu.memory_space<vmem>>)
    %add3A_74 = arith.constant 4992 : i32
    %add3A_75 = arith.addi %mul3A_4, %add3A_74 : i32
    %dma_start3A_76 = arith.constant 0 : i32
    %dma_start3A_77 = tpu.memref_slice %arg6[%add3A_75, %dma_start3A_76] : memref<163840x128xf32, #tpu.memory_space<hbm>> -> memref<128x128xf32, #tpu.memory_space<hbm>>
    %dma_start3A_78 = arith.constant 0 : i32
    %dma_start3A_79 = tpu.memref_slice %arg6[%add3A_75, %dma_start3A_78] : memref<163840x128xf32, #tpu.memory_space<hbm>> -> memref<128x128xf32, #tpu.memory_space<hbm>>
    tpu.enqueue_dma source(%arg10 : memref<128x128xf32, #tpu.memory_space<vmem>>) target(%dma_start3A_79 : memref<128x128xf32, #tpu.memory_space<hbm>>) target_semaphore(%arg16 : memref<!tpu.dma_semaphore, #tpu.memory_space<semaphore_mem>>)
    %add3A_80 = arith.constant 4864 : i32
    %add3A_81 = arith.addi %mul3A_4, %add3A_80 : i32
    %dma_wait3A_82 = arith.constant 0 : i32
    %dma_wait3A_83 = tpu.memref_slice %arg6[%add3A_81, %dma_wait3A_82] : memref<163840x128xf32, #tpu.memory_space<hbm>> -> memref<128x128xf32, #tpu.memory_space<hbm>>
    %dma_wait3A_84 = arith.constant 0 : i32
    %dma_wait3A_85 = tpu.memref_slice %arg6[%add3A_81, %dma_wait3A_84] : memref<163840x128xf32, #tpu.memory_space<hbm>> -> memref<128x128xf32, #tpu.memory_space<hbm>>
    tpu.wait_dma2 semaphore(%arg13 : memref<!tpu.dma_semaphore, #tpu.memory_space<semaphore_mem>>) src(%arg9 : memref<128x128xf32, #tpu.memory_space<vmem>>) dst(%dma_wait3A_85 : memref<128x128xf32, #tpu.memory_space<hbm>>)
    %add3A_86 = arith.constant 4992 : i32
    %add3A_87 = arith.addi %mul3A_4, %add3A_86 : i32
    %dma_wait3A_88 = arith.constant 0 : i32
    %dma_wait3A_89 = tpu.memref_slice %arg6[%add3A_87, %dma_wait3A_88] : memref<163840x128xf32, #tpu.memory_space<hbm>> -> memref<128x128xf32, #tpu.memory_space<hbm>>
    %dma_wait3A_90 = arith.constant 0 : i32
    %dma_wait3A_91 = tpu.memref_slice %arg6[%add3A_87, %dma_wait3A_90] : memref<163840x128xf32, #tpu.memory_space<hbm>> -> memref<128x128xf32, #tpu.memory_space<hbm>>
    tpu.wait_dma2 semaphore(%arg16 : memref<!tpu.dma_semaphore, #tpu.memory_space<semaphore_mem>>) src(%arg10 : memref<128x128xf32, #tpu.memory_space<vmem>>) dst(%dma_wait3A_91 : memref<128x128xf32, #tpu.memory_space<hbm>>)
    return
  }
}

module attributes {stable_mosaic.version = 14 : i64} {
  func.func @_scale_body(%arg0: i32, %arg1: memref<2000x128xf32, #tpu.memory_space<vmem>>, %arg2: memref<2x2000x128xf32, #tpu.memory_space<vmem>>, %arg3: memref<2000x128xf32, #tpu.memory_space<vmem>>) attributes {dimension_semantics = [#tpu.dimension_semantics<arbitrary>], iteration_bounds = array<i64: 5>, scalar_prefetch = 0 : i64, scratch_operands = 0 : i64, tpu.core_type = #tpu.core_type<tc>, window_params = [{transform_indices = @transform_0, window_bounds = array<i64: 2000, 128>}, {transform_indices = @transform_1, window_bounds = array<i64: 2, 2000, 128>}, {transform_indices = @transform_2, window_bounds = array<i64: 2000, 128>}]} {
    %get3A = arith.constant 0 : index
    %get3A_0 = arith.constant 0 : index
    %get3A_1 = arith.constant 0 : index
    %get3A_2 = vector.load %arg2[%get3A, %get3A_0, %get3A_1] : memref<2x2000x128xf32, #tpu.memory_space<vmem>>, vector<1x2000x1xf32>
    %get3A_3 = vector.shape_cast %get3A_2 : vector<1x2000x1xf32> to vector<2000x1xf32>
    %get3A_4 = arith.constant 1 : index
    %get3A_5 = arith.constant 0 : index
    %get3A_6 = arith.constant 0 : index
    %get3A_7 = vector.load %arg2[%get3A_4, %get3A_5, %get3A_6] : memref<2x2000x128xf32, #tpu.memory_space<vmem>>, vector<1x2000x1xf32>
    %get3A_8 = vector.shape_cast %get3A_7 : vector<1x2000x1xf32> to vector<2000x1xf32>
    %add3A = arith.addf %get3A_3, %get3A_8 : vector<2000x1xf32>
    %add3A_9 = arith.constant 1.000000e+00 : f32
    %add3A_10 = vector.broadcast %add3A_9 : f32 to vector<2000x1xf32>
    %add3A_11 = arith.addf %add3A, %add3A_10 : vector<2000x1xf32>
    %rsqrt3A = math.rsqrt %add3A_11 : vector<2000x1xf32>
    %get3A_12 = arith.constant 0 : index
    %get3A_13 = arith.constant 0 : index
    %get3A_14 = vector.load %arg1[%get3A_12, %get3A_13] : memref<2000x128xf32, #tpu.memory_space<vmem>>, vector<2000x128xf32>
    %mul3A = vector.broadcast %rsqrt3A : vector<2000x1xf32> to vector<2000x128xf32>
    %mul3A_15 = arith.mulf %get3A_14, %mul3A : vector<2000x128xf32>
    %swap3A = arith.constant 0 : index
    %swap3A_16 = arith.constant 0 : index
    %swap3A_17 = vector.load %arg3[%swap3A, %swap3A_16] : memref<2000x128xf32, #tpu.memory_space<vmem>>, vector<2000x128xf32>
    tpu.vector_store %arg3[%swap3A, %swap3A_16], %mul3A_15 {strides = array<i32>} : memref<2000x128xf32, #tpu.memory_space<vmem>>, vector<2000x128xf32>,
    return
  }
  func.func @transform_0(%arg0: i32) -> (i32, i32) {
    %c0_i32 = arith.constant 0 : i32
    %c0_i32_0 = arith.constant 0 : i32
    return %arg0, %c0_i32 : i32, i32
  }
  func.func @transform_1(%arg0: i32) -> (i32, i32, i32) {
    %c0_i32 = arith.constant 0 : i32
    %c0_i32_0 = arith.constant 0 : i32
    %c0_i32_1 = arith.constant 0 : i32
    return %c0_i32, %arg0, %c0_i32_0 : i32, i32, i32
  }
  func.func @transform_2(%arg0: i32) -> (i32, i32) {
    %c0_i32 = arith.constant 0 : i32
    %c0_i32_0 = arith.constant 0 : i32
    return %arg0, %c0_i32 : i32, i32
  }
}

module attributes {stable_mosaic.version = 14 : i64} {
  func.func @_mm_body(%arg0: i32, %arg1: memref<2000x128xf32, #tpu.memory_space<vmem>>, %arg2: memref<128x128xf32, #tpu.memory_space<vmem>>, %arg3: memref<2000x128xf32, #tpu.memory_space<vmem>>) attributes {dimension_semantics = [#tpu.dimension_semantics<arbitrary>], iteration_bounds = array<i64: 5>, scalar_prefetch = 0 : i64, scratch_operands = 0 : i64, tpu.core_type = #tpu.core_type<tc>, window_params = [{transform_indices = @transform_0, window_bounds = array<i64: 2000, 128>}, {pipeline_mode = #tpu.pipeline_mode<synchronous>, transform_indices = @transform_1, window_bounds = array<i64: 128, 128>}, {transform_indices = @transform_2, window_bounds = array<i64: 2000, 128>}]} {
    %get3A = arith.constant 0 : index
    %get3A_0 = arith.constant 0 : index
    %get3A_1 = vector.load %arg1[%get3A, %get3A_0] : memref<2000x128xf32, #tpu.memory_space<vmem>>, vector<2000x128xf32>
    %get3A_2 = arith.constant 0 : index
    %get3A_3 = arith.constant 0 : index
    %get3A_4 = vector.load %arg2[%get3A_2, %get3A_3] : memref<128x128xf32, #tpu.memory_space<vmem>>, vector<128x128xf32>
    %dot_general3A = arith.constant dense<0.000000e+00> : vector<2000x128xf32>
    %dot_general3A_5 = tpu.matmul %get3A_1, %get3A_4, %dot_general3A {dimension_numbers = #tpu.dot_dimension_numbers<[1], [1], [0], [0], [0, 0, 1, 0], [], []>, transpose_lhs_hint = false} : vector<2000x128xf32>, vector<128x128xf32>, vector<2000x128xf32> -> vector<2000x128xf32>
    %swap3A = arith.constant 0 : index
    %swap3A_6 = arith.constant 0 : index
    %swap3A_7 = vector.load %arg3[%swap3A, %swap3A_6] : memref<2000x128xf32, #tpu.memory_space<vmem>>, vector<2000x128xf32>
    tpu.vector_store %arg3[%swap3A, %swap3A_6], %dot_general3A_5 {strides = array<i32>} : memref<2000x128xf32, #tpu.memory_space<vmem>>, vector<2000x128xf32>,
    return
  }
  func.func @transform_0(%arg0: i32) -> (i32, i32) {
    %c0_i32 = arith.constant 0 : i32
    %c0_i32_0 = arith.constant 0 : i32
    return %arg0, %c0_i32 : i32, i32
  }
  func.func @transform_1(%arg0: i32) -> (i32, i32) {
    %c0_i32 = arith.constant 0 : i32
    %c0_i32_0 = arith.constant 0 : i32
    %c0_i32_1 = arith.constant 0 : i32
    return %c0_i32, %c0_i32_0 : i32, i32
  }
  func.func @transform_2(%arg0: i32) -> (i32, i32) {
    %c0_i32 = arith.constant 0 : i32
    %c0_i32_0 = arith.constant 0 : i32
    return %arg0, %c0_i32 : i32, i32
  }
}

module attributes {stable_mosaic.version = 14 : i64} {
  func.func @_ln_res_body(%arg0: i32, %arg1: memref<2000x128xf32, #tpu.memory_space<vmem>>, %arg2: memref<2000x128xf32, #tpu.memory_space<vmem>>, %arg3: memref<2x2000x128xf32, #tpu.memory_space<vmem>>, %arg4: memref<2x2000x128xf32, #tpu.memory_space<vmem>>, %arg5: memref<1x128xf32, #tpu.memory_space<vmem>>, %arg6: memref<1x128xf32, #tpu.memory_space<vmem>>, %arg7: memref<1x128xf32, #tpu.memory_space<vmem>>, %arg8: memref<2000x128xf32, #tpu.memory_space<vmem>>) attributes {dimension_semantics = [#tpu.dimension_semantics<arbitrary>], iteration_bounds = array<i64: 5>, scalar_prefetch = 0 : i64, scratch_operands = 0 : i64, tpu.core_type = #tpu.core_type<tc>, window_params = [{transform_indices = @transform_0, window_bounds = array<i64: 2000, 128>}, {transform_indices = @transform_1, window_bounds = array<i64: 2000, 128>}, {transform_indices = @transform_2, window_bounds = array<i64: 2, 2000, 128>}, {transform_indices = @transform_3, window_bounds = array<i64: 2, 2000, 128>}, {pipeline_mode = #tpu.pipeline_mode<synchronous>, transform_indices = @transform_4, window_bounds = array<i64: 1, 128>}, {pipeline_mode = #tpu.pipeline_mode<synchronous>, transform_indices = @transform_5, window_bounds = array<i64: 1, 128>}, {pipeline_mode = #tpu.pipeline_mode<synchronous>, transform_indices = @transform_6, window_bounds = array<i64: 1, 128>}, {transform_indices = @transform_7, window_bounds = array<i64: 2000, 128>}]} {
    %get3A = arith.constant 0 : index
    %get3A_0 = arith.constant 0 : index
    %get3A_1 = arith.constant 0 : index
    %get3A_2 = vector.load %arg4[%get3A, %get3A_0, %get3A_1] : memref<2x2000x128xf32, #tpu.memory_space<vmem>>, vector<1x2000x1xf32>
    %get3A_3 = vector.shape_cast %get3A_2 : vector<1x2000x1xf32> to vector<2000x1xf32>
    %get3A_4 = arith.constant 1 : index
    %get3A_5 = arith.constant 0 : index
    %get3A_6 = arith.constant 0 : index
    %get3A_7 = vector.load %arg4[%get3A_4, %get3A_5, %get3A_6] : memref<2x2000x128xf32, #tpu.memory_space<vmem>>, vector<1x2000x1xf32>
    %get3A_8 = vector.shape_cast %get3A_7 : vector<1x2000x1xf32> to vector<2000x1xf32>
    %add3A = arith.addf %get3A_3, %get3A_8 : vector<2000x1xf32>
    %add3A_9 = arith.constant 1.000000e+00 : f32
    %add3A_10 = vector.broadcast %add3A_9 : f32 to vector<2000x1xf32>
    %add3A_11 = arith.addf %add3A, %add3A_10 : vector<2000x1xf32>
    %rsqrt3A = math.rsqrt %add3A_11 : vector<2000x1xf32>
    %get3A_12 = arith.constant 0 : index
    %get3A_13 = arith.constant 0 : index
    %get3A_14 = arith.constant 0 : index
    %get3A_15 = vector.load %arg3[%get3A_12, %get3A_13, %get3A_14] : memref<2x2000x128xf32, #tpu.memory_space<vmem>>, vector<1x2000x128xf32>
    %get3A_16 = vector.shape_cast %get3A_15 : vector<1x2000x128xf32> to vector<2000x128xf32>
    %get3A_17 = arith.constant 1 : index
    %get3A_18 = arith.constant 0 : index
    %get3A_19 = arith.constant 0 : index
    %get3A_20 = vector.load %arg3[%get3A_17, %get3A_18, %get3A_19] : memref<2x2000x128xf32, #tpu.memory_space<vmem>>, vector<1x2000x128xf32>
    %get3A_21 = vector.shape_cast %get3A_20 : vector<1x2000x128xf32> to vector<2000x128xf32>
    %add3A_22 = arith.addf %get3A_16, %get3A_21 : vector<2000x128xf32>
    %get3A_23 = arith.constant 0 : index
    %get3A_24 = arith.constant 0 : index
    %get3A_25 = vector.load %arg2[%get3A_23, %get3A_24] : memref<2000x128xf32, #tpu.memory_space<vmem>>, vector<2000x128xf32>
    %add3A_26 = arith.addf %add3A_22, %get3A_25 : vector<2000x128xf32>
    %get3A_27 = arith.constant 0 : index
    %get3A_28 = arith.constant 0 : index
    %get3A_29 = vector.load %arg1[%get3A_27, %get3A_28] : memref<2000x128xf32, #tpu.memory_space<vmem>>, vector<2000x128xf32>
    %mul3A = vector.broadcast %rsqrt3A : vector<2000x1xf32> to vector<2000x128xf32>
    %mul3A_30 = arith.mulf %mul3A, %add3A_26 : vector<2000x128xf32>
    %add3A_31 = arith.addf %get3A_29, %mul3A_30 : vector<2000x128xf32>
    %get3A_32 = arith.constant 0 : index
    %get3A_33 = arith.constant 0 : index
    %get3A_34 = vector.load %arg5[%get3A_32, %get3A_33] : memref<1x128xf32, #tpu.memory_space<vmem>>, vector<1x128xf32>
    %add3A_35 = vector.broadcast %get3A_34 : vector<1x128xf32> to vector<2000x128xf32>
    %add3A_36 = arith.addf %add3A_31, %add3A_35 : vector<2000x128xf32>
    %reduce_sum3A = arith.constant dense<0.000000e+00> : vector<2000xf32>
    %reduce_sum3A_37 = vector.multi_reduction <add>, %add3A_36, %reduce_sum3A [1] : vector<2000x128xf32> to vector<2000xf32>
    %broadcast_in_dim3A = vector.shape_cast %reduce_sum3A_37 : vector<2000xf32> to vector<2000x1xf32>
    %div3A = arith.constant 1.280000e+02 : f32
    %div3A_38 = vector.broadcast %div3A : f32 to vector<2000x1xf32>
    %div3A_39 = arith.divf %broadcast_in_dim3A, %div3A_38 : vector<2000x1xf32>
    %sub3A = vector.broadcast %div3A_39 : vector<2000x1xf32> to vector<2000x128xf32>
    %sub3A_40 = arith.subf %add3A_36, %sub3A : vector<2000x128xf32>
    %mul3A_41 = arith.mulf %sub3A_40, %sub3A_40 : vector<2000x128xf32>
    %reduce_sum3A_42 = arith.constant dense<0.000000e+00> : vector<2000xf32>
    %reduce_sum3A_43 = vector.multi_reduction <add>, %mul3A_41, %reduce_sum3A_42 [1] : vector<2000x128xf32> to vector<2000xf32>
    %broadcast_in_dim3A_44 = vector.shape_cast %reduce_sum3A_43 : vector<2000xf32> to vector<2000x1xf32>
    %div3A_45 = arith.constant 1.280000e+02 : f32
    %div3A_46 = vector.broadcast %div3A_45 : f32 to vector<2000x1xf32>
    %div3A_47 = arith.divf %broadcast_in_dim3A_44, %div3A_46 : vector<2000x1xf32>
    %add3A_48 = arith.constant 9.99999974E-6 : f32
    %add3A_49 = vector.broadcast %add3A_48 : f32 to vector<2000x1xf32>
    %add3A_50 = arith.addf %div3A_47, %add3A_49 : vector<2000x1xf32>
    %rsqrt3A_51 = math.rsqrt %add3A_50 : vector<2000x1xf32>
    %mul3A_52 = vector.broadcast %rsqrt3A_51 : vector<2000x1xf32> to vector<2000x128xf32>
    %mul3A_53 = arith.mulf %sub3A_40, %mul3A_52 : vector<2000x128xf32>
    %get3A_54 = arith.constant 0 : index
    %get3A_55 = arith.constant 0 : index
    %get3A_56 = vector.load %arg6[%get3A_54, %get3A_55] : memref<1x128xf32, #tpu.memory_space<vmem>>, vector<1x128xf32>
    %mul3A_57 = vector.broadcast %get3A_56 : vector<1x128xf32> to vector<2000x128xf32>
    %mul3A_58 = arith.mulf %mul3A_53, %mul3A_57 : vector<2000x128xf32>
    %get3A_59 = arith.constant 0 : index
    %get3A_60 = arith.constant 0 : index
    %get3A_61 = vector.load %arg7[%get3A_59, %get3A_60] : memref<1x128xf32, #tpu.memory_space<vmem>>, vector<1x128xf32>
    %add3A_62 = vector.broadcast %get3A_61 : vector<1x128xf32> to vector<2000x128xf32>
    %add3A_63 = arith.addf %mul3A_58, %add3A_62 : vector<2000x128xf32>
    %swap3A = arith.constant 0 : index
    %swap3A_64 = arith.constant 0 : index
    %swap3A_65 = vector.load %arg8[%swap3A, %swap3A_64] : memref<2000x128xf32, #tpu.memory_space<vmem>>, vector<2000x128xf32>
    tpu.vector_store %arg8[%swap3A, %swap3A_64], %add3A_63 {strides = array<i32>} : memref<2000x128xf32, #tpu.memory_space<vmem>>, vector<2000x128xf32>,
    return
  }
  func.func @transform_0(%arg0: i32) -> (i32, i32) {
    %c0_i32 = arith.constant 0 : i32
    %c0_i32_0 = arith.constant 0 : i32
    return %arg0, %c0_i32 : i32, i32
  }
  func.func @transform_1(%arg0: i32) -> (i32, i32) {
    %c0_i32 = arith.constant 0 : i32
    %c0_i32_0 = arith.constant 0 : i32
    return %arg0, %c0_i32 : i32, i32
  }
  func.func @transform_2(%arg0: i32) -> (i32, i32, i32) {
    %c0_i32 = arith.constant 0 : i32
    %c0_i32_0 = arith.constant 0 : i32
    %c0_i32_1 = arith.constant 0 : i32
    return %c0_i32, %arg0, %c0_i32_0 : i32, i32, i32
  }
  func.func @transform_3(%arg0: i32) -> (i32, i32, i32) {
    %c0_i32 = arith.constant 0 : i32
    %c0_i32_0 = arith.constant 0 : i32
    %c0_i32_1 = arith.constant 0 : i32
    return %c0_i32, %arg0, %c0_i32_0 : i32, i32, i32
  }
  func.func @transform_4(%arg0: i32) -> (i32, i32) {
    %c0_i32 = arith.constant 0 : i32
    %c0_i32_0 = arith.constant 0 : i32
    %c0_i32_1 = arith.constant 0 : i32
    return %c0_i32, %c0_i32_0 : i32, i32
  }
  func.func @transform_5(%arg0: i32) -> (i32, i32) {
    %c0_i32 = arith.constant 0 : i32
    %c0_i32_0 = arith.constant 0 : i32
    %c0_i32_1 = arith.constant 0 : i32
    return %c0_i32, %c0_i32_0 : i32, i32
  }
  func.func @transform_6(%arg0: i32) -> (i32, i32) {
    %c0_i32 = arith.constant 0 : i32
    %c0_i32_0 = arith.constant 0 : i32
    %c0_i32_1 = arith.constant 0 : i32
    return %c0_i32, %c0_i32_0 : i32, i32
  }
  func.func @transform_7(%arg0: i32) -> (i32, i32) {
    %c0_i32 = arith.constant 0 : i32
    %c0_i32_0 = arith.constant 0 : i32
    return %arg0, %c0_i32 : i32, i32
  }
}

module attributes {stable_mosaic.version = 14 : i64} {
  func.func @_mm_scale_body(%arg0: i32, %arg1: memref<2000x128xf32, #tpu.memory_space<vmem>>, %arg2: memref<128x128xf32, #tpu.memory_space<vmem>>, %arg3: memref<2x2000x128xf32, #tpu.memory_space<vmem>>, %arg4: memref<2000x128xf32, #tpu.memory_space<vmem>>) attributes {dimension_semantics = [#tpu.dimension_semantics<arbitrary>], iteration_bounds = array<i64: 5>, scalar_prefetch = 0 : i64, scratch_operands = 0 : i64, tpu.core_type = #tpu.core_type<tc>, window_params = [{transform_indices = @transform_0, window_bounds = array<i64: 2000, 128>}, {pipeline_mode = #tpu.pipeline_mode<synchronous>, transform_indices = @transform_1, window_bounds = array<i64: 128, 128>}, {transform_indices = @transform_2, window_bounds = array<i64: 2, 2000, 128>}, {transform_indices = @transform_3, window_bounds = array<i64: 2000, 128>}]} {
    %get3A = arith.constant 0 : index
    %get3A_0 = arith.constant 0 : index
    %get3A_1 = arith.constant 0 : index
    %get3A_2 = vector.load %arg3[%get3A, %get3A_0, %get3A_1] : memref<2x2000x128xf32, #tpu.memory_space<vmem>>, vector<1x2000x1xf32>
    %get3A_3 = vector.shape_cast %get3A_2 : vector<1x2000x1xf32> to vector<2000x1xf32>
    %get3A_4 = arith.constant 1 : index
    %get3A_5 = arith.constant 0 : index
    %get3A_6 = arith.constant 0 : index
    %get3A_7 = vector.load %arg3[%get3A_4, %get3A_5, %get3A_6] : memref<2x2000x128xf32, #tpu.memory_space<vmem>>, vector<1x2000x1xf32>
    %get3A_8 = vector.shape_cast %get3A_7 : vector<1x2000x1xf32> to vector<2000x1xf32>
    %add3A = arith.addf %get3A_3, %get3A_8 : vector<2000x1xf32>
    %add3A_9 = arith.constant 1.000000e+00 : f32
    %add3A_10 = vector.broadcast %add3A_9 : f32 to vector<2000x1xf32>
    %add3A_11 = arith.addf %add3A, %add3A_10 : vector<2000x1xf32>
    %rsqrt3A = math.rsqrt %add3A_11 : vector<2000x1xf32>
    %get3A_12 = arith.constant 0 : index
    %get3A_13 = arith.constant 0 : index
    %get3A_14 = vector.load %arg1[%get3A_12, %get3A_13] : memref<2000x128xf32, #tpu.memory_space<vmem>>, vector<2000x128xf32>
    %get3A_15 = arith.constant 0 : index
    %get3A_16 = arith.constant 0 : index
    %get3A_17 = vector.load %arg2[%get3A_15, %get3A_16] : memref<128x128xf32, #tpu.memory_space<vmem>>, vector<128x128xf32>
    %dot_general3A = arith.constant dense<0.000000e+00> : vector<2000x128xf32>
    %dot_general3A_18 = tpu.matmul %get3A_14, %get3A_17, %dot_general3A {dimension_numbers = #tpu.dot_dimension_numbers<[1], [1], [0], [0], [0, 0, 1, 0], [], []>, transpose_lhs_hint = false} : vector<2000x128xf32>, vector<128x128xf32>, vector<2000x128xf32> -> vector<2000x128xf32>
    %mul3A = vector.broadcast %rsqrt3A : vector<2000x1xf32> to vector<2000x128xf32>
    %mul3A_19 = arith.mulf %dot_general3A_18, %mul3A : vector<2000x128xf32>
    %swap3A = arith.constant 0 : index
    %swap3A_20 = arith.constant 0 : index
    %swap3A_21 = vector.load %arg4[%swap3A, %swap3A_20] : memref<2000x128xf32, #tpu.memory_space<vmem>>, vector<2000x128xf32>
    tpu.vector_store %arg4[%swap3A, %swap3A_20], %mul3A_19 {strides = array<i32>} : memref<2000x128xf32, #tpu.memory_space<vmem>>, vector<2000x128xf32>,
    return
  }
  func.func @transform_0(%arg0: i32) -> (i32, i32) {
    %c0_i32 = arith.constant 0 : i32
    %c0_i32_0 = arith.constant 0 : i32
    return %arg0, %c0_i32 : i32, i32
  }
  func.func @transform_1(%arg0: i32) -> (i32, i32) {
    %c0_i32 = arith.constant 0 : i32
    %c0_i32_0 = arith.constant 0 : i32
    %c0_i32_1 = arith.constant 0 : i32
    return %c0_i32, %c0_i32_0 : i32, i32
  }
  func.func @transform_2(%arg0: i32) -> (i32, i32, i32) {
    %c0_i32 = arith.constant 0 : i32
    %c0_i32_0 = arith.constant 0 : i32
    %c0_i32_1 = arith.constant 0 : i32
    return %c0_i32, %arg0, %c0_i32_0 : i32, i32, i32
  }
  func.func @transform_3(%arg0: i32) -> (i32, i32) {
    %c0_i32 = arith.constant 0 : i32
    %c0_i32_0 = arith.constant 0 : i32
    return %arg0, %c0_i32 : i32, i32
  }
}

module attributes {stable_mosaic.version = 14 : i64} {
  func.func @_deint_body(%arg0: i32, %arg1: memref<256x256xi32, #tpu.memory_space<vmem>>, %arg2: memref<256x256xi32, #tpu.memory_space<vmem>>, %arg3: memref<256x128xf32, #tpu.memory_space<vmem>>, %arg4: memref<256x128xi32, #tpu.memory_space<vmem>>, %arg5: memref<256x128xi32, #tpu.memory_space<vmem>>) attributes {dimension_semantics = [#tpu.dimension_semantics<arbitrary>], iteration_bounds = array<i64: 5>, scalar_prefetch = 0 : i64, scratch_operands = 0 : i64, tpu.core_type = #tpu.core_type<tc>, window_params = [{transform_indices = @transform_0, window_bounds = array<i64: 256, 256>}, {transform_indices = @transform_1, window_bounds = array<i64: 256, 256>}, {pipeline_mode = #tpu.pipeline_mode<synchronous>, transform_indices = @transform_2, window_bounds = array<i64: 256, 128>}, {transform_indices = @transform_3, window_bounds = array<i64: 256, 128>}, {transform_indices = @transform_4, window_bounds = array<i64: 256, 128>}]} {
    %get3A = arith.constant 0 : index
    %get3A_0 = arith.constant 0 : index
    %get3A_1 = vector.load %arg3[%get3A, %get3A_0] : memref<256x128xf32, #tpu.memory_space<vmem>>, vector<256x128xf32>
    %get3A_2 = arith.constant 0 : index
    %get3A_3 = arith.constant 0 : index
    %get3A_4 = vector.load %arg1[%get3A_2, %get3A_3] : memref<256x256xi32, #tpu.memory_space<vmem>>, vector<256x256xi32>
    %convert_element_type3A = arith.sitofp %get3A_4 : vector<256x256xi32> to vector<256x256xf32>
    %get3A_5 = arith.constant 0 : index
    %get3A_6 = arith.constant 0 : index
    %get3A_7 = vector.load %arg2[%get3A_5, %get3A_6] : memref<256x256xi32, #tpu.memory_space<vmem>>, vector<256x256xi32>
    %convert_element_type3A_8 = arith.sitofp %get3A_7 : vector<256x256xi32> to vector<256x256xf32>
    %dot_general3A = arith.constant dense<0.000000e+00> : vector<256x128xf32>
    %dot_general3A_9 = tpu.matmul %convert_element_type3A, %get3A_1, %dot_general3A {dimension_numbers = #tpu.dot_dimension_numbers<[1], [0], [0], [1], [0, 0, 1, 1], [], []>, precision = #tpu.contract_precision<fp32>, transpose_lhs_hint = false} : vector<256x256xf32>, vector<256x128xf32>, vector<256x128xf32> -> vector<256x128xf32>
    %convert_element_type3A_10 = arith.fptosi %dot_general3A_9 : vector<256x128xf32> to vector<256x128xi32>
    %swap3A = arith.constant 0 : index
    %swap3A_11 = arith.constant 0 : index
    %swap3A_12 = vector.load %arg4[%swap3A, %swap3A_11] : memref<256x128xi32, #tpu.memory_space<vmem>>, vector<256x128xi32>
    tpu.vector_store %arg4[%swap3A, %swap3A_11], %convert_element_type3A_10 {strides = array<i32>} : memref<256x128xi32, #tpu.memory_space<vmem>>, vector<256x128xi32>,
    %dot_general3A_13 = arith.constant dense<0.000000e+00> : vector<256x128xf32>
    %dot_general3A_14 = tpu.matmul %convert_element_type3A_8, %get3A_1, %dot_general3A_13 {dimension_numbers = #tpu.dot_dimension_numbers<[1], [0], [0], [1], [0, 0, 1, 1], [], []>, precision = #tpu.contract_precision<fp32>, transpose_lhs_hint = false} : vector<256x256xf32>, vector<256x128xf32>, vector<256x128xf32> -> vector<256x128xf32>
    %convert_element_type3A_15 = arith.fptosi %dot_general3A_14 : vector<256x128xf32> to vector<256x128xi32>
    %swap3A_16 = arith.constant 0 : index
    %swap3A_17 = arith.constant 0 : index
    %swap3A_18 = vector.load %arg5[%swap3A_16, %swap3A_17] : memref<256x128xi32, #tpu.memory_space<vmem>>, vector<256x128xi32>
    tpu.vector_store %arg5[%swap3A_16, %swap3A_17], %convert_element_type3A_15 {strides = array<i32>} : memref<256x128xi32, #tpu.memory_space<vmem>>, vector<256x128xi32>,
    return
  }
  func.func @transform_0(%arg0: i32) -> (i32, i32) {
    %c0_i32 = arith.constant 0 : i32
    %c0_i32_0 = arith.constant 0 : i32
    return %arg0, %c0_i32 : i32, i32
  }
  func.func @transform_1(%arg0: i32) -> (i32, i32) {
    %c0_i32 = arith.constant 0 : i32
    %c0_i32_0 = arith.constant 0 : i32
    return %arg0, %c0_i32 : i32, i32
  }
  func.func @transform_2(%arg0: i32) -> (i32, i32) {
    %c0_i32 = arith.constant 0 : i32
    %c0_i32_0 = arith.constant 0 : i32
    %c0_i32_1 = arith.constant 0 : i32
    return %c0_i32, %c0_i32_0 : i32, i32
  }
  func.func @transform_3(%arg0: i32) -> (i32, i32) {
    %c0_i32 = arith.constant 0 : i32
    %c0_i32_0 = arith.constant 0 : i32
    return %arg0, %c0_i32 : i32, i32
  }
  func.func @transform_4(%arg0: i32) -> (i32, i32) {
    %c0_i32 = arith.constant 0 : i32
    %c0_i32_0 = arith.constant 0 : i32
    return %arg0, %c0_i32 : i32, i32
  }
}

module attributes {stable_mosaic.version = 14 : i64} {
  func.func @_ln_res_body(%arg0: i32, %arg1: memref<2000x128xf32, #tpu.memory_space<vmem>>, %arg2: memref<2000x128xf32, #tpu.memory_space<vmem>>, %arg3: memref<2x2000x128xf32, #tpu.memory_space<vmem>>, %arg4: memref<2x2000x128xf32, #tpu.memory_space<vmem>>, %arg5: memref<1x128xf32, #tpu.memory_space<vmem>>, %arg6: memref<1x128xf32, #tpu.memory_space<vmem>>, %arg7: memref<1x128xf32, #tpu.memory_space<vmem>>, %arg8: memref<2000x128xf32, #tpu.memory_space<vmem>>) attributes {dimension_semantics = [#tpu.dimension_semantics<arbitrary>], iteration_bounds = array<i64: 5>, scalar_prefetch = 0 : i64, scratch_operands = 0 : i64, tpu.core_type = #tpu.core_type<tc>, window_params = [{transform_indices = @transform_0, window_bounds = array<i64: 2000, 128>}, {transform_indices = @transform_1, window_bounds = array<i64: 2000, 128>}, {transform_indices = @transform_2, window_bounds = array<i64: 2, 2000, 128>}, {transform_indices = @transform_3, window_bounds = array<i64: 2, 2000, 128>}, {pipeline_mode = #tpu.pipeline_mode<synchronous>, transform_indices = @transform_4, window_bounds = array<i64: 1, 128>}, {pipeline_mode = #tpu.pipeline_mode<synchronous>, transform_indices = @transform_5, window_bounds = array<i64: 1, 128>}, {pipeline_mode = #tpu.pipeline_mode<synchronous>, transform_indices = @transform_6, window_bounds = array<i64: 1, 128>}, {transform_indices = @transform_7, window_bounds = array<i64: 2000, 128>}]} {
    %get3A = arith.constant 0 : index
    %get3A_0 = arith.constant 0 : index
    %get3A_1 = arith.constant 0 : index
    %get3A_2 = vector.load %arg4[%get3A, %get3A_0, %get3A_1] : memref<2x2000x128xf32, #tpu.memory_space<vmem>>, vector<1x2000x1xf32>
    %get3A_3 = vector.shape_cast %get3A_2 : vector<1x2000x1xf32> to vector<2000x1xf32>
    %get3A_4 = arith.constant 1 : index
    %get3A_5 = arith.constant 0 : index
    %get3A_6 = arith.constant 0 : index
    %get3A_7 = vector.load %arg4[%get3A_4, %get3A_5, %get3A_6] : memref<2x2000x128xf32, #tpu.memory_space<vmem>>, vector<1x2000x1xf32>
    %get3A_8 = vector.shape_cast %get3A_7 : vector<1x2000x1xf32> to vector<2000x1xf32>
    %add3A = arith.addf %get3A_3, %get3A_8 : vector<2000x1xf32>
    %add3A_9 = arith.constant 1.000000e+00 : f32
    %add3A_10 = vector.broadcast %add3A_9 : f32 to vector<2000x1xf32>
    %add3A_11 = arith.addf %add3A, %add3A_10 : vector<2000x1xf32>
    %rsqrt3A = math.rsqrt %add3A_11 : vector<2000x1xf32>
    %get3A_12 = arith.constant 0 : index
    %get3A_13 = arith.constant 0 : index
    %get3A_14 = arith.constant 0 : index
    %get3A_15 = vector.load %arg3[%get3A_12, %get3A_13, %get3A_14] : memref<2x2000x128xf32, #tpu.memory_space<vmem>>, vector<1x2000x128xf32>
    %get3A_16 = vector.shape_cast %get3A_15 : vector<1x2000x128xf32> to vector<2000x128xf32>
    %get3A_17 = arith.constant 1 : index
    %get3A_18 = arith.constant 0 : index
    %get3A_19 = arith.constant 0 : index
    %get3A_20 = vector.load %arg3[%get3A_17, %get3A_18, %get3A_19] : memref<2x2000x128xf32, #tpu.memory_space<vmem>>, vector<1x2000x128xf32>
    %get3A_21 = vector.shape_cast %get3A_20 : vector<1x2000x128xf32> to vector<2000x128xf32>
    %add3A_22 = arith.addf %get3A_16, %get3A_21 : vector<2000x128xf32>
    %get3A_23 = arith.constant 0 : index
    %get3A_24 = arith.constant 0 : index
    %get3A_25 = vector.load %arg2[%get3A_23, %get3A_24] : memref<2000x128xf32, #tpu.memory_space<vmem>>, vector<2000x128xf32>
    %add3A_26 = arith.addf %add3A_22, %get3A_25 : vector<2000x128xf32>
    %get3A_27 = arith.constant 0 : index
    %get3A_28 = arith.constant 0 : index
    %get3A_29 = vector.load %arg1[%get3A_27, %get3A_28] : memref<2000x128xf32, #tpu.memory_space<vmem>>, vector<2000x128xf32>
    %mul3A = vector.broadcast %rsqrt3A : vector<2000x1xf32> to vector<2000x128xf32>
    %mul3A_30 = arith.mulf %mul3A, %add3A_26 : vector<2000x128xf32>
    %add3A_31 = arith.addf %get3A_29, %mul3A_30 : vector<2000x128xf32>
    %get3A_32 = arith.constant 0 : index
    %get3A_33 = arith.constant 0 : index
    %get3A_34 = vector.load %arg5[%get3A_32, %get3A_33] : memref<1x128xf32, #tpu.memory_space<vmem>>, vector<1x128xf32>
    %add3A_35 = vector.broadcast %get3A_34 : vector<1x128xf32> to vector<2000x128xf32>
    %add3A_36 = arith.addf %add3A_31, %add3A_35 : vector<2000x128xf32>
    %reduce_sum3A = arith.constant dense<0.000000e+00> : vector<2000xf32>
    %reduce_sum3A_37 = vector.multi_reduction <add>, %add3A_36, %reduce_sum3A [1] : vector<2000x128xf32> to vector<2000xf32>
    %broadcast_in_dim3A = vector.shape_cast %reduce_sum3A_37 : vector<2000xf32> to vector<2000x1xf32>
    %div3A = arith.constant 1.280000e+02 : f32
    %div3A_38 = vector.broadcast %div3A : f32 to vector<2000x1xf32>
    %div3A_39 = arith.divf %broadcast_in_dim3A, %div3A_38 : vector<2000x1xf32>
    %sub3A = vector.broadcast %div3A_39 : vector<2000x1xf32> to vector<2000x128xf32>
    %sub3A_40 = arith.subf %add3A_36, %sub3A : vector<2000x128xf32>
    %mul3A_41 = arith.mulf %sub3A_40, %sub3A_40 : vector<2000x128xf32>
    %reduce_sum3A_42 = arith.constant dense<0.000000e+00> : vector<2000xf32>
    %reduce_sum3A_43 = vector.multi_reduction <add>, %mul3A_41, %reduce_sum3A_42 [1] : vector<2000x128xf32> to vector<2000xf32>
    %broadcast_in_dim3A_44 = vector.shape_cast %reduce_sum3A_43 : vector<2000xf32> to vector<2000x1xf32>
    %div3A_45 = arith.constant 1.280000e+02 : f32
    %div3A_46 = vector.broadcast %div3A_45 : f32 to vector<2000x1xf32>
    %div3A_47 = arith.divf %broadcast_in_dim3A_44, %div3A_46 : vector<2000x1xf32>
    %add3A_48 = arith.constant 9.99999974E-6 : f32
    %add3A_49 = vector.broadcast %add3A_48 : f32 to vector<2000x1xf32>
    %add3A_50 = arith.addf %div3A_47, %add3A_49 : vector<2000x1xf32>
    %rsqrt3A_51 = math.rsqrt %add3A_50 : vector<2000x1xf32>
    %mul3A_52 = vector.broadcast %rsqrt3A_51 : vector<2000x1xf32> to vector<2000x128xf32>
    %mul3A_53 = arith.mulf %sub3A_40, %mul3A_52 : vector<2000x128xf32>
    %get3A_54 = arith.constant 0 : index
    %get3A_55 = arith.constant 0 : index
    %get3A_56 = vector.load %arg6[%get3A_54, %get3A_55] : memref<1x128xf32, #tpu.memory_space<vmem>>, vector<1x128xf32>
    %mul3A_57 = vector.broadcast %get3A_56 : vector<1x128xf32> to vector<2000x128xf32>
    %mul3A_58 = arith.mulf %mul3A_53, %mul3A_57 : vector<2000x128xf32>
    %get3A_59 = arith.constant 0 : index
    %get3A_60 = arith.constant 0 : index
    %get3A_61 = vector.load %arg7[%get3A_59, %get3A_60] : memref<1x128xf32, #tpu.memory_space<vmem>>, vector<1x128xf32>
    %add3A_62 = vector.broadcast %get3A_61 : vector<1x128xf32> to vector<2000x128xf32>
    %add3A_63 = arith.addf %mul3A_58, %add3A_62 : vector<2000x128xf32>
    %swap3A = arith.constant 0 : index
    %swap3A_64 = arith.constant 0 : index
    %swap3A_65 = vector.load %arg8[%swap3A, %swap3A_64] : memref<2000x128xf32, #tpu.memory_space<vmem>>, vector<2000x128xf32>
    tpu.vector_store %arg8[%swap3A, %swap3A_64], %add3A_63 {strides = array<i32>} : memref<2000x128xf32, #tpu.memory_space<vmem>>, vector<2000x128xf32>,
    return
  }
  func.func @transform_0(%arg0: i32) -> (i32, i32) {
    %c0_i32 = arith.constant 0 : i32
    %c0_i32_0 = arith.constant 0 : i32
    return %arg0, %c0_i32 : i32, i32
  }
  func.func @transform_1(%arg0: i32) -> (i32, i32) {
    %c0_i32 = arith.constant 0 : i32
    %c0_i32_0 = arith.constant 0 : i32
    return %arg0, %c0_i32 : i32, i32
  }
  func.func @transform_2(%arg0: i32) -> (i32, i32, i32) {
    %c0_i32 = arith.constant 0 : i32
    %c0_i32_0 = arith.constant 0 : i32
    %c0_i32_1 = arith.constant 0 : i32
    return %c0_i32, %arg0, %c0_i32_0 : i32, i32, i32
  }
  func.func @transform_3(%arg0: i32) -> (i32, i32, i32) {
    %c0_i32 = arith.constant 0 : i32
    %c0_i32_0 = arith.constant 0 : i32
    %c0_i32_1 = arith.constant 0 : i32
    return %c0_i32, %arg0, %c0_i32_0 : i32, i32, i32
  }
  func.func @transform_4(%arg0: i32) -> (i32, i32) {
    %c0_i32 = arith.constant 0 : i32
    %c0_i32_0 = arith.constant 0 : i32
    %c0_i32_1 = arith.constant 0 : i32
    return %c0_i32, %c0_i32_0 : i32, i32
  }
  func.func @transform_5(%arg0: i32) -> (i32, i32) {
    %c0_i32 = arith.constant 0 : i32
    %c0_i32_0 = arith.constant 0 : i32
    %c0_i32_1 = arith.constant 0 : i32
    return %c0_i32, %c0_i32_0 : i32, i32
  }
  func.func @transform_6(%arg0: i32) -> (i32, i32) {
    %c0_i32 = arith.constant 0 : i32
    %c0_i32_0 = arith.constant 0 : i32
    %c0_i32_1 = arith.constant 0 : i32
    return %c0_i32, %c0_i32_0 : i32, i32
  }
  func.func @transform_7(%arg0: i32) -> (i32, i32) {
    %c0_i32 = arith.constant 0 : i32
    %c0_i32_0 = arith.constant 0 : i32
    return %arg0, %c0_i32 : i32, i32
  }
}

module attributes {stable_mosaic.version = 14 : i64} {
  func.func @_ab_body(%arg0: i32, %arg1: memref<2000x128xf32, #tpu.memory_space<vmem>>, %arg2: memref<128x128xf32, #tpu.memory_space<vmem>>, %arg3: memref<128x128xf32, #tpu.memory_space<vmem>>, %arg4: memref<2000x128xf32, #tpu.memory_space<vmem>>, %arg5: memref<2000x128xf32, #tpu.memory_space<vmem>>) attributes {dimension_semantics = [#tpu.dimension_semantics<arbitrary>], iteration_bounds = array<i64: 5>, scalar_prefetch = 0 : i64, scratch_operands = 0 : i64, tpu.core_type = #tpu.core_type<tc>, window_params = [{transform_indices = @transform_0, window_bounds = array<i64: 2000, 128>}, {pipeline_mode = #tpu.pipeline_mode<synchronous>, transform_indices = @transform_1, window_bounds = array<i64: 128, 128>}, {pipeline_mode = #tpu.pipeline_mode<synchronous>, transform_indices = @transform_2, window_bounds = array<i64: 128, 128>}, {transform_indices = @transform_3, window_bounds = array<i64: 2000, 128>}, {transform_indices = @transform_4, window_bounds = array<i64: 2000, 128>}]} {
    %get3A = arith.constant 0 : index
    %get3A_0 = arith.constant 0 : index
    %get3A_1 = vector.load %arg1[%get3A, %get3A_0] : memref<2000x128xf32, #tpu.memory_space<vmem>>, vector<2000x128xf32>
    %get3A_2 = arith.constant 0 : index
    %get3A_3 = arith.constant 0 : index
    %get3A_4 = vector.load %arg2[%get3A_2, %get3A_3] : memref<128x128xf32, #tpu.memory_space<vmem>>, vector<128x128xf32>
    %dot_general3A = arith.constant dense<0.000000e+00> : vector<2000x128xf32>
    %dot_general3A_5 = tpu.matmul %get3A_1, %get3A_4, %dot_general3A {dimension_numbers = #tpu.dot_dimension_numbers<[1], [0], [0], [1], [0, 0, 1, 1], [], []>, transpose_lhs_hint = false} : vector<2000x128xf32>, vector<128x128xf32>, vector<2000x128xf32> -> vector<2000x128xf32>
    %swap3A = arith.constant 0 : index
    %swap3A_6 = arith.constant 0 : index
    %swap3A_7 = vector.load %arg4[%swap3A, %swap3A_6] : memref<2000x128xf32, #tpu.memory_space<vmem>>, vector<2000x128xf32>
    tpu.vector_store %arg4[%swap3A, %swap3A_6], %dot_general3A_5 {strides = array<i32>} : memref<2000x128xf32, #tpu.memory_space<vmem>>, vector<2000x128xf32>,
    %get3A_8 = arith.constant 0 : index
    %get3A_9 = arith.constant 0 : index
    %get3A_10 = vector.load %arg3[%get3A_8, %get3A_9] : memref<128x128xf32, #tpu.memory_space<vmem>>, vector<128x128xf32>
    %dot_general3A_11 = arith.constant dense<0.000000e+00> : vector<2000x128xf32>
    %dot_general3A_12 = tpu.matmul %get3A_1, %get3A_10, %dot_general3A_11 {dimension_numbers = #tpu.dot_dimension_numbers<[1], [0], [0], [1], [0, 0, 1, 1], [], []>, transpose_lhs_hint = false} : vector<2000x128xf32>, vector<128x128xf32>, vector<2000x128xf32> -> vector<2000x128xf32>
    %swap3A_13 = arith.constant 0 : index
    %swap3A_14 = arith.constant 0 : index
    %swap3A_15 = vector.load %arg5[%swap3A_13, %swap3A_14] : memref<2000x128xf32, #tpu.memory_space<vmem>>, vector<2000x128xf32>
    tpu.vector_store %arg5[%swap3A_13, %swap3A_14], %dot_general3A_12 {strides = array<i32>} : memref<2000x128xf32, #tpu.memory_space<vmem>>, vector<2000x128xf32>,
    return
  }
  func.func @transform_0(%arg0: i32) -> (i32, i32) {
    %c0_i32 = arith.constant 0 : i32
    %c0_i32_0 = arith.constant 0 : i32
    return %arg0, %c0_i32 : i32, i32
  }
  func.func @transform_1(%arg0: i32) -> (i32, i32) {
    %c0_i32 = arith.constant 0 : i32
    %c0_i32_0 = arith.constant 0 : i32
    %c0_i32_1 = arith.constant 0 : i32
    return %c0_i32, %c0_i32_0 : i32, i32
  }
  func.func @transform_2(%arg0: i32) -> (i32, i32) {
    %c0_i32 = arith.constant 0 : i32
    %c0_i32_0 = arith.constant 0 : i32
    %c0_i32_1 = arith.constant 0 : i32
    return %c0_i32, %c0_i32_0 : i32, i32
  }
  func.func @transform_3(%arg0: i32) -> (i32, i32) {
    %c0_i32 = arith.constant 0 : i32
    %c0_i32_0 = arith.constant 0 : i32
    return %arg0, %c0_i32 : i32, i32
  }
  func.func @transform_4(%arg0: i32) -> (i32, i32) {
    %c0_i32 = arith.constant 0 : i32
    %c0_i32_0 = arith.constant 0 : i32
    return %arg0, %c0_i32 : i32, i32
  }
}

module attributes {stable_mosaic.version = 14 : i64} {
  func.func @_emlp_body(%arg0: i32, %arg1: memref<2000x128xf32, #tpu.memory_space<vmem>>, %arg2: memref<2000x16xf32, #tpu.memory_space<vmem>>, %arg3: memref<16x128xf32, #tpu.memory_space<vmem>>, %arg4: memref<128x128xf32, #tpu.memory_space<vmem>>, %arg5: memref<1x128xf32, #tpu.memory_space<vmem>>, %arg6: memref<1x128xf32, #tpu.memory_space<vmem>>, %arg7: memref<2000x128xf32, #tpu.memory_space<vmem>>) attributes {dimension_semantics = [#tpu.dimension_semantics<arbitrary>], iteration_bounds = array<i64: 80>, scalar_prefetch = 0 : i64, scratch_operands = 0 : i64, tpu.core_type = #tpu.core_type<tc>, window_params = [{transform_indices = @transform_0, window_bounds = array<i64: 2000, 128>}, {transform_indices = @transform_1, window_bounds = array<i64: 2000, 16>}, {pipeline_mode = #tpu.pipeline_mode<synchronous>, transform_indices = @transform_2, window_bounds = array<i64: 16, 128>}, {pipeline_mode = #tpu.pipeline_mode<synchronous>, transform_indices = @transform_3, window_bounds = array<i64: 128, 128>}, {pipeline_mode = #tpu.pipeline_mode<synchronous>, transform_indices = @transform_4, window_bounds = array<i64: 1, 128>}, {pipeline_mode = #tpu.pipeline_mode<synchronous>, transform_indices = @transform_5, window_bounds = array<i64: 1, 128>}, {transform_indices = @transform_6, window_bounds = array<i64: 2000, 128>}]} {
    %get3A = arith.constant 0 : index
    %get3A_0 = arith.constant 0 : index
    %get3A_1 = vector.load %arg1[%get3A, %get3A_0] : memref<2000x128xf32, #tpu.memory_space<vmem>>, vector<2000x128xf32>
    %get3A_2 = arith.constant 0 : index
    %get3A_3 = arith.constant 0 : index
    %get3A_4 = vector.load %arg2[%get3A_2, %get3A_3] : memref<2000x16xf32, #tpu.memory_space<vmem>>, vector<2000x16xf32>
    %get3A_5 = arith.constant 0 : index
    %get3A_6 = arith.constant 0 : index
    %get3A_7 = vector.load %arg3[%get3A_5, %get3A_6] : memref<16x128xf32, #tpu.memory_space<vmem>>, vector<16x128xf32>
    %dot_general3A = arith.constant dense<0.000000e+00> : vector<2000x128xf32>
    %dot_general3A_8 = tpu.matmul %get3A_4, %get3A_7, %dot_general3A {dimension_numbers = #tpu.dot_dimension_numbers<[1], [0], [0], [1], [0, 0, 1, 1], [], []>, transpose_lhs_hint = false} : vector<2000x16xf32>, vector<16x128xf32>, vector<2000x128xf32> -> vector<2000x128xf32>
    %add3A = arith.addf %get3A_1, %dot_general3A_8 : vector<2000x128xf32>
    %get3A_9 = arith.constant 0 : index
    %get3A_10 = arith.constant 0 : index
    %get3A_11 = vector.load %arg5[%get3A_9, %get3A_10] : memref<1x128xf32, #tpu.memory_space<vmem>>, vector<1x128xf32>
    %add3A_12 = vector.broadcast %get3A_11 : vector<1x128xf32> to vector<2000x128xf32>
    %add3A_13 = arith.addf %add3A, %add3A_12 : vector<2000x128xf32>
    %max3A = arith.constant 0.000000e+00 : f32
    %max3A_14 = vector.broadcast %max3A : f32 to vector<2000x128xf32>
    %max3A_15 = arith.maximumf %add3A_13, %max3A_14 : vector<2000x128xf32>
    %get3A_16 = arith.constant 0 : index
    %get3A_17 = arith.constant 0 : index
    %get3A_18 = vector.load %arg4[%get3A_16, %get3A_17] : memref<128x128xf32, #tpu.memory_space<vmem>>, vector<128x128xf32>
    %dot_general3A_19 = arith.constant dense<0.000000e+00> : vector<2000x128xf32>
    %dot_general3A_20 = tpu.matmul %max3A_15, %get3A_18, %dot_general3A_19 {dimension_numbers = #tpu.dot_dimension_numbers<[1], [0], [0], [1], [0, 0, 1, 1], [], []>, transpose_lhs_hint = false} : vector<2000x128xf32>, vector<128x128xf32>, vector<2000x128xf32> -> vector<2000x128xf32>
    %get3A_21 = arith.constant 0 : index
    %get3A_22 = arith.constant 0 : index
    %get3A_23 = vector.load %arg6[%get3A_21, %get3A_22] : memref<1x128xf32, #tpu.memory_space<vmem>>, vector<1x128xf32>
    %add3A_24 = vector.broadcast %get3A_23 : vector<1x128xf32> to vector<2000x128xf32>
    %add3A_25 = arith.addf %dot_general3A_20, %add3A_24 : vector<2000x128xf32>
    %swap3A = arith.constant 0 : index
    %swap3A_26 = arith.constant 0 : index
    %swap3A_27 = vector.load %arg7[%swap3A, %swap3A_26] : memref<2000x128xf32, #tpu.memory_space<vmem>>, vector<2000x128xf32>
    tpu.vector_store %arg7[%swap3A, %swap3A_26], %add3A_25 {strides = array<i32>} : memref<2000x128xf32, #tpu.memory_space<vmem>>, vector<2000x128xf32>,
    return
  }
  func.func @transform_0(%arg0: i32) -> (i32, i32) {
    %c0_i32 = arith.constant 0 : i32
    %c0_i32_0 = arith.constant 0 : i32
    return %arg0, %c0_i32 : i32, i32
  }
  func.func @transform_1(%arg0: i32) -> (i32, i32) {
    %c0_i32 = arith.constant 0 : i32
    %c0_i32_0 = arith.constant 0 : i32
    return %arg0, %c0_i32 : i32, i32
  }
  func.func @transform_2(%arg0: i32) -> (i32, i32) {
    %c0_i32 = arith.constant 0 : i32
    %c0_i32_0 = arith.constant 0 : i32
    %c0_i32_1 = arith.constant 0 : i32
    return %c0_i32, %c0_i32_0 : i32, i32
  }
  func.func @transform_3(%arg0: i32) -> (i32, i32) {
    %c0_i32 = arith.constant 0 : i32
    %c0_i32_0 = arith.constant 0 : i32
    %c0_i32_1 = arith.constant 0 : i32
    return %c0_i32, %c0_i32_0 : i32, i32
  }
  func.func @transform_4(%arg0: i32) -> (i32, i32) {
    %c0_i32 = arith.constant 0 : i32
    %c0_i32_0 = arith.constant 0 : i32
    %c0_i32_1 = arith.constant 0 : i32
    return %c0_i32, %c0_i32_0 : i32, i32
  }
  func.func @transform_5(%arg0: i32) -> (i32, i32) {
    %c0_i32 = arith.constant 0 : i32
    %c0_i32_0 = arith.constant 0 : i32
    %c0_i32_1 = arith.constant 0 : i32
    return %c0_i32, %c0_i32_0 : i32, i32
  }
  func.func @transform_6(%arg0: i32) -> (i32, i32) {
    %c0_i32 = arith.constant 0 : i32
    %c0_i32_0 = arith.constant 0 : i32
    return %arg0, %c0_i32 : i32, i32
  }
}

</mosaic_0001>

<sc_bundles>
// kernel: kernel.17.cloned.1.call-start
scs
__scs_entry_jumppad:
0x0: {  	(pc) =	sbr.rel $0x88, $3  }
0x1: {  	(tag) =	ssettag $0x0;
	lr =	simm.s32 $0x1  }
0x2: {  	[smem:$0x3F96] =	sst lr;
	_ =	strace $0xD0000000  }
0x3: {  	_ = 	snop  }
0x4: {  	_ = 	snop  }
0x5: {  	_ = 	snop  }
0x6: {  	_ = 	snop  }
0x7: {  	_ = 	snop  }
__scs_overlays_trampoline_lowered:
0x8: {  	[smem:$0x3FA5] =	sst s0  }
0x9: {  	[smem:$0x3FA6] =	sst s1  }
0xa: {  	[smem:$0x3FA7] =	sst s2  }
0xb: {  	[smem:$0x3FA8] =	sst s3  }
0xc: {  	[smem:$0x3FA9] =	sst s4  }
0xd: {  	[smem:$0x3FAA] =	sst s5  }
0xe: {  	[smem:$0x3FAB] =	sst s6  }
0xf: {  	[smem:$0x3FAC] =	sst s7  }
0x10: {  	[smem:$0x3FAD] =	sst s8  }
0x11: {  	[smem:$0x3FAE] =	sst s9;
	s0 =	simm.s32 @!p0 $0x0  }
0x12: {  	s1 =	sld [smem:$0x3F94];
	s0 =	simm.s32 @p0 $0x1  }
0x13: {  	[smem:$0x3FAF] =	sst s0;
	s0 =	simm.s32 @!p1 $0x0  }
0x14: {  	s2 =	sld [smem:$0x3F93];
	s0 =	simm.s32 @p1 $0x1  }
0x15: {  	[smem:$0x3FB0] =	sst s0;
	s0 =	simm.s32 @!p2 $0x0  }
0x16: {  	s3 =	sld [smem:$0x3FDB];
	s0 =	simm.s32 @p2 $0x1  }
0x17: {  	s4 =	simm.s32 $0x1BF5;
	[smem:$0x3FB2] =	sst s0  }
0x18: {  	s0 =	sld [smem:$0x3F95];
	_ =	swait.ge [sflag:s4], $0x0  }
0x19: {  	s7 =	sld [smem:$0x3F96]  }
0x1a: {  	s8 =	sadd.s32 $0xFFFFE003, lr  }
0x1b: {  	s9 =	sadd.s32 $0xFFFFFEF7, lr;
	s5 =	simm.s32 $0xFFFFFFFF;
	p2 =	slt.u32 s8, $0xFFFFF086  }
0x1c: {  	p1 =	slt.u32 s9, $0xF7A;
	s5 =	simm.s32 @!p2 $0x0  }
0x1d: {  	s5 =	simm.s32 @p1 $0x1;
	p0 =	seq.s32 s7, s2  }
0x1e: {  	s7 =	smul.u32 @!p0 $0xF7A, s2;
	p2 =	seq.s32 @!p0 s5, $0x0  }
0x1f: {  	s9 =	smul.u32 $0xF7A, s1;
	s8 =	simm.s32 @!p0 $0x1BF5;
	p2 =	por !p2, p0  }
0x20: {  	[sflag:s8] =	ssyncset.s32 @!p0 $0xFFFFF086;
	s6 =	sadd.s32 @!p0 s3, s7;
	s7 =	simm.s32 @!p0 $0x108  }
0x21: {  	s3 =	sadd.s32 s3, s9;
	s6 =	sadd.s32 @!p0 $0x88, s6;
	s7 =	simm.s32 @p2 $0x1082  }
0x22: {  	[simem:s7], [sflag:s8] =	dma.local @!p0 [hbm:s6], $0xF7A  }
0x23: {  	s9 =	sor.u32 $0xD0000000, s2;
	s6 =	simm.s32 $0x108;
	_ =	swait.ge @!p0 [sflag:s8], $0x0  }
0x24: {  	s3 =	sadd.s32 $0x88, s3;
	s6 =	simm.s32 @!p1 $0x1082;
	[sflag:s4] =	ssyncset.s32 $0xFFFFF086  }
0x25: {  	[simem:s6], [sflag:s4] =	dma.local [hbm:s3], $0xF7A  }
0x26: {  	[smem:$0x3F96] =	sst s1;
	(tag) =	ssettag s2;
	_ =	strace s9  }
0x27: {  	s1 =	sld [smem:$0x3FA6]  }
0x28: {  	s2 =	sld [smem:$0x3FA7]  }
0x29: {  	s4 =	sld [smem:$0x3FA9]  }
0x2a: {  	p0 =	seq.s32 s5, $0x0;
	s5 =	sld [smem:$0x3FAA]  }
0x2b: {  	s6 =	sld [smem:$0x3FAB]  }
0x2c: {  	s7 =	sld [smem:$0x3FAC]  }
0x2d: {  	s3 =	simm.s32 $0x108;
	s8 =	sld [smem:$0x3FAD]  }
0x2e: {  	s3 =	simm.s32 @!p0 $0x1082;
	s9 =	sld [smem:$0x3FAE]  }
0x2f: {  	lr =	sadd.s32 s0, s3;
	s0 =	sld [smem:$0x3FA5]  }
0x30: {  	s3 =	sld [smem:$0x3FA8]  }
0x31: {  	[smem:$0x3FB1] =	sst s10  }
0x32: {  	s10 =	sld [smem:$0x3FAF];
	_ =	sdelay $0x3  }
0x33: {  	p0 =	seq.s32 s10, $0x1;
	s10 =	sld [smem:$0x3FB1];
	_ =	sdelay $0x3  }
0x34: {  	[smem:$0x3FB1] =	sst s10  }
0x35: {  	s10 =	sld [smem:$0x3FB0];
	_ =	sdelay $0x3  }
0x36: {  	p1 =	seq.s32 s10, $0x1;
	s10 =	sld [smem:$0x3FB1];
	_ =	sdelay $0x3  }
0x37: {  	[smem:$0x3FB1] =	sst s10  }
0x38: {  	s10 =	sld [smem:$0x3FB2]  }
0x39: {  	_ = 	snop;
	(pc) =	sbr.ind lr, $3  }
0x3a: {  	_ = 	snop  }
0x3b: {  	_ = 	snop  }
0x3c: {  	p2 =	seq.s32 s10, $0x1;
	s10 =	sld [smem:$0x3FB1]  }
0x3d: {  	_ =	shalt  }
0x3e: {  	_ =	shalt  }
0x3f: {  	_ =	shalt  }
0x40: {  	_ =	shalt  }
0x41: {  	_ =	shalt  }
0x42: {  	_ =	shalt  }
0x43: {  	_ =	shalt  }
0x44: {  	_ =	shalt  }
0x45: {  	_ =	shalt  }
0x46: {  	_ =	shalt  }
0x47: {  	_ =	shalt  }
0x48: {  	_ =	shalt  }
0x49: {  	_ =	shalt  }
0x4a: {  	_ =	shalt  }
0x4b: {  	_ =	shalt  }
0x4c: {  	_ =	shalt  }
0x4d: {  	_ =	shalt  }
0x4e: {  	_ =	shalt  }
0x4f: {  	_ =	shalt  }
0x50: {  	_ =	shalt  }
0x51: {  	_ =	shalt  }
0x52: {  	_ =	shalt  }
0x53: {  	_ =	shalt  }
0x54: {  	_ =	shalt  }
0x55: {  	_ =	shalt  }
0x56: {  	_ =	shalt  }
0x57: {  	_ =	shalt  }
0x58: {  	_ =	shalt  }
0x59: {  	_ =	shalt  }
0x5a: {  	_ =	shalt  }
0x5b: {  	_ =	shalt  }
0x5c: {  	_ =	shalt  }
0x5d: {  	_ =	shalt  }
0x5e: {  	_ =	shalt  }
0x5f: {  	_ =	shalt  }
0x60: {  	_ =	shalt  }
0x61: {  	_ =	shalt  }
0x62: {  	_ =	shalt  }
0x63: {  	_ =	shalt  }
0x64: {  	_ =	shalt  }
0x65: {  	_ =	shalt  }
0x66: {  	_ =	shalt  }
0x67: {  	_ =	shalt  }
0x68: {  	_ =	shalt  }
0x69: {  	_ =	shalt  }
0x6a: {  	_ =	shalt  }
0x6b: {  	_ =	shalt  }
0x6c: {  	_ =	shalt  }
0x6d: {  	_ =	shalt  }
0x6e: {  	_ =	shalt  }
0x6f: {  	_ =	shalt  }
0x70: {  	_ =	shalt  }
0x71: {  	_ =	shalt  }
0x72: {  	_ =	shalt  }
0x73: {  	_ =	shalt  }
0x74: {  	_ =	shalt  }
0x75: {  	_ =	shalt  }
0x76: {  	_ =	shalt  }
0x77: {  	_ =	shalt  }
0x78: {  	_ =	shalt  }
0x79: {  	_ =	shalt  }
0x7a: {  	_ =	shalt  }
0x7b: {  	_ =	shalt  }
0x7c: {  	_ =	shalt  }
0x7d: {  	_ =	shalt  }
0x7e: {  	_ =	shalt  }
0x7f: {  	_ =	shalt  }
0x80: {  	_ =	shalt  }
0x81: {  	_ =	shalt  }
0x82: {  	_ =	shalt  }
0x83: {  	_ =	shalt  }
0x84: {  	_ =	shalt  }
0x85: {  	_ =	shalt  }
0x86: {  	_ =	shalt  }
0x87: {  	_ =	shalt  }
.Lfunc_end0:
.L_simem_size_0:
called_computation_lowered:
.L_overlay_start_0:
0x88: {  	s2 =	sld [smem:$0x3FD9]  }
0x89: {  	s3 =	sld [smem:$0x3FFE];
	_ =	sdelay $0x1  }
0x8a: {  	s1 =	srdreg.scid  }
0x8b: {  	s0 =	sand.u32 $0x1, s1  }
0x8c: {  	s14 =	sshll.u32 s0, $0xA;
	s2 =	sadd.s32 s3, s2  }
0x8d: {  	s2 =	sadd.s32 s2, s14  }
0x8e: {  	[smem:$0x3FBD] =	sst s2  }
0x8f: {  	_ = 	snop  }
0x90: {  	s2 =	sld [smem:$0x3FD0];
	_ =	sdelay $0x2  }
0x91: {  	s15 =	simm.s32 $0xA;
	s4 =	simm.s32 $0x10  }
0x92: {  	[smem:s4], [sflag:s15] =	dma.local [hbm:s2], $0x1  }
0x93: {  	_ =	swait.eq [sflag:s15], $0x1  }
0x94: {  	[sflag:s15] =	ssyncset.done $0x0  }
0x95: {  	[sflag:s15] =	ssyncadd.s32 $0xFFFFFFFF  }
0x96: {  	s16 =	sld [smem:$0x10];
	(tm) =	ssettm $0x1  }
0x97: {  	s17 =	sld [smem:$0x3FFB];
	_ =	sdelay $0x3  }
0x98: {  	_ =	strace s17  }
0x99: {  	s3 =	sld [smem:$0x3FFC];
	_ =	sdelay $0x3  }
0x9a: {  	_ =	strace s3  }
0x9b: {  	s3 =	sld [smem:$0x3FFD];
	_ =	sdelay $0x3  }
0x9c: {  	_ =	strace s3  }
0x9d: {  	_ =	strace $0x8FFFFFFF  }
0x9e: {  	s18 =	sld [smem:$0x3FDB];
	_ =	sdelay $0x1  }
0x9f: {  	s19 =	simm.s32 $_scs_section_size  }
0xa0: {  	s5 =	simm.s32 $_size__tile_overlayer_lowered;
	s6 =	simm.s32 $_tile_overlayer_lowered  }
0xa1: {  	s22 =	simm.s32 $0x1BFF;
	s21 =	sshll.u32 s6, $0x1;
	s3 =	sadd.s32 s19, s18  }
0xa2: {  	s7 =	simm.s32 $0x0;
	s20 =	sshll.u32 s5, $0x1;
	s5 =	sadd.s32 s21, s3  }
0xa3: {  	[timem:s7], [sflag:s22] =	dma.local [hbm:s5], s20  }
0xa4: {  	_ =	swait.ge [sflag:s22], s20  }
0xa5: {  	s4 =	ssub.s32 $0x0, s20;
	[sflag:s22] =	ssyncset.done $0x0  }
0xa6: {  	[sflag:s22] =	ssyncadd.s32 s4;
	_ =	sdelay $0x1  }
0xa7: {  	s23 =	simm.s32 $0x1B8B  }
0xa8: {  	_ =	swait.ge [sflag:s23], $0x1  }
0xa9: {  	[sflag:s23] =	ssyncset.done $0x0  }
0xaa: {  	s25 =	simm.s32 $0x1B8E;
	s24 =	sld [smem:$0x3FFE];
	[sflag:s23] =	ssyncadd.s32 $0xFFFFFFFF  }
0xab: {  	s26 =	simm.s32 $execute0_lowered;
	[smem:$0x3FD2] =	sst s25  }
0xac: {  	s5 =	sshll.u32 s26, $0x1;
	_ =	strace $0x80000046;
	[dreg:$0x1] =	wrdreg $0xFFFFFFFF  }
0xad: {  	s28 =	simm.s32 $_size_execute0_lowered;
	s3 =	sadd.s32 s3, s5;
	[dreg:$0x0] =	wrdreg $0x0  }
0xae: {  	s5 =	sshll.u32 s28, $0x1;
	[dreg:$0x2] =	wrdreg s3  }
0xaf: {  	[dreg:$0x3] =	wrdreg s5  }
0xb0: {  	[dreg:$0x4] =	wrdreg $0xC0  }
0xb1: {  	_ =	task [dreg:s7], $0x5FFFF  }
0xb2: {  	[dreg:$0x1] =	wrdreg $0xFFFFFFFF  }
0xb3: {  	[dreg:$0x0] =	wrdreg $0x60  }
0xb4: {  	[dreg:$0x2] =	wrdreg s24  }
0xb5: {  	[dreg:$0x3] =	wrdreg s16  }
0xb6: {  	[dreg:$0x4] =	wrdreg $0x0  }
0xb7: {  	[dreg:$0x5] =	wrdreg $0x9  }
0xb8: {  	_ =	task.clear_ibuf [dreg:s7], $0x6FFFF;
	_ =	strace $0x90000046  }
0xb9: {  	s29 =	simm.s32 $0x9;
	_ =	strace $0x80000048  }
0xba: {  	_ =	swait.ge [sflag:s29], $0x1  }
0xbb: {  	[sflag:s29] =	ssyncadd.s32 $0xFFFFFFFF  }
0xbc: {  	_ =	strace $0x90000048  }
0xbd: {  	_ =	sfence  }
0xbe: {  	s30 =	sld [smem:$0x0];
	_ =	sdelay $0x2  }
0xbf: {  	s31 =	sshll.u32 s1, $0xD;
	s1 =	sshrl.u32 s1, $0x2  }
0xc0: {  	s3 =	sand.u32 $0x4000, s31;
	s1 =	sadd.s32 s1, s30  }
0xc1: {  	s0 =	sor.u32 s3, s0;
	s1 =	sshll.u32 s1, $0x11  }
0xc2: {  	s0 =	sor.u32 s1, s0  }
0xc3: {  	s0 =	sadd.s32 $0x8F2B, s0  }
0xc4: {  	[sflag:s0] =	ssyncadd.remote.s32 $0x1  }
0xc5: {  	_ =	sfence.sel $0xFFFF  }
0xc6: {  	[dreg:$0x0] =	wrdreg $0xFFFFFFFF;
	(pc) =	sbr.abs _section_cstart, $3  }
0xc7: {  	[dreg:$0x1] =	wrdreg $0xFFFFFFFF  }
0xc8: {  	_ =	task.clear_ibuf [dreg:s7], $0x2FFFF;
	_ =	strace $0x9FFFFFFF  }
0xc9: {  	(tm) =	ssettm $0x7FFFFFFF  }
tec
execute0_lowered:
.L_overlay_start_1:
0x0: {  	(tag) =	ssettag $0x1  }
0x1: {  	s6 =	rddreg [dreg:$0x0]  }
0x2: {  	s0 =	srdreg.scid;
	s2 =	rddreg [dreg:$0x1]  }
0x3: {  	s3 =	rddreg [dreg:$0x2];
	s4 =	simm.s32 $0x0;
	s13 =	simm.s32 $0x17C00  }
0x4: {  	s14 =	simm.s32 $0x80;
	s15 =	simm.s32 $0x17C80;
	s16 =	simm.s32 $0x1  }
0x5: {  	s17 =	simm.s32 $0x2;
	s5 =	sand.u32 $0x1, s0;
	s0 =	stileid.u32  }
0x6: {  	s18 =	simm.s32 $0x0;
	[smem:$0x7FF] =	sst s4;
	s8 =	smul.u32 $0x13C00, s0  }
0x7: {  	s1 =	sshll.u32 s5, $0x4;
	s9 =	smul.u32 $0x13C000, s5;
	s5 =	ssub.s32 $0x2, s5  }
0x8: {  	s28 =	smul.u32 $0x4F000, s0;
	s31 =	sshll.u32 s0, $0x6;
	s1 =	sor.u32 s0, s1  }
0x9: {  	s29 =	sshrl.u32 s5, $0x1;
	s7 =	smul.u32 $0x500, s1;
	s1 =	rddreg [dreg:$0x3]  }
0xa: {  	_ =	strace $0x80000047;
	s10 =	sshrl.u32 s8, $0x3;
	s8 =	sadd.s32 s8, s9  }
0xb: {  	s11 =	ssub.s32 s5, s29;
	s30 =	sshrl.u32 s28, $0x2;
	s8 =	sshrl.u32 s8, $0x3  }
0xc: {  	s10 =	sadd.s32 s10, s6;
	s12 =	sadd.s32 s30, s3;
	s9 =	smax.u32 s11, $0x1  }
0xd: {  	s11 =	simm.s32 $0x3;
	s7 =	sadd.s32 s7, s6;
	s8 =	sadd.s32 s8, s6  }
0xe: {  	s5 =	sadd.s32 $0x26600, s10;
	s6 =	sor.u32 $0x1C03, s31;
	s10 =	sshrl.u32 s12, $0x3  }
0xf: {  	s12 =	simm.s32 $0x13C00;
	s7 =	sadd.s32 $0x12600, s7;
	s8 =	sadd.s32 $0x4DE00, s8  }
.LBB2_1:
0x10: {  	[spmem:s10], [sflag:s6] =	dma.local [hbm:s5], $0x2780  }
0x11: {  	_ =	swait.ge [sflag:s11], $0x2780  }
0x12: {  	[sflag:s11] =	ssyncset.done $0x0  }
0x13: {  	[sflag:s11] =	ssyncadd.s32 $0xFFFFD880  }
0x14: {  	[tilespmem:s12], [sflag:$0x3] =	stream.linear.gather [hbm4b:s2+s4], $0x4000, $0x38;
	[tilespmem:$0x1A400] =	vst v63  }
0x15: {  	_ =	swait.ge [sflag:s11], $0x4000  }
0x16: {  	[sflag:s11] =	ssyncset.done $0x0  }
0x17: {  	[sflag:s11] =	ssyncadd.s32 $0xFFFFC000  }
0x18: {  	[tilespmem:s13], [sflag:$0x3] =	stream.linear.gather [hbm4b:s7+s4], $0x2800, $0x38;
	[tilespmem:$0x1A400] =	vst v63  }
0x19: {  	_ =	swait.ge [sflag:s11], $0x2800  }
0x1a: {  	[sflag:s11] =	ssyncset.done $0x0  }
0x1b: {  	[sflag:s11] =	ssyncadd.s32 $0xFFFFD800  }
0x1c: {  	[bflag:$0x0] =	sbarrier.arrive $0xFFFF  }
0x1d: {  	[spmem:s3] =	stream.indirect.scatter.add.f32 [tilespmem:s12], [sflag:$0x1], $0x80, s13, s14, $0xb8;
	[tilespmem:$0x1A400] =	vst v63  }
0x1e: {  	_ = 	snop  }
0x1f: {  	[spmem:s3] =	stream.indirect.scatter.add.f32 [tilespmem:s12], [sflag:$0x2], $0x80, s15, s14, $0xb8;
	[tilespmem:$0x1A400] =	vst v63  }
0x20: {  	_ =	swait.ge [sflag:s16], $0x4000  }
0x21: {  	[sflag:s16] =	ssyncset.done $0x0  }
0x22: {  	s19 =	simm.s32 $0x17D00;
	[sflag:s16] =	ssyncadd.s32 $0xFFFFC000  }
0x23: {  	[spmem:s3] =	stream.indirect.scatter.add.f32 [tilespmem:s12], [sflag:$0x1], $0x80, s19, s14, $0xb8;
	[tilespmem:$0x1A400] =	vst v63  }
0x24: {  	_ =	swait.ge [sflag:s17], $0x4000  }
0x25: {  	[sflag:s17] =	ssyncset.done $0x0  }
0x26: {  	s20 =	simm.s32 $0x17D80;
	s19 =	simm.s32 $0xFFFF6800;
	[sflag:s17] =	ssyncadd.s32 $0xFFFFC000  }
.LBB2_2:
0x27: {  	[spmem:s3] =	stream.indirect.scatter.add.f32 [tilespmem:s12], [sflag:$0x2], $0x80, s20, s14, $0xb8;
	[tilespmem:$0x1A400] =	vst v63  }
0x28: {  	s20 =	smov.u32 s19  }
0x29: {  	p0 =	sne.s32 s19, $0xFFFFFC00;
	s19 =	sadd.s32 $0x400, s19;
	_ =	swait.ge [sflag:s16], $0x4000  }
0x2a: {  	s20 =	sshra.s32 s20, $0x2;
	[sflag:s16] =	ssyncset.done $0x0  }
.Ltmp0:
0x2b: {  	s21 =	sadd.s32 $0x1A400, s20;
	[sflag:s16] =	ssyncadd.s32 $0xFFFFC000;
	(pc) =	sbr.rel @p0 .LBB2_2-.Ltmp0, $4  }
0x2c: {  	[spmem:s3] =	stream.indirect.scatter.add.f32 [tilespmem:s12], [sflag:$0x1], $0x80, s21, s14, $0xb8;
	[tilespmem:$0x1A400] =	vst v63  }
0x2d: {  	_ =	swait.ge [sflag:s17], $0x4000  }
0x2e: {  	[sflag:s17] =	ssyncset.done $0x0  }
0x2f: {  	s20 =	sadd.s32 $0x1A480, s20;
	[sflag:s17] =	ssyncadd.s32 $0xFFFFC000  }
0x30: {  	[spmem:s3] =	stream.indirect.scatter.add.f32 [tilespmem:s12], [sflag:$0x2], $0x80, s20, s14, $0xb8;
	[tilespmem:$0x1A400] =	vst v63  }
0x31: {  	_ =	swait.ge [sflag:s16], $0x4000  }
0x32: {  	[sflag:s16] =	ssyncset.done $0x0  }
0x33: {  	[sflag:s16] =	ssyncadd.s32 $0xFFFFC000  }
0x34: {  	_ =	swait.ge [sflag:s17], $0x4000  }
0x35: {  	s18 =	sadd.s32 $0x1, s18;
	[sflag:s17] =	ssyncset.done $0x0  }
0x36: {  	p0 =	sne.s32 s18, s9;
	[sflag:s17] =	ssyncadd.s32 $0xFFFFC000  }
.Ltmp1:
0x37: {  	[bflag:$0x0] =	sbarrier.arrive $0xFFFF;
	(pc) =	sbr.rel @p0 .LBB2_1-.Ltmp1, $4  }
0x38: {  	[hbm:s8], [sflag:s6] =	dma.local [spmem:s10], $0x2780  }
0x39: {  	_ =	swait.ge [sflag:s11], $0x2780  }
0x3a: {  	[sflag:s11] =	ssyncset.done $0x0  }
0x3b: {  	[sflag:s11] =	ssyncadd.s32 $0xFFFFD880  }
0x3c: {  	_ =	sfence.sel $0x180000  }
0x3d: {  	[bflag:$0x0] =	sbarrier.arrive $0xFFFF  }
0x3e: {  	p0 =	sne.s32 s0, $0x0;
	_ =	strace $0x90000047  }
0x3f: {  	s0 =	sadd.s32 @!p0 $0x100000, s1;
	[bflag:$0x2] =	sbarrier.arrive $0xFFFF  }
0x40: {  	[sflag:s0] =	ssyncadd.tile.s32 @!p0 $0x1;
	_ =	shalt  }
.Lfunc_end2:
_tile_overlayer_lowered:
.L_overlay_start_2:
0x41: {  	(tag) =	ssettag $0x2  }
0x42: {  	s0 =	rddreg [dreg:$0x0];
	s2 =	stileid.u32  }
0x43: {  	s1 =	rddreg [dreg:$0x1];
	p0 =	sne.s32 s2, $0x0  }
0x44: {  	s3 =	rddreg [dreg:$0x2];
	[bflag:$0x3] =	sbarrier.arrive $0xFFFF;
	s2 =	simm.s32 @!p0 $0x1C03  }
0x45: {  	[timem:s3], [sflag:s2] =	dma.local @!p0 [hbm:s0], s1  }
0x46: {  	s0 =	simm.s32 @!p0 $0x3  }
0x47: {  	_ =	swait.ge @!p0 [sflag:s0], s1  }
0x48: {  	s1 =	ssub.s32 @!p0 $0x0, s1;
	[sflag:s0] =	ssyncset.done @!p0 $0x0  }
0x49: {  	[sflag:s0] =	ssyncadd.s32 @!p0 s1  }
0x4a: {  	[bflag:$0x3] =	sbarrier.arrive $0xFFFF  }
0x4b: {  	_ =	shalt  }

// kernel: kernel.20.cloned.1.call-start
scs
__scs_entry_jumppad:
0x0: {  	(pc) =	sbr.rel $0x88, $3  }
0x1: {  	(tag) =	ssettag $0x0;
	lr =	simm.s32 $0x1  }
0x2: {  	[smem:$0x3F96] =	sst lr;
	_ =	strace $0xD0000000  }
0x3: {  	_ = 	snop  }
0x4: {  	_ = 	snop  }
0x5: {  	_ = 	snop  }
0x6: {  	_ = 	snop  }
0x7: {  	_ = 	snop  }
__scs_overlays_trampoline_lowered:
0x8: {  	[smem:$0x3FA5] =	sst s0  }
0x9: {  	[smem:$0x3FA6] =	sst s1  }
0xa: {  	[smem:$0x3FA7] =	sst s2  }
0xb: {  	[smem:$0x3FA8] =	sst s3  }
0xc: {  	[smem:$0x3FA9] =	sst s4  }
0xd: {  	[smem:$0x3FAA] =	sst s5  }
0xe: {  	[smem:$0x3FAB] =	sst s6  }
0xf: {  	[smem:$0x3FAC] =	sst s7  }
0x10: {  	[smem:$0x3FAD] =	sst s8  }
0x11: {  	[smem:$0x3FAE] =	sst s9;
	s0 =	simm.s32 @!p0 $0x0  }
0x12: {  	s1 =	sld [smem:$0x3F94];
	s0 =	simm.s32 @p0 $0x1  }
0x13: {  	[smem:$0x3FAF] =	sst s0;
	s0 =	simm.s32 @!p1 $0x0  }
0x14: {  	s2 =	sld [smem:$0x3F93];
	s0 =	simm.s32 @p1 $0x1  }
0x15: {  	[smem:$0x3FB0] =	sst s0;
	s0 =	simm.s32 @!p2 $0x0  }
0x16: {  	s3 =	sld [smem:$0x3FDB];
	s0 =	simm.s32 @p2 $0x1  }
0x17: {  	s4 =	simm.s32 $0x1BF5;
	[smem:$0x3FB2] =	sst s0  }
0x18: {  	s0 =	sld [smem:$0x3F95];
	_ =	swait.ge [sflag:s4], $0x0  }
0x19: {  	s7 =	sld [smem:$0x3F96]  }
0x1a: {  	s8 =	sadd.s32 $0xFFFFE003, lr  }
0x1b: {  	s9 =	sadd.s32 $0xFFFFFEF7, lr;
	s5 =	simm.s32 $0xFFFFFFFF;
	p2 =	slt.u32 s8, $0xFFFFF086  }
0x1c: {  	p1 =	slt.u32 s9, $0xF7A;
	s5 =	simm.s32 @!p2 $0x0  }
0x1d: {  	s5 =	simm.s32 @p1 $0x1;
	p0 =	seq.s32 s7, s2  }
0x1e: {  	s7 =	smul.u32 @!p0 $0xF7A, s2;
	p2 =	seq.s32 @!p0 s5, $0x0  }
0x1f: {  	s9 =	smul.u32 $0xF7A, s1;
	s8 =	simm.s32 @!p0 $0x1BF5;
	p2 =	por !p2, p0  }
0x20: {  	[sflag:s8] =	ssyncset.s32 @!p0 $0xFFFFF086;
	s6 =	sadd.s32 @!p0 s3, s7;
	s7 =	simm.s32 @!p0 $0x108  }
0x21: {  	s3 =	sadd.s32 s3, s9;
	s6 =	sadd.s32 @!p0 $0x88, s6;
	s7 =	simm.s32 @p2 $0x1082  }
0x22: {  	[simem:s7], [sflag:s8] =	dma.local @!p0 [hbm:s6], $0xF7A  }
0x23: {  	s9 =	sor.u32 $0xD0000000, s2;
	s6 =	simm.s32 $0x108;
	_ =	swait.ge @!p0 [sflag:s8], $0x0  }
0x24: {  	s3 =	sadd.s32 $0x88, s3;
	s6 =	simm.s32 @!p1 $0x1082;
	[sflag:s4] =	ssyncset.s32 $0xFFFFF086  }
0x25: {  	[simem:s6], [sflag:s4] =	dma.local [hbm:s3], $0xF7A  }
0x26: {  	[smem:$0x3F96] =	sst s1;
	(tag) =	ssettag s2;
	_ =	strace s9  }
0x27: {  	s1 =	sld [smem:$0x3FA6]  }
0x28: {  	s2 =	sld [smem:$0x3FA7]  }
0x29: {  	s4 =	sld [smem:$0x3FA9]  }
0x2a: {  	p0 =	seq.s32 s5, $0x0;
	s5 =	sld [smem:$0x3FAA]  }
0x2b: {  	s6 =	sld [smem:$0x3FAB]  }
0x2c: {  	s7 =	sld [smem:$0x3FAC]  }
0x2d: {  	s3 =	simm.s32 $0x108;
	s8 =	sld [smem:$0x3FAD]  }
0x2e: {  	s3 =	simm.s32 @!p0 $0x1082;
	s9 =	sld [smem:$0x3FAE]  }
0x2f: {  	lr =	sadd.s32 s0, s3;
	s0 =	sld [smem:$0x3FA5]  }
0x30: {  	s3 =	sld [smem:$0x3FA8]  }
0x31: {  	[smem:$0x3FB1] =	sst s10  }
0x32: {  	s10 =	sld [smem:$0x3FAF];
	_ =	sdelay $0x3  }
0x33: {  	p0 =	seq.s32 s10, $0x1;
	s10 =	sld [smem:$0x3FB1];
	_ =	sdelay $0x3  }
0x34: {  	[smem:$0x3FB1] =	sst s10  }
0x35: {  	s10 =	sld [smem:$0x3FB0];
	_ =	sdelay $0x3  }
0x36: {  	p1 =	seq.s32 s10, $0x1;
	s10 =	sld [smem:$0x3FB1];
	_ =	sdelay $0x3  }
0x37: {  	[smem:$0x3FB1] =	sst s10  }
0x38: {  	s10 =	sld [smem:$0x3FB2]  }
0x39: {  	_ = 	snop;
	(pc) =	sbr.ind lr, $3  }
0x3a: {  	_ = 	snop  }
0x3b: {  	_ = 	snop  }
0x3c: {  	p2 =	seq.s32 s10, $0x1;
	s10 =	sld [smem:$0x3FB1]  }
0x3d: {  	_ =	shalt  }
0x3e: {  	_ =	shalt  }
0x3f: {  	_ =	shalt  }
0x40: {  	_ =	shalt  }
0x41: {  	_ =	shalt  }
0x42: {  	_ =	shalt  }
0x43: {  	_ =	shalt  }
0x44: {  	_ =	shalt  }
0x45: {  	_ =	shalt  }
0x46: {  	_ =	shalt  }
0x47: {  	_ =	shalt  }
0x48: {  	_ =	shalt  }
0x49: {  	_ =	shalt  }
0x4a: {  	_ =	shalt  }
0x4b: {  	_ =	shalt  }
0x4c: {  	_ =	shalt  }
0x4d: {  	_ =	shalt  }
0x4e: {  	_ =	shalt  }
0x4f: {  	_ =	shalt  }
0x50: {  	_ =	shalt  }
0x51: {  	_ =	shalt  }
0x52: {  	_ =	shalt  }
0x53: {  	_ =	shalt  }
0x54: {  	_ =	shalt  }
0x55: {  	_ =	shalt  }
0x56: {  	_ =	shalt  }
0x57: {  	_ =	shalt  }
0x58: {  	_ =	shalt  }
0x59: {  	_ =	shalt  }
0x5a: {  	_ =	shalt  }
0x5b: {  	_ =	shalt  }
0x5c: {  	_ =	shalt  }
0x5d: {  	_ =	shalt  }
0x5e: {  	_ =	shalt  }
0x5f: {  	_ =	shalt  }
0x60: {  	_ =	shalt  }
0x61: {  	_ =	shalt  }
0x62: {  	_ =	shalt  }
0x63: {  	_ =	shalt  }
0x64: {  	_ =	shalt  }
0x65: {  	_ =	shalt  }
0x66: {  	_ =	shalt  }
0x67: {  	_ =	shalt  }
0x68: {  	_ =	shalt  }
0x69: {  	_ =	shalt  }
0x6a: {  	_ =	shalt  }
0x6b: {  	_ =	shalt  }
0x6c: {  	_ =	shalt  }
0x6d: {  	_ =	shalt  }
0x6e: {  	_ =	shalt  }
0x6f: {  	_ =	shalt  }
0x70: {  	_ =	shalt  }
0x71: {  	_ =	shalt  }
0x72: {  	_ =	shalt  }
0x73: {  	_ =	shalt  }
0x74: {  	_ =	shalt  }
0x75: {  	_ =	shalt  }
0x76: {  	_ =	shalt  }
0x77: {  	_ =	shalt  }
0x78: {  	_ =	shalt  }
0x79: {  	_ =	shalt  }
0x7a: {  	_ =	shalt  }
0x7b: {  	_ =	shalt  }
0x7c: {  	_ =	shalt  }
0x7d: {  	_ =	shalt  }
0x7e: {  	_ =	shalt  }
0x7f: {  	_ =	shalt  }
0x80: {  	_ =	shalt  }
0x81: {  	_ =	shalt  }
0x82: {  	_ =	shalt  }
0x83: {  	_ =	shalt  }
0x84: {  	_ =	shalt  }
0x85: {  	_ =	shalt  }
0x86: {  	_ =	shalt  }
0x87: {  	_ =	shalt  }
.Lfunc_end0:
.L_simem_size_0:
called_computation.1_lowered:
.L_overlay_start_0:
0x88: {  	s2 =	sld [smem:$0x3FD9]  }
0x89: {  	s3 =	sld [smem:$0x3FFE];
	_ =	sdelay $0x1  }
0x8a: {  	s1 =	srdreg.scid  }
0x8b: {  	s0 =	sand.u32 $0x1, s1  }
0x8c: {  	s14 =	sshll.u32 s0, $0xA;
	s2 =	sadd.s32 s3, s2  }
0x8d: {  	s2 =	sadd.s32 s2, s14  }
0x8e: {  	[smem:$0x3FBD] =	sst s2  }
0x8f: {  	_ = 	snop  }
0x90: {  	s2 =	sld [smem:$0x3FD0];
	_ =	sdelay $0x2  }
0x91: {  	s15 =	simm.s32 $0xA;
	s4 =	simm.s32 $0x10  }
0x92: {  	[smem:s4], [sflag:s15] =	dma.local [hbm:s2], $0x1  }
0x93: {  	_ =	swait.eq [sflag:s15], $0x1  }
0x94: {  	[sflag:s15] =	ssyncset.done $0x0  }
0x95: {  	s16 =	sld [smem:$0x10];
	[sflag:s15] =	ssyncadd.s32 $0xFFFFFFFF  }
0x96: {  	s17 =	sld [smem:$0x11];
	(tm) =	ssettm $0x1  }
0x97: {  	s18 =	sld [smem:$0x3FFB];
	_ =	sdelay $0x3  }
0x98: {  	_ =	strace s18  }
0x99: {  	s4 =	sld [smem:$0x3FFC];
	_ =	sdelay $0x3  }
0x9a: {  	_ =	strace s4  }
0x9b: {  	s4 =	sld [smem:$0x3FFD];
	_ =	sdelay $0x3  }
0x9c: {  	_ =	strace s4  }
0x9d: {  	_ =	strace $0x8FFFFFFF  }
0x9e: {  	s19 =	sld [smem:$0x3FDB];
	_ =	sdelay $0x1  }
0x9f: {  	s5 =	simm.s32 $_scs_section_size  }
0xa0: {  	s6 =	simm.s32 $_size__tile_overlayer_lowered;
	s7 =	simm.s32 $_tile_overlayer_lowered  }
0xa1: {  	s22 =	simm.s32 $0x1BFF;
	s21 =	sshll.u32 s7, $0x1;
	s4 =	sadd.s32 s5, s19  }
0xa2: {  	s8 =	simm.s32 $0x0;
	s20 =	sshll.u32 s6, $0x1;
	s6 =	sadd.s32 s21, s4  }
0xa3: {  	[timem:s8], [sflag:s22] =	dma.local [hbm:s6], s20  }
0xa4: {  	_ =	swait.ge [sflag:s22], s20  }
0xa5: {  	s5 =	ssub.s32 $0x0, s20;
	[sflag:s22] =	ssyncset.done $0x0  }
0xa6: {  	[sflag:s22] =	ssyncadd.s32 s5;
	_ =	sdelay $0x1  }
0xa7: {  	s23 =	simm.s32 $0x1B8B  }
0xa8: {  	_ =	swait.ge [sflag:s23], $0x1  }
0xa9: {  	[sflag:s23] =	ssyncset.done $0x0  }
0xaa: {  	s25 =	simm.s32 $0x1B8E;
	s24 =	sld [smem:$0x3FFE];
	[sflag:s23] =	ssyncadd.s32 $0xFFFFFFFF  }
0xab: {  	s26 =	simm.s32 $execute0_lowered;
	[smem:$0x3FD2] =	sst s25  }
0xac: {  	s6 =	sshll.u32 s26, $0x1;
	_ =	strace $0x80000049;
	[dreg:$0x1] =	wrdreg $0xFFFFFFFF  }
0xad: {  	s28 =	simm.s32 $_size_execute0_lowered;
	s4 =	sadd.s32 s4, s6;
	[dreg:$0x0] =	wrdreg $0x0  }
0xae: {  	s6 =	sshll.u32 s28, $0x1;
	[dreg:$0x2] =	wrdreg s4  }
0xaf: {  	[dreg:$0x3] =	wrdreg s6  }
0xb0: {  	[dreg:$0x4] =	wrdreg $0xC0  }
0xb1: {  	_ =	task [dreg:s8], $0x5FFFF  }
0xb2: {  	[dreg:$0x1] =	wrdreg $0xFFFFFFFF  }
0xb3: {  	[dreg:$0x0] =	wrdreg $0x60  }
0xb4: {  	[dreg:$0x2] =	wrdreg s16  }
0xb5: {  	[dreg:$0x3] =	wrdreg s24  }
0xb6: {  	[dreg:$0x4] =	wrdreg s17  }
0xb7: {  	[dreg:$0x5] =	wrdreg $0x0  }
0xb8: {  	[dreg:$0x6] =	wrdreg $0x9  }
0xb9: {  	_ =	task.clear_ibuf [dreg:s8], $0x7FFFF;
	_ =	strace $0x90000049  }
0xba: {  	s29 =	simm.s32 $0x9;
	_ =	strace $0x8000004B  }
0xbb: {  	_ =	swait.ge [sflag:s29], $0x1  }
0xbc: {  	[sflag:s29] =	ssyncadd.s32 $0xFFFFFFFF  }
0xbd: {  	_ =	strace $0x9000004B  }
0xbe: {  	_ =	sfence  }
0xbf: {  	s30 =	sld [smem:$0x0];
	_ =	sdelay $0x2  }
0xc0: {  	s31 =	sshll.u32 s1, $0xD;
	s1 =	sshrl.u32 s1, $0x2  }
0xc1: {  	s3 =	sand.u32 $0x4000, s31;
	s1 =	sadd.s32 s1, s30  }
0xc2: {  	s0 =	sor.u32 s3, s0;
	s1 =	sshll.u32 s1, $0x11  }
0xc3: {  	s0 =	sor.u32 s1, s0  }
0xc4: {  	s0 =	sadd.s32 $0x8F2B, s0  }
0xc5: {  	[sflag:s0] =	ssyncadd.remote.s32 $0x1  }
0xc6: {  	_ =	sfence.sel $0xFFFF  }
0xc7: {  	[dreg:$0x0] =	wrdreg $0xFFFFFFFF;
	(pc) =	sbr.abs _section_cstart, $3  }
0xc8: {  	[dreg:$0x1] =	wrdreg $0xFFFFFFFF  }
0xc9: {  	_ =	task.clear_ibuf [dreg:s8], $0x2FFFF;
	_ =	strace $0x9FFFFFFF  }
0xca: {  	(tm) =	ssettm $0x7FFFFFFF  }
0xcb: {  	_ =	shalt  }
tec
execute0_lowered:
.L_overlay_start_1:
0x0: {  	(tag) =	ssettag $0x1  }
0x1: {  	s1 =	rddreg [dreg:$0x0]  }
0x2: {  	s5 =	rddreg [dreg:$0x1]  }
0x3: {  	s11 =	rddreg [dreg:$0x2]  }
0x4: {  	s2 =	rddreg [dreg:$0x3]  }
0x5: {  	s0 =	rddreg [dreg:$0x4];
	s3 =	simm.s32 $0x0  }
0x6: {  	s6 =	srdreg.scid;
	s4 =	stileid.u32;
	s18 =	simm.s32 $0x16400  }
0x7: {  	s19 =	simm.s32 $0x1;
	s20 =	simm.s32 $0x13C80;
	s21 =	simm.s32 $0x1A400  }
0x8: {  	s22 =	simm.s32 $0x2;
	s23 =	simm.s32 $0x3;
	s24 =	simm.s32 $0x4  }
0x9: {  	[smem:$0x7FF] =	sst s3;
	s9 =	sadd.s32 $0x1C600, s5;
	s8 =	smul.u32 $0x13C00, s4  }
0xa: {  	s6 =	sand.u32 $0x1, s6;
	s10 =	sadd.s32 $0x12600, s5;
	s13 =	smul.u32 $0x4F000, s4  }
0xb: {  	s28 =	sshll.u32 s4, $0x6;
	_ =	strace $0x8000004A;
	s7 =	sshll.u32 s6, $0x4  }
0xc: {  	s12 =	ssub.s32 $0x2, s6;
	s29 =	smul.u32 $0x13C000, s6;
	s6 =	sor.u32 $0x1C05, s28  }
0xd: {  	s7 =	sor.u32 s4, s7;
	s14 =	sshrl.u32 s8, $0x3;
	s15 =	sshrl.u32 s12, $0x1  }
0xe: {  	s26 =	sshrl.u32 s13, $0x2;
	s16 =	smul.u32 $0x500, s7;
	s5 =	sadd.s32 s14, s5  }
0xf: {  	s12 =	ssub.s32 s12, s15;
	s25 =	smul.u32 $0x2800, s7;
	s17 =	sadd.s32 s26, s2  }
0x10: {  	s31 =	sadd.s32 s8, s29;
	s15 =	simm.s32 $0x13C00;
	s26 =	simm.s32 $0x0  }
0x11: {  	s5 =	sadd.s32 $0x26600, s5;
	s14 =	sshrl.u32 s31, $0x3;
	s12 =	smax.u32 s12, $0x1  }
0x12: {  	s7 =	sadd.s32 s9, s16;
	s30 =	sshrl.u32 s25, $0x3;
	s8 =	sadd.s32 s10, s16  }
0x13: {  	s11 =	sadd.s32 s11, s14;
	s14 =	simm.s32 $0x5;
	s13 =	sadd.s32 $0x280, s30  }
0x14: {  	s16 =	simm.s32 $0x15000;
	s25 =	simm.s32 $0x16380;
	s9 =	sadd.s32 s9, s13  }
0x15: {  	s10 =	sadd.s32 s10, s13;
	s13 =	sshrl.u32 s17, $0x3;
	s17 =	simm.s32 $0x80  }
.LBB2_1:
0x16: {  	[spmem:s13], [sflag:s6] =	dma.local [hbm:s5], $0x2780  }
0x17: {  	_ =	swait.ge [sflag:s14], $0x2780  }
0x18: {  	[sflag:s14] =	ssyncset.done $0x0  }
0x19: {  	[sflag:s14] =	ssyncadd.s32 $0xFFFFD880  }
0x1a: {  	[bflag:$0x0] =	sbarrier.arrive $0xFFFF  }
0x1b: {  	[tilespmem:s15], [sflag:$0x5] =	stream.linear.gather [hbm4b:s7+s3], $0x1400, $0x38;
	[tilespmem:$0x1E400] =	vst v63  }
0x1c: {  	_ =	swait.ge [sflag:s14], $0x1400  }
0x1d: {  	[sflag:s14] =	ssyncset.done $0x0  }
0x1e: {  	[sflag:s14] =	ssyncadd.s32 $0xFFFFEC00  }
0x1f: {  	[tilespmem:s16], [sflag:$0x5] =	stream.linear.gather [hbm4b:s8+s3], $0x1400, $0x38;
	[tilespmem:$0x1E400] =	vst v63  }
0x20: {  	_ =	swait.ge [sflag:s14], $0x1400  }
0x21: {  	[sflag:s14] =	ssyncset.done $0x0  }
0x22: {  	[sflag:s14] =	ssyncadd.s32 $0xFFFFEC00  }
0x23: {  	[tilespmem:s18], [sflag:$0x1] =	stream.indirect.gather [hbm4b:s1+s17], $0x80, s15, s17, $0xb8;
	[tilespmem:$0x1E400] =	vst v63  }
0x24: {  	_ =	swait.ge [sflag:s19], $0x4000  }
0x25: {  	[sflag:s19] =	ssyncset.done $0x0  }
0x26: {  	[sflag:s19] =	ssyncadd.s32 $0xFFFFC000  }
0x27: {  	[tilespmem:s21], [sflag:$0x2] =	stream.indirect.gather [hbm4b:s1+s17], $0x80, s20, s17, $0xb8;
	[tilespmem:$0x1E400] =	vst v63  }
0x28: {  	_ = 	snop  }
0x29: {  	[spmem:s2] =	stream.indirect.scatter.add.f32 [tilespmem:s18], [sflag:$0x3], $0x80, s16, s17, $0xb8;
	[tilespmem:$0x1E400] =	vst v63  }
0x2a: {  	_ =	swait.ge [sflag:s22], $0x4000  }
0x2b: {  	[sflag:s22] =	ssyncset.done $0x0  }
0x2c: {  	[sflag:s22] =	ssyncadd.s32 $0xFFFFC000  }
0x2d: {  	_ =	swait.ge [sflag:s23], $0x4000  }
0x2e: {  	[sflag:s23] =	ssyncset.done $0x0  }
0x2f: {  	s28 =	simm.s32 $0x13D00;
	[sflag:s23] =	ssyncadd.s32 $0xFFFFC000  }
0x30: {  	[tilespmem:s18], [sflag:$0x1] =	stream.indirect.gather [hbm4b:s1+s17], $0x80, s28, s17, $0xb8;
	[tilespmem:$0x1E400] =	vst v63  }
0x31: {  	s28 =	simm.s32 $0x15080  }
0x32: {  	[spmem:s2] =	stream.indirect.scatter.add.f32 [tilespmem:s21], [sflag:$0x4], $0x80, s28, s17, $0xb8;
	[tilespmem:$0x1E400] =	vst v63  }
0x33: {  	_ =	swait.ge [sflag:s19], $0x4000  }
0x34: {  	[sflag:s19] =	ssyncset.done $0x0  }
0x35: {  	[sflag:s19] =	ssyncadd.s32 $0xFFFFC000  }
0x36: {  	_ =	swait.ge [sflag:s24], $0x4000  }
0x37: {  	[sflag:s24] =	ssyncset.done $0x0  }
0x38: {  	s28 =	simm.s32 $0x13D80;
	[sflag:s24] =	ssyncadd.s32 $0xFFFFC000  }
0x39: {  	[tilespmem:s21], [sflag:$0x2] =	stream.indirect.gather [hbm4b:s1+s17], $0x80, s28, s17, $0xb8;
	[tilespmem:$0x1E400] =	vst v63  }
0x3a: {  	s29 =	simm.s32 $0x15100;
	s28 =	simm.s32 $0xFFFFB800  }
.LBB2_2:
0x3b: {  	[spmem:s2] =	stream.indirect.scatter.add.f32 [tilespmem:s18], [sflag:$0x3], $0x80, s29, s17, $0xb8;
	[tilespmem:$0x1E400] =	vst v63  }
0x3c: {  	s29 =	smov.u32 s28  }
0x3d: {  	p0 =	sne.s32 s28, $0xFFFFFC00;
	s28 =	sadd.s32 $0x400, s28;
	_ =	swait.ge [sflag:s22], $0x4000  }
0x3e: {  	[sflag:s22] =	ssyncset.done $0x0  }
0x3f: {  	[sflag:s22] =	ssyncadd.s32 $0xFFFFC000  }
0x40: {  	_ =	swait.ge [sflag:s23], $0x4000  }
0x41: {  	s29 =	sshra.s32 s29, $0x2;
	[sflag:s23] =	ssyncset.done $0x0  }
0x42: {  	s30 =	sadd.s32 $0x15000, s29;
	[sflag:s23] =	ssyncadd.s32 $0xFFFFC000  }
0x43: {  	[tilespmem:s18], [sflag:$0x1] =	stream.indirect.gather [hbm4b:s1+s17], $0x80, s30, s17, $0xb8;
	[tilespmem:$0x1E400] =	vst v63  }
0x44: {  	s30 =	sadd.s32 $0x16380, s29  }
0x45: {  	[spmem:s2] =	stream.indirect.scatter.add.f32 [tilespmem:s21], [sflag:$0x4], $0x80, s30, s17, $0xb8;
	[tilespmem:$0x1E400] =	vst v63  }
0x46: {  	_ =	swait.ge [sflag:s19], $0x4000  }
0x47: {  	[sflag:s19] =	ssyncset.done $0x0  }
0x48: {  	[sflag:s19] =	ssyncadd.s32 $0xFFFFC000  }
.Ltmp0:
0x49: {  	_ =	swait.ge [sflag:s24], $0x4000;
	(pc) =	sbr.rel @p0 .LBB2_2-.Ltmp0, $4  }
0x4a: {  	[sflag:s24] =	ssyncset.done $0x0  }
0x4b: {  	s30 =	sadd.s32 $0x15080, s29;
	[sflag:s24] =	ssyncadd.s32 $0xFFFFC000  }
0x4c: {  	[tilespmem:s21], [sflag:$0x2] =	stream.indirect.gather [hbm4b:s1+s17], $0x80, s30, s17, $0xb8;
	[tilespmem:$0x1E400] =	vst v63  }
0x4d: {  	s29 =	sadd.s32 $0x16400, s29  }
0x4e: {  	[spmem:s2] =	stream.indirect.scatter.add.f32 [tilespmem:s18], [sflag:$0x3], $0x80, s29, s17, $0xb8;
	[tilespmem:$0x1E400] =	vst v63  }
0x4f: {  	_ =	swait.ge [sflag:s22], $0x4000  }
0x50: {  	[sflag:s22] =	ssyncset.done $0x0  }
0x51: {  	[sflag:s22] =	ssyncadd.s32 $0xFFFFC000  }
0x52: {  	_ =	swait.ge [sflag:s23], $0x4000  }
0x53: {  	[sflag:s23] =	ssyncset.done $0x0  }
0x54: {  	[sflag:s23] =	ssyncadd.s32 $0xFFFFC000  }
0x55: {  	[spmem:s2] =	stream.indirect.scatter.add.f32 [tilespmem:s21], [sflag:$0x4], $0x80, s25, s17, $0xb8;
	[tilespmem:$0x1E400] =	vst v63  }
0x56: {  	_ =	swait.ge [sflag:s24], $0x4000  }
0x57: {  	[sflag:s24] =	ssyncset.done $0x0  }
0x58: {  	[sflag:s24] =	ssyncadd.s32 $0xFFFFC000  }
0x59: {  	[tilespmem:s15], [sflag:$0x5] =	stream.linear.gather [hbm4b:s9+s3], $0x1400, $0x38;
	[tilespmem:$0x1E400] =	vst v63  }
0x5a: {  	_ =	swait.ge [sflag:s14], $0x1400  }
0x5b: {  	[sflag:s14] =	ssyncset.done $0x0  }
0x5c: {  	[sflag:s14] =	ssyncadd.s32 $0xFFFFEC00  }
0x5d: {  	[tilespmem:s16], [sflag:$0x5] =	stream.linear.gather [hbm4b:s10+s3], $0x1400, $0x38;
	[tilespmem:$0x1E400] =	vst v63  }
0x5e: {  	_ =	swait.ge [sflag:s14], $0x1400  }
0x5f: {  	[sflag:s14] =	ssyncset.done $0x0  }
0x60: {  	[sflag:s14] =	ssyncadd.s32 $0xFFFFEC00  }
0x61: {  	[tilespmem:s18], [sflag:$0x1] =	stream.indirect.gather [hbm4b:s1+s17], $0x80, s15, s17, $0xb8;
	[tilespmem:$0x1E400] =	vst v63  }
0x62: {  	_ =	swait.ge [sflag:s19], $0x4000  }
0x63: {  	[sflag:s19] =	ssyncset.done $0x0  }
0x64: {  	[sflag:s19] =	ssyncadd.s32 $0xFFFFC000  }
0x65: {  	[tilespmem:s21], [sflag:$0x2] =	stream.indirect.gather [hbm4b:s1+s17], $0x80, s20, s17, $0xb8;
	[tilespmem:$0x1E400] =	vst v63  }
0x66: {  	_ = 	snop  }
0x67: {  	[spmem:s2] =	stream.indirect.scatter.add.f32 [tilespmem:s18], [sflag:$0x3], $0x80, s16, s17, $0xb8;
	[tilespmem:$0x1E400] =	vst v63  }
0x68: {  	_ =	swait.ge [sflag:s22], $0x4000  }
0x69: {  	[sflag:s22] =	ssyncset.done $0x0  }
0x6a: {  	[sflag:s22] =	ssyncadd.s32 $0xFFFFC000  }
0x6b: {  	_ =	swait.ge [sflag:s23], $0x4000  }
0x6c: {  	[sflag:s23] =	ssyncset.done $0x0  }
0x6d: {  	s28 =	simm.s32 $0x13D00;
	[sflag:s23] =	ssyncadd.s32 $0xFFFFC000  }
0x6e: {  	[tilespmem:s18], [sflag:$0x1] =	stream.indirect.gather [hbm4b:s1+s17], $0x80, s28, s17, $0xb8;
	[tilespmem:$0x1E400] =	vst v63  }
0x6f: {  	s28 =	simm.s32 $0x15080  }
0x70: {  	[spmem:s2] =	stream.indirect.scatter.add.f32 [tilespmem:s21], [sflag:$0x4], $0x80, s28, s17, $0xb8;
	[tilespmem:$0x1E400] =	vst v63  }
0x71: {  	_ =	swait.ge [sflag:s19], $0x4000  }
0x72: {  	[sflag:s19] =	ssyncset.done $0x0  }
0x73: {  	[sflag:s19] =	ssyncadd.s32 $0xFFFFC000  }
0x74: {  	_ =	swait.ge [sflag:s24], $0x4000  }
0x75: {  	[sflag:s24] =	ssyncset.done $0x0  }
0x76: {  	s28 =	simm.s32 $0x13D80;
	[sflag:s24] =	ssyncadd.s32 $0xFFFFC000  }
0x77: {  	[tilespmem:s21], [sflag:$0x2] =	stream.indirect.gather [hbm4b:s1+s17], $0x80, s28, s17, $0xb8;
	[tilespmem:$0x1E400] =	vst v63  }
0x78: {  	s29 =	simm.s32 $0x15100;
	s28 =	simm.s32 $0xFFFFB800  }
.LBB2_4:
0x79: {  	[spmem:s2] =	stream.indirect.scatter.add.f32 [tilespmem:s18], [sflag:$0x3], $0x80, s29, s17, $0xb8;
	[tilespmem:$0x1E400] =	vst v63  }
0x7a: {  	s29 =	smov.u32 s28  }
0x7b: {  	p0 =	sne.s32 s28, $0xFFFFFC00;
	s28 =	sadd.s32 $0x400, s28;
	_ =	swait.ge [sflag:s22], $0x4000  }
0x7c: {  	[sflag:s22] =	ssyncset.done $0x0  }
0x7d: {  	[sflag:s22] =	ssyncadd.s32 $0xFFFFC000  }
0x7e: {  	_ =	swait.ge [sflag:s23], $0x4000  }
0x7f: {  	s29 =	sshra.s32 s29, $0x2;
	[sflag:s23] =	ssyncset.done $0x0  }
0x80: {  	s30 =	sadd.s32 $0x15000, s29;
	[sflag:s23] =	ssyncadd.s32 $0xFFFFC000  }
0x81: {  	[tilespmem:s18], [sflag:$0x1] =	stream.indirect.gather [hbm4b:s1+s17], $0x80, s30, s17, $0xb8;
	[tilespmem:$0x1E400] =	vst v63  }
0x82: {  	s30 =	sadd.s32 $0x16380, s29  }
0x83: {  	[spmem:s2] =	stream.indirect.scatter.add.f32 [tilespmem:s21], [sflag:$0x4], $0x80, s30, s17, $0xb8;
	[tilespmem:$0x1E400] =	vst v63  }
0x84: {  	_ =	swait.ge [sflag:s19], $0x4000  }
0x85: {  	[sflag:s19] =	ssyncset.done $0x0  }
0x86: {  	[sflag:s19] =	ssyncadd.s32 $0xFFFFC000  }
.Ltmp1:
0x87: {  	_ =	swait.ge [sflag:s24], $0x4000;
	(pc) =	sbr.rel @p0 .LBB2_4-.Ltmp1, $4  }
0x88: {  	[sflag:s24] =	ssyncset.done $0x0  }
0x89: {  	s30 =	sadd.s32 $0x15080, s29;
	[sflag:s24] =	ssyncadd.s32 $0xFFFFC000  }
0x8a: {  	[tilespmem:s21], [sflag:$0x2] =	stream.indirect.gather [hbm4b:s1+s17], $0x80, s30, s17, $0xb8;
	[tilespmem:$0x1E400] =	vst v63  }
0x8b: {  	s29 =	sadd.s32 $0x16400, s29  }
0x8c: {  	[spmem:s2] =	stream.indirect.scatter.add.f32 [tilespmem:s18], [sflag:$0x3], $0x80, s29, s17, $0xb8;
	[tilespmem:$0x1E400] =	vst v63  }
0x8d: {  	_ =	swait.ge [sflag:s22], $0x4000  }
0x8e: {  	[sflag:s22] =	ssyncset.done $0x0  }
0x8f: {  	[sflag:s22] =	ssyncadd.s32 $0xFFFFC000  }
0x90: {  	_ =	swait.ge [sflag:s23], $0x4000  }
0x91: {  	[sflag:s23] =	ssyncset.done $0x0  }
0x92: {  	[sflag:s23] =	ssyncadd.s32 $0xFFFFC000  }
0x93: {  	[spmem:s2] =	stream.indirect.scatter.add.f32 [tilespmem:s21], [sflag:$0x4], $0x80, s25, s17, $0xb8;
	[tilespmem:$0x1E400] =	vst v63  }
0x94: {  	_ =	swait.ge [sflag:s24], $0x4000  }
0x95: {  	s26 =	sadd.s32 $0x1, s26;
	[sflag:s24] =	ssyncset.done $0x0  }
0x96: {  	p0 =	sne.s32 s26, s12;
	[sflag:s24] =	ssyncadd.s32 $0xFFFFC000  }
.Ltmp2:
0x97: {  	[bflag:$0x0] =	sbarrier.arrive $0xFFFF;
	(pc) =	sbr.rel @p0 .LBB2_1-.Ltmp2, $4  }
0x98: {  	[hbm:s11], [sflag:s6] =	dma.local [spmem:s13], $0x2780  }
0x99: {  	_ =	swait.ge [sflag:s14], $0x2780  }
0x9a: {  	[sflag:s14] =	ssyncset.done $0x0  }
0x9b: {  	[sflag:s14] =	ssyncadd.s32 $0xFFFFD880  }
0x9c: {  	_ =	sfence.sel $0x180000  }
0x9d: {  	[bflag:$0x0] =	sbarrier.arrive $0xFFFF  }
0x9e: {  	p0 =	sne.s32 s4, $0x0;
	_ =	strace $0x9000004A  }
0x9f: {  	s0 =	sadd.s32 @!p0 $0x100000, s0;
	[bflag:$0x2] =	sbarrier.arrive $0xFFFF  }
0xa0: {  	[sflag:s0] =	ssyncadd.tile.s32 @!p0 $0x1;
	_ =	shalt  }
.Lfunc_end2:
_tile_overlayer_lowered:
.L_overlay_start_2:
0xa1: {  	(tag) =	ssettag $0x2  }
0xa2: {  	s0 =	rddreg [dreg:$0x0];
	s2 =	stileid.u32  }
0xa3: {  	s1 =	rddreg [dreg:$0x1];
	p0 =	sne.s32 s2, $0x0  }
0xa4: {  	s3 =	rddreg [dreg:$0x2];
	[bflag:$0x3] =	sbarrier.arrive $0xFFFF;
	s2 =	simm.s32 @!p0 $0x1C05  }
0xa5: {  	[timem:s3], [sflag:s2] =	dma.local @!p0 [hbm:s0], s1  }
0xa6: {  	s0 =	simm.s32 @!p0 $0x5  }
0xa7: {  	_ =	swait.ge @!p0 [sflag:s0], s1  }
0xa8: {  	s1 =	ssub.s32 @!p0 $0x0, s1;
	[sflag:s0] =	ssyncset.done @!p0 $0x0  }
0xa9: {  	[sflag:s0] =	ssyncadd.s32 @!p0 s1  }
0xaa: {  	[bflag:$0x3] =	sbarrier.arrive $0xFFFF  }
0xab: {  	_ =	shalt  }

// kernel: kernel.23.cloned.1.call-start
scs
__scs_entry_jumppad:
0x0: {  	(pc) =	sbr.rel $0x88, $3  }
0x1: {  	(tag) =	ssettag $0x0;
	lr =	simm.s32 $0x1  }
0x2: {  	[smem:$0x3F96] =	sst lr;
	_ =	strace $0xD0000000  }
0x3: {  	_ = 	snop  }
0x4: {  	_ = 	snop  }
0x5: {  	_ = 	snop  }
0x6: {  	_ = 	snop  }
0x7: {  	_ = 	snop  }
__scs_overlays_trampoline_lowered:
0x8: {  	[smem:$0x3FA5] =	sst s0  }
0x9: {  	[smem:$0x3FA6] =	sst s1  }
0xa: {  	[smem:$0x3FA7] =	sst s2  }
0xb: {  	[smem:$0x3FA8] =	sst s3  }
0xc: {  	[smem:$0x3FA9] =	sst s4  }
0xd: {  	[smem:$0x3FAA] =	sst s5  }
0xe: {  	[smem:$0x3FAB] =	sst s6  }
0xf: {  	[smem:$0x3FAC] =	sst s7  }
0x10: {  	[smem:$0x3FAD] =	sst s8  }
0x11: {  	[smem:$0x3FAE] =	sst s9;
	s0 =	simm.s32 @!p0 $0x0  }
0x12: {  	s1 =	sld [smem:$0x3F94];
	s0 =	simm.s32 @p0 $0x1  }
0x13: {  	[smem:$0x3FAF] =	sst s0;
	s0 =	simm.s32 @!p1 $0x0  }
0x14: {  	s2 =	sld [smem:$0x3F93];
	s0 =	simm.s32 @p1 $0x1  }
0x15: {  	[smem:$0x3FB0] =	sst s0;
	s0 =	simm.s32 @!p2 $0x0  }
0x16: {  	s3 =	sld [smem:$0x3FDB];
	s0 =	simm.s32 @p2 $0x1  }
0x17: {  	s4 =	simm.s32 $0x1BF5;
	[smem:$0x3FB2] =	sst s0  }
0x18: {  	s0 =	sld [smem:$0x3F95];
	_ =	swait.ge [sflag:s4], $0x0  }
0x19: {  	s7 =	sld [smem:$0x3F96]  }
0x1a: {  	s8 =	sadd.s32 $0xFFFFE003, lr  }
0x1b: {  	s9 =	sadd.s32 $0xFFFFFEF7, lr;
	s5 =	simm.s32 $0xFFFFFFFF;
	p2 =	slt.u32 s8, $0xFFFFF086  }
0x1c: {  	p1 =	slt.u32 s9, $0xF7A;
	s5 =	simm.s32 @!p2 $0x0  }
0x1d: {  	s5 =	simm.s32 @p1 $0x1;
	p0 =	seq.s32 s7, s2  }
0x1e: {  	s7 =	smul.u32 @!p0 $0xF7A, s2;
	p2 =	seq.s32 @!p0 s5, $0x0  }
0x1f: {  	s9 =	smul.u32 $0xF7A, s1;
	s8 =	simm.s32 @!p0 $0x1BF5;
	p2 =	por !p2, p0  }
0x20: {  	[sflag:s8] =	ssyncset.s32 @!p0 $0xFFFFF086;
	s6 =	sadd.s32 @!p0 s3, s7;
	s7 =	simm.s32 @!p0 $0x108  }
0x21: {  	s3 =	sadd.s32 s3, s9;
	s6 =	sadd.s32 @!p0 $0x88, s6;
	s7 =	simm.s32 @p2 $0x1082  }
0x22: {  	[simem:s7], [sflag:s8] =	dma.local @!p0 [hbm:s6], $0xF7A  }
0x23: {  	s9 =	sor.u32 $0xD0000000, s2;
	s6 =	simm.s32 $0x108;
	_ =	swait.ge @!p0 [sflag:s8], $0x0  }
0x24: {  	s3 =	sadd.s32 $0x88, s3;
	s6 =	simm.s32 @!p1 $0x1082;
	[sflag:s4] =	ssyncset.s32 $0xFFFFF086  }
0x25: {  	[simem:s6], [sflag:s4] =	dma.local [hbm:s3], $0xF7A  }
0x26: {  	[smem:$0x3F96] =	sst s1;
	(tag) =	ssettag s2;
	_ =	strace s9  }
0x27: {  	s1 =	sld [smem:$0x3FA6]  }
0x28: {  	s2 =	sld [smem:$0x3FA7]  }
0x29: {  	s4 =	sld [smem:$0x3FA9]  }
0x2a: {  	p0 =	seq.s32 s5, $0x0;
	s5 =	sld [smem:$0x3FAA]  }
0x2b: {  	s6 =	sld [smem:$0x3FAB]  }
0x2c: {  	s7 =	sld [smem:$0x3FAC]  }
0x2d: {  	s3 =	simm.s32 $0x108;
	s8 =	sld [smem:$0x3FAD]  }
0x2e: {  	s3 =	simm.s32 @!p0 $0x1082;
	s9 =	sld [smem:$0x3FAE]  }
0x2f: {  	lr =	sadd.s32 s0, s3;
	s0 =	sld [smem:$0x3FA5]  }
0x30: {  	s3 =	sld [smem:$0x3FA8]  }
0x31: {  	[smem:$0x3FB1] =	sst s10  }
0x32: {  	s10 =	sld [smem:$0x3FAF];
	_ =	sdelay $0x3  }
0x33: {  	p0 =	seq.s32 s10, $0x1;
	s10 =	sld [smem:$0x3FB1];
	_ =	sdelay $0x3  }
0x34: {  	[smem:$0x3FB1] =	sst s10  }
0x35: {  	s10 =	sld [smem:$0x3FB0];
	_ =	sdelay $0x3  }
0x36: {  	p1 =	seq.s32 s10, $0x1;
	s10 =	sld [smem:$0x3FB1];
	_ =	sdelay $0x3  }
0x37: {  	[smem:$0x3FB1] =	sst s10  }
0x38: {  	s10 =	sld [smem:$0x3FB2]  }
0x39: {  	_ = 	snop;
	(pc) =	sbr.ind lr, $3  }
0x3a: {  	_ = 	snop  }
0x3b: {  	_ = 	snop  }
0x3c: {  	p2 =	seq.s32 s10, $0x1;
	s10 =	sld [smem:$0x3FB1]  }
0x3d: {  	_ =	shalt  }
0x3e: {  	_ =	shalt  }
0x3f: {  	_ =	shalt  }
0x40: {  	_ =	shalt  }
0x41: {  	_ =	shalt  }
0x42: {  	_ =	shalt  }
0x43: {  	_ =	shalt  }
0x44: {  	_ =	shalt  }
0x45: {  	_ =	shalt  }
0x46: {  	_ =	shalt  }
0x47: {  	_ =	shalt  }
0x48: {  	_ =	shalt  }
0x49: {  	_ =	shalt  }
0x4a: {  	_ =	shalt  }
0x4b: {  	_ =	shalt  }
0x4c: {  	_ =	shalt  }
0x4d: {  	_ =	shalt  }
0x4e: {  	_ =	shalt  }
0x4f: {  	_ =	shalt  }
0x50: {  	_ =	shalt  }
0x51: {  	_ =	shalt  }
0x52: {  	_ =	shalt  }
0x53: {  	_ =	shalt  }
0x54: {  	_ =	shalt  }
0x55: {  	_ =	shalt  }
0x56: {  	_ =	shalt  }
0x57: {  	_ =	shalt  }
0x58: {  	_ =	shalt  }
0x59: {  	_ =	shalt  }
0x5a: {  	_ =	shalt  }
0x5b: {  	_ =	shalt  }
0x5c: {  	_ =	shalt  }
0x5d: {  	_ =	shalt  }
0x5e: {  	_ =	shalt  }
0x5f: {  	_ =	shalt  }
0x60: {  	_ =	shalt  }
0x61: {  	_ =	shalt  }
0x62: {  	_ =	shalt  }
0x63: {  	_ =	shalt  }
0x64: {  	_ =	shalt  }
0x65: {  	_ =	shalt  }
0x66: {  	_ =	shalt  }
0x67: {  	_ =	shalt  }
0x68: {  	_ =	shalt  }
0x69: {  	_ =	shalt  }
0x6a: {  	_ =	shalt  }
0x6b: {  	_ =	shalt  }
0x6c: {  	_ =	shalt  }
0x6d: {  	_ =	shalt  }
0x6e: {  	_ =	shalt  }
0x6f: {  	_ =	shalt  }
0x70: {  	_ =	shalt  }
0x71: {  	_ =	shalt  }
0x72: {  	_ =	shalt  }
0x73: {  	_ =	shalt  }
0x74: {  	_ =	shalt  }
0x75: {  	_ =	shalt  }
0x76: {  	_ =	shalt  }
0x77: {  	_ =	shalt  }
0x78: {  	_ =	shalt  }
0x79: {  	_ =	shalt  }
0x7a: {  	_ =	shalt  }
0x7b: {  	_ =	shalt  }
0x7c: {  	_ =	shalt  }
0x7d: {  	_ =	shalt  }
0x7e: {  	_ =	shalt  }
0x7f: {  	_ =	shalt  }
0x80: {  	_ =	shalt  }
0x81: {  	_ =	shalt  }
0x82: {  	_ =	shalt  }
0x83: {  	_ =	shalt  }
0x84: {  	_ =	shalt  }
0x85: {  	_ =	shalt  }
0x86: {  	_ =	shalt  }
0x87: {  	_ =	shalt  }
.Lfunc_end0:
.L_simem_size_0:
called_computation.2_lowered:
.L_overlay_start_0:
0x88: {  	s2 =	sld [smem:$0x3FD9]  }
0x89: {  	s3 =	sld [smem:$0x3FFE];
	_ =	sdelay $0x1  }
0x8a: {  	s1 =	srdreg.scid  }
0x8b: {  	s0 =	sand.u32 $0x1, s1  }
0x8c: {  	s14 =	sshll.u32 s0, $0xA;
	s2 =	sadd.s32 s3, s2  }
0x8d: {  	s2 =	sadd.s32 s2, s14  }
0x8e: {  	[smem:$0x3FBD] =	sst s2  }
0x8f: {  	_ = 	snop  }
0x90: {  	s2 =	sld [smem:$0x3FD0];
	_ =	sdelay $0x2  }
0x91: {  	s15 =	simm.s32 $0xA;
	s4 =	simm.s32 $0x10  }
0x92: {  	[smem:s4], [sflag:s15] =	dma.local [hbm:s2], $0x1  }
0x93: {  	_ =	swait.eq [sflag:s15], $0x1  }
0x94: {  	[sflag:s15] =	ssyncset.done $0x0  }
0x95: {  	s16 =	sld [smem:$0x10];
	[sflag:s15] =	ssyncadd.s32 $0xFFFFFFFF  }
0x96: {  	s17 =	sld [smem:$0x11];
	(tm) =	ssettm $0x1  }
0x97: {  	s18 =	sld [smem:$0x3FFB];
	_ =	sdelay $0x3  }
0x98: {  	_ =	strace s18  }
0x99: {  	s4 =	sld [smem:$0x3FFC];
	_ =	sdelay $0x3  }
0x9a: {  	_ =	strace s4  }
0x9b: {  	s4 =	sld [smem:$0x3FFD];
	_ =	sdelay $0x3  }
0x9c: {  	_ =	strace s4  }
0x9d: {  	_ =	strace $0x8FFFFFFF  }
0x9e: {  	s19 =	sld [smem:$0x3FDB];
	_ =	sdelay $0x1  }
0x9f: {  	s5 =	simm.s32 $_scs_section_size  }
0xa0: {  	s6 =	simm.s32 $_size__tile_overlayer_lowered;
	s7 =	simm.s32 $_tile_overlayer_lowered  }
0xa1: {  	s22 =	simm.s32 $0x1BFF;
	s21 =	sshll.u32 s7, $0x1;
	s4 =	sadd.s32 s5, s19  }
0xa2: {  	s8 =	simm.s32 $0x0;
	s20 =	sshll.u32 s6, $0x1;
	s6 =	sadd.s32 s21, s4  }
0xa3: {  	[timem:s8], [sflag:s22] =	dma.local [hbm:s6], s20  }
0xa4: {  	_ =	swait.ge [sflag:s22], s20  }
0xa5: {  	s5 =	ssub.s32 $0x0, s20;
	[sflag:s22] =	ssyncset.done $0x0  }
0xa6: {  	[sflag:s22] =	ssyncadd.s32 s5;
	_ =	sdelay $0x1  }
0xa7: {  	s23 =	simm.s32 $0x1B8B  }
0xa8: {  	_ =	swait.ge [sflag:s23], $0x1  }
0xa9: {  	[sflag:s23] =	ssyncset.done $0x0  }
0xaa: {  	s25 =	simm.s32 $0x1B8E;
	s24 =	sld [smem:$0x3FFE];
	[sflag:s23] =	ssyncadd.s32 $0xFFFFFFFF  }
0xab: {  	s26 =	simm.s32 $execute0_lowered;
	[smem:$0x3FD2] =	sst s25  }
0xac: {  	s6 =	sshll.u32 s26, $0x1;
	_ =	strace $0x8000004C;
	[dreg:$0x1] =	wrdreg $0xFFFFFFFF  }
0xad: {  	s28 =	simm.s32 $_size_execute0_lowered;
	s4 =	sadd.s32 s4, s6;
	[dreg:$0x0] =	wrdreg $0x0  }
0xae: {  	s6 =	sshll.u32 s28, $0x1;
	[dreg:$0x2] =	wrdreg s4  }
0xaf: {  	[dreg:$0x3] =	wrdreg s6  }
0xb0: {  	[dreg:$0x4] =	wrdreg $0xC0  }
0xb1: {  	_ =	task [dreg:s8], $0x5FFFF  }
0xb2: {  	[dreg:$0x1] =	wrdreg $0xFFFFFFFF  }
0xb3: {  	[dreg:$0x0] =	wrdreg $0x60  }
0xb4: {  	[dreg:$0x2] =	wrdreg s16  }
0xb5: {  	[dreg:$0x3] =	wrdreg s24  }
0xb6: {  	[dreg:$0x4] =	wrdreg s17  }
0xb7: {  	[dreg:$0x5] =	wrdreg $0x0  }
0xb8: {  	[dreg:$0x6] =	wrdreg $0x9  }
0xb9: {  	_ =	task.clear_ibuf [dreg:s8], $0x7FFFF;
	_ =	strace $0x9000004C  }
0xba: {  	s29 =	simm.s32 $0x9;
	_ =	strace $0x8000004E  }
0xbb: {  	_ =	swait.ge [sflag:s29], $0x1  }
0xbc: {  	[sflag:s29] =	ssyncadd.s32 $0xFFFFFFFF  }
0xbd: {  	_ =	strace $0x9000004E  }
0xbe: {  	_ =	sfence  }
0xbf: {  	s30 =	sld [smem:$0x0];
	_ =	sdelay $0x2  }
0xc0: {  	s31 =	sshll.u32 s1, $0xD;
	s1 =	sshrl.u32 s1, $0x2  }
0xc1: {  	s3 =	sand.u32 $0x4000, s31;
	s1 =	sadd.s32 s1, s30  }
0xc2: {  	s0 =	sor.u32 s3, s0;
	s1 =	sshll.u32 s1, $0x11  }
0xc3: {  	s0 =	sor.u32 s1, s0  }
0xc4: {  	s0 =	sadd.s32 $0x8F2B, s0  }
0xc5: {  	[sflag:s0] =	ssyncadd.remote.s32 $0x1  }
0xc6: {  	_ =	sfence.sel $0xFFFF  }
0xc7: {  	[dreg:$0x0] =	wrdreg $0xFFFFFFFF;
	(pc) =	sbr.abs _section_cstart, $3  }
0xc8: {  	[dreg:$0x1] =	wrdreg $0xFFFFFFFF  }
0xc9: {  	_ =	task.clear_ibuf [dreg:s8], $0x2FFFF;
	_ =	strace $0x9FFFFFFF  }
0xca: {  	(tm) =	ssettm $0x7FFFFFFF  }
0xcb: {  	_ =	shalt  }
tec
execute0_lowered:
.L_overlay_start_1:
0x0: {  	(tag) =	ssettag $0x1  }
0x1: {  	s1 =	rddreg [dreg:$0x0]  }
0x2: {  	s5 =	rddreg [dreg:$0x1]  }
0x3: {  	s11 =	rddreg [dreg:$0x2]  }
0x4: {  	s2 =	rddreg [dreg:$0x3]  }
0x5: {  	s0 =	rddreg [dreg:$0x4];
	s3 =	simm.s32 $0x0  }
0x6: {  	s6 =	srdreg.scid;
	s4 =	stileid.u32;
	s18 =	simm.s32 $0x16400  }
0x7: {  	s19 =	simm.s32 $0x1;
	s20 =	simm.s32 $0x13C80;
	s21 =	simm.s32 $0x1A400  }
0x8: {  	s22 =	simm.s32 $0x2;
	s23 =	simm.s32 $0x3;
	s24 =	simm.s32 $0x4  }
0x9: {  	[smem:$0x7FF] =	sst s3;
	s9 =	sadd.s32 $0x1C600, s5;
	s8 =	smul.u32 $0x13C00, s4  }
0xa: {  	s6 =	sand.u32 $0x1, s6;
	s10 =	sadd.s32 $0x12600, s5;
	s13 =	smul.u32 $0x4F000, s4  }
0xb: {  	s28 =	sshll.u32 s4, $0x6;
	_ =	strace $0x8000004D;
	s7 =	sshll.u32 s6, $0x4  }
0xc: {  	s12 =	ssub.s32 $0x2, s6;
	s29 =	smul.u32 $0x13C000, s6;
	s6 =	sor.u32 $0x1C05, s28  }
0xd: {  	s7 =	sor.u32 s4, s7;
	s14 =	sshrl.u32 s8, $0x3;
	s15 =	sshrl.u32 s12, $0x1  }
0xe: {  	s26 =	sshrl.u32 s13, $0x2;
	s16 =	smul.u32 $0x500, s7;
	s5 =	sadd.s32 s14, s5  }
0xf: {  	s12 =	ssub.s32 s12, s15;
	s25 =	smul.u32 $0x2800, s7;
	s17 =	sadd.s32 s26, s2  }
0x10: {  	s31 =	sadd.s32 s8, s29;
	s15 =	simm.s32 $0x13C00;
	s26 =	simm.s32 $0x0  }
0x11: {  	s5 =	sadd.s32 $0x26600, s5;
	s14 =	sshrl.u32 s31, $0x3;
	s12 =	smax.u32 s12, $0x1  }
0x12: {  	s7 =	sadd.s32 s9, s16;
	s30 =	sshrl.u32 s25, $0x3;
	s8 =	sadd.s32 s10, s16  }
0x13: {  	s11 =	sadd.s32 s11, s14;
	s14 =	simm.s32 $0x5;
	s13 =	sadd.s32 $0x280, s30  }
0x14: {  	s16 =	simm.s32 $0x15000;
	s25 =	simm.s32 $0x16380;
	s9 =	sadd.s32 s9, s13  }
0x15: {  	s10 =	sadd.s32 s10, s13;
	s13 =	sshrl.u32 s17, $0x3;
	s17 =	simm.s32 $0x80  }
.LBB2_1:
0x16: {  	[spmem:s13], [sflag:s6] =	dma.local [hbm:s5], $0x2780  }
0x17: {  	_ =	swait.ge [sflag:s14], $0x2780  }
0x18: {  	[sflag:s14] =	ssyncset.done $0x0  }
0x19: {  	[sflag:s14] =	ssyncadd.s32 $0xFFFFD880  }
0x1a: {  	[bflag:$0x0] =	sbarrier.arrive $0xFFFF  }
0x1b: {  	[tilespmem:s15], [sflag:$0x5] =	stream.linear.gather [hbm4b:s7+s3], $0x1400, $0x38;
	[tilespmem:$0x1E400] =	vst v63  }
0x1c: {  	_ =	swait.ge [sflag:s14], $0x1400  }
0x1d: {  	[sflag:s14] =	ssyncset.done $0x0  }
0x1e: {  	[sflag:s14] =	ssyncadd.s32 $0xFFFFEC00  }
0x1f: {  	[tilespmem:s16], [sflag:$0x5] =	stream.linear.gather [hbm4b:s8+s3], $0x1400, $0x38;
	[tilespmem:$0x1E400] =	vst v63  }
0x20: {  	_ =	swait.ge [sflag:s14], $0x1400  }
0x21: {  	[sflag:s14] =	ssyncset.done $0x0  }
0x22: {  	[sflag:s14] =	ssyncadd.s32 $0xFFFFEC00  }
0x23: {  	[tilespmem:s18], [sflag:$0x1] =	stream.indirect.gather [hbm4b:s1+s17], $0x80, s15, s17, $0xb8;
	[tilespmem:$0x1E400] =	vst v63  }
0x24: {  	_ =	swait.ge [sflag:s19], $0x4000  }
0x25: {  	[sflag:s19] =	ssyncset.done $0x0  }
0x26: {  	[sflag:s19] =	ssyncadd.s32 $0xFFFFC000  }
0x27: {  	[tilespmem:s21], [sflag:$0x2] =	stream.indirect.gather [hbm4b:s1+s17], $0x80, s20, s17, $0xb8;
	[tilespmem:$0x1E400] =	vst v63  }
0x28: {  	_ = 	snop  }
0x29: {  	[spmem:s2] =	stream.indirect.scatter.add.f32 [tilespmem:s18], [sflag:$0x3], $0x80, s16, s17, $0xb8;
	[tilespmem:$0x1E400] =	vst v63  }
0x2a: {  	_ =	swait.ge [sflag:s22], $0x4000  }
0x2b: {  	[sflag:s22] =	ssyncset.done $0x0  }
0x2c: {  	[sflag:s22] =	ssyncadd.s32 $0xFFFFC000  }
0x2d: {  	_ =	swait.ge [sflag:s23], $0x4000  }
0x2e: {  	[sflag:s23] =	ssyncset.done $0x0  }
0x2f: {  	s28 =	simm.s32 $0x13D00;
	[sflag:s23] =	ssyncadd.s32 $0xFFFFC000  }
0x30: {  	[tilespmem:s18], [sflag:$0x1] =	stream.indirect.gather [hbm4b:s1+s17], $0x80, s28, s17, $0xb8;
	[tilespmem:$0x1E400] =	vst v63  }
0x31: {  	s28 =	simm.s32 $0x15080  }
0x32: {  	[spmem:s2] =	stream.indirect.scatter.add.f32 [tilespmem:s21], [sflag:$0x4], $0x80, s28, s17, $0xb8;
	[tilespmem:$0x1E400] =	vst v63  }
0x33: {  	_ =	swait.ge [sflag:s19], $0x4000  }
0x34: {  	[sflag:s19] =	ssyncset.done $0x0  }
0x35: {  	[sflag:s19] =	ssyncadd.s32 $0xFFFFC000  }
0x36: {  	_ =	swait.ge [sflag:s24], $0x4000  }
0x37: {  	[sflag:s24] =	ssyncset.done $0x0  }
0x38: {  	s28 =	simm.s32 $0x13D80;
	[sflag:s24] =	ssyncadd.s32 $0xFFFFC000  }
0x39: {  	[tilespmem:s21], [sflag:$0x2] =	stream.indirect.gather [hbm4b:s1+s17], $0x80, s28, s17, $0xb8;
	[tilespmem:$0x1E400] =	vst v63  }
0x3a: {  	s29 =	simm.s32 $0x15100;
	s28 =	simm.s32 $0xFFFFB800  }
.LBB2_2:
0x3b: {  	[spmem:s2] =	stream.indirect.scatter.add.f32 [tilespmem:s18], [sflag:$0x3], $0x80, s29, s17, $0xb8;
	[tilespmem:$0x1E400] =	vst v63  }
0x3c: {  	s29 =	smov.u32 s28  }
0x3d: {  	p0 =	sne.s32 s28, $0xFFFFFC00;
	s28 =	sadd.s32 $0x400, s28;
	_ =	swait.ge [sflag:s22], $0x4000  }
0x3e: {  	[sflag:s22] =	ssyncset.done $0x0  }
0x3f: {  	[sflag:s22] =	ssyncadd.s32 $0xFFFFC000  }
0x40: {  	_ =	swait.ge [sflag:s23], $0x4000  }
0x41: {  	s29 =	sshra.s32 s29, $0x2;
	[sflag:s23] =	ssyncset.done $0x0  }
0x42: {  	s30 =	sadd.s32 $0x15000, s29;
	[sflag:s23] =	ssyncadd.s32 $0xFFFFC000  }
0x43: {  	[tilespmem:s18], [sflag:$0x1] =	stream.indirect.gather [hbm4b:s1+s17], $0x80, s30, s17, $0xb8;
	[tilespmem:$0x1E400] =	vst v63  }
0x44: {  	s30 =	sadd.s32 $0x16380, s29  }
0x45: {  	[spmem:s2] =	stream.indirect.scatter.add.f32 [tilespmem:s21], [sflag:$0x4], $0x80, s30, s17, $0xb8;
	[tilespmem:$0x1E400] =	vst v63  }
0x46: {  	_ =	swait.ge [sflag:s19], $0x4000  }
0x47: {  	[sflag:s19] =	ssyncset.done $0x0  }
0x48: {  	[sflag:s19] =	ssyncadd.s32 $0xFFFFC000  }
.Ltmp0:
0x49: {  	_ =	swait.ge [sflag:s24], $0x4000;
	(pc) =	sbr.rel @p0 .LBB2_2-.Ltmp0, $4  }
0x4a: {  	[sflag:s24] =	ssyncset.done $0x0  }
0x4b: {  	s30 =	sadd.s32 $0x15080, s29;
	[sflag:s24] =	ssyncadd.s32 $0xFFFFC000  }
0x4c: {  	[tilespmem:s21], [sflag:$0x2] =	stream.indirect.gather [hbm4b:s1+s17], $0x80, s30, s17, $0xb8;
	[tilespmem:$0x1E400] =	vst v63  }
0x4d: {  	s29 =	sadd.s32 $0x16400, s29  }
0x4e: {  	[spmem:s2] =	stream.indirect.scatter.add.f32 [tilespmem:s18], [sflag:$0x3], $0x80, s29, s17, $0xb8;
	[tilespmem:$0x1E400] =	vst v63  }
0x4f: {  	_ =	swait.ge [sflag:s22], $0x4000  }
0x50: {  	[sflag:s22] =	ssyncset.done $0x0  }
0x51: {  	[sflag:s22] =	ssyncadd.s32 $0xFFFFC000  }
0x52: {  	_ =	swait.ge [sflag:s23], $0x4000  }
0x53: {  	[sflag:s23] =	ssyncset.done $0x0  }
0x54: {  	[sflag:s23] =	ssyncadd.s32 $0xFFFFC000  }
0x55: {  	[spmem:s2] =	stream.indirect.scatter.add.f32 [tilespmem:s21], [sflag:$0x4], $0x80, s25, s17, $0xb8;
	[tilespmem:$0x1E400] =	vst v63  }
0x56: {  	_ =	swait.ge [sflag:s24], $0x4000  }
0x57: {  	[sflag:s24] =	ssyncset.done $0x0  }
0x58: {  	[sflag:s24] =	ssyncadd.s32 $0xFFFFC000  }
0x59: {  	[tilespmem:s15], [sflag:$0x5] =	stream.linear.gather [hbm4b:s9+s3], $0x1400, $0x38;
	[tilespmem:$0x1E400] =	vst v63  }
0x5a: {  	_ =	swait.ge [sflag:s14], $0x1400  }
0x5b: {  	[sflag:s14] =	ssyncset.done $0x0  }
0x5c: {  	[sflag:s14] =	ssyncadd.s32 $0xFFFFEC00  }
0x5d: {  	[tilespmem:s16], [sflag:$0x5] =	stream.linear.gather [hbm4b:s10+s3], $0x1400, $0x38;
	[tilespmem:$0x1E400] =	vst v63  }
0x5e: {  	_ =	swait.ge [sflag:s14], $0x1400  }
0x5f: {  	[sflag:s14] =	ssyncset.done $0x0  }
0x60: {  	[sflag:s14] =	ssyncadd.s32 $0xFFFFEC00  }
0x61: {  	[tilespmem:s18], [sflag:$0x1] =	stream.indirect.gather [hbm4b:s1+s17], $0x80, s15, s17, $0xb8;
	[tilespmem:$0x1E400] =	vst v63  }
0x62: {  	_ =	swait.ge [sflag:s19], $0x4000  }
0x63: {  	[sflag:s19] =	ssyncset.done $0x0  }
0x64: {  	[sflag:s19] =	ssyncadd.s32 $0xFFFFC000  }
0x65: {  	[tilespmem:s21], [sflag:$0x2] =	stream.indirect.gather [hbm4b:s1+s17], $0x80, s20, s17, $0xb8;
	[tilespmem:$0x1E400] =	vst v63  }
0x66: {  	_ = 	snop  }
0x67: {  	[spmem:s2] =	stream.indirect.scatter.add.f32 [tilespmem:s18], [sflag:$0x3], $0x80, s16, s17, $0xb8;
	[tilespmem:$0x1E400] =	vst v63  }
0x68: {  	_ =	swait.ge [sflag:s22], $0x4000  }
0x69: {  	[sflag:s22] =	ssyncset.done $0x0  }
0x6a: {  	[sflag:s22] =	ssyncadd.s32 $0xFFFFC000  }
0x6b: {  	_ =	swait.ge [sflag:s23], $0x4000  }
0x6c: {  	[sflag:s23] =	ssyncset.done $0x0  }
0x6d: {  	s28 =	simm.s32 $0x13D00;
	[sflag:s23] =	ssyncadd.s32 $0xFFFFC000  }
0x6e: {  	[tilespmem:s18], [sflag:$0x1] =	stream.indirect.gather [hbm4b:s1+s17], $0x80, s28, s17, $0xb8;
	[tilespmem:$0x1E400] =	vst v63  }
0x6f: {  	s28 =	simm.s32 $0x15080  }
0x70: {  	[spmem:s2] =	stream.indirect.scatter.add.f32 [tilespmem:s21], [sflag:$0x4], $0x80, s28, s17, $0xb8;
	[tilespmem:$0x1E400] =	vst v63  }
0x71: {  	_ =	swait.ge [sflag:s19], $0x4000  }
0x72: {  	[sflag:s19] =	ssyncset.done $0x0  }
0x73: {  	[sflag:s19] =	ssyncadd.s32 $0xFFFFC000  }
0x74: {  	_ =	swait.ge [sflag:s24], $0x4000  }
0x75: {  	[sflag:s24] =	ssyncset.done $0x0  }
0x76: {  	s28 =	simm.s32 $0x13D80;
	[sflag:s24] =	ssyncadd.s32 $0xFFFFC000  }
0x77: {  	[tilespmem:s21], [sflag:$0x2] =	stream.indirect.gather [hbm4b:s1+s17], $0x80, s28, s17, $0xb8;
	[tilespmem:$0x1E400] =	vst v63  }
0x78: {  	s29 =	simm.s32 $0x15100;
	s28 =	simm.s32 $0xFFFFB800  }
.LBB2_4:
0x79: {  	[spmem:s2] =	stream.indirect.scatter.add.f32 [tilespmem:s18], [sflag:$0x3], $0x80, s29, s17, $0xb8;
	[tilespmem:$0x1E400] =	vst v63  }
0x7a: {  	s29 =	smov.u32 s28  }
0x7b: {  	p0 =	sne.s32 s28, $0xFFFFFC00;
	s28 =	sadd.s32 $0x400, s28;
	_ =	swait.ge [sflag:s22], $0x4000  }
0x7c: {  	[sflag:s22] =	ssyncset.done $0x0  }
0x7d: {  	[sflag:s22] =	ssyncadd.s32 $0xFFFFC000  }
0x7e: {  	_ =	swait.ge [sflag:s23], $0x4000  }
0x7f: {  	s29 =	sshra.s32 s29, $0x2;
	[sflag:s23] =	ssyncset.done $0x0  }
0x80: {  	s30 =	sadd.s32 $0x15000, s29;
	[sflag:s23] =	ssyncadd.s32 $0xFFFFC000  }
0x81: {  	[tilespmem:s18], [sflag:$0x1] =	stream.indirect.gather [hbm4b:s1+s17], $0x80, s30, s17, $0xb8;
	[tilespmem:$0x1E400] =	vst v63  }
0x82: {  	s30 =	sadd.s32 $0x16380, s29  }
0x83: {  	[spmem:s2] =	stream.indirect.scatter.add.f32 [tilespmem:s21], [sflag:$0x4], $0x80, s30, s17, $0xb8;
	[tilespmem:$0x1E400] =	vst v63  }
0x84: {  	_ =	swait.ge [sflag:s19], $0x4000  }
0x85: {  	[sflag:s19] =	ssyncset.done $0x0  }
0x86: {  	[sflag:s19] =	ssyncadd.s32 $0xFFFFC000  }
.Ltmp1:
0x87: {  	_ =	swait.ge [sflag:s24], $0x4000;
	(pc) =	sbr.rel @p0 .LBB2_4-.Ltmp1, $4  }
0x88: {  	[sflag:s24] =	ssyncset.done $0x0  }
0x89: {  	s30 =	sadd.s32 $0x15080, s29;
	[sflag:s24] =	ssyncadd.s32 $0xFFFFC000  }
0x8a: {  	[tilespmem:s21], [sflag:$0x2] =	stream.indirect.gather [hbm4b:s1+s17], $0x80, s30, s17, $0xb8;
	[tilespmem:$0x1E400] =	vst v63  }
0x8b: {  	s29 =	sadd.s32 $0x16400, s29  }
0x8c: {  	[spmem:s2] =	stream.indirect.scatter.add.f32 [tilespmem:s18], [sflag:$0x3], $0x80, s29, s17, $0xb8;
	[tilespmem:$0x1E400] =	vst v63  }
0x8d: {  	_ =	swait.ge [sflag:s22], $0x4000  }
0x8e: {  	[sflag:s22] =	ssyncset.done $0x0  }
0x8f: {  	[sflag:s22] =	ssyncadd.s32 $0xFFFFC000  }
0x90: {  	_ =	swait.ge [sflag:s23], $0x4000  }
0x91: {  	[sflag:s23] =	ssyncset.done $0x0  }
0x92: {  	[sflag:s23] =	ssyncadd.s32 $0xFFFFC000  }
0x93: {  	[spmem:s2] =	stream.indirect.scatter.add.f32 [tilespmem:s21], [sflag:$0x4], $0x80, s25, s17, $0xb8;
	[tilespmem:$0x1E400] =	vst v63  }
0x94: {  	_ =	swait.ge [sflag:s24], $0x4000  }
0x95: {  	s26 =	sadd.s32 $0x1, s26;
	[sflag:s24] =	ssyncset.done $0x0  }
0x96: {  	p0 =	sne.s32 s26, s12;
	[sflag:s24] =	ssyncadd.s32 $0xFFFFC000  }
.Ltmp2:
0x97: {  	[bflag:$0x0] =	sbarrier.arrive $0xFFFF;
	(pc) =	sbr.rel @p0 .LBB2_1-.Ltmp2, $4  }
0x98: {  	[hbm:s11], [sflag:s6] =	dma.local [spmem:s13], $0x2780  }
0x99: {  	_ =	swait.ge [sflag:s14], $0x2780  }
0x9a: {  	[sflag:s14] =	ssyncset.done $0x0  }
0x9b: {  	[sflag:s14] =	ssyncadd.s32 $0xFFFFD880  }
0x9c: {  	_ =	sfence.sel $0x180000  }
0x9d: {  	[bflag:$0x0] =	sbarrier.arrive $0xFFFF  }
0x9e: {  	p0 =	sne.s32 s4, $0x0;
	_ =	strace $0x9000004D  }
0x9f: {  	s0 =	sadd.s32 @!p0 $0x100000, s0;
	[bflag:$0x2] =	sbarrier.arrive $0xFFFF  }
0xa0: {  	[sflag:s0] =	ssyncadd.tile.s32 @!p0 $0x1;
	_ =	shalt  }
.Lfunc_end2:
_tile_overlayer_lowered:
.L_overlay_start_2:
0xa1: {  	(tag) =	ssettag $0x2  }
0xa2: {  	s0 =	rddreg [dreg:$0x0];
	s2 =	stileid.u32  }
0xa3: {  	s1 =	rddreg [dreg:$0x1];
	p0 =	sne.s32 s2, $0x0  }
0xa4: {  	s3 =	rddreg [dreg:$0x2];
	[bflag:$0x3] =	sbarrier.arrive $0xFFFF;
	s2 =	simm.s32 @!p0 $0x1C05  }
0xa5: {  	[timem:s3], [sflag:s2] =	dma.local @!p0 [hbm:s0], s1  }
0xa6: {  	s0 =	simm.s32 @!p0 $0x5  }
0xa7: {  	_ =	swait.ge @!p0 [sflag:s0], s1  }
0xa8: {  	s1 =	ssub.s32 @!p0 $0x0, s1;
	[sflag:s0] =	ssyncset.done @!p0 $0x0  }
0xa9: {  	[sflag:s0] =	ssyncadd.s32 @!p0 s1  }
0xaa: {  	[bflag:$0x3] =	sbarrier.arrive $0xFFFF  }
0xab: {  	_ =	shalt  }

// kernel: kernel.26.cloned.1.call-start
scs
__scs_entry_jumppad:
0x0: {  	(pc) =	sbr.rel $0x88, $3  }
0x1: {  	(tag) =	ssettag $0x0;
	lr =	simm.s32 $0x1  }
0x2: {  	[smem:$0x3F96] =	sst lr;
	_ =	strace $0xD0000000  }
0x3: {  	_ = 	snop  }
0x4: {  	_ = 	snop  }
0x5: {  	_ = 	snop  }
0x6: {  	_ = 	snop  }
0x7: {  	_ = 	snop  }
__scs_overlays_trampoline_lowered:
0x8: {  	[smem:$0x3FA5] =	sst s0  }
0x9: {  	[smem:$0x3FA6] =	sst s1  }
0xa: {  	[smem:$0x3FA7] =	sst s2  }
0xb: {  	[smem:$0x3FA8] =	sst s3  }
0xc: {  	[smem:$0x3FA9] =	sst s4  }
0xd: {  	[smem:$0x3FAA] =	sst s5  }
0xe: {  	[smem:$0x3FAB] =	sst s6  }
0xf: {  	[smem:$0x3FAC] =	sst s7  }
0x10: {  	[smem:$0x3FAD] =	sst s8  }
0x11: {  	[smem:$0x3FAE] =	sst s9;
	s0 =	simm.s32 @!p0 $0x0  }
0x12: {  	s1 =	sld [smem:$0x3F94];
	s0 =	simm.s32 @p0 $0x1  }
0x13: {  	[smem:$0x3FAF] =	sst s0;
	s0 =	simm.s32 @!p1 $0x0  }
0x14: {  	s2 =	sld [smem:$0x3F93];
	s0 =	simm.s32 @p1 $0x1  }
0x15: {  	[smem:$0x3FB0] =	sst s0;
	s0 =	simm.s32 @!p2 $0x0  }
0x16: {  	s3 =	sld [smem:$0x3FDB];
	s0 =	simm.s32 @p2 $0x1  }
0x17: {  	s4 =	simm.s32 $0x1BF5;
	[smem:$0x3FB2] =	sst s0  }
0x18: {  	s0 =	sld [smem:$0x3F95];
	_ =	swait.ge [sflag:s4], $0x0  }
0x19: {  	s7 =	sld [smem:$0x3F96]  }
0x1a: {  	s8 =	sadd.s32 $0xFFFFE003, lr  }
0x1b: {  	s9 =	sadd.s32 $0xFFFFFEF7, lr;
	s5 =	simm.s32 $0xFFFFFFFF;
	p2 =	slt.u32 s8, $0xFFFFF086  }
0x1c: {  	p1 =	slt.u32 s9, $0xF7A;
	s5 =	simm.s32 @!p2 $0x0  }
0x1d: {  	s5 =	simm.s32 @p1 $0x1;
	p0 =	seq.s32 s7, s2  }
0x1e: {  	s7 =	smul.u32 @!p0 $0xF7A, s2;
	p2 =	seq.s32 @!p0 s5, $0x0  }
0x1f: {  	s9 =	smul.u32 $0xF7A, s1;
	s8 =	simm.s32 @!p0 $0x1BF5;
	p2 =	por !p2, p0  }
0x20: {  	[sflag:s8] =	ssyncset.s32 @!p0 $0xFFFFF086;
	s6 =	sadd.s32 @!p0 s3, s7;
	s7 =	simm.s32 @!p0 $0x108  }
0x21: {  	s3 =	sadd.s32 s3, s9;
	s6 =	sadd.s32 @!p0 $0x88, s6;
	s7 =	simm.s32 @p2 $0x1082  }
0x22: {  	[simem:s7], [sflag:s8] =	dma.local @!p0 [hbm:s6], $0xF7A  }
0x23: {  	s9 =	sor.u32 $0xD0000000, s2;
	s6 =	simm.s32 $0x108;
	_ =	swait.ge @!p0 [sflag:s8], $0x0  }
0x24: {  	s3 =	sadd.s32 $0x88, s3;
	s6 =	simm.s32 @!p1 $0x1082;
	[sflag:s4] =	ssyncset.s32 $0xFFFFF086  }
0x25: {  	[simem:s6], [sflag:s4] =	dma.local [hbm:s3], $0xF7A  }
0x26: {  	[smem:$0x3F96] =	sst s1;
	(tag) =	ssettag s2;
	_ =	strace s9  }
0x27: {  	s1 =	sld [smem:$0x3FA6]  }
0x28: {  	s2 =	sld [smem:$0x3FA7]  }
0x29: {  	s4 =	sld [smem:$0x3FA9]  }
0x2a: {  	p0 =	seq.s32 s5, $0x0;
	s5 =	sld [smem:$0x3FAA]  }
0x2b: {  	s6 =	sld [smem:$0x3FAB]  }
0x2c: {  	s7 =	sld [smem:$0x3FAC]  }
0x2d: {  	s3 =	simm.s32 $0x108;
	s8 =	sld [smem:$0x3FAD]  }
0x2e: {  	s3 =	simm.s32 @!p0 $0x1082;
	s9 =	sld [smem:$0x3FAE]  }
0x2f: {  	lr =	sadd.s32 s0, s3;
	s0 =	sld [smem:$0x3FA5]  }
0x30: {  	s3 =	sld [smem:$0x3FA8]  }
0x31: {  	[smem:$0x3FB1] =	sst s10  }
0x32: {  	s10 =	sld [smem:$0x3FAF];
	_ =	sdelay $0x3  }
0x33: {  	p0 =	seq.s32 s10, $0x1;
	s10 =	sld [smem:$0x3FB1];
	_ =	sdelay $0x3  }
0x34: {  	[smem:$0x3FB1] =	sst s10  }
0x35: {  	s10 =	sld [smem:$0x3FB0];
	_ =	sdelay $0x3  }
0x36: {  	p1 =	seq.s32 s10, $0x1;
	s10 =	sld [smem:$0x3FB1];
	_ =	sdelay $0x3  }
0x37: {  	[smem:$0x3FB1] =	sst s10  }
0x38: {  	s10 =	sld [smem:$0x3FB2]  }
0x39: {  	_ = 	snop;
	(pc) =	sbr.ind lr, $3  }
0x3a: {  	_ = 	snop  }
0x3b: {  	_ = 	snop  }
0x3c: {  	p2 =	seq.s32 s10, $0x1;
	s10 =	sld [smem:$0x3FB1]  }
0x3d: {  	_ =	shalt  }
0x3e: {  	_ =	shalt  }
0x3f: {  	_ =	shalt  }
0x40: {  	_ =	shalt  }
0x41: {  	_ =	shalt  }
0x42: {  	_ =	shalt  }
0x43: {  	_ =	shalt  }
0x44: {  	_ =	shalt  }
0x45: {  	_ =	shalt  }
0x46: {  	_ =	shalt  }
0x47: {  	_ =	shalt  }
0x48: {  	_ =	shalt  }
0x49: {  	_ =	shalt  }
0x4a: {  	_ =	shalt  }
0x4b: {  	_ =	shalt  }
0x4c: {  	_ =	shalt  }
0x4d: {  	_ =	shalt  }
0x4e: {  	_ =	shalt  }
0x4f: {  	_ =	shalt  }
0x50: {  	_ =	shalt  }
0x51: {  	_ =	shalt  }
0x52: {  	_ =	shalt  }
0x53: {  	_ =	shalt  }
0x54: {  	_ =	shalt  }
0x55: {  	_ =	shalt  }
0x56: {  	_ =	shalt  }
0x57: {  	_ =	shalt  }
0x58: {  	_ =	shalt  }
0x59: {  	_ =	shalt  }
0x5a: {  	_ =	shalt  }
0x5b: {  	_ =	shalt  }
0x5c: {  	_ =	shalt  }
0x5d: {  	_ =	shalt  }
0x5e: {  	_ =	shalt  }
0x5f: {  	_ =	shalt  }
0x60: {  	_ =	shalt  }
0x61: {  	_ =	shalt  }
0x62: {  	_ =	shalt  }
0x63: {  	_ =	shalt  }
0x64: {  	_ =	shalt  }
0x65: {  	_ =	shalt  }
0x66: {  	_ =	shalt  }
0x67: {  	_ =	shalt  }
0x68: {  	_ =	shalt  }
0x69: {  	_ =	shalt  }
0x6a: {  	_ =	shalt  }
0x6b: {  	_ =	shalt  }
0x6c: {  	_ =	shalt  }
0x6d: {  	_ =	shalt  }
0x6e: {  	_ =	shalt  }
0x6f: {  	_ =	shalt  }
0x70: {  	_ =	shalt  }
0x71: {  	_ =	shalt  }
0x72: {  	_ =	shalt  }
0x73: {  	_ =	shalt  }
0x74: {  	_ =	shalt  }
0x75: {  	_ =	shalt  }
0x76: {  	_ =	shalt  }
0x77: {  	_ =	shalt  }
0x78: {  	_ =	shalt  }
0x79: {  	_ =	shalt  }
0x7a: {  	_ =	shalt  }
0x7b: {  	_ =	shalt  }
0x7c: {  	_ =	shalt  }
0x7d: {  	_ =	shalt  }
0x7e: {  	_ =	shalt  }
0x7f: {  	_ =	shalt  }
0x80: {  	_ =	shalt  }
0x81: {  	_ =	shalt  }
0x82: {  	_ =	shalt  }
0x83: {  	_ =	shalt  }
0x84: {  	_ =	shalt  }
0x85: {  	_ =	shalt  }
0x86: {  	_ =	shalt  }
0x87: {  	_ =	shalt  }
.Lfunc_end0:
.L_simem_size_0:
called_computation.3_lowered:
.L_overlay_start_0:
0x88: {  	s2 =	sld [smem:$0x3FD9]  }
0x89: {  	s3 =	sld [smem:$0x3FFE];
	_ =	sdelay $0x1  }
0x8a: {  	s1 =	srdreg.scid  }
0x8b: {  	s0 =	sand.u32 $0x1, s1  }
0x8c: {  	s14 =	sshll.u32 s0, $0xA;
	s2 =	sadd.s32 s3, s2  }
0x8d: {  	s2 =	sadd.s32 s2, s14  }
0x8e: {  	[smem:$0x3FBD] =	sst s2  }
0x8f: {  	_ = 	snop  }
0x90: {  	s2 =	sld [smem:$0x3FD0];
	_ =	sdelay $0x2  }
0x91: {  	s15 =	simm.s32 $0xA;
	s4 =	simm.s32 $0x10  }
0x92: {  	[smem:s4], [sflag:s15] =	dma.local [hbm:s2], $0x1  }
0x93: {  	_ =	swait.eq [sflag:s15], $0x1  }
0x94: {  	[sflag:s15] =	ssyncset.done $0x0  }
0x95: {  	[sflag:s15] =	ssyncadd.s32 $0xFFFFFFFF  }
0x96: {  	s16 =	sld [smem:$0x11];
	(tm) =	ssettm $0x1  }
0x97: {  	s17 =	sld [smem:$0x3FFB];
	_ =	sdelay $0x3  }
0x98: {  	_ =	strace s17  }
0x99: {  	s3 =	sld [smem:$0x3FFC];
	_ =	sdelay $0x3  }
0x9a: {  	_ =	strace s3  }
0x9b: {  	s3 =	sld [smem:$0x3FFD];
	_ =	sdelay $0x3  }
0x9c: {  	_ =	strace s3  }
0x9d: {  	_ =	strace $0x8FFFFFFF  }
0x9e: {  	s18 =	sld [smem:$0x3FDB];
	_ =	sdelay $0x1  }
0x9f: {  	s19 =	simm.s32 $_scs_section_size  }
0xa0: {  	s5 =	simm.s32 $_size__tile_overlayer_lowered;
	s6 =	simm.s32 $_tile_overlayer_lowered  }
0xa1: {  	s22 =	simm.s32 $0x1BFF;
	s21 =	sshll.u32 s6, $0x1;
	s3 =	sadd.s32 s19, s18  }
0xa2: {  	s7 =	simm.s32 $0x0;
	s20 =	sshll.u32 s5, $0x1;
	s5 =	sadd.s32 s21, s3  }
0xa3: {  	[timem:s7], [sflag:s22] =	dma.local [hbm:s5], s20  }
0xa4: {  	_ =	swait.ge [sflag:s22], s20  }
0xa5: {  	s4 =	ssub.s32 $0x0, s20;
	[sflag:s22] =	ssyncset.done $0x0  }
0xa6: {  	[sflag:s22] =	ssyncadd.s32 s4;
	_ =	sdelay $0x1  }
0xa7: {  	s23 =	simm.s32 $0x1B8B  }
0xa8: {  	_ =	swait.ge [sflag:s23], $0x1  }
0xa9: {  	[sflag:s23] =	ssyncset.done $0x0  }
0xaa: {  	s25 =	simm.s32 $0x1B8E;
	s24 =	sld [smem:$0x3FFE];
	[sflag:s23] =	ssyncadd.s32 $0xFFFFFFFF  }
0xab: {  	s26 =	simm.s32 $execute0_lowered;
	[smem:$0x3FD2] =	sst s25  }
0xac: {  	s5 =	sshll.u32 s26, $0x1;
	_ =	strace $0x8000004F;
	[dreg:$0x1] =	wrdreg $0xFFFFFFFF  }
0xad: {  	s28 =	simm.s32 $_size_execute0_lowered;
	s3 =	sadd.s32 s3, s5;
	[dreg:$0x0] =	wrdreg $0x0  }
0xae: {  	s5 =	sshll.u32 s28, $0x1;
	[dreg:$0x2] =	wrdreg s3  }
0xaf: {  	[dreg:$0x3] =	wrdreg s5  }
0xb0: {  	[dreg:$0x4] =	wrdreg $0xC0  }
0xb1: {  	_ =	task [dreg:s7], $0x5FFFF  }
0xb2: {  	[dreg:$0x1] =	wrdreg $0xFFFFFFFF  }
0xb3: {  	[dreg:$0x0] =	wrdreg $0x60  }
0xb4: {  	[dreg:$0x2] =	wrdreg s24  }
0xb5: {  	[dreg:$0x3] =	wrdreg s16  }
0xb6: {  	[dreg:$0x4] =	wrdreg $0x0  }
0xb7: {  	[dreg:$0x5] =	wrdreg $0x9  }
0xb8: {  	_ =	task.clear_ibuf [dreg:s7], $0x6FFFF;
	_ =	strace $0x9000004F  }
0xb9: {  	s29 =	simm.s32 $0x9;
	_ =	strace $0x80000051  }
0xba: {  	_ =	swait.ge [sflag:s29], $0x1  }
0xbb: {  	[sflag:s29] =	ssyncadd.s32 $0xFFFFFFFF  }
0xbc: {  	_ =	strace $0x90000051  }
0xbd: {  	_ =	sfence  }
0xbe: {  	s30 =	sld [smem:$0x0];
	_ =	sdelay $0x2  }
0xbf: {  	s31 =	sshll.u32 s1, $0xD;
	s1 =	sshrl.u32 s1, $0x2  }
0xc0: {  	s3 =	sand.u32 $0x4000, s31;
	s1 =	sadd.s32 s1, s30  }
0xc1: {  	s0 =	sor.u32 s3, s0;
	s1 =	sshll.u32 s1, $0x11  }
0xc2: {  	s0 =	sor.u32 s1, s0  }
0xc3: {  	s0 =	sadd.s32 $0x8F2B, s0  }
0xc4: {  	[sflag:s0] =	ssyncadd.remote.s32 $0x1  }
0xc5: {  	_ =	sfence.sel $0xFFFF  }
0xc6: {  	[dreg:$0x0] =	wrdreg $0xFFFFFFFF;
	(pc) =	sbr.abs _section_cstart, $3  }
0xc7: {  	[dreg:$0x1] =	wrdreg $0xFFFFFFFF  }
0xc8: {  	_ =	task.clear_ibuf [dreg:s7], $0x2FFFF;
	_ =	strace $0x9FFFFFFF  }
0xc9: {  	(tm) =	ssettm $0x7FFFFFFF  }
tec
execute0_lowered:
.L_overlay_start_1:
0x0: {  	(tag) =	ssettag $0x1  }
0x1: {  	s5 =	rddreg [dreg:$0x0]  }
0x2: {  	s11 =	rddreg [dreg:$0x1]  }
0x3: {  	s1 =	rddreg [dreg:$0x2]  }
0x4: {  	s0 =	rddreg [dreg:$0x3];
	s2 =	simm.s32 $0x0;
	s6 =	srdreg.scid  }
0x5: {  	s3 =	stileid.u32;
	s18 =	simm.s32 $0x16400;
	s19 =	simm.s32 $0x1  }
0x6: {  	s20 =	simm.s32 $0x13C80;
	s21 =	simm.s32 $0x1A400;
	s22 =	simm.s32 $0x2  }
0x7: {  	s23 =	simm.s32 $0x3;
	s24 =	simm.s32 $0x4;
	[smem:$0x7FF] =	sst s2  }
0x8: {  	s4 =	sadd.s32 $0x9CE00, s5;
	s9 =	sadd.s32 $0x1C600, s5;
	s8 =	smul.u32 $0x13C00, s3  }
0x9: {  	s6 =	sand.u32 $0x1, s6;
	s10 =	sadd.s32 $0x12600, s5;
	s13 =	smul.u32 $0x4F000, s3  }
0xa: {  	s28 =	sshll.u32 s3, $0x6;
	_ =	strace $0x80000050;
	s7 =	sshll.u32 s6, $0x4  }
0xb: {  	s12 =	ssub.s32 $0x2, s6;
	s29 =	smul.u32 $0x13C000, s6;
	s6 =	sor.u32 $0x1C05, s28  }
0xc: {  	s7 =	sor.u32 s3, s7;
	s14 =	sshrl.u32 s8, $0x3;
	s15 =	sshrl.u32 s12, $0x1  }
0xd: {  	s26 =	sshrl.u32 s13, $0x2;
	s16 =	smul.u32 $0x500, s7;
	s5 =	sadd.s32 s14, s5  }
0xe: {  	s12 =	ssub.s32 s12, s15;
	s25 =	smul.u32 $0x2800, s7;
	s17 =	sadd.s32 s26, s1  }
0xf: {  	s31 =	sadd.s32 s8, s29;
	s15 =	simm.s32 $0x13C00;
	s26 =	simm.s32 $0x0  }
0x10: {  	s5 =	sadd.s32 $0x26600, s5;
	s14 =	sshrl.u32 s31, $0x3;
	s12 =	smax.u32 s12, $0x1  }
0x11: {  	s7 =	sadd.s32 s9, s16;
	s30 =	sshrl.u32 s25, $0x3;
	s8 =	sadd.s32 s10, s16  }
0x12: {  	s11 =	sadd.s32 s11, s14;
	s14 =	simm.s32 $0x5;
	s13 =	sadd.s32 $0x280, s30  }
0x13: {  	s16 =	simm.s32 $0x15000;
	s25 =	simm.s32 $0x16380;
	s9 =	sadd.s32 s9, s13  }
0x14: {  	s10 =	sadd.s32 s10, s13;
	s13 =	sshrl.u32 s17, $0x3;
	s17 =	simm.s32 $0x80  }
.LBB2_1:
0x15: {  	[spmem:s13], [sflag:s6] =	dma.local [hbm:s5], $0x2780  }
0x16: {  	_ =	swait.ge [sflag:s14], $0x2780  }
0x17: {  	[sflag:s14] =	ssyncset.done $0x0  }
0x18: {  	[sflag:s14] =	ssyncadd.s32 $0xFFFFD880  }
0x19: {  	[bflag:$0x0] =	sbarrier.arrive $0xFFFF  }
0x1a: {  	[tilespmem:s15], [sflag:$0x5] =	stream.linear.gather [hbm4b:s7+s2], $0x1400, $0x38;
	[tilespmem:$0x1E400] =	vst v63  }
0x1b: {  	_ =	swait.ge [sflag:s14], $0x1400  }
0x1c: {  	[sflag:s14] =	ssyncset.done $0x0  }
0x1d: {  	[sflag:s14] =	ssyncadd.s32 $0xFFFFEC00  }
0x1e: {  	[tilespmem:s16], [sflag:$0x5] =	stream.linear.gather [hbm4b:s8+s2], $0x1400, $0x38;
	[tilespmem:$0x1E400] =	vst v63  }
0x1f: {  	_ =	swait.ge [sflag:s14], $0x1400  }
0x20: {  	[sflag:s14] =	ssyncset.done $0x0  }
0x21: {  	[sflag:s14] =	ssyncadd.s32 $0xFFFFEC00  }
0x22: {  	[tilespmem:s18], [sflag:$0x1] =	stream.indirect.gather [hbm4b:s4+s17], $0x80, s15, s17, $0xb8;
	[tilespmem:$0x1E400] =	vst v63  }
0x23: {  	_ =	swait.ge [sflag:s19], $0x4000  }
0x24: {  	[sflag:s19] =	ssyncset.done $0x0  }
0x25: {  	[sflag:s19] =	ssyncadd.s32 $0xFFFFC000  }
0x26: {  	[tilespmem:s21], [sflag:$0x2] =	stream.indirect.gather [hbm4b:s4+s17], $0x80, s20, s17, $0xb8;
	[tilespmem:$0x1E400] =	vst v63  }
0x27: {  	_ = 	snop  }
0x28: {  	[spmem:s1] =	stream.indirect.scatter.add.f32 [tilespmem:s18], [sflag:$0x3], $0x80, s16, s17, $0xb8;
	[tilespmem:$0x1E400] =	vst v63  }
0x29: {  	_ =	swait.ge [sflag:s22], $0x4000  }
0x2a: {  	[sflag:s22] =	ssyncset.done $0x0  }
0x2b: {  	[sflag:s22] =	ssyncadd.s32 $0xFFFFC000  }
0x2c: {  	_ =	swait.ge [sflag:s23], $0x4000  }
0x2d: {  	[sflag:s23] =	ssyncset.done $0x0  }
0x2e: {  	s28 =	simm.s32 $0x13D00;
	[sflag:s23] =	ssyncadd.s32 $0xFFFFC000  }
0x2f: {  	[tilespmem:s18], [sflag:$0x1] =	stream.indirect.gather [hbm4b:s4+s17], $0x80, s28, s17, $0xb8;
	[tilespmem:$0x1E400] =	vst v63  }
0x30: {  	s28 =	simm.s32 $0x15080  }
0x31: {  	[spmem:s1] =	stream.indirect.scatter.add.f32 [tilespmem:s21], [sflag:$0x4], $0x80, s28, s17, $0xb8;
	[tilespmem:$0x1E400] =	vst v63  }
0x32: {  	_ =	swait.ge [sflag:s19], $0x4000  }
0x33: {  	[sflag:s19] =	ssyncset.done $0x0  }
0x34: {  	[sflag:s19] =	ssyncadd.s32 $0xFFFFC000  }
0x35: {  	_ =	swait.ge [sflag:s24], $0x4000  }
0x36: {  	[sflag:s24] =	ssyncset.done $0x0  }
0x37: {  	s28 =	simm.s32 $0x13D80;
	[sflag:s24] =	ssyncadd.s32 $0xFFFFC000  }
0x38: {  	[tilespmem:s21], [sflag:$0x2] =	stream.indirect.gather [hbm4b:s4+s17], $0x80, s28, s17, $0xb8;
	[tilespmem:$0x1E400] =	vst v63  }
0x39: {  	s29 =	simm.s32 $0x15100;
	s28 =	simm.s32 $0xFFFFB800  }
.LBB2_2:
0x3a: {  	[spmem:s1] =	stream.indirect.scatter.add.f32 [tilespmem:s18], [sflag:$0x3], $0x80, s29, s17, $0xb8;
	[tilespmem:$0x1E400] =	vst v63  }
0x3b: {  	s29 =	smov.u32 s28  }
0x3c: {  	p0 =	sne.s32 s28, $0xFFFFFC00;
	s28 =	sadd.s32 $0x400, s28;
	_ =	swait.ge [sflag:s22], $0x4000  }
0x3d: {  	[sflag:s22] =	ssyncset.done $0x0  }
0x3e: {  	[sflag:s22] =	ssyncadd.s32 $0xFFFFC000  }
0x3f: {  	_ =	swait.ge [sflag:s23], $0x4000  }
0x40: {  	s29 =	sshra.s32 s29, $0x2;
	[sflag:s23] =	ssyncset.done $0x0  }
0x41: {  	s30 =	sadd.s32 $0x15000, s29;
	[sflag:s23] =	ssyncadd.s32 $0xFFFFC000  }
0x42: {  	[tilespmem:s18], [sflag:$0x1] =	stream.indirect.gather [hbm4b:s4+s17], $0x80, s30, s17, $0xb8;
	[tilespmem:$0x1E400] =	vst v63  }
0x43: {  	s30 =	sadd.s32 $0x16380, s29  }
0x44: {  	[spmem:s1] =	stream.indirect.scatter.add.f32 [tilespmem:s21], [sflag:$0x4], $0x80, s30, s17, $0xb8;
	[tilespmem:$0x1E400] =	vst v63  }
0x45: {  	_ =	swait.ge [sflag:s19], $0x4000  }
0x46: {  	[sflag:s19] =	ssyncset.done $0x0  }
0x47: {  	[sflag:s19] =	ssyncadd.s32 $0xFFFFC000  }
.Ltmp0:
0x48: {  	_ =	swait.ge [sflag:s24], $0x4000;
	(pc) =	sbr.rel @p0 .LBB2_2-.Ltmp0, $4  }
0x49: {  	[sflag:s24] =	ssyncset.done $0x0  }
0x4a: {  	s30 =	sadd.s32 $0x15080, s29;
	[sflag:s24] =	ssyncadd.s32 $0xFFFFC000  }
0x4b: {  	[tilespmem:s21], [sflag:$0x2] =	stream.indirect.gather [hbm4b:s4+s17], $0x80, s30, s17, $0xb8;
	[tilespmem:$0x1E400] =	vst v63  }
0x4c: {  	s29 =	sadd.s32 $0x16400, s29  }
0x4d: {  	[spmem:s1] =	stream.indirect.scatter.add.f32 [tilespmem:s18], [sflag:$0x3], $0x80, s29, s17, $0xb8;
	[tilespmem:$0x1E400] =	vst v63  }
0x4e: {  	_ =	swait.ge [sflag:s22], $0x4000  }
0x4f: {  	[sflag:s22] =	ssyncset.done $0x0  }
0x50: {  	[sflag:s22] =	ssyncadd.s32 $0xFFFFC000  }
0x51: {  	_ =	swait.ge [sflag:s23], $0x4000  }
0x52: {  	[sflag:s23] =	ssyncset.done $0x0  }
0x53: {  	[sflag:s23] =	ssyncadd.s32 $0xFFFFC000  }
0x54: {  	[spmem:s1] =	stream.indirect.scatter.add.f32 [tilespmem:s21], [sflag:$0x4], $0x80, s25, s17, $0xb8;
	[tilespmem:$0x1E400] =	vst v63  }
0x55: {  	_ =	swait.ge [sflag:s24], $0x4000  }
0x56: {  	[sflag:s24] =	ssyncset.done $0x0  }
0x57: {  	[sflag:s24] =	ssyncadd.s32 $0xFFFFC000  }
0x58: {  	[tilespmem:s15], [sflag:$0x5] =	stream.linear.gather [hbm4b:s9+s2], $0x1400, $0x38;
	[tilespmem:$0x1E400] =	vst v63  }
0x59: {  	_ =	swait.ge [sflag:s14], $0x1400  }
0x5a: {  	[sflag:s14] =	ssyncset.done $0x0  }
0x5b: {  	[sflag:s14] =	ssyncadd.s32 $0xFFFFEC00  }
0x5c: {  	[tilespmem:s16], [sflag:$0x5] =	stream.linear.gather [hbm4b:s10+s2], $0x1400, $0x38;
	[tilespmem:$0x1E400] =	vst v63  }
0x5d: {  	_ =	swait.ge [sflag:s14], $0x1400  }
0x5e: {  	[sflag:s14] =	ssyncset.done $0x0  }
0x5f: {  	[sflag:s14] =	ssyncadd.s32 $0xFFFFEC00  }
0x60: {  	[tilespmem:s18], [sflag:$0x1] =	stream.indirect.gather [hbm4b:s4+s17], $0x80, s15, s17, $0xb8;
	[tilespmem:$0x1E400] =	vst v63  }
0x61: {  	_ =	swait.ge [sflag:s19], $0x4000  }
0x62: {  	[sflag:s19] =	ssyncset.done $0x0  }
0x63: {  	[sflag:s19] =	ssyncadd.s32 $0xFFFFC000  }
0x64: {  	[tilespmem:s21], [sflag:$0x2] =	stream.indirect.gather [hbm4b:s4+s17], $0x80, s20, s17, $0xb8;
	[tilespmem:$0x1E400] =	vst v63  }
0x65: {  	_ = 	snop  }
0x66: {  	[spmem:s1] =	stream.indirect.scatter.add.f32 [tilespmem:s18], [sflag:$0x3], $0x80, s16, s17, $0xb8;
	[tilespmem:$0x1E400] =	vst v63  }
0x67: {  	_ =	swait.ge [sflag:s22], $0x4000  }
0x68: {  	[sflag:s22] =	ssyncset.done $0x0  }
0x69: {  	[sflag:s22] =	ssyncadd.s32 $0xFFFFC000  }
0x6a: {  	_ =	swait.ge [sflag:s23], $0x4000  }
0x6b: {  	[sflag:s23] =	ssyncset.done $0x0  }
0x6c: {  	s28 =	simm.s32 $0x13D00;
	[sflag:s23] =	ssyncadd.s32 $0xFFFFC000  }
0x6d: {  	[tilespmem:s18], [sflag:$0x1] =	stream.indirect.gather [hbm4b:s4+s17], $0x80, s28, s17, $0xb8;
	[tilespmem:$0x1E400] =	vst v63  }
0x6e: {  	s28 =	simm.s32 $0x15080  }
0x6f: {  	[spmem:s1] =	stream.indirect.scatter.add.f32 [tilespmem:s21], [sflag:$0x4], $0x80, s28, s17, $0xb8;
	[tilespmem:$0x1E400] =	vst v63  }
0x70: {  	_ =	swait.ge [sflag:s19], $0x4000  }
0x71: {  	[sflag:s19] =	ssyncset.done $0x0  }
0x72: {  	[sflag:s19] =	ssyncadd.s32 $0xFFFFC000  }
0x73: {  	_ =	swait.ge [sflag:s24], $0x4000  }
0x74: {  	[sflag:s24] =	ssyncset.done $0x0  }
0x75: {  	s28 =	simm.s32 $0x13D80;
	[sflag:s24] =	ssyncadd.s32 $0xFFFFC000  }
0x76: {  	[tilespmem:s21], [sflag:$0x2] =	stream.indirect.gather [hbm4b:s4+s17], $0x80, s28, s17, $0xb8;
	[tilespmem:$0x1E400] =	vst v63  }
0x77: {  	s29 =	simm.s32 $0x15100;
	s28 =	simm.s32 $0xFFFFB800  }
.LBB2_4:
0x78: {  	[spmem:s1] =	stream.indirect.scatter.add.f32 [tilespmem:s18], [sflag:$0x3], $0x80, s29, s17, $0xb8;
	[tilespmem:$0x1E400] =	vst v63  }
0x79: {  	s29 =	smov.u32 s28  }
0x7a: {  	p0 =	sne.s32 s28, $0xFFFFFC00;
	s28 =	sadd.s32 $0x400, s28;
	_ =	swait.ge [sflag:s22], $0x4000  }
0x7b: {  	[sflag:s22] =	ssyncset.done $0x0  }
0x7c: {  	[sflag:s22] =	ssyncadd.s32 $0xFFFFC000  }
0x7d: {  	_ =	swait.ge [sflag:s23], $0x4000  }
0x7e: {  	s29 =	sshra.s32 s29, $0x2;
	[sflag:s23] =	ssyncset.done $0x0  }
0x7f: {  	s30 =	sadd.s32 $0x15000, s29;
	[sflag:s23] =	ssyncadd.s32 $0xFFFFC000  }
0x80: {  	[tilespmem:s18], [sflag:$0x1] =	stream.indirect.gather [hbm4b:s4+s17], $0x80, s30, s17, $0xb8;
	[tilespmem:$0x1E400] =	vst v63  }
0x81: {  	s30 =	sadd.s32 $0x16380, s29  }
0x82: {  	[spmem:s1] =	stream.indirect.scatter.add.f32 [tilespmem:s21], [sflag:$0x4], $0x80, s30, s17, $0xb8;
	[tilespmem:$0x1E400] =	vst v63  }
0x83: {  	_ =	swait.ge [sflag:s19], $0x4000  }
0x84: {  	[sflag:s19] =	ssyncset.done $0x0  }
0x85: {  	[sflag:s19] =	ssyncadd.s32 $0xFFFFC000  }
.Ltmp1:
0x86: {  	_ =	swait.ge [sflag:s24], $0x4000;
	(pc) =	sbr.rel @p0 .LBB2_4-.Ltmp1, $4  }
0x87: {  	[sflag:s24] =	ssyncset.done $0x0  }
0x88: {  	s30 =	sadd.s32 $0x15080, s29;
	[sflag:s24] =	ssyncadd.s32 $0xFFFFC000  }
0x89: {  	[tilespmem:s21], [sflag:$0x2] =	stream.indirect.gather [hbm4b:s4+s17], $0x80, s30, s17, $0xb8;
	[tilespmem:$0x1E400] =	vst v63  }
0x8a: {  	s29 =	sadd.s32 $0x16400, s29  }
0x8b: {  	[spmem:s1] =	stream.indirect.scatter.add.f32 [tilespmem:s18], [sflag:$0x3], $0x80, s29, s17, $0xb8;
	[tilespmem:$0x1E400] =	vst v63  }
0x8c: {  	_ =	swait.ge [sflag:s22], $0x4000  }
0x8d: {  	[sflag:s22] =	ssyncset.done $0x0  }
0x8e: {  	[sflag:s22] =	ssyncadd.s32 $0xFFFFC000  }
0x8f: {  	_ =	swait.ge [sflag:s23], $0x4000  }
0x90: {  	[sflag:s23] =	ssyncset.done $0x0  }
0x91: {  	[sflag:s23] =	ssyncadd.s32 $0xFFFFC000  }
0x92: {  	[spmem:s1] =	stream.indirect.scatter.add.f32 [tilespmem:s21], [sflag:$0x4], $0x80, s25, s17, $0xb8;
	[tilespmem:$0x1E400] =	vst v63  }
0x93: {  	_ =	swait.ge [sflag:s24], $0x4000  }
0x94: {  	s26 =	sadd.s32 $0x1, s26;
	[sflag:s24] =	ssyncset.done $0x0  }
0x95: {  	p0 =	sne.s32 s26, s12;
	[sflag:s24] =	ssyncadd.s32 $0xFFFFC000  }
.Ltmp2:
0x96: {  	[bflag:$0x0] =	sbarrier.arrive $0xFFFF;
	(pc) =	sbr.rel @p0 .LBB2_1-.Ltmp2, $4  }
0x97: {  	[hbm:s11], [sflag:s6] =	dma.local [spmem:s13], $0x2780  }
0x98: {  	_ =	swait.ge [sflag:s14], $0x2780  }
0x99: {  	[sflag:s14] =	ssyncset.done $0x0  }
0x9a: {  	[sflag:s14] =	ssyncadd.s32 $0xFFFFD880  }
0x9b: {  	_ =	sfence.sel $0x180000  }
0x9c: {  	[bflag:$0x0] =	sbarrier.arrive $0xFFFF  }
0x9d: {  	p0 =	sne.s32 s3, $0x0;
	_ =	strace $0x90000050  }
0x9e: {  	s0 =	sadd.s32 @!p0 $0x100000, s0;
	[bflag:$0x2] =	sbarrier.arrive $0xFFFF  }
0x9f: {  	[sflag:s0] =	ssyncadd.tile.s32 @!p0 $0x1;
	_ =	shalt  }
.Lfunc_end2:
_tile_overlayer_lowered:
.L_overlay_start_2:
0xa0: {  	(tag) =	ssettag $0x2  }
0xa1: {  	s0 =	rddreg [dreg:$0x0];
	s2 =	stileid.u32  }
0xa2: {  	s1 =	rddreg [dreg:$0x1];
	p0 =	sne.s32 s2, $0x0  }
0xa3: {  	s3 =	rddreg [dreg:$0x2];
	[bflag:$0x3] =	sbarrier.arrive $0xFFFF;
	s2 =	simm.s32 @!p0 $0x1C05  }
0xa4: {  	[timem:s3], [sflag:s2] =	dma.local @!p0 [hbm:s0], s1  }
0xa5: {  	s0 =	simm.s32 @!p0 $0x5  }
0xa6: {  	_ =	swait.ge @!p0 [sflag:s0], s1  }
0xa7: {  	s1 =	ssub.s32 @!p0 $0x0, s1;
	[sflag:s0] =	ssyncset.done @!p0 $0x0  }
0xa8: {  	[sflag:s0] =	ssyncadd.s32 @!p0 s1  }
0xa9: {  	[bflag:$0x3] =	sbarrier.arrive $0xFFFF  }
0xaa: {  	_ =	shalt  }

// kernel: kernel.29.cloned.1.call-start
scs
__scs_entry_jumppad:
0x0: {  	(pc) =	sbr.rel $0x88, $3  }
0x1: {  	(tag) =	ssettag $0x0;
	lr =	simm.s32 $0x1  }
0x2: {  	[smem:$0x3F96] =	sst lr;
	_ =	strace $0xD0000000  }
0x3: {  	_ = 	snop  }
0x4: {  	_ = 	snop  }
0x5: {  	_ = 	snop  }
0x6: {  	_ = 	snop  }
0x7: {  	_ = 	snop  }
__scs_overlays_trampoline_lowered:
0x8: {  	[smem:$0x3FA5] =	sst s0  }
0x9: {  	[smem:$0x3FA6] =	sst s1  }
0xa: {  	[smem:$0x3FA7] =	sst s2  }
0xb: {  	[smem:$0x3FA8] =	sst s3  }
0xc: {  	[smem:$0x3FA9] =	sst s4  }
0xd: {  	[smem:$0x3FAA] =	sst s5  }
0xe: {  	[smem:$0x3FAB] =	sst s6  }
0xf: {  	[smem:$0x3FAC] =	sst s7  }
0x10: {  	[smem:$0x3FAD] =	sst s8  }
0x11: {  	[smem:$0x3FAE] =	sst s9;
	s0 =	simm.s32 @!p0 $0x0  }
0x12: {  	s1 =	sld [smem:$0x3F94];
	s0 =	simm.s32 @p0 $0x1  }
0x13: {  	[smem:$0x3FAF] =	sst s0;
	s0 =	simm.s32 @!p1 $0x0  }
0x14: {  	s2 =	sld [smem:$0x3F93];
	s0 =	simm.s32 @p1 $0x1  }
0x15: {  	[smem:$0x3FB0] =	sst s0;
	s0 =	simm.s32 @!p2 $0x0  }
0x16: {  	s3 =	sld [smem:$0x3FDB];
	s0 =	simm.s32 @p2 $0x1  }
0x17: {  	s4 =	simm.s32 $0x1BF5;
	[smem:$0x3FB2] =	sst s0  }
0x18: {  	s0 =	sld [smem:$0x3F95];
	_ =	swait.ge [sflag:s4], $0x0  }
0x19: {  	s7 =	sld [smem:$0x3F96]  }
0x1a: {  	s8 =	sadd.s32 $0xFFFFE003, lr  }
0x1b: {  	s9 =	sadd.s32 $0xFFFFFEF7, lr;
	s5 =	simm.s32 $0xFFFFFFFF;
	p2 =	slt.u32 s8, $0xFFFFF086  }
0x1c: {  	p1 =	slt.u32 s9, $0xF7A;
	s5 =	simm.s32 @!p2 $0x0  }
0x1d: {  	s5 =	simm.s32 @p1 $0x1;
	p0 =	seq.s32 s7, s2  }
0x1e: {  	s7 =	smul.u32 @!p0 $0xF7A, s2;
	p2 =	seq.s32 @!p0 s5, $0x0  }
0x1f: {  	s9 =	smul.u32 $0xF7A, s1;
	s8 =	simm.s32 @!p0 $0x1BF5;
	p2 =	por !p2, p0  }
0x20: {  	[sflag:s8] =	ssyncset.s32 @!p0 $0xFFFFF086;
	s6 =	sadd.s32 @!p0 s3, s7;
	s7 =	simm.s32 @!p0 $0x108  }
0x21: {  	s3 =	sadd.s32 s3, s9;
	s6 =	sadd.s32 @!p0 $0x88, s6;
	s7 =	simm.s32 @p2 $0x1082  }
0x22: {  	[simem:s7], [sflag:s8] =	dma.local @!p0 [hbm:s6], $0xF7A  }
0x23: {  	s9 =	sor.u32 $0xD0000000, s2;
	s6 =	simm.s32 $0x108;
	_ =	swait.ge @!p0 [sflag:s8], $0x0  }
0x24: {  	s3 =	sadd.s32 $0x88, s3;
	s6 =	simm.s32 @!p1 $0x1082;
	[sflag:s4] =	ssyncset.s32 $0xFFFFF086  }
0x25: {  	[simem:s6], [sflag:s4] =	dma.local [hbm:s3], $0xF7A  }
0x26: {  	[smem:$0x3F96] =	sst s1;
	(tag) =	ssettag s2;
	_ =	strace s9  }
0x27: {  	s1 =	sld [smem:$0x3FA6]  }
0x28: {  	s2 =	sld [smem:$0x3FA7]  }
0x29: {  	s4 =	sld [smem:$0x3FA9]  }
0x2a: {  	p0 =	seq.s32 s5, $0x0;
	s5 =	sld [smem:$0x3FAA]  }
0x2b: {  	s6 =	sld [smem:$0x3FAB]  }
0x2c: {  	s7 =	sld [smem:$0x3FAC]  }
0x2d: {  	s3 =	simm.s32 $0x108;
	s8 =	sld [smem:$0x3FAD]  }
0x2e: {  	s3 =	simm.s32 @!p0 $0x1082;
	s9 =	sld [smem:$0x3FAE]  }
0x2f: {  	lr =	sadd.s32 s0, s3;
	s0 =	sld [smem:$0x3FA5]  }
0x30: {  	s3 =	sld [smem:$0x3FA8]  }
0x31: {  	[smem:$0x3FB1] =	sst s10  }
0x32: {  	s10 =	sld [smem:$0x3FAF];
	_ =	sdelay $0x3  }
0x33: {  	p0 =	seq.s32 s10, $0x1;
	s10 =	sld [smem:$0x3FB1];
	_ =	sdelay $0x3  }
0x34: {  	[smem:$0x3FB1] =	sst s10  }
0x35: {  	s10 =	sld [smem:$0x3FB0];
	_ =	sdelay $0x3  }
0x36: {  	p1 =	seq.s32 s10, $0x1;
	s10 =	sld [smem:$0x3FB1];
	_ =	sdelay $0x3  }
0x37: {  	[smem:$0x3FB1] =	sst s10  }
0x38: {  	s10 =	sld [smem:$0x3FB2]  }
0x39: {  	_ = 	snop;
	(pc) =	sbr.ind lr, $3  }
0x3a: {  	_ = 	snop  }
0x3b: {  	_ = 	snop  }
0x3c: {  	p2 =	seq.s32 s10, $0x1;
	s10 =	sld [smem:$0x3FB1]  }
0x3d: {  	_ =	shalt  }
0x3e: {  	_ =	shalt  }
0x3f: {  	_ =	shalt  }
0x40: {  	_ =	shalt  }
0x41: {  	_ =	shalt  }
0x42: {  	_ =	shalt  }
0x43: {  	_ =	shalt  }
0x44: {  	_ =	shalt  }
0x45: {  	_ =	shalt  }
0x46: {  	_ =	shalt  }
0x47: {  	_ =	shalt  }
0x48: {  	_ =	shalt  }
0x49: {  	_ =	shalt  }
0x4a: {  	_ =	shalt  }
0x4b: {  	_ =	shalt  }
0x4c: {  	_ =	shalt  }
0x4d: {  	_ =	shalt  }
0x4e: {  	_ =	shalt  }
0x4f: {  	_ =	shalt  }
0x50: {  	_ =	shalt  }
0x51: {  	_ =	shalt  }
0x52: {  	_ =	shalt  }
0x53: {  	_ =	shalt  }
0x54: {  	_ =	shalt  }
0x55: {  	_ =	shalt  }
0x56: {  	_ =	shalt  }
0x57: {  	_ =	shalt  }
0x58: {  	_ =	shalt  }
0x59: {  	_ =	shalt  }
0x5a: {  	_ =	shalt  }
0x5b: {  	_ =	shalt  }
0x5c: {  	_ =	shalt  }
0x5d: {  	_ =	shalt  }
0x5e: {  	_ =	shalt  }
0x5f: {  	_ =	shalt  }
0x60: {  	_ =	shalt  }
0x61: {  	_ =	shalt  }
0x62: {  	_ =	shalt  }
0x63: {  	_ =	shalt  }
0x64: {  	_ =	shalt  }
0x65: {  	_ =	shalt  }
0x66: {  	_ =	shalt  }
0x67: {  	_ =	shalt  }
0x68: {  	_ =	shalt  }
0x69: {  	_ =	shalt  }
0x6a: {  	_ =	shalt  }
0x6b: {  	_ =	shalt  }
0x6c: {  	_ =	shalt  }
0x6d: {  	_ =	shalt  }
0x6e: {  	_ =	shalt  }
0x6f: {  	_ =	shalt  }
0x70: {  	_ =	shalt  }
0x71: {  	_ =	shalt  }
0x72: {  	_ =	shalt  }
0x73: {  	_ =	shalt  }
0x74: {  	_ =	shalt  }
0x75: {  	_ =	shalt  }
0x76: {  	_ =	shalt  }
0x77: {  	_ =	shalt  }
0x78: {  	_ =	shalt  }
0x79: {  	_ =	shalt  }
0x7a: {  	_ =	shalt  }
0x7b: {  	_ =	shalt  }
0x7c: {  	_ =	shalt  }
0x7d: {  	_ =	shalt  }
0x7e: {  	_ =	shalt  }
0x7f: {  	_ =	shalt  }
0x80: {  	_ =	shalt  }
0x81: {  	_ =	shalt  }
0x82: {  	_ =	shalt  }
0x83: {  	_ =	shalt  }
0x84: {  	_ =	shalt  }
0x85: {  	_ =	shalt  }
0x86: {  	_ =	shalt  }
0x87: {  	_ =	shalt  }
.Lfunc_end0:
.L_simem_size_0:
called_computation.4_lowered:
.L_overlay_start_0:
0x88: {  	s2 =	sld [smem:$0x3FD9]  }
0x89: {  	s3 =	sld [smem:$0x3FFE];
	_ =	sdelay $0x1  }
0x8a: {  	s1 =	srdreg.scid  }
0x8b: {  	s0 =	sand.u32 $0x1, s1  }
0x8c: {  	s14 =	sshll.u32 s0, $0xA;
	s2 =	sadd.s32 s3, s2  }
0x8d: {  	s2 =	sadd.s32 s2, s14  }
0x8e: {  	[smem:$0x3FBD] =	sst s2  }
0x8f: {  	_ = 	snop  }
0x90: {  	s2 =	sld [smem:$0x3FD0];
	_ =	sdelay $0x2  }
0x91: {  	s15 =	simm.s32 $0xA;
	s4 =	simm.s32 $0x10  }
0x92: {  	[smem:s4], [sflag:s15] =	dma.local [hbm:s2], $0x1  }
0x93: {  	_ =	swait.eq [sflag:s15], $0x1  }
0x94: {  	[sflag:s15] =	ssyncset.done $0x0  }
0x95: {  	[sflag:s15] =	ssyncadd.s32 $0xFFFFFFFF  }
0x96: {  	s16 =	sld [smem:$0x11];
	(tm) =	ssettm $0x1  }
0x97: {  	s17 =	sld [smem:$0x3FFB];
	_ =	sdelay $0x3  }
0x98: {  	_ =	strace s17  }
0x99: {  	s3 =	sld [smem:$0x3FFC];
	_ =	sdelay $0x3  }
0x9a: {  	_ =	strace s3  }
0x9b: {  	s3 =	sld [smem:$0x3FFD];
	_ =	sdelay $0x3  }
0x9c: {  	_ =	strace s3  }
0x9d: {  	_ =	strace $0x8FFFFFFF  }
0x9e: {  	s18 =	sld [smem:$0x3FDB];
	_ =	sdelay $0x1  }
0x9f: {  	s19 =	simm.s32 $_scs_section_size  }
0xa0: {  	s5 =	simm.s32 $_size__tile_overlayer_lowered;
	s6 =	simm.s32 $_tile_overlayer_lowered  }
0xa1: {  	s22 =	simm.s32 $0x1BFF;
	s21 =	sshll.u32 s6, $0x1;
	s3 =	sadd.s32 s19, s18  }
0xa2: {  	s7 =	simm.s32 $0x0;
	s20 =	sshll.u32 s5, $0x1;
	s5 =	sadd.s32 s21, s3  }
0xa3: {  	[timem:s7], [sflag:s22] =	dma.local [hbm:s5], s20  }
0xa4: {  	_ =	swait.ge [sflag:s22], s20  }
0xa5: {  	s4 =	ssub.s32 $0x0, s20;
	[sflag:s22] =	ssyncset.done $0x0  }
0xa6: {  	[sflag:s22] =	ssyncadd.s32 s4;
	_ =	sdelay $0x1  }
0xa7: {  	s23 =	simm.s32 $0x1B8B  }
0xa8: {  	_ =	swait.ge [sflag:s23], $0x1  }
0xa9: {  	[sflag:s23] =	ssyncset.done $0x0  }
0xaa: {  	s25 =	simm.s32 $0x1B8E;
	s24 =	sld [smem:$0x3FFE];
	[sflag:s23] =	ssyncadd.s32 $0xFFFFFFFF  }
0xab: {  	s26 =	simm.s32 $execute0_lowered;
	[smem:$0x3FD2] =	sst s25  }
0xac: {  	s5 =	sshll.u32 s26, $0x1;
	_ =	strace $0x80000052;
	[dreg:$0x1] =	wrdreg $0xFFFFFFFF  }
0xad: {  	s28 =	simm.s32 $_size_execute0_lowered;
	s3 =	sadd.s32 s3, s5;
	[dreg:$0x0] =	wrdreg $0x0  }
0xae: {  	s5 =	sshll.u32 s28, $0x1;
	[dreg:$0x2] =	wrdreg s3  }
0xaf: {  	[dreg:$0x3] =	wrdreg s5  }
0xb0: {  	[dreg:$0x4] =	wrdreg $0xC0  }
0xb1: {  	_ =	task [dreg:s7], $0x5FFFF  }
0xb2: {  	[dreg:$0x1] =	wrdreg $0xFFFFFFFF  }
0xb3: {  	[dreg:$0x0] =	wrdreg $0x60  }
0xb4: {  	[dreg:$0x2] =	wrdreg s16  }
0xb5: {  	[dreg:$0x3] =	wrdreg s24  }
0xb6: {  	[dreg:$0x4] =	wrdreg $0x9  }
0xb7: {  	_ =	task.clear_ibuf [dreg:s7], $0x5FFFF;
	_ =	strace $0x90000052  }
0xb8: {  	s29 =	simm.s32 $0x9;
	_ =	strace $0x80000054  }
0xb9: {  	_ =	swait.ge [sflag:s29], $0x1  }
0xba: {  	[sflag:s29] =	ssyncadd.s32 $0xFFFFFFFF  }
0xbb: {  	_ =	strace $0x90000054  }
0xbc: {  	_ =	sfence  }
0xbd: {  	s30 =	sld [smem:$0x0];
	_ =	sdelay $0x2  }
0xbe: {  	s31 =	sshll.u32 s1, $0xD;
	s1 =	sshrl.u32 s1, $0x2  }
0xbf: {  	s3 =	sand.u32 $0x4000, s31;
	s1 =	sadd.s32 s1, s30  }
0xc0: {  	s0 =	sor.u32 s3, s0;
	s1 =	sshll.u32 s1, $0x11  }
0xc1: {  	s0 =	sor.u32 s1, s0  }
0xc2: {  	s0 =	sadd.s32 $0x8F2B, s0  }
0xc3: {  	[sflag:s0] =	ssyncadd.remote.s32 $0x1  }
0xc4: {  	_ =	sfence.sel $0xFFFF  }
0xc5: {  	[dreg:$0x0] =	wrdreg $0xFFFFFFFF;
	(pc) =	sbr.abs _section_cstart, $3  }
0xc6: {  	[dreg:$0x1] =	wrdreg $0xFFFFFFFF  }
0xc7: {  	_ =	task.clear_ibuf [dreg:s7], $0x2FFFF;
	_ =	strace $0x9FFFFFFF  }
0xc8: {  	(tm) =	ssettm $0x7FFFFFFF  }
0xc9: {  	_ =	shalt  }
tec
execute0_lowered:
.L_overlay_start_1:
0x0: {  	(tag) =	ssettag $0x1  }
0x1: {  	s1 =	rddreg [dreg:$0x0]  }
0x2: {  	s5 =	rddreg [dreg:$0x1]  }
0x3: {  	s2 =	srdreg.scid;
	s0 =	rddreg [dreg:$0x2]  }
0x4: {  	s3 =	simm.s32 $0x0;
	s13 =	simm.s32 $0x80;
	s14 =	simm.s32 $0x2800  }
0x5: {  	s15 =	simm.s32 $0x1;
	s16 =	simm.s32 $0x6800;
	s17 =	simm.s32 $0x2  }
0x6: {  	s18 =	simm.s32 $0x4;
	s19 =	simm.s32 $0x3;
	s20 =	simm.s32 $0x5  }
0x7: {  	s21 =	simm.s32 $0x6;
	s22 =	simm.s32 $0x2780;
	s23 =	simm.s32 $0x0  }
0x8: {  	s6 =	sand.u32 $0x1, s2;
	s2 =	stileid.u32;
	[smem:$0x7FF] =	sst s3  }
0x9: {  	s11 =	sadd.s32 $0x39800, s5;
	s4 =	sshll.u32 s6, $0x4;
	s30 =	smul.u32 $0x140000, s6  }
0xa: {  	s9 =	ssub.s32 $0x2, s6;
	s12 =	smul.u32 $0x14000, s2;
	s7 =	sor.u32 s2, s4  }
0xb: {  	_ =	strace $0x80000053;
	s10 =	sshrl.u32 s9, $0x1;
	s8 =	smul.u32 $0x280, s7  }
0xc: {  	s7 =	smul.u32 $0xA0000, s7;
	s9 =	ssub.s32 s9, s10;
	s10 =	sadd.s32 s30, s11  }
0xd: {  	s4 =	sadd.s32 $0x12600, s5;
	s9 =	smax.u32 s9, $0x1;
	s10 =	sadd.s32 s12, s10  }
0xe: {  	s12 =	simm.s32 $0x1400;
	s8 =	sadd.s32 s8, s5;
	s7 =	sshrl.u32 s7, $0x3  }
0xf: {  	s5 =	sadd.s32 $0x8600, s8;
	s6 =	sadd.s32 $0xD600, s8;
	s31 =	sadd.s32 s11, s7  }
0x10: {  	s11 =	simm.s32 $0x7;
	s7 =	sadd.s32 $0x13000, s31;
	s8 =	sadd.s32 $0x13800, s31  }
.LBB2_1:
0x11: {  	[tilespmem:s3], [sflag:$0x7] =	stream.linear.gather [hbm4b:s5+s3], $0x1400, $0x38;
	[tilespmem:$0xA800] =	vst v63  }
0x12: {  	_ =	swait.ge [sflag:s11], $0x1400  }
0x13: {  	[sflag:s11] =	ssyncset.done $0x0  }
0x14: {  	[sflag:s11] =	ssyncadd.s32 $0xFFFFEC00  }
0x15: {  	[tilespmem:s12], [sflag:$0x7] =	stream.linear.gather [hbm4b:s6+s3], $0x1400, $0x38;
	[tilespmem:$0xA800] =	vst v63  }
0x16: {  	_ =	swait.ge [sflag:s11], $0x1400  }
0x17: {  	[sflag:s11] =	ssyncset.done $0x0  }
0x18: {  	[sflag:s11] =	ssyncadd.s32 $0xFFFFEC00  }
0x19: {  	[tilespmem:s14], [sflag:$0x1] =	stream.indirect.gather [hbm4b:s1+s13], $0x80, s3, s13, $0xb8;
	[tilespmem:$0xA800] =	vst v63  }
0x1a: {  	_ =	swait.ge [sflag:s15], $0x4000  }
0x1b: {  	[sflag:s15] =	ssyncset.done $0x0  }
0x1c: {  	[sflag:s15] =	ssyncadd.s32 $0xFFFFC000  }
0x1d: {  	[tilespmem:s14], [sflag:$0x2] =	stream.indirect.gather.add.f32 [hbm:s4], $0x80, s12, s13, $0xb8;
	[tilespmem:$0xA800] =	vst v63  }
0x1e: {  	_ = 	snop  }
0x1f: {  	[tilespmem:s16], [sflag:$0x4] =	stream.indirect.gather [hbm4b:s1+s13], $0x80, s13, s13, $0xb8;
	[tilespmem:$0xA800] =	vst v63  }
0x20: {  	_ =	swait.ge [sflag:s17], $0x4000  }
0x21: {  	[sflag:s17] =	ssyncset.done $0x0  }
0x22: {  	[sflag:s17] =	ssyncadd.s32 $0xFFFFC000  }
0x23: {  	[hbm4b:s10+s3] =	stream.linear.scatter [tilespmem:s14], [sflag:$0x3], $0x4000, $0x38;
	[tilespmem:$0xA800] =	vst v63  }
0x24: {  	_ =	swait.ge [sflag:s18], $0x4000  }
0x25: {  	[sflag:s18] =	ssyncset.done $0x0  }
0x26: {  	s24 =	simm.s32 $0x1480;
	[sflag:s18] =	ssyncadd.s32 $0xFFFFC000  }
0x27: {  	[tilespmem:s16], [sflag:$0x5] =	stream.indirect.gather.add.f32 [hbm:s4], $0x80, s24, s13, $0xb8;
	[tilespmem:$0xA800] =	vst v63  }
0x28: {  	_ =	swait.ge [sflag:s19], $0x4000  }
0x29: {  	[sflag:s19] =	ssyncset.done $0x0  }
0x2a: {  	s29 =	simm.s32 $0x100;
	[sflag:s19] =	ssyncadd.s32 $0xFFFFC000  }
0x2b: {  	[tilespmem:s14], [sflag:$0x1] =	stream.indirect.gather [hbm4b:s1+s13], $0x80, s29, s13, $0xb8;
	[tilespmem:$0xA800] =	vst v63  }
0x2c: {  	_ =	swait.ge [sflag:s20], $0x4000  }
0x2d: {  	[sflag:s20] =	ssyncset.done $0x0  }
0x2e: {  	s30 =	sadd.s32 $0x800, s10;
	[sflag:s20] =	ssyncadd.s32 $0xFFFFC000  }
0x2f: {  	[hbm4b:s30+s3] =	stream.linear.scatter [tilespmem:s16], [sflag:$0x6], $0x4000, $0x38;
	[tilespmem:$0xA800] =	vst v63  }
0x30: {  	_ =	swait.ge [sflag:s15], $0x4000  }
0x31: {  	[sflag:s15] =	ssyncset.done $0x0  }
0x32: {  	s31 =	simm.s32 $0x1500;
	[sflag:s15] =	ssyncadd.s32 $0xFFFFC000  }
0x33: {  	[tilespmem:s14], [sflag:$0x2] =	stream.indirect.gather.add.f32 [hbm:s4], $0x80, s31, s13, $0xb8;
	[tilespmem:$0xA800] =	vst v63  }
0x34: {  	_ =	swait.ge [sflag:s21], $0x4000  }
0x35: {  	s26 =	simm.s32 $0x180;
	[sflag:s21] =	ssyncset.done $0x0  }
0x36: {  	s25 =	sadd.s32 $0x1000, s10;
	s24 =	simm.s32 $0x400;
	[sflag:s21] =	ssyncadd.s32 $0xFFFFC000  }
.LBB2_2:
0x37: {  	[tilespmem:s16], [sflag:$0x4] =	stream.indirect.gather [hbm4b:s1+s13], $0x80, s26, s13, $0xb8;
	[tilespmem:$0xA800] =	vst v63  }
0x38: {  	s26 =	smov.u32 s24  }
0x39: {  	p0 =	sne.s32 s24, $0x4800;
	s24 =	sadd.s32 $0x400, s24;
	_ =	swait.ge [sflag:s17], $0x4000  }
0x3a: {  	[sflag:s17] =	ssyncset.done $0x0  }
0x3b: {  	[sflag:s17] =	ssyncadd.s32 $0xFFFFC000  }
0x3c: {  	[hbm4b:s25+s3] =	stream.linear.scatter [tilespmem:s14], [sflag:$0x3], $0x4000, $0x38;
	[tilespmem:$0xA800] =	vst v63  }
0x3d: {  	_ =	swait.ge [sflag:s18], $0x4000  }
0x3e: {  	s26 =	sshra.s32 s26, $0x2;
	[sflag:s18] =	ssyncset.done $0x0  }
0x3f: {  	s28 =	sadd.s32 $0x1480, s26;
	[sflag:s18] =	ssyncadd.s32 $0xFFFFC000  }
0x40: {  	[tilespmem:s16], [sflag:$0x5] =	stream.indirect.gather.add.f32 [hbm:s4], $0x80, s28, s13, $0xb8;
	[tilespmem:$0xA800] =	vst v63  }
0x41: {  	_ =	swait.ge [sflag:s19], $0x4000  }
0x42: {  	[sflag:s19] =	ssyncset.done $0x0  }
0x43: {  	s28 =	sadd.s32 $0x100, s26;
	[sflag:s19] =	ssyncadd.s32 $0xFFFFC000  }
0x44: {  	[tilespmem:s14], [sflag:$0x1] =	stream.indirect.gather [hbm4b:s1+s13], $0x80, s28, s13, $0xb8;
	[tilespmem:$0xA800] =	vst v63  }
0x45: {  	_ =	swait.ge [sflag:s20], $0x4000  }
0x46: {  	[sflag:s20] =	ssyncset.done $0x0  }
0x47: {  	s28 =	sadd.s32 $0x800, s25;
	[sflag:s20] =	ssyncadd.s32 $0xFFFFC000  }
0x48: {  	[hbm4b:s28+s3] =	stream.linear.scatter [tilespmem:s16], [sflag:$0x6], $0x4000, $0x38;
	[tilespmem:$0xA800] =	vst v63  }
0x49: {  	_ =	swait.ge [sflag:s15], $0x4000  }
0x4a: {  	[sflag:s15] =	ssyncset.done $0x0  }
.Ltmp0:
0x4b: {  	s28 =	sadd.s32 $0x1500, s26;
	[sflag:s15] =	ssyncadd.s32 $0xFFFFC000;
	(pc) =	sbr.rel @p0 .LBB2_2-.Ltmp0, $4  }
0x4c: {  	[tilespmem:s14], [sflag:$0x2] =	stream.indirect.gather.add.f32 [hbm:s4], $0x80, s28, s13, $0xb8;
	[tilespmem:$0xA800] =	vst v63  }
0x4d: {  	_ =	swait.ge [sflag:s21], $0x4000  }
0x4e: {  	[sflag:s21] =	ssyncset.done $0x0  }
0x4f: {  	s25 =	sadd.s32 $0x1000, s25;
	s26 =	sadd.s32 $0x180, s26;
	[sflag:s21] =	ssyncadd.s32 $0xFFFFC000  }
0x50: {  	[tilespmem:s16], [sflag:$0x4] =	stream.indirect.gather [hbm4b:s1+s13], $0x80, s26, s13, $0xb8;
	[tilespmem:$0xA800] =	vst v63  }
0x51: {  	_ =	swait.ge [sflag:s17], $0x4000  }
0x52: {  	[sflag:s17] =	ssyncset.done $0x0  }
0x53: {  	[sflag:s17] =	ssyncadd.s32 $0xFFFFC000  }
0x54: {  	[hbm4b:s7+s3] =	stream.linear.scatter [tilespmem:s14], [sflag:$0x3], $0x4000, $0x38;
	[tilespmem:$0xA800] =	vst v63  }
0x55: {  	_ =	swait.ge [sflag:s18], $0x4000  }
0x56: {  	[sflag:s18] =	ssyncset.done $0x0  }
0x57: {  	[sflag:s18] =	ssyncadd.s32 $0xFFFFC000  }
0x58: {  	[tilespmem:s16], [sflag:$0x5] =	stream.indirect.gather.add.f32 [hbm:s4], $0x80, s22, s13, $0xb8;
	[tilespmem:$0xA800] =	vst v63  }
0x59: {  	_ =	swait.ge [sflag:s20], $0x4000  }
0x5a: {  	[sflag:s20] =	ssyncset.done $0x0  }
0x5b: {  	s23 =	sadd.s32 $0x1, s23;
	[sflag:s20] =	ssyncadd.s32 $0xFFFFC000  }
0x5c: {  	[hbm4b:s8+s3] =	stream.linear.scatter [tilespmem:s16], [sflag:$0x6], $0x4000, $0x38;
	[tilespmem:$0xA800] =	vst v63  }
0x5d: {  	p0 =	sne.s32 s23, s9;
	_ =	swait.ge [sflag:s19], $0x4000  }
.Ltmp1:
0x5e: {  	[sflag:s19] =	ssyncset.done $0x0;
	(pc) =	sbr.rel @p0 .LBB2_1-.Ltmp1, $4  }
0x5f: {  	[sflag:s19] =	ssyncadd.s32 $0xFFFFC000  }
0x60: {  	_ =	swait.ge [sflag:s21], $0x4000  }
0x61: {  	[sflag:s21] =	ssyncset.done $0x0  }
0x62: {  	[sflag:s21] =	ssyncadd.s32 $0xFFFFC000  }
0x63: {  	_ =	sfence.sel $0x180000  }
0x64: {  	[bflag:$0x0] =	sbarrier.arrive $0xFFFF  }
0x65: {  	p0 =	sne.s32 s2, $0x0;
	_ =	strace $0x90000053  }
0x66: {  	s0 =	sadd.s32 @!p0 $0x100000, s0;
	[bflag:$0x2] =	sbarrier.arrive $0xFFFF  }
0x67: {  	[sflag:s0] =	ssyncadd.tile.s32 @!p0 $0x1;
	_ =	shalt  }
.Lfunc_end2:
_tile_overlayer_lowered:
.L_overlay_start_2:
0x68: {  	(tag) =	ssettag $0x2  }
0x69: {  	s0 =	rddreg [dreg:$0x0];
	s2 =	stileid.u32  }
0x6a: {  	s1 =	rddreg [dreg:$0x1];
	p0 =	sne.s32 s2, $0x0  }
0x6b: {  	s3 =	rddreg [dreg:$0x2];
	[bflag:$0x3] =	sbarrier.arrive $0xFFFF;
	s2 =	simm.s32 @!p0 $0x1C07  }
0x6c: {  	[timem:s3], [sflag:s2] =	dma.local @!p0 [hbm:s0], s1  }
0x6d: {  	s0 =	simm.s32 @!p0 $0x7  }
0x6e: {  	_ =	swait.ge @!p0 [sflag:s0], s1  }
0x6f: {  	s1 =	ssub.s32 @!p0 $0x0, s1;
	[sflag:s0] =	ssyncset.done @!p0 $0x0  }
0x70: {  	[sflag:s0] =	ssyncadd.s32 @!p0 s1  }
0x71: {  	[bflag:$0x3] =	sbarrier.arrive $0xFFFF  }
0x72: {  	_ =	shalt  }

</sc_bundles>
